<compile_context>
chip_gen: v7x
topology: tpu7x:2x2x1
jax: 0.10.2.dev20260603
libtpu: 0.0.44.dev20260713+nightly
codegen_flags: <defaults>
</compile_context>

<pallas_src>
import functools

import jax
import jax.numpy as jnp
from jax import lax
from jax.experimental import pallas as pl
from jax.experimental.pallas import tpu as pltpu
from jax.experimental.pallas import tpu_sc as plsc

N = 10000
D = 128
G = 64
NC = 2
NS = 16
NW = NC * NS
CH = 128
ACC_ROWS = 10112
RPT = ACC_ROWS // NS
RB = 1000
DEGW = 128

WIN = 16


@functools.cache
def _get_deg_kernel(n_total):
    n_per = n_total // NW
    mesh = plsc.VectorSubcoreMesh(core_axis_name="c", subcore_axis_name="s")

    @functools.partial(
        pl.kernel,
        mesh=mesh,
        out_type=jax.ShapeDtypeStruct((NC, ACC_ROWS, DEGW), jnp.float32),
        scratch_types=[
            pltpu.VMEM((n_per, CH), jnp.int32),
            pltpu.VMEM((CH, DEGW), jnp.float32),
            pltpu.VMEM_SHARED((ACC_ROWS, DEGW), jnp.float32),
        ],
    )
    def deg_kernel(dst_hbm, zeros_hbm, ones_hbm, out_hbm, dst_v, ones_v, acc_sh):
        c = lax.axis_index("c")
        s = lax.axis_index("s")
        r0 = s * RPT
        pltpu.sync_copy(zeros_hbm.at[pl.ds(r0, RPT)], acc_sh.at[pl.ds(r0, RPT)])
        pltpu.sync_copy(dst_hbm.at[pl.ds((s * NC + c) * n_per, n_per)], dst_v)
        pltpu.sync_copy(ones_hbm, ones_v)
        plsc.subcore_barrier()

        def body(j, carry):
            pltpu.sync_copy(ones_v, acc_sh.at[dst_v.at[j]], add=True)
            return carry

        lax.fori_loop(0, n_per, body, 0)
        plsc.subcore_barrier()
        pltpu.sync_copy(acc_sh.at[pl.ds(r0, RPT)], out_hbm.at[c, pl.ds(r0, RPT)])

    return deg_kernel


@functools.cache
def _get_agg_kernel(n_ch, solo0=False):
    n_win = n_ch // WIN
    mesh = plsc.VectorSubcoreMesh(core_axis_name="c", subcore_axis_name="s")

    @functools.partial(
        pl.kernel,
        mesh=mesh,
        out_type=jax.ShapeDtypeStruct((NC, ACC_ROWS, D), jnp.float32),
        scratch_types=[
            pltpu.VMEM((2, WIN, CH), jnp.int32),
            pltpu.VMEM((2, WIN, CH), jnp.int32),
            pltpu.VMEM((CH, D), jnp.float32),
            pltpu.VMEM((CH, D), jnp.float32),
            pltpu.VMEM_SHARED((ACC_ROWS, D), jnp.float32),
            pltpu.SemaphoreType.DMA,
            pltpu.SemaphoreType.DMA,
            pltpu.SemaphoreType.DMA,
        ],
    )
    def agg_kernel(g_hbm, src_hbm, dst_hbm, zeros_hbm, out_hbm,
                   srcw, dstw, rb0, rb1, acc_sh, sg0, sg1, semi):
        rows = (rb0, rb1)
        semg = (sg0, sg1)
        c = lax.axis_index("c")
        s = lax.axis_index("s")
        r0 = s * RPT
        pltpu.sync_copy(zeros_hbm.at[pl.ds(r0, RPT)], acc_sh.at[pl.ds(r0, RPT)])
        plsc.subcore_barrier()

        def pipe(wid):
            pltpu.sync_copy(src_hbm.at[wid, pl.ds(0, WIN)], srcw.at[0])
            pltpu.sync_copy(dst_hbm.at[wid, pl.ds(0, WIN)], dstw.at[0])
            pltpu.async_copy(src_hbm.at[wid, pl.ds(WIN, WIN)], srcw.at[1], semi)
            pltpu.async_copy(dst_hbm.at[wid, pl.ds(WIN, WIN)], dstw.at[1], semi)
            pltpu.async_copy(g_hbm.at[srcw.at[0, 0]], rows[0], semg[0])
            pltpu.async_copy(g_hbm.at[srcw.at[0, 1]], rows[1], semg[1])

            def outer(o, carry):
                slot = lax.rem(o, 2)
                nslot = 1 - slot
                @pl.when(jnp.logical_and(o > 0, o + 1 < n_win))
                def _prefetch():
                    woff = (o + 1) * WIN
                    pltpu.async_copy(
                        src_hbm.at[wid, pl.ds(woff, WIN)], srcw.at[nslot],
                        semi)
                    pltpu.async_copy(
                        dst_hbm.at[wid, pl.ds(woff, WIN)], dstw.at[nslot],
                        semi)

                for k in range(WIN):
                    b = k % 2
                    pltpu.make_async_copy(
                        g_hbm.at[srcw.at[0, 0]], rows[b], semg[b]).wait()
                    pltpu.sync_copy(rows[b], acc_sh.at[dstw.at[slot, k]],
                                    add=True)
                    if k == WIN - 2:
                        @pl.when(o + 1 < n_win)
                        def _wait_idx():
                            pltpu.make_async_copy(
                                src_hbm.at[wid, pl.ds(0, WIN)], srcw.at[0],
                                semi).wait()
                            pltpu.make_async_copy(
                                dst_hbm.at[wid, pl.ds(0, WIN)], dstw.at[0],
                                semi).wait()
                    if k + 2 < WIN:
                        pltpu.async_copy(
                            g_hbm.at[srcw.at[slot, k + 2]], rows[b], semg[b])
                    else:
                        @pl.when(o + 1 < n_win)
                        def _gather_next_win():
                            pltpu.async_copy(
                                g_hbm.at[srcw.at[nslot, k + 2 - WIN]],
                                rows[b], semg[b])
                return carry

            lax.fori_loop(0, n_win, outer, 0)

        if solo0:
            @pl.when(c == 0)
            def _solo():
                pipe(s * NC)
                pipe(s * NC + 1)
        else:
            pipe(s * NC + c)

        plsc.subcore_barrier()
        pltpu.sync_copy(acc_sh.at[pl.ds(r0, RPT)], out_hbm.at[c, pl.ds(r0, RPT)])

    return agg_kernel


def _p_body(deg_ref, x_ref, w_ref, dinv_ref, g_ref):
    deg = deg_ref[0, :, 0:1] + deg_ref[1, :, 0:1] + 1.0
    dinv = lax.rsqrt(deg)
    h = jnp.dot(x_ref[...], w_ref[...], preferred_element_type=jnp.float32)
    dinv_ref[...] = dinv
    g_ref[...] = dinv * h


def _tc_p(deg_parts, x, w1):
    return pl.pallas_call(
        _p_body,
        grid=(N // RB,),
        in_specs=[
            pl.BlockSpec((NC, RB, DEGW), lambda i: (0, i, 0)),
            pl.BlockSpec((RB, D), lambda i: (i, 0)),
            pl.BlockSpec((D, D), lambda i: (0, 0)),
        ],
        out_specs=[
            pl.BlockSpec((RB, 1), lambda i: (i, 0)),
            pl.BlockSpec((RB, D), lambda i: (i, 0)),
        ],
        out_shape=[
            jax.ShapeDtypeStruct((N, 1), jnp.float32),
            jax.ShapeDtypeStruct((N, D), jnp.float32),
        ],
    )(deg_parts, x, w1)


def _a_body(sp_ref, g_ref, dinv_ref, b_ref, w_ref, gn_ref):
    agg = sp_ref[0] + sp_ref[1] + g_ref[...]
    pre = dinv_ref[...] * agg + b_ref[...]
    x2 = jnp.where(pre > 0, pre, jnp.exp(pre) - 1.0)
    gn_ref[...] = dinv_ref[...] * jnp.dot(
        x2, w_ref[...], preferred_element_type=jnp.float32)


def _tc_a(s_parts, g, dinv, b, w):
    return pl.pallas_call(
        _a_body,
        grid=(N // RB,),
        in_specs=[
            pl.BlockSpec((NC, RB, D), lambda i: (0, i, 0)),
            pl.BlockSpec((RB, D), lambda i: (i, 0)),
            pl.BlockSpec((RB, 1), lambda i: (i, 0)),
            pl.BlockSpec((1, D), lambda i: (0, 0)),
            pl.BlockSpec((D, D), lambda i: (0, 0)),
        ],
        out_specs=pl.BlockSpec((RB, D), lambda i: (i, 0)),
        out_shape=jax.ShapeDtypeStruct((N, D), jnp.float32),
    )(s_parts, g, dinv, b, w)


def _f_body(sp_ref, g_ref, dinv_ref, b_ref, batch_ref,
            wc1_ref, bc1_ref, wc2_ref, bc2_ref, out_ref, sums_sc, cnt_sc):
    i = pl.program_id(0)

    @pl.when(i == 0)
    def _init():
        sums_sc[...] = jnp.zeros_like(sums_sc)
        cnt_sc[...] = jnp.zeros_like(cnt_sc)

    agg = sp_ref[0] + sp_ref[1] + g_ref[...]
    pre = dinv_ref[...] * agg + b_ref[...]
    h = jnp.where(pre > 0, pre, jnp.exp(pre) - 1.0)
    oh = (batch_ref[...] == lax.broadcasted_iota(jnp.int32, (1, G), 1))
    oh = oh.astype(jnp.float32)
    sums_sc[...] += lax.dot_general(
        oh, h, (((0,), (0,)), ((), ())), preferred_element_type=jnp.float32)
    cnt_sc[...] += lax.dot_general(
        oh, jnp.ones((RB, 1), jnp.float32), (((0,), (0,)), ((), ())),
        preferred_element_type=jnp.float32)

    @pl.when(i == N // RB - 1)
    def _fin():
        pooled = sums_sc[...] / jnp.maximum(cnt_sc[...], 1.0)
        z = jnp.dot(pooled, wc1_ref[...], preferred_element_type=jnp.float32)
        z = jnp.maximum(z + bc1_ref[...], 0.0)
        o = jnp.dot(z, wc2_ref[...], preferred_element_type=jnp.float32)
        o = o + bc2_ref[...]
        out_ref[...] = 1.0 / (1.0 + jnp.exp(-o))


def _tc_f(s_parts, g, dinv, b, batch2d, wc1, bc1, wc2, bc2):
    hh = wc1.shape[1]
    return pl.pallas_call(
        _f_body,
        grid=(N // RB,),
        in_specs=[
            pl.BlockSpec((NC, RB, D), lambda i: (0, i, 0)),
            pl.BlockSpec((RB, D), lambda i: (i, 0)),
            pl.BlockSpec((RB, 1), lambda i: (i, 0)),
            pl.BlockSpec((1, D), lambda i: (0, 0)),
            pl.BlockSpec((RB, 1), lambda i: (i, 0)),
            pl.BlockSpec((D, hh), lambda i: (0, 0)),
            pl.BlockSpec((1, hh), lambda i: (0, 0)),
            pl.BlockSpec((hh, 1), lambda i: (0, 0)),
            pl.BlockSpec((1, 1), lambda i: (0, 0)),
        ],
        out_specs=pl.BlockSpec((G, 1), lambda i: (0, 0)),
        out_shape=jax.ShapeDtypeStruct((G, 1), jnp.float32),
        scratch_shapes=[
            pltpu.VMEM((G, D), jnp.float32),
            pltpu.VMEM((G, 1), jnp.float32),
        ],
    )(s_parts, g, dinv, b, batch2d, wc1, bc1, wc2, bc2)


def kernel(x, edge_index, batch, W1, b1, W2, b2, W3, b3, Wc1, bc1, Wc2, bc2):
    E = edge_index.shape[1]
    quantum = NW * CH * WIN
    e_pad = ((E + quantum - 1) // quantum) * quantum
    n_total = e_pad // CH
    pad = e_pad - E
    src = jnp.concatenate([edge_index[0], jnp.zeros((pad,), jnp.int32)])
    dst = jnp.concatenate([edge_index[1], jnp.full((pad,), N, jnp.int32)])
    n_ch = n_total // NW
    src3 = src.reshape(NW, n_ch, CH)
    dst3 = dst.reshape(NW, n_ch, CH)
    dst = dst.reshape(n_total, CH)

    zeros_big = jnp.zeros((ACC_ROWS, D), jnp.float32)
    zeros_deg = jnp.zeros((ACC_ROWS, DEGW), jnp.float32)
    ones_deg = jnp.ones((CH, DEGW), jnp.float32)

    deg_kernel = _get_deg_kernel(n_total)

    deg_parts = deg_kernel(dst, zeros_deg, ones_deg)
    dinv, g1 = _tc_p(deg_parts, x, W1)

    agg = _get_agg_kernel(n_ch)
    s1 = agg(g1, src3, dst3, zeros_big)
    g2 = _tc_a(s1, g1, dinv, b1.reshape(1, D), W2)
    s2 = agg(g2, src3, dst3, zeros_big)
    g3 = _tc_a(s2, g2, dinv, b2.reshape(1, D), W3)
    s3 = agg(g3, src3, dst3, zeros_big)

    return _tc_f(s3, g3, dinv, b3.reshape(1, D), batch.reshape(N, 1),
                 Wc1, bc1.reshape(1, -1), Wc2, bc2.reshape(1, 1))

# --- scband reference (transcript-rebuilt; emitter-appended) ---
"""Pipeline reference for scband-gcnmodel-85409719648815 (READ-ONLY COPY).

The authoritative reference and input builder live on the scoring server;
editing this copy changes nothing except your own understanding.
"""

import jax, jax.numpy as jnp
import numpy as np

N = 10000
E = 320000
D = 128
H = 128
G = 64


def setup_inputs(seed: int = 0) -> dict:
    key = jax.random.key(seed)
    ks = jax.random.split(key, 16)
    x = jax.random.normal(ks[0], (N, D), dtype=jnp.float32)
    edge_index = jax.random.randint(ks[1], (2, E), 0, N, dtype=jnp.int32)
    batch = jnp.sort(jax.random.randint(ks[2], (N,), 0, G, dtype=jnp.int32))
    def lin(k, fi, fo):
        return jax.random.normal(k, (fi, fo), dtype=jnp.float32) * (1.0 / np.sqrt(fi))
    W1 = lin(ks[3], D, H); b1 = jnp.zeros((H,), jnp.float32)
    W2 = lin(ks[4], H, H); b2 = jnp.zeros((H,), jnp.float32)
    W3 = lin(ks[5], H, H); b3 = jnp.zeros((H,), jnp.float32)
    Wc1 = lin(ks[6], H, H // 2); bc1 = jnp.zeros((H // 2,), jnp.float32)
    Wc2 = lin(ks[7], H // 2, 1); bc2 = jnp.zeros((1,), jnp.float32)
    return {"x": x, "edge_index": edge_index, "batch": batch,
            "W1": W1, "b1": b1, "W2": W2, "b2": b2, "W3": W3, "b3": b3,
            "Wc1": Wc1, "bc1": bc1, "Wc2": Wc2, "bc2": bc2}


def _gcn_conv(x, src, dst, W, b):
    # PyG GCNConv: h = x W; add self-loops; symmetric normalization; scatter-add
    n = x.shape[0]
    loop = jnp.arange(n, dtype=src.dtype)
    s = jnp.concatenate([src, loop])
    d = jnp.concatenate([dst, loop])
    h = x @ W
    ones = jnp.ones(s.shape[0], dtype=x.dtype)
    deg = jax.ops.segment_sum(ones, d, num_segments=n)
    dinv = jnp.where(deg > 0, 1.0 / jnp.sqrt(deg), 0.0)
    norm = dinv[s] * dinv[d]
    msgs = h[s] * norm[:, None]
    out = jax.ops.segment_sum(msgs, d, num_segments=n)
    return out + b


def reference(x, edge_index, batch, W1, b1, W2, b2, W3, b3, Wc1, bc1, Wc2, bc2):
    src, dst = edge_index[0], edge_index[1]
    h = jax.nn.elu(_gcn_conv(x, src, dst, W1, b1))
    # dropout is identity in eval mode
    h = jax.nn.elu(_gcn_conv(h, src, dst, W2, b2))
    h = jax.nn.elu(_gcn_conv(h, src, dst, W3, b3))
    # global_mean_pool over batch assignment
    sums = jax.ops.segment_sum(h, batch, num_segments=G)
    cnt = jax.ops.segment_sum(jnp.ones((h.shape[0],), h.dtype), batch, num_segments=G)
    pooled = sums / jnp.maximum(cnt, 1.0)[:, None]
    z = jax.nn.relu(pooled @ Wc1 + bc1)
    out = jax.nn.sigmoid(z @ Wc2 + bc2)
    return out

if __name__ == "__main__":
    import jax
    _d = setup_inputs()
    print(jax.jit(kernel)(*tuple(_d.values())))

</pallas_src>

<mosaic_0001>
#map = affine_map<(d0, d1) -> (0, 0)>
#map1 = affine_map<(d0, d1) -> (0, 0, 0)>
module attributes {stable_mosaic.version = 14 : i64} {
  func.func @agg_kernel(%arg0: i32, %arg1: i32, %arg2: memref<10000x128xf32, #tpu.memory_space<hbm>>, %arg3: memref<32x80x128xi32, #tpu.memory_space<hbm>>, %arg4: memref<32x80x128xi32, #tpu.memory_space<hbm>>, %arg5: memref<10112x128xf32, #tpu.memory_space<hbm>>, %arg6: memref<2x10112x128xf32, #tpu.memory_space<hbm>>, %arg7: memref<2x16x128xi32, #tpu.memory_space<vmem>>, %arg8: memref<2x16x128xi32, #tpu.memory_space<vmem>>, %arg9: memref<128x128xf32, #tpu.memory_space<vmem>>, %arg10: memref<128x128xf32, #tpu.memory_space<vmem>>, %arg11: memref<10112x128xf32, #tpu.memory_space<vmem_shared>>, %arg12: memref<!tpu.dma_semaphore, #tpu.memory_space<semaphore_mem>>, %arg13: memref<!tpu.dma_semaphore, #tpu.memory_space<semaphore_mem>>, %arg14: memref<!tpu.dma_semaphore, #tpu.memory_space<semaphore_mem>>) attributes {dimension_semantics = [#tpu.dimension_semantics<core_parallel>, #tpu.dimension_semantics<subcore_parallel>], iteration_bounds = array<i64: 2, 16>, scalar_prefetch = 0 : i64, scratch_operands = 8 : i64, tpu.core_type = #tpu.core_type<sc_vector_subcore>, window_params = [{transform_indices = #map}, {transform_indices = #map1}, {transform_indices = #map1}, {transform_indices = #map}, {transform_indices = #map1}]} {
    %mul3A = arith.constant 632 : i32
    %mul3A_0 = arith.muli %arg1, %mul3A : i32
    "tpu.region"() ({
      %run_scoped3A_59 = tpu.sem_alloc : memref<!tpu.dma_semaphore, #tpu.memory_space<semaphore_mem>>
      %dma_start3A_60 = arith.constant 0 : i32
      %dma_start3A_61 = tpu.memref_slice %arg11[%mul3A_0, %dma_start3A_60] : memref<10112x128xf32, #tpu.memory_space<vmem_shared>> -> memref<632x128xf32, #tpu.memory_space<vmem_shared>>
      %dma_start3A_62 = arith.constant 0 : i32
      %dma_start3A_63 = tpu.memref_slice %arg5[%mul3A_0, %dma_start3A_62] : memref<10112x128xf32, #tpu.memory_space<hbm>> -> memref<632x128xf32, #tpu.memory_space<hbm>>
      tpu.enqueue_dma source(%dma_start3A_63 : memref<632x128xf32, #tpu.memory_space<hbm>>) target(%dma_start3A_61 : memref<632x128xf32, #tpu.memory_space<vmem_shared>>) target_semaphore(%run_scoped3A_59 : memref<!tpu.dma_semaphore, #tpu.memory_space<semaphore_mem>>)
      %dma_wait3A = arith.constant 0 : i32
      %dma_wait3A_64 = tpu.memref_slice %arg11[%mul3A_0, %dma_wait3A] : memref<10112x128xf32, #tpu.memory_space<vmem_shared>> -> memref<632x128xf32, #tpu.memory_space<vmem_shared>>
      %dma_wait3A_65 = arith.constant 0 : i32
      %dma_wait3A_66 = tpu.memref_slice %arg5[%mul3A_0, %dma_wait3A_65] : memref<10112x128xf32, #tpu.memory_space<hbm>> -> memref<632x128xf32, #tpu.memory_space<hbm>>
      tpu.wait_dma2 semaphore(%run_scoped3A_59 : memref<!tpu.dma_semaphore, #tpu.memory_space<semaphore_mem>>) src(%dma_wait3A_66 : memref<632x128xf32, #tpu.memory_space<hbm>>) dst(%dma_wait3A_64 : memref<632x128xf32, #tpu.memory_space<vmem_shared>>)
      tpu.yield
    }) : () -> ()
    %barrier3A = arith.constant 0 : index
    tpu.barrier barrier_id(%barrier3A)
    %mul3A_1 = arith.constant 2 : i32
    %mul3A_2 = arith.muli %arg1, %mul3A_1 : i32
    %add3A = arith.addi %mul3A_2, %arg0 : i32
    %run_scoped3A = arith.constant 0 : i32
    "tpu.region"() ({
      %run_scoped3A_59 = tpu.sem_alloc : memref<!tpu.dma_semaphore, #tpu.memory_space<semaphore_mem>>
      %dma_start3A_60 = arith.constant 0 : i32
      %dma_start3A_61 = arith.constant 0 : i32
      %dma_start3A_62 = tpu.memref_slice %arg7[%run_scoped3A, %dma_start3A_60, %dma_start3A_61] : memref<2x16x128xi32, #tpu.memory_space<vmem>> -> memref<1x16x128xi32, #tpu.memory_space<vmem>>
      %dma_start3A_63 = tpu.memref_squeeze %dma_start3A_62 : memref<1x16x128xi32, #tpu.memory_space<vmem>> -> memref<16x128xi32, #tpu.memory_space<vmem>>
      %dma_start3A_64 = arith.constant 0 : i32
      %dma_start3A_65 = arith.constant 0 : i32
      %dma_start3A_66 = tpu.memref_slice %arg3[%add3A, %dma_start3A_64, %dma_start3A_65] : memref<32x80x128xi32, #tpu.memory_space<hbm>> -> memref<1x16x128xi32, #tpu.memory_space<hbm>>
      %dma_start3A_67 = tpu.memref_squeeze %dma_start3A_66 : memref<1x16x128xi32, #tpu.memory_space<hbm>> -> memref<16x128xi32, #tpu.memory_space<hbm>>
      %dma_start3A_68 = arith.constant 0 : i32
      %dma_start3A_69 = arith.constant 0 : i32
      %dma_start3A_70 = tpu.memref_slice %arg7[%run_scoped3A, %dma_start3A_68, %dma_start3A_69] : memref<2x16x128xi32, #tpu.memory_space<vmem>> -> memref<1x16x128xi32, #tpu.memory_space<vmem>>
      %dma_start3A_71 = tpu.memref_squeeze %dma_start3A_70 : memref<1x16x128xi32, #tpu.memory_space<vmem>> -> memref<16x128xi32, #tpu.memory_space<vmem>>
      %dma_start3A_72 = arith.constant 0 : i32
      %dma_start3A_73 = arith.constant 0 : i32
      %dma_start3A_74 = tpu.memref_slice %arg3[%add3A, %dma_start3A_72, %dma_start3A_73] : memref<32x80x128xi32, #tpu.memory_space<hbm>> -> memref<1x16x128xi32, #tpu.memory_space<hbm>>
      %dma_start3A_75 = tpu.memref_squeeze %dma_start3A_74 : memref<1x16x128xi32, #tpu.memory_space<hbm>> -> memref<16x128xi32, #tpu.memory_space<hbm>>
      tpu.enqueue_dma source(%dma_start3A_75 : memref<16x128xi32, #tpu.memory_space<hbm>>) target(%dma_start3A_71 : memref<16x128xi32, #tpu.memory_space<vmem>>) target_semaphore(%run_scoped3A_59 : memref<!tpu.dma_semaphore, #tpu.memory_space<semaphore_mem>>)
      %dma_wait3A = arith.constant 0 : i32
      %dma_wait3A_76 = arith.constant 0 : i32
      %dma_wait3A_77 = tpu.memref_slice %arg7[%run_scoped3A, %dma_wait3A, %dma_wait3A_76] : memref<2x16x128xi32, #tpu.memory_space<vmem>> -> memref<1x16x128xi32, #tpu.memory_space<vmem>>
      %dma_wait3A_78 = tpu.memref_squeeze %dma_wait3A_77 : memref<1x16x128xi32, #tpu.memory_space<vmem>> -> memref<16x128xi32, #tpu.memory_space<vmem>>
      %dma_wait3A_79 = arith.constant 0 : i32
      %dma_wait3A_80 = arith.constant 0 : i32
      %dma_wait3A_81 = tpu.memref_slice %arg3[%add3A, %dma_wait3A_79, %dma_wait3A_80] : memref<32x80x128xi32, #tpu.memory_space<hbm>> -> memref<1x16x128xi32, #tpu.memory_space<hbm>>
      %dma_wait3A_82 = tpu.memref_squeeze %dma_wait3A_81 : memref<1x16x128xi32, #tpu.memory_space<hbm>> -> memref<16x128xi32, #tpu.memory_space<hbm>>
      %dma_wait3A_83 = arith.constant 0 : i32
      %dma_wait3A_84 = arith.constant 0 : i32
      %dma_wait3A_85 = tpu.memref_slice %arg7[%run_scoped3A, %dma_wait3A_83, %dma_wait3A_84] : memref<2x16x128xi32, #tpu.memory_space<vmem>> -> memref<1x16x128xi32, #tpu.memory_space<vmem>>
      %dma_wait3A_86 = tpu.memref_squeeze %dma_wait3A_85 : memref<1x16x128xi32, #tpu.memory_space<vmem>> -> memref<16x128xi32, #tpu.memory_space<vmem>>
      %dma_wait3A_87 = arith.constant 0 : i32
      %dma_wait3A_88 = arith.constant 0 : i32
      %dma_wait3A_89 = tpu.memref_slice %arg3[%add3A, %dma_wait3A_87, %dma_wait3A_88] : memref<32x80x128xi32, #tpu.memory_space<hbm>> -> memref<1x16x128xi32, #tpu.memory_space<hbm>>
      %dma_wait3A_90 = tpu.memref_squeeze %dma_wait3A_89 : memref<1x16x128xi32, #tpu.memory_space<hbm>> -> memref<16x128xi32, #tpu.memory_space<hbm>>
      tpu.wait_dma2 semaphore(%run_scoped3A_59 : memref<!tpu.dma_semaphore, #tpu.memory_space<semaphore_mem>>) src(%dma_wait3A_90 : memref<16x128xi32, #tpu.memory_space<hbm>>) dst(%dma_wait3A_86 : memref<16x128xi32, #tpu.memory_space<vmem>>)
      tpu.yield
    }) : () -> ()
    %run_scoped3A_3 = arith.constant 0 : i32
    "tpu.region"() ({
      %run_scoped3A_59 = tpu.sem_alloc : memref<!tpu.dma_semaphore, #tpu.memory_space<semaphore_mem>>
      %dma_start3A_60 = arith.constant 0 : i32
      %dma_start3A_61 = arith.constant 0 : i32
      %dma_start3A_62 = tpu.memref_slice %arg8[%run_scoped3A_3, %dma_start3A_60, %dma_start3A_61] : memref<2x16x128xi32, #tpu.memory_space<vmem>> -> memref<1x16x128xi32, #tpu.memory_space<vmem>>
      %dma_start3A_63 = tpu.memref_squeeze %dma_start3A_62 : memref<1x16x128xi32, #tpu.memory_space<vmem>> -> memref<16x128xi32, #tpu.memory_space<vmem>>
      %dma_start3A_64 = arith.constant 0 : i32
      %dma_start3A_65 = arith.constant 0 : i32
      %dma_start3A_66 = tpu.memref_slice %arg4[%add3A, %dma_start3A_64, %dma_start3A_65] : memref<32x80x128xi32, #tpu.memory_space<hbm>> -> memref<1x16x128xi32, #tpu.memory_space<hbm>>
      %dma_start3A_67 = tpu.memref_squeeze %dma_start3A_66 : memref<1x16x128xi32, #tpu.memory_space<hbm>> -> memref<16x128xi32, #tpu.memory_space<hbm>>
      %dma_start3A_68 = arith.constant 0 : i32
      %dma_start3A_69 = arith.constant 0 : i32
      %dma_start3A_70 = tpu.memref_slice %arg8[%run_scoped3A_3, %dma_start3A_68, %dma_start3A_69] : memref<2x16x128xi32, #tpu.memory_space<vmem>> -> memref<1x16x128xi32, #tpu.memory_space<vmem>>
      %dma_start3A_71 = tpu.memref_squeeze %dma_start3A_70 : memref<1x16x128xi32, #tpu.memory_space<vmem>> -> memref<16x128xi32, #tpu.memory_space<vmem>>
      %dma_start3A_72 = arith.constant 0 : i32
      %dma_start3A_73 = arith.constant 0 : i32
      %dma_start3A_74 = tpu.memref_slice %arg4[%add3A, %dma_start3A_72, %dma_start3A_73] : memref<32x80x128xi32, #tpu.memory_space<hbm>> -> memref<1x16x128xi32, #tpu.memory_space<hbm>>
      %dma_start3A_75 = tpu.memref_squeeze %dma_start3A_74 : memref<1x16x128xi32, #tpu.memory_space<hbm>> -> memref<16x128xi32, #tpu.memory_space<hbm>>
      tpu.enqueue_dma source(%dma_start3A_75 : memref<16x128xi32, #tpu.memory_space<hbm>>) target(%dma_start3A_71 : memref<16x128xi32, #tpu.memory_space<vmem>>) target_semaphore(%run_scoped3A_59 : memref<!tpu.dma_semaphore, #tpu.memory_space<semaphore_mem>>)
      %dma_wait3A = arith.constant 0 : i32
      %dma_wait3A_76 = arith.constant 0 : i32
      %dma_wait3A_77 = tpu.memref_slice %arg8[%run_scoped3A_3, %dma_wait3A, %dma_wait3A_76] : memref<2x16x128xi32, #tpu.memory_space<vmem>> -> memref<1x16x128xi32, #tpu.memory_space<vmem>>
      %dma_wait3A_78 = tpu.memref_squeeze %dma_wait3A_77 : memref<1x16x128xi32, #tpu.memory_space<vmem>> -> memref<16x128xi32, #tpu.memory_space<vmem>>
      %dma_wait3A_79 = arith.constant 0 : i32
      %dma_wait3A_80 = arith.constant 0 : i32
      %dma_wait3A_81 = tpu.memref_slice %arg4[%add3A, %dma_wait3A_79, %dma_wait3A_80] : memref<32x80x128xi32, #tpu.memory_space<hbm>> -> memref<1x16x128xi32, #tpu.memory_space<hbm>>
      %dma_wait3A_82 = tpu.memref_squeeze %dma_wait3A_81 : memref<1x16x128xi32, #tpu.memory_space<hbm>> -> memref<16x128xi32, #tpu.memory_space<hbm>>
      %dma_wait3A_83 = arith.constant 0 : i32
      %dma_wait3A_84 = arith.constant 0 : i32
      %dma_wait3A_85 = tpu.memref_slice %arg8[%run_scoped3A_3, %dma_wait3A_83, %dma_wait3A_84] : memref<2x16x128xi32, #tpu.memory_space<vmem>> -> memref<1x16x128xi32, #tpu.memory_space<vmem>>
      %dma_wait3A_86 = tpu.memref_squeeze %dma_wait3A_85 : memref<1x16x128xi32, #tpu.memory_space<vmem>> -> memref<16x128xi32, #tpu.memory_space<vmem>>
      %dma_wait3A_87 = arith.constant 0 : i32
      %dma_wait3A_88 = arith.constant 0 : i32
      %dma_wait3A_89 = tpu.memref_slice %arg4[%add3A, %dma_wait3A_87, %dma_wait3A_88] : memref<32x80x128xi32, #tpu.memory_space<hbm>> -> memref<1x16x128xi32, #tpu.memory_space<hbm>>
      %dma_wait3A_90 = tpu.memref_squeeze %dma_wait3A_89 : memref<1x16x128xi32, #tpu.memory_space<hbm>> -> memref<16x128xi32, #tpu.memory_space<hbm>>
      tpu.wait_dma2 semaphore(%run_scoped3A_59 : memref<!tpu.dma_semaphore, #tpu.memory_space<semaphore_mem>>) src(%dma_wait3A_90 : memref<16x128xi32, #tpu.memory_space<hbm>>) dst(%dma_wait3A_86 : memref<16x128xi32, #tpu.memory_space<vmem>>)
      tpu.yield
    }) : () -> ()
    %dma_start3A = arith.constant 1 : i32
    %dma_start3A_4 = arith.constant 0 : i32
    %dma_start3A_5 = arith.constant 0 : i32
    %dma_start3A_6 = tpu.memref_slice %arg7[%dma_start3A, %dma_start3A_4, %dma_start3A_5] : memref<2x16x128xi32, #tpu.memory_space<vmem>> -> memref<1x16x128xi32, #tpu.memory_space<vmem>>
    %dma_start3A_7 = tpu.memref_squeeze %dma_start3A_6 : memref<1x16x128xi32, #tpu.memory_space<vmem>> -> memref<16x128xi32, #tpu.memory_space<vmem>>
    %dma_start3A_8 = arith.constant 16 : i32
    %dma_start3A_9 = arith.constant 0 : i32
    %dma_start3A_10 = tpu.memref_slice %arg3[%add3A, %dma_start3A_8, %dma_start3A_9] : memref<32x80x128xi32, #tpu.memory_space<hbm>> -> memref<1x16x128xi32, #tpu.memory_space<hbm>>
    %dma_start3A_11 = tpu.memref_squeeze %dma_start3A_10 : memref<1x16x128xi32, #tpu.memory_space<hbm>> -> memref<16x128xi32, #tpu.memory_space<hbm>>
    %dma_start3A_12 = arith.constant 0 : i32
    %dma_start3A_13 = arith.constant 0 : i32
    %dma_start3A_14 = tpu.memref_slice %arg7[%dma_start3A, %dma_start3A_12, %dma_start3A_13] : memref<2x16x128xi32, #tpu.memory_space<vmem>> -> memref<1x16x128xi32, #tpu.memory_space<vmem>>
    %dma_start3A_15 = tpu.memref_squeeze %dma_start3A_14 : memref<1x16x128xi32, #tpu.memory_space<vmem>> -> memref<16x128xi32, #tpu.memory_space<vmem>>
    %dma_start3A_16 = arith.constant 16 : i32
    %dma_start3A_17 = arith.constant 0 : i32
    %dma_start3A_18 = tpu.memref_slice %arg3[%add3A, %dma_start3A_16, %dma_start3A_17] : memref<32x80x128xi32, #tpu.memory_space<hbm>> -> memref<1x16x128xi32, #tpu.memory_space<hbm>>
    %dma_start3A_19 = tpu.memref_squeeze %dma_start3A_18 : memref<1x16x128xi32, #tpu.memory_space<hbm>> -> memref<16x128xi32, #tpu.memory_space<hbm>>
    tpu.enqueue_dma source(%dma_start3A_19 : memref<16x128xi32, #tpu.memory_space<hbm>>) target(%dma_start3A_15 : memref<16x128xi32, #tpu.memory_space<vmem>>) target_semaphore(%arg14 : memref<!tpu.dma_semaphore, #tpu.memory_space<semaphore_mem>>)
    %dma_start3A_20 = arith.constant 1 : i32
    %dma_start3A_21 = arith.constant 0 : i32
    %dma_start3A_22 = arith.constant 0 : i32
    %dma_start3A_23 = tpu.memref_slice %arg8[%dma_start3A_20, %dma_start3A_21, %dma_start3A_22] : memref<2x16x128xi32, #tpu.memory_space<vmem>> -> memref<1x16x128xi32, #tpu.memory_space<vmem>>
    %dma_start3A_24 = tpu.memref_squeeze %dma_start3A_23 : memref<1x16x128xi32, #tpu.memory_space<vmem>> -> memref<16x128xi32, #tpu.memory_space<vmem>>
    %dma_start3A_25 = arith.constant 16 : i32
    %dma_start3A_26 = arith.constant 0 : i32
    %dma_start3A_27 = tpu.memref_slice %arg4[%add3A, %dma_start3A_25, %dma_start3A_26] : memref<32x80x128xi32, #tpu.memory_space<hbm>> -> memref<1x16x128xi32, #tpu.memory_space<hbm>>
    %dma_start3A_28 = tpu.memref_squeeze %dma_start3A_27 : memref<1x16x128xi32, #tpu.memory_space<hbm>> -> memref<16x128xi32, #tpu.memory_space<hbm>>
    %dma_start3A_29 = arith.constant 0 : i32
    %dma_start3A_30 = arith.constant 0 : i32
    %dma_start3A_31 = tpu.memref_slice %arg8[%dma_start3A_20, %dma_start3A_29, %dma_start3A_30] : memref<2x16x128xi32, #tpu.memory_space<vmem>> -> memref<1x16x128xi32, #tpu.memory_space<vmem>>
    %dma_start3A_32 = tpu.memref_squeeze %dma_start3A_31 : memref<1x16x128xi32, #tpu.memory_space<vmem>> -> memref<16x128xi32, #tpu.memory_space<vmem>>
    %dma_start3A_33 = arith.constant 16 : i32
    %dma_start3A_34 = arith.constant 0 : i32
    %dma_start3A_35 = tpu.memref_slice %arg4[%add3A, %dma_start3A_33, %dma_start3A_34] : memref<32x80x128xi32, #tpu.memory_space<hbm>> -> memref<1x16x128xi32, #tpu.memory_space<hbm>>
    %dma_start3A_36 = tpu.memref_squeeze %dma_start3A_35 : memref<1x16x128xi32, #tpu.memory_space<hbm>> -> memref<16x128xi32, #tpu.memory_space<hbm>>
    tpu.enqueue_dma source(%dma_start3A_36 : memref<16x128xi32, #tpu.memory_space<hbm>>) target(%dma_start3A_32 : memref<16x128xi32, #tpu.memory_space<vmem>>) target_semaphore(%arg14 : memref<!tpu.dma_semaphore, #tpu.memory_space<semaphore_mem>>)
    %dma_start3A_37 = arith.constant 0 : i32
    %dma_start3A_38 = arith.constant 0 : i32
    %dma_start3A_39 = arith.constant 0 : i32
    %dma_start3A_40 = tpu.memref_slice %arg7[%dma_start3A_37, %dma_start3A_38, %dma_start3A_39] : memref<2x16x128xi32, #tpu.memory_space<vmem>> -> memref<1x1x128xi32, #tpu.memory_space<vmem>>
    %dma_start3A_41 = tpu.memref_squeeze %dma_start3A_40 : memref<1x1x128xi32, #tpu.memory_space<vmem>> -> memref<128xi32, #tpu.memory_space<vmem>>
    %dma_start3A_42 = arith.constant 0 : i32
    %dma_start3A_43 = arith.constant 0 : i32
    %dma_start3A_44 = tpu.memref_slice %arg2[%dma_start3A_42, %dma_start3A_43] : memref<10000x128xf32, #tpu.memory_space<hbm>> -> memref<10000x128xf32, #tpu.memory_space<hbm>>
    tpu.enqueue_indirect_dma source(%dma_start3A_44 : memref<10000x128xf32, #tpu.memory_space<hbm>>) target(%arg9 : memref<128x128xf32, #tpu.memory_space<vmem>>) offsets(%dma_start3A_41 : memref<128xi32, #tpu.memory_space<vmem>>) semaphore(%arg12 : memref<!tpu.dma_semaphore, #tpu.memory_space<semaphore_mem>>)
    %dma_start3A_45 = arith.constant 0 : i32
    %dma_start3A_46 = arith.constant 1 : i32
    %dma_start3A_47 = arith.constant 0 : i32
    %dma_start3A_48 = tpu.memref_slice %arg7[%dma_start3A_45, %dma_start3A_46, %dma_start3A_47] : memref<2x16x128xi32, #tpu.memory_space<vmem>> -> memref<1x1x128xi32, #tpu.memory_space<vmem>>
    %dma_start3A_49 = tpu.memref_squeeze %dma_start3A_48 : memref<1x1x128xi32, #tpu.memory_space<vmem>> -> memref<128xi32, #tpu.memory_space<vmem>>
    %dma_start3A_50 = arith.constant 0 : i32
    %dma_start3A_51 = arith.constant 0 : i32
    %dma_start3A_52 = tpu.memref_slice %arg2[%dma_start3A_50, %dma_start3A_51] : memref<10000x128xf32, #tpu.memory_space<hbm>> -> memref<10000x128xf32, #tpu.memory_space<hbm>>
    tpu.enqueue_indirect_dma source(%dma_start3A_52 : memref<10000x128xf32, #tpu.memory_space<hbm>>) target(%arg10 : memref<128x128xf32, #tpu.memory_space<vmem>>) offsets(%dma_start3A_49 : memref<128xi32, #tpu.memory_space<vmem>>) semaphore(%arg13 : memref<!tpu.dma_semaphore, #tpu.memory_space<semaphore_mem>>)
    %scan3A = arith.constant 0 : i32
    %scan3A_53 = arith.constant 0 : i32
    %scan3A_54 = arith.constant 5 : i32
    %scan3A_55 = arith.addi %scan3A_53, %scan3A_54 : i32
    %scan3A_56 = arith.constant 1 : i32
    scf.for %scan3A_59 = %scan3A_53 to %scan3A_55 step %scan3A_56  : i32 {
      %rem3A = arith.constant 2 : i32
      %rem3A_60 = arith.remsi %scan3A_59, %rem3A : i32
      %sub3A = arith.constant 1 : i32
      %sub3A_61 = arith.subi %sub3A, %rem3A_60 : i32
      %gt3A = arith.constant 0 : i32
      %gt3A_62 = arith.cmpi sgt, %scan3A_59, %gt3A : i32
      %add3A_63 = arith.constant 1 : i32
      %add3A_64 = arith.addi %scan3A_59, %add3A_63 : i32
      %lt3A = arith.constant 5 : i32
      %lt3A_65 = arith.cmpi slt, %add3A_64, %lt3A : i32
      %and3A = arith.andi %gt3A_62, %lt3A_65 : i1
      %convert_element_type3A = arith.extui %and3A : i1 to i32
      %cond3A = arith.constant 0 : i32
      %cond3A_66 = arith.cmpi ne, %convert_element_type3A, %cond3A : i32
      scf.if %cond3A_66 {
        %add3A_329 = arith.constant 1 : i32
        %add3A_330 = arith.addi %scan3A_59, %add3A_329 : i32
        %mul3A_331 = arith.constant 16 : i32
        %mul3A_332 = arith.muli %add3A_330, %mul3A_331 : i32
        %dma_start3A_333 = arith.constant 0 : i32
        %dma_start3A_334 = arith.constant 0 : i32
        %dma_start3A_335 = tpu.memref_slice %arg7[%sub3A_61, %dma_start3A_333, %dma_start3A_334] : memref<2x16x128xi32, #tpu.memory_space<vmem>> -> memref<1x16x128xi32, #tpu.memory_space<vmem>>
        %dma_start3A_336 = tpu.memref_squeeze %dma_start3A_335 : memref<1x16x128xi32, #tpu.memory_space<vmem>> -> memref<16x128xi32, #tpu.memory_space<vmem>>
        %dma_start3A_337 = arith.constant 0 : i32
        %dma_start3A_338 = tpu.memref_slice %arg3[%add3A, %mul3A_332, %dma_start3A_337] : memref<32x80x128xi32, #tpu.memory_space<hbm>> -> memref<1x16x128xi32, #tpu.memory_space<hbm>>
        %dma_start3A_339 = tpu.memref_squeeze %dma_start3A_338 : memref<1x16x128xi32, #tpu.memory_space<hbm>> -> memref<16x128xi32, #tpu.memory_space<hbm>>
        %dma_start3A_340 = arith.constant 0 : i32
        %dma_start3A_341 = arith.constant 0 : i32
        %dma_start3A_342 = tpu.memref_slice %arg7[%sub3A_61, %dma_start3A_340, %dma_start3A_341] : memref<2x16x128xi32, #tpu.memory_space<vmem>> -> memref<1x16x128xi32, #tpu.memory_space<vmem>>
        %dma_start3A_343 = tpu.memref_squeeze %dma_start3A_342 : memref<1x16x128xi32, #tpu.memory_space<vmem>> -> memref<16x128xi32, #tpu.memory_space<vmem>>
        %dma_start3A_344 = arith.constant 0 : i32
        %dma_start3A_345 = tpu.memref_slice %arg3[%add3A, %mul3A_332, %dma_start3A_344] : memref<32x80x128xi32, #tpu.memory_space<hbm>> -> memref<1x16x128xi32, #tpu.memory_space<hbm>>
        %dma_start3A_346 = tpu.memref_squeeze %dma_start3A_345 : memref<1x16x128xi32, #tpu.memory_space<hbm>> -> memref<16x128xi32, #tpu.memory_space<hbm>>
        tpu.enqueue_dma source(%dma_start3A_346 : memref<16x128xi32, #tpu.memory_space<hbm>>) target(%dma_start3A_343 : memref<16x128xi32, #tpu.memory_space<vmem>>) target_semaphore(%arg14 : memref<!tpu.dma_semaphore, #tpu.memory_space<semaphore_mem>>)
        %dma_start3A_347 = arith.constant 0 : i32
        %dma_start3A_348 = arith.constant 0 : i32
        %dma_start3A_349 = tpu.memref_slice %arg8[%sub3A_61, %dma_start3A_347, %dma_start3A_348] : memref<2x16x128xi32, #tpu.memory_space<vmem>> -> memref<1x16x128xi32, #tpu.memory_space<vmem>>
        %dma_start3A_350 = tpu.memref_squeeze %dma_start3A_349 : memref<1x16x128xi32, #tpu.memory_space<vmem>> -> memref<16x128xi32, #tpu.memory_space<vmem>>
        %dma_start3A_351 = arith.constant 0 : i32
        %dma_start3A_352 = tpu.memref_slice %arg4[%add3A, %mul3A_332, %dma_start3A_351] : memref<32x80x128xi32, #tpu.memory_space<hbm>> -> memref<1x16x128xi32, #tpu.memory_space<hbm>>
        %dma_start3A_353 = tpu.memref_squeeze %dma_start3A_352 : memref<1x16x128xi32, #tpu.memory_space<hbm>> -> memref<16x128xi32, #tpu.memory_space<hbm>>
        %dma_start3A_354 = arith.constant 0 : i32
        %dma_start3A_355 = arith.constant 0 : i32
        %dma_start3A_356 = tpu.memref_slice %arg8[%sub3A_61, %dma_start3A_354, %dma_start3A_355] : memref<2x16x128xi32, #tpu.memory_space<vmem>> -> memref<1x16x128xi32, #tpu.memory_space<vmem>>
        %dma_start3A_357 = tpu.memref_squeeze %dma_start3A_356 : memref<1x16x128xi32, #tpu.memory_space<vmem>> -> memref<16x128xi32, #tpu.memory_space<vmem>>
        %dma_start3A_358 = arith.constant 0 : i32
        %dma_start3A_359 = tpu.memref_slice %arg4[%add3A, %mul3A_332, %dma_start3A_358] : memref<32x80x128xi32, #tpu.memory_space<hbm>> -> memref<1x16x128xi32, #tpu.memory_space<hbm>>
        %dma_start3A_360 = tpu.memref_squeeze %dma_start3A_359 : memref<1x16x128xi32, #tpu.memory_space<hbm>> -> memref<16x128xi32, #tpu.memory_space<hbm>>
        tpu.enqueue_dma source(%dma_start3A_360 : memref<16x128xi32, #tpu.memory_space<hbm>>) target(%dma_start3A_357 : memref<16x128xi32, #tpu.memory_space<vmem>>) target_semaphore(%arg14 : memref<!tpu.dma_semaphore, #tpu.memory_space<semaphore_mem>>)
      } else {
      }
      %dma_wait3A = arith.constant 0 : i32
      %dma_wait3A_67 = arith.constant 0 : i32
      %dma_wait3A_68 = arith.constant 0 : i32
      %dma_wait3A_69 = tpu.memref_slice %arg7[%dma_wait3A, %dma_wait3A_67, %dma_wait3A_68] : memref<2x16x128xi32, #tpu.memory_space<vmem>> -> memref<1x1x128xi32, #tpu.memory_space<vmem>>
      %dma_wait3A_70 = tpu.memref_squeeze %dma_wait3A_69 : memref<1x1x128xi32, #tpu.memory_space<vmem>> -> memref<128xi32, #tpu.memory_space<vmem>>
      %dma_wait3A_71 = arith.constant 0 : i32
      %dma_wait3A_72 = arith.constant 0 : i32
      %dma_wait3A_73 = tpu.memref_slice %arg2[%dma_wait3A_71, %dma_wait3A_72] : memref<10000x128xf32, #tpu.memory_space<hbm>> -> memref<10000x128xf32, #tpu.memory_space<hbm>>
      tpu.wait_indirect_dma semaphore(%arg12 : memref<!tpu.dma_semaphore, #tpu.memory_space<semaphore_mem>>) src(%dma_wait3A_73 : memref<10000x128xf32, #tpu.memory_space<hbm>>) dst(%arg9 : memref<128x128xf32, #tpu.memory_space<vmem>>)
      %run_scoped3A_74 = arith.constant 0 : i32
      "tpu.region"() ({
        %run_scoped3A_329 = tpu.sem_alloc : memref<!tpu.dma_semaphore, #tpu.memory_space<semaphore_mem>>
        %dma_start3A_330 = arith.constant 0 : i32
        %dma_start3A_331 = tpu.memref_slice %arg8[%rem3A_60, %run_scoped3A_74, %dma_start3A_330] : memref<2x16x128xi32, #tpu.memory_space<vmem>> -> memref<1x1x128xi32, #tpu.memory_space<vmem>>
        %dma_start3A_332 = tpu.memref_squeeze %dma_start3A_331 : memref<1x1x128xi32, #tpu.memory_space<vmem>> -> memref<128xi32, #tpu.memory_space<vmem>>
        %dma_start3A_333 = arith.constant 0 : i32
        %dma_start3A_334 = arith.constant 0 : i32
        %dma_start3A_335 = tpu.memref_slice %arg11[%dma_start3A_333, %dma_start3A_334] : memref<10112x128xf32, #tpu.memory_space<vmem_shared>> -> memref<10112x128xf32, #tpu.memory_space<vmem_shared>>
        tpu.enqueue_indirect_dma source(%arg9 : memref<128x128xf32, #tpu.memory_space<vmem>>) target(%dma_start3A_335 : memref<10112x128xf32, #tpu.memory_space<vmem_shared>>) offsets(%dma_start3A_332 : memref<128xi32, #tpu.memory_space<vmem>>) semaphore(%run_scoped3A_329 : memref<!tpu.dma_semaphore, #tpu.memory_space<semaphore_mem>>) {add = true}
        %dma_wait3A_336 = arith.constant 0 : i32
        %dma_wait3A_337 = tpu.memref_slice %arg8[%rem3A_60, %run_scoped3A_74, %dma_wait3A_336] : memref<2x16x128xi32, #tpu.memory_space<vmem>> -> memref<1x1x128xi32, #tpu.memory_space<vmem>>
        %dma_wait3A_338 = tpu.memref_squeeze %dma_wait3A_337 : memref<1x1x128xi32, #tpu.memory_space<vmem>> -> memref<128xi32, #tpu.memory_space<vmem>>
        %dma_wait3A_339 = arith.constant 0 : i32
        %dma_wait3A_340 = arith.constant 0 : i32
        %dma_wait3A_341 = tpu.memref_slice %arg11[%dma_wait3A_339, %dma_wait3A_340] : memref<10112x128xf32, #tpu.memory_space<vmem_shared>> -> memref<10112x128xf32, #tpu.memory_space<vmem_shared>>
        tpu.wait_indirect_dma semaphore(%run_scoped3A_329 : memref<!tpu.dma_semaphore, #tpu.memory_space<semaphore_mem>>) src(%arg9 : memref<128x128xf32, #tpu.memory_space<vmem>>) dst(%dma_wait3A_341 : memref<10112x128xf32, #tpu.memory_space<vmem_shared>>)
        tpu.yield
      }) : () -> ()
      %dma_start3A_75 = arith.constant 2 : i32
      %dma_start3A_76 = arith.constant 0 : i32
      %dma_start3A_77 = tpu.memref_slice %arg7[%rem3A_60, %dma_start3A_75, %dma_start3A_76] : memref<2x16x128xi32, #tpu.memory_space<vmem>> -> memref<1x1x128xi32, #tpu.memory_space<vmem>>
      %dma_start3A_78 = tpu.memref_squeeze %dma_start3A_77 : memref<1x1x128xi32, #tpu.memory_space<vmem>> -> memref<128xi32, #tpu.memory_space<vmem>>
      %dma_start3A_79 = arith.constant 0 : i32
      %dma_start3A_80 = arith.constant 0 : i32
      %dma_start3A_81 = tpu.memref_slice %arg2[%dma_start3A_79, %dma_start3A_80] : memref<10000x128xf32, #tpu.memory_space<hbm>> -> memref<10000x128xf32, #tpu.memory_space<hbm>>
      tpu.enqueue_indirect_dma source(%dma_start3A_81 : memref<10000x128xf32, #tpu.memory_space<hbm>>) target(%arg9 : memref<128x128xf32, #tpu.memory_space<vmem>>) offsets(%dma_start3A_78 : memref<128xi32, #tpu.memory_space<vmem>>) semaphore(%arg12 : memref<!tpu.dma_semaphore, #tpu.memory_space<semaphore_mem>>)
      %dma_wait3A_82 = arith.constant 0 : i32
      %dma_wait3A_83 = arith.constant 0 : i32
      %dma_wait3A_84 = arith.constant 0 : i32
      %dma_wait3A_85 = tpu.memref_slice %arg7[%dma_wait3A_82, %dma_wait3A_83, %dma_wait3A_84] : memref<2x16x128xi32, #tpu.memory_space<vmem>> -> memref<1x1x128xi32, #tpu.memory_space<vmem>>
      %dma_wait3A_86 = tpu.memref_squeeze %dma_wait3A_85 : memref<1x1x128xi32, #tpu.memory_space<vmem>> -> memref<128xi32, #tpu.memory_space<vmem>>
      %dma_wait3A_87 = arith.constant 0 : i32
      %dma_wait3A_88 = arith.constant 0 : i32
      %dma_wait3A_89 = tpu.memref_slice %arg2[%dma_wait3A_87, %dma_wait3A_88] : memref<10000x128xf32, #tpu.memory_space<hbm>> -> memref<10000x128xf32, #tpu.memory_space<hbm>>
      tpu.wait_indirect_dma semaphore(%arg13 : memref<!tpu.dma_semaphore, #tpu.memory_space<semaphore_mem>>) src(%dma_wait3A_89 : memref<10000x128xf32, #tpu.memory_space<hbm>>) dst(%arg10 : memref<128x128xf32, #tpu.memory_space<vmem>>)
      %run_scoped3A_90 = arith.constant 1 : i32
      "tpu.region"() ({
        %run_scoped3A_329 = tpu.sem_alloc : memref<!tpu.dma_semaphore, #tpu.memory_space<semaphore_mem>>
        %dma_start3A_330 = arith.constant 0 : i32
        %dma_start3A_331 = tpu.memref_slice %arg8[%rem3A_60, %run_scoped3A_90, %dma_start3A_330] : memref<2x16x128xi32, #tpu.memory_space<vmem>> -> memref<1x1x128xi32, #tpu.memory_space<vmem>>
        %dma_start3A_332 = tpu.memref_squeeze %dma_start3A_331 : memref<1x1x128xi32, #tpu.memory_space<vmem>> -> memref<128xi32, #tpu.memory_space<vmem>>
        %dma_start3A_333 = arith.constant 0 : i32
        %dma_start3A_334 = arith.constant 0 : i32
        %dma_start3A_335 = tpu.memref_slice %arg11[%dma_start3A_333, %dma_start3A_334] : memref<10112x128xf32, #tpu.memory_space<vmem_shared>> -> memref<10112x128xf32, #tpu.memory_space<vmem_shared>>
        tpu.enqueue_indirect_dma source(%arg10 : memref<128x128xf32, #tpu.memory_space<vmem>>) target(%dma_start3A_335 : memref<10112x128xf32, #tpu.memory_space<vmem_shared>>) offsets(%dma_start3A_332 : memref<128xi32, #tpu.memory_space<vmem>>) semaphore(%run_scoped3A_329 : memref<!tpu.dma_semaphore, #tpu.memory_space<semaphore_mem>>) {add = true}
        %dma_wait3A_336 = arith.constant 0 : i32
        %dma_wait3A_337 = tpu.memref_slice %arg8[%rem3A_60, %run_scoped3A_90, %dma_wait3A_336] : memref<2x16x128xi32, #tpu.memory_space<vmem>> -> memref<1x1x128xi32, #tpu.memory_space<vmem>>
        %dma_wait3A_338 = tpu.memref_squeeze %dma_wait3A_337 : memref<1x1x128xi32, #tpu.memory_space<vmem>> -> memref<128xi32, #tpu.memory_space<vmem>>
        %dma_wait3A_339 = arith.constant 0 : i32
        %dma_wait3A_340 = arith.constant 0 : i32
        %dma_wait3A_341 = tpu.memref_slice %arg11[%dma_wait3A_339, %dma_wait3A_340] : memref<10112x128xf32, #tpu.memory_space<vmem_shared>> -> memref<10112x128xf32, #tpu.memory_space<vmem_shared>>
        tpu.wait_indirect_dma semaphore(%run_scoped3A_329 : memref<!tpu.dma_semaphore, #tpu.memory_space<semaphore_mem>>) src(%arg10 : memref<128x128xf32, #tpu.memory_space<vmem>>) dst(%dma_wait3A_341 : memref<10112x128xf32, #tpu.memory_space<vmem_shared>>)
        tpu.yield
      }) : () -> ()
      %dma_start3A_91 = arith.constant 3 : i32
      %dma_start3A_92 = arith.constant 0 : i32
      %dma_start3A_93 = tpu.memref_slice %arg7[%rem3A_60, %dma_start3A_91, %dma_start3A_92] : memref<2x16x128xi32, #tpu.memory_space<vmem>> -> memref<1x1x128xi32, #tpu.memory_space<vmem>>
      %dma_start3A_94 = tpu.memref_squeeze %dma_start3A_93 : memref<1x1x128xi32, #tpu.memory_space<vmem>> -> memref<128xi32, #tpu.memory_space<vmem>>
      %dma_start3A_95 = arith.constant 0 : i32
      %dma_start3A_96 = arith.constant 0 : i32
      %dma_start3A_97 = tpu.memref_slice %arg2[%dma_start3A_95, %dma_start3A_96] : memref<10000x128xf32, #tpu.memory_space<hbm>> -> memref<10000x128xf32, #tpu.memory_space<hbm>>
      tpu.enqueue_indirect_dma source(%dma_start3A_97 : memref<10000x128xf32, #tpu.memory_space<hbm>>) target(%arg10 : memref<128x128xf32, #tpu.memory_space<vmem>>) offsets(%dma_start3A_94 : memref<128xi32, #tpu.memory_space<vmem>>) semaphore(%arg13 : memref<!tpu.dma_semaphore, #tpu.memory_space<semaphore_mem>>)
      %dma_wait3A_98 = arith.constant 0 : i32
      %dma_wait3A_99 = arith.constant 0 : i32
      %dma_wait3A_100 = arith.constant 0 : i32
      %dma_wait3A_101 = tpu.memref_slice %arg7[%dma_wait3A_98, %dma_wait3A_99, %dma_wait3A_100] : memref<2x16x128xi32, #tpu.memory_space<vmem>> -> memref<1x1x128xi32, #tpu.memory_space<vmem>>
      %dma_wait3A_102 = tpu.memref_squeeze %dma_wait3A_101 : memref<1x1x128xi32, #tpu.memory_space<vmem>> -> memref<128xi32, #tpu.memory_space<vmem>>
      %dma_wait3A_103 = arith.constant 0 : i32
      %dma_wait3A_104 = arith.constant 0 : i32
      %dma_wait3A_105 = tpu.memref_slice %arg2[%dma_wait3A_103, %dma_wait3A_104] : memref<10000x128xf32, #tpu.memory_space<hbm>> -> memref<10000x128xf32, #tpu.memory_space<hbm>>
      tpu.wait_indirect_dma semaphore(%arg12 : memref<!tpu.dma_semaphore, #tpu.memory_space<semaphore_mem>>) src(%dma_wait3A_105 : memref<10000x128xf32, #tpu.memory_space<hbm>>) dst(%arg9 : memref<128x128xf32, #tpu.memory_space<vmem>>)
      %run_scoped3A_106 = arith.constant 2 : i32
      "tpu.region"() ({
        %run_scoped3A_329 = tpu.sem_alloc : memref<!tpu.dma_semaphore, #tpu.memory_space<semaphore_mem>>
        %dma_start3A_330 = arith.constant 0 : i32
        %dma_start3A_331 = tpu.memref_slice %arg8[%rem3A_60, %run_scoped3A_106, %dma_start3A_330] : memref<2x16x128xi32, #tpu.memory_space<vmem>> -> memref<1x1x128xi32, #tpu.memory_space<vmem>>
        %dma_start3A_332 = tpu.memref_squeeze %dma_start3A_331 : memref<1x1x128xi32, #tpu.memory_space<vmem>> -> memref<128xi32, #tpu.memory_space<vmem>>
        %dma_start3A_333 = arith.constant 0 : i32
        %dma_start3A_334 = arith.constant 0 : i32
        %dma_start3A_335 = tpu.memref_slice %arg11[%dma_start3A_333, %dma_start3A_334] : memref<10112x128xf32, #tpu.memory_space<vmem_shared>> -> memref<10112x128xf32, #tpu.memory_space<vmem_shared>>
        tpu.enqueue_indirect_dma source(%arg9 : memref<128x128xf32, #tpu.memory_space<vmem>>) target(%dma_start3A_335 : memref<10112x128xf32, #tpu.memory_space<vmem_shared>>) offsets(%dma_start3A_332 : memref<128xi32, #tpu.memory_space<vmem>>) semaphore(%run_scoped3A_329 : memref<!tpu.dma_semaphore, #tpu.memory_space<semaphore_mem>>) {add = true}
        %dma_wait3A_336 = arith.constant 0 : i32
        %dma_wait3A_337 = tpu.memref_slice %arg8[%rem3A_60, %run_scoped3A_106, %dma_wait3A_336] : memref<2x16x128xi32, #tpu.memory_space<vmem>> -> memref<1x1x128xi32, #tpu.memory_space<vmem>>
        %dma_wait3A_338 = tpu.memref_squeeze %dma_wait3A_337 : memref<1x1x128xi32, #tpu.memory_space<vmem>> -> memref<128xi32, #tpu.memory_space<vmem>>
        %dma_wait3A_339 = arith.constant 0 : i32
        %dma_wait3A_340 = arith.constant 0 : i32
        %dma_wait3A_341 = tpu.memref_slice %arg11[%dma_wait3A_339, %dma_wait3A_340] : memref<10112x128xf32, #tpu.memory_space<vmem_shared>> -> memref<10112x128xf32, #tpu.memory_space<vmem_shared>>
        tpu.wait_indirect_dma semaphore(%run_scoped3A_329 : memref<!tpu.dma_semaphore, #tpu.memory_space<semaphore_mem>>) src(%arg9 : memref<128x128xf32, #tpu.memory_space<vmem>>) dst(%dma_wait3A_341 : memref<10112x128xf32, #tpu.memory_space<vmem_shared>>)
        tpu.yield
      }) : () -> ()
      %dma_start3A_107 = arith.constant 4 : i32
      %dma_start3A_108 = arith.constant 0 : i32
      %dma_start3A_109 = tpu.memref_slice %arg7[%rem3A_60, %dma_start3A_107, %dma_start3A_108] : memref<2x16x128xi32, #tpu.memory_space<vmem>> -> memref<1x1x128xi32, #tpu.memory_space<vmem>>
      %dma_start3A_110 = tpu.memref_squeeze %dma_start3A_109 : memref<1x1x128xi32, #tpu.memory_space<vmem>> -> memref<128xi32, #tpu.memory_space<vmem>>
      %dma_start3A_111 = arith.constant 0 : i32
      %dma_start3A_112 = arith.constant 0 : i32
      %dma_start3A_113 = tpu.memref_slice %arg2[%dma_start3A_111, %dma_start3A_112] : memref<10000x128xf32, #tpu.memory_space<hbm>> -> memref<10000x128xf32, #tpu.memory_space<hbm>>
      tpu.enqueue_indirect_dma source(%dma_start3A_113 : memref<10000x128xf32, #tpu.memory_space<hbm>>) target(%arg9 : memref<128x128xf32, #tpu.memory_space<vmem>>) offsets(%dma_start3A_110 : memref<128xi32, #tpu.memory_space<vmem>>) semaphore(%arg12 : memref<!tpu.dma_semaphore, #tpu.memory_space<semaphore_mem>>)
      %dma_wait3A_114 = arith.constant 0 : i32
      %dma_wait3A_115 = arith.constant 0 : i32
      %dma_wait3A_116 = arith.constant 0 : i32
      %dma_wait3A_117 = tpu.memref_slice %arg7[%dma_wait3A_114, %dma_wait3A_115, %dma_wait3A_116] : memref<2x16x128xi32, #tpu.memory_space<vmem>> -> memref<1x1x128xi32, #tpu.memory_space<vmem>>
      %dma_wait3A_118 = tpu.memref_squeeze %dma_wait3A_117 : memref<1x1x128xi32, #tpu.memory_space<vmem>> -> memref<128xi32, #tpu.memory_space<vmem>>
      %dma_wait3A_119 = arith.constant 0 : i32
      %dma_wait3A_120 = arith.constant 0 : i32
      %dma_wait3A_121 = tpu.memref_slice %arg2[%dma_wait3A_119, %dma_wait3A_120] : memref<10000x128xf32, #tpu.memory_space<hbm>> -> memref<10000x128xf32, #tpu.memory_space<hbm>>
      tpu.wait_indirect_dma semaphore(%arg13 : memref<!tpu.dma_semaphore, #tpu.memory_space<semaphore_mem>>) src(%dma_wait3A_121 : memref<10000x128xf32, #tpu.memory_space<hbm>>) dst(%arg10 : memref<128x128xf32, #tpu.memory_space<vmem>>)
      %run_scoped3A_122 = arith.constant 3 : i32
      "tpu.region"() ({
        %run_scoped3A_329 = tpu.sem_alloc : memref<!tpu.dma_semaphore, #tpu.memory_space<semaphore_mem>>
        %dma_start3A_330 = arith.constant 0 : i32
        %dma_start3A_331 = tpu.memref_slice %arg8[%rem3A_60, %run_scoped3A_122, %dma_start3A_330] : memref<2x16x128xi32, #tpu.memory_space<vmem>> -> memref<1x1x128xi32, #tpu.memory_space<vmem>>
        %dma_start3A_332 = tpu.memref_squeeze %dma_start3A_331 : memref<1x1x128xi32, #tpu.memory_space<vmem>> -> memref<128xi32, #tpu.memory_space<vmem>>
        %dma_start3A_333 = arith.constant 0 : i32
        %dma_start3A_334 = arith.constant 0 : i32
        %dma_start3A_335 = tpu.memref_slice %arg11[%dma_start3A_333, %dma_start3A_334] : memref<10112x128xf32, #tpu.memory_space<vmem_shared>> -> memref<10112x128xf32, #tpu.memory_space<vmem_shared>>
        tpu.enqueue_indirect_dma source(%arg10 : memref<128x128xf32, #tpu.memory_space<vmem>>) target(%dma_start3A_335 : memref<10112x128xf32, #tpu.memory_space<vmem_shared>>) offsets(%dma_start3A_332 : memref<128xi32, #tpu.memory_space<vmem>>) semaphore(%run_scoped3A_329 : memref<!tpu.dma_semaphore, #tpu.memory_space<semaphore_mem>>) {add = true}
        %dma_wait3A_336 = arith.constant 0 : i32
        %dma_wait3A_337 = tpu.memref_slice %arg8[%rem3A_60, %run_scoped3A_122, %dma_wait3A_336] : memref<2x16x128xi32, #tpu.memory_space<vmem>> -> memref<1x1x128xi32, #tpu.memory_space<vmem>>
        %dma_wait3A_338 = tpu.memref_squeeze %dma_wait3A_337 : memref<1x1x128xi32, #tpu.memory_space<vmem>> -> memref<128xi32, #tpu.memory_space<vmem>>
        %dma_wait3A_339 = arith.constant 0 : i32
        %dma_wait3A_340 = arith.constant 0 : i32
        %dma_wait3A_341 = tpu.memref_slice %arg11[%dma_wait3A_339, %dma_wait3A_340] : memref<10112x128xf32, #tpu.memory_space<vmem_shared>> -> memref<10112x128xf32, #tpu.memory_space<vmem_shared>>
        tpu.wait_indirect_dma semaphore(%run_scoped3A_329 : memref<!tpu.dma_semaphore, #tpu.memory_space<semaphore_mem>>) src(%arg10 : memref<128x128xf32, #tpu.memory_space<vmem>>) dst(%dma_wait3A_341 : memref<10112x128xf32, #tpu.memory_space<vmem_shared>>)
        tpu.yield
      }) : () -> ()
      %dma_start3A_123 = arith.constant 5 : i32
      %dma_start3A_124 = arith.constant 0 : i32
      %dma_start3A_125 = tpu.memref_slice %arg7[%rem3A_60, %dma_start3A_123, %dma_start3A_124] : memref<2x16x128xi32, #tpu.memory_space<vmem>> -> memref<1x1x128xi32, #tpu.memory_space<vmem>>
      %dma_start3A_126 = tpu.memref_squeeze %dma_start3A_125 : memref<1x1x128xi32, #tpu.memory_space<vmem>> -> memref<128xi32, #tpu.memory_space<vmem>>
      %dma_start3A_127 = arith.constant 0 : i32
      %dma_start3A_128 = arith.constant 0 : i32
      %dma_start3A_129 = tpu.memref_slice %arg2[%dma_start3A_127, %dma_start3A_128] : memref<10000x128xf32, #tpu.memory_space<hbm>> -> memref<10000x128xf32, #tpu.memory_space<hbm>>
      tpu.enqueue_indirect_dma source(%dma_start3A_129 : memref<10000x128xf32, #tpu.memory_space<hbm>>) target(%arg10 : memref<128x128xf32, #tpu.memory_space<vmem>>) offsets(%dma_start3A_126 : memref<128xi32, #tpu.memory_space<vmem>>) semaphore(%arg13 : memref<!tpu.dma_semaphore, #tpu.memory_space<semaphore_mem>>)
      %dma_wait3A_130 = arith.constant 0 : i32
      %dma_wait3A_131 = arith.constant 0 : i32
      %dma_wait3A_132 = arith.constant 0 : i32
      %dma_wait3A_133 = tpu.memref_slice %arg7[%dma_wait3A_130, %dma_wait3A_131, %dma_wait3A_132] : memref<2x16x128xi32, #tpu.memory_space<vmem>> -> memref<1x1x128xi32, #tpu.memory_space<vmem>>
      %dma_wait3A_134 = tpu.memref_squeeze %dma_wait3A_133 : memref<1x1x128xi32, #tpu.memory_space<vmem>> -> memref<128xi32, #tpu.memory_space<vmem>>
      %dma_wait3A_135 = arith.constant 0 : i32
      %dma_wait3A_136 = arith.constant 0 : i32
      %dma_wait3A_137 = tpu.memref_slice %arg2[%dma_wait3A_135, %dma_wait3A_136] : memref<10000x128xf32, #tpu.memory_space<hbm>> -> memref<10000x128xf32, #tpu.memory_space<hbm>>
      tpu.wait_indirect_dma semaphore(%arg12 : memref<!tpu.dma_semaphore, #tpu.memory_space<semaphore_mem>>) src(%dma_wait3A_137 : memref<10000x128xf32, #tpu.memory_space<hbm>>) dst(%arg9 : memref<128x128xf32, #tpu.memory_space<vmem>>)
      %run_scoped3A_138 = arith.constant 4 : i32
      "tpu.region"() ({
        %run_scoped3A_329 = tpu.sem_alloc : memref<!tpu.dma_semaphore, #tpu.memory_space<semaphore_mem>>
        %dma_start3A_330 = arith.constant 0 : i32
        %dma_start3A_331 = tpu.memref_slice %arg8[%rem3A_60, %run_scoped3A_138, %dma_start3A_330] : memref<2x16x128xi32, #tpu.memory_space<vmem>> -> memref<1x1x128xi32, #tpu.memory_space<vmem>>
        %dma_start3A_332 = tpu.memref_squeeze %dma_start3A_331 : memref<1x1x128xi32, #tpu.memory_space<vmem>> -> memref<128xi32, #tpu.memory_space<vmem>>
        %dma_start3A_333 = arith.constant 0 : i32
        %dma_start3A_334 = arith.constant 0 : i32
        %dma_start3A_335 = tpu.memref_slice %arg11[%dma_start3A_333, %dma_start3A_334] : memref<10112x128xf32, #tpu.memory_space<vmem_shared>> -> memref<10112x128xf32, #tpu.memory_space<vmem_shared>>
        tpu.enqueue_indirect_dma source(%arg9 : memref<128x128xf32, #tpu.memory_space<vmem>>) target(%dma_start3A_335 : memref<10112x128xf32, #tpu.memory_space<vmem_shared>>) offsets(%dma_start3A_332 : memref<128xi32, #tpu.memory_space<vmem>>) semaphore(%run_scoped3A_329 : memref<!tpu.dma_semaphore, #tpu.memory_space<semaphore_mem>>) {add = true}
        %dma_wait3A_336 = arith.constant 0 : i32
        %dma_wait3A_337 = tpu.memref_slice %arg8[%rem3A_60, %run_scoped3A_138, %dma_wait3A_336] : memref<2x16x128xi32, #tpu.memory_space<vmem>> -> memref<1x1x128xi32, #tpu.memory_space<vmem>>
        %dma_wait3A_338 = tpu.memref_squeeze %dma_wait3A_337 : memref<1x1x128xi32, #tpu.memory_space<vmem>> -> memref<128xi32, #tpu.memory_space<vmem>>
        %dma_wait3A_339 = arith.constant 0 : i32
        %dma_wait3A_340 = arith.constant 0 : i32
        %dma_wait3A_341 = tpu.memref_slice %arg11[%dma_wait3A_339, %dma_wait3A_340] : memref<10112x128xf32, #tpu.memory_space<vmem_shared>> -> memref<10112x128xf32, #tpu.memory_space<vmem_shared>>
        tpu.wait_indirect_dma semaphore(%run_scoped3A_329 : memref<!tpu.dma_semaphore, #tpu.memory_space<semaphore_mem>>) src(%arg9 : memref<128x128xf32, #tpu.memory_space<vmem>>) dst(%dma_wait3A_341 : memref<10112x128xf32, #tpu.memory_space<vmem_shared>>)
        tpu.yield
      }) : () -> ()
      %dma_start3A_139 = arith.constant 6 : i32
      %dma_start3A_140 = arith.constant 0 : i32
      %dma_start3A_141 = tpu.memref_slice %arg7[%rem3A_60, %dma_start3A_139, %dma_start3A_140] : memref<2x16x128xi32, #tpu.memory_space<vmem>> -> memref<1x1x128xi32, #tpu.memory_space<vmem>>
      %dma_start3A_142 = tpu.memref_squeeze %dma_start3A_141 : memref<1x1x128xi32, #tpu.memory_space<vmem>> -> memref<128xi32, #tpu.memory_space<vmem>>
      %dma_start3A_143 = arith.constant 0 : i32
      %dma_start3A_144 = arith.constant 0 : i32
      %dma_start3A_145 = tpu.memref_slice %arg2[%dma_start3A_143, %dma_start3A_144] : memref<10000x128xf32, #tpu.memory_space<hbm>> -> memref<10000x128xf32, #tpu.memory_space<hbm>>
      tpu.enqueue_indirect_dma source(%dma_start3A_145 : memref<10000x128xf32, #tpu.memory_space<hbm>>) target(%arg9 : memref<128x128xf32, #tpu.memory_space<vmem>>) offsets(%dma_start3A_142 : memref<128xi32, #tpu.memory_space<vmem>>) semaphore(%arg12 : memref<!tpu.dma_semaphore, #tpu.memory_space<semaphore_mem>>)
      %dma_wait3A_146 = arith.constant 0 : i32
      %dma_wait3A_147 = arith.constant 0 : i32
      %dma_wait3A_148 = arith.constant 0 : i32
      %dma_wait3A_149 = tpu.memref_slice %arg7[%dma_wait3A_146, %dma_wait3A_147, %dma_wait3A_148] : memref<2x16x128xi32, #tpu.memory_space<vmem>> -> memref<1x1x128xi32, #tpu.memory_space<vmem>>
      %dma_wait3A_150 = tpu.memref_squeeze %dma_wait3A_149 : memref<1x1x128xi32, #tpu.memory_space<vmem>> -> memref<128xi32, #tpu.memory_space<vmem>>
      %dma_wait3A_151 = arith.constant 0 : i32
      %dma_wait3A_152 = arith.constant 0 : i32
      %dma_wait3A_153 = tpu.memref_slice %arg2[%dma_wait3A_151, %dma_wait3A_152] : memref<10000x128xf32, #tpu.memory_space<hbm>> -> memref<10000x128xf32, #tpu.memory_space<hbm>>
      tpu.wait_indirect_dma semaphore(%arg13 : memref<!tpu.dma_semaphore, #tpu.memory_space<semaphore_mem>>) src(%dma_wait3A_153 : memref<10000x128xf32, #tpu.memory_space<hbm>>) dst(%arg10 : memref<128x128xf32, #tpu.memory_space<vmem>>)
      %run_scoped3A_154 = arith.constant 5 : i32
      "tpu.region"() ({
        %run_scoped3A_329 = tpu.sem_alloc : memref<!tpu.dma_semaphore, #tpu.memory_space<semaphore_mem>>
        %dma_start3A_330 = arith.constant 0 : i32
        %dma_start3A_331 = tpu.memref_slice %arg8[%rem3A_60, %run_scoped3A_154, %dma_start3A_330] : memref<2x16x128xi32, #tpu.memory_space<vmem>> -> memref<1x1x128xi32, #tpu.memory_space<vmem>>
        %dma_start3A_332 = tpu.memref_squeeze %dma_start3A_331 : memref<1x1x128xi32, #tpu.memory_space<vmem>> -> memref<128xi32, #tpu.memory_space<vmem>>
        %dma_start3A_333 = arith.constant 0 : i32
        %dma_start3A_334 = arith.constant 0 : i32
        %dma_start3A_335 = tpu.memref_slice %arg11[%dma_start3A_333, %dma_start3A_334] : memref<10112x128xf32, #tpu.memory_space<vmem_shared>> -> memref<10112x128xf32, #tpu.memory_space<vmem_shared>>
        tpu.enqueue_indirect_dma source(%arg10 : memref<128x128xf32, #tpu.memory_space<vmem>>) target(%dma_start3A_335 : memref<10112x128xf32, #tpu.memory_space<vmem_shared>>) offsets(%dma_start3A_332 : memref<128xi32, #tpu.memory_space<vmem>>) semaphore(%run_scoped3A_329 : memref<!tpu.dma_semaphore, #tpu.memory_space<semaphore_mem>>) {add = true}
        %dma_wait3A_336 = arith.constant 0 : i32
        %dma_wait3A_337 = tpu.memref_slice %arg8[%rem3A_60, %run_scoped3A_154, %dma_wait3A_336] : memref<2x16x128xi32, #tpu.memory_space<vmem>> -> memref<1x1x128xi32, #tpu.memory_space<vmem>>
        %dma_wait3A_338 = tpu.memref_squeeze %dma_wait3A_337 : memref<1x1x128xi32, #tpu.memory_space<vmem>> -> memref<128xi32, #tpu.memory_space<vmem>>
        %dma_wait3A_339 = arith.constant 0 : i32
        %dma_wait3A_340 = arith.constant 0 : i32
        %dma_wait3A_341 = tpu.memref_slice %arg11[%dma_wait3A_339, %dma_wait3A_340] : memref<10112x128xf32, #tpu.memory_space<vmem_shared>> -> memref<10112x128xf32, #tpu.memory_space<vmem_shared>>
        tpu.wait_indirect_dma semaphore(%run_scoped3A_329 : memref<!tpu.dma_semaphore, #tpu.memory_space<semaphore_mem>>) src(%arg10 : memref<128x128xf32, #tpu.memory_space<vmem>>) dst(%dma_wait3A_341 : memref<10112x128xf32, #tpu.memory_space<vmem_shared>>)
        tpu.yield
      }) : () -> ()
      %dma_start3A_155 = arith.constant 7 : i32
      %dma_start3A_156 = arith.constant 0 : i32
      %dma_start3A_157 = tpu.memref_slice %arg7[%rem3A_60, %dma_start3A_155, %dma_start3A_156] : memref<2x16x128xi32, #tpu.memory_space<vmem>> -> memref<1x1x128xi32, #tpu.memory_space<vmem>>
      %dma_start3A_158 = tpu.memref_squeeze %dma_start3A_157 : memref<1x1x128xi32, #tpu.memory_space<vmem>> -> memref<128xi32, #tpu.memory_space<vmem>>
      %dma_start3A_159 = arith.constant 0 : i32
      %dma_start3A_160 = arith.constant 0 : i32
      %dma_start3A_161 = tpu.memref_slice %arg2[%dma_start3A_159, %dma_start3A_160] : memref<10000x128xf32, #tpu.memory_space<hbm>> -> memref<10000x128xf32, #tpu.memory_space<hbm>>
      tpu.enqueue_indirect_dma source(%dma_start3A_161 : memref<10000x128xf32, #tpu.memory_space<hbm>>) target(%arg10 : memref<128x128xf32, #tpu.memory_space<vmem>>) offsets(%dma_start3A_158 : memref<128xi32, #tpu.memory_space<vmem>>) semaphore(%arg13 : memref<!tpu.dma_semaphore, #tpu.memory_space<semaphore_mem>>)
      %dma_wait3A_162 = arith.constant 0 : i32
      %dma_wait3A_163 = arith.constant 0 : i32
      %dma_wait3A_164 = arith.constant 0 : i32
      %dma_wait3A_165 = tpu.memref_slice %arg7[%dma_wait3A_162, %dma_wait3A_163, %dma_wait3A_164] : memref<2x16x128xi32, #tpu.memory_space<vmem>> -> memref<1x1x128xi32, #tpu.memory_space<vmem>>
      %dma_wait3A_166 = tpu.memref_squeeze %dma_wait3A_165 : memref<1x1x128xi32, #tpu.memory_space<vmem>> -> memref<128xi32, #tpu.memory_space<vmem>>
      %dma_wait3A_167 = arith.constant 0 : i32
      %dma_wait3A_168 = arith.constant 0 : i32
      %dma_wait3A_169 = tpu.memref_slice %arg2[%dma_wait3A_167, %dma_wait3A_168] : memref<10000x128xf32, #tpu.memory_space<hbm>> -> memref<10000x128xf32, #tpu.memory_space<hbm>>
      tpu.wait_indirect_dma semaphore(%arg12 : memref<!tpu.dma_semaphore, #tpu.memory_space<semaphore_mem>>) src(%dma_wait3A_169 : memref<10000x128xf32, #tpu.memory_space<hbm>>) dst(%arg9 : memref<128x128xf32, #tpu.memory_space<vmem>>)
      %run_scoped3A_170 = arith.constant 6 : i32
      "tpu.region"() ({
        %run_scoped3A_329 = tpu.sem_alloc : memref<!tpu.dma_semaphore, #tpu.memory_space<semaphore_mem>>
        %dma_start3A_330 = arith.constant 0 : i32
        %dma_start3A_331 = tpu.memref_slice %arg8[%rem3A_60, %run_scoped3A_170, %dma_start3A_330] : memref<2x16x128xi32, #tpu.memory_space<vmem>> -> memref<1x1x128xi32, #tpu.memory_space<vmem>>
        %dma_start3A_332 = tpu.memref_squeeze %dma_start3A_331 : memref<1x1x128xi32, #tpu.memory_space<vmem>> -> memref<128xi32, #tpu.memory_space<vmem>>
        %dma_start3A_333 = arith.constant 0 : i32
        %dma_start3A_334 = arith.constant 0 : i32
        %dma_start3A_335 = tpu.memref_slice %arg11[%dma_start3A_333, %dma_start3A_334] : memref<10112x128xf32, #tpu.memory_space<vmem_shared>> -> memref<10112x128xf32, #tpu.memory_space<vmem_shared>>
        tpu.enqueue_indirect_dma source(%arg9 : memref<128x128xf32, #tpu.memory_space<vmem>>) target(%dma_start3A_335 : memref<10112x128xf32, #tpu.memory_space<vmem_shared>>) offsets(%dma_start3A_332 : memref<128xi32, #tpu.memory_space<vmem>>) semaphore(%run_scoped3A_329 : memref<!tpu.dma_semaphore, #tpu.memory_space<semaphore_mem>>) {add = true}
        %dma_wait3A_336 = arith.constant 0 : i32
        %dma_wait3A_337 = tpu.memref_slice %arg8[%rem3A_60, %run_scoped3A_170, %dma_wait3A_336] : memref<2x16x128xi32, #tpu.memory_space<vmem>> -> memref<1x1x128xi32, #tpu.memory_space<vmem>>
        %dma_wait3A_338 = tpu.memref_squeeze %dma_wait3A_337 : memref<1x1x128xi32, #tpu.memory_space<vmem>> -> memref<128xi32, #tpu.memory_space<vmem>>
        %dma_wait3A_339 = arith.constant 0 : i32
        %dma_wait3A_340 = arith.constant 0 : i32
        %dma_wait3A_341 = tpu.memref_slice %arg11[%dma_wait3A_339, %dma_wait3A_340] : memref<10112x128xf32, #tpu.memory_space<vmem_shared>> -> memref<10112x128xf32, #tpu.memory_space<vmem_shared>>
        tpu.wait_indirect_dma semaphore(%run_scoped3A_329 : memref<!tpu.dma_semaphore, #tpu.memory_space<semaphore_mem>>) src(%arg9 : memref<128x128xf32, #tpu.memory_space<vmem>>) dst(%dma_wait3A_341 : memref<10112x128xf32, #tpu.memory_space<vmem_shared>>)
        tpu.yield
      }) : () -> ()
      %dma_start3A_171 = arith.constant 8 : i32
      %dma_start3A_172 = arith.constant 0 : i32
      %dma_start3A_173 = tpu.memref_slice %arg7[%rem3A_60, %dma_start3A_171, %dma_start3A_172] : memref<2x16x128xi32, #tpu.memory_space<vmem>> -> memref<1x1x128xi32, #tpu.memory_space<vmem>>
      %dma_start3A_174 = tpu.memref_squeeze %dma_start3A_173 : memref<1x1x128xi32, #tpu.memory_space<vmem>> -> memref<128xi32, #tpu.memory_space<vmem>>
      %dma_start3A_175 = arith.constant 0 : i32
      %dma_start3A_176 = arith.constant 0 : i32
      %dma_start3A_177 = tpu.memref_slice %arg2[%dma_start3A_175, %dma_start3A_176] : memref<10000x128xf32, #tpu.memory_space<hbm>> -> memref<10000x128xf32, #tpu.memory_space<hbm>>
      tpu.enqueue_indirect_dma source(%dma_start3A_177 : memref<10000x128xf32, #tpu.memory_space<hbm>>) target(%arg9 : memref<128x128xf32, #tpu.memory_space<vmem>>) offsets(%dma_start3A_174 : memref<128xi32, #tpu.memory_space<vmem>>) semaphore(%arg12 : memref<!tpu.dma_semaphore, #tpu.memory_space<semaphore_mem>>)
      %dma_wait3A_178 = arith.constant 0 : i32
      %dma_wait3A_179 = arith.constant 0 : i32
      %dma_wait3A_180 = arith.constant 0 : i32
      %dma_wait3A_181 = tpu.memref_slice %arg7[%dma_wait3A_178, %dma_wait3A_179, %dma_wait3A_180] : memref<2x16x128xi32, #tpu.memory_space<vmem>> -> memref<1x1x128xi32, #tpu.memory_space<vmem>>
      %dma_wait3A_182 = tpu.memref_squeeze %dma_wait3A_181 : memref<1x1x128xi32, #tpu.memory_space<vmem>> -> memref<128xi32, #tpu.memory_space<vmem>>
      %dma_wait3A_183 = arith.constant 0 : i32
      %dma_wait3A_184 = arith.constant 0 : i32
      %dma_wait3A_185 = tpu.memref_slice %arg2[%dma_wait3A_183, %dma_wait3A_184] : memref<10000x128xf32, #tpu.memory_space<hbm>> -> memref<10000x128xf32, #tpu.memory_space<hbm>>
      tpu.wait_indirect_dma semaphore(%arg13 : memref<!tpu.dma_semaphore, #tpu.memory_space<semaphore_mem>>) src(%dma_wait3A_185 : memref<10000x128xf32, #tpu.memory_space<hbm>>) dst(%arg10 : memref<128x128xf32, #tpu.memory_space<vmem>>)
      %run_scoped3A_186 = arith.constant 7 : i32
      "tpu.region"() ({
        %run_scoped3A_329 = tpu.sem_alloc : memref<!tpu.dma_semaphore, #tpu.memory_space<semaphore_mem>>
        %dma_start3A_330 = arith.constant 0 : i32
        %dma_start3A_331 = tpu.memref_slice %arg8[%rem3A_60, %run_scoped3A_186, %dma_start3A_330] : memref<2x16x128xi32, #tpu.memory_space<vmem>> -> memref<1x1x128xi32, #tpu.memory_space<vmem>>
        %dma_start3A_332 = tpu.memref_squeeze %dma_start3A_331 : memref<1x1x128xi32, #tpu.memory_space<vmem>> -> memref<128xi32, #tpu.memory_space<vmem>>
        %dma_start3A_333 = arith.constant 0 : i32
        %dma_start3A_334 = arith.constant 0 : i32
        %dma_start3A_335 = tpu.memref_slice %arg11[%dma_start3A_333, %dma_start3A_334] : memref<10112x128xf32, #tpu.memory_space<vmem_shared>> -> memref<10112x128xf32, #tpu.memory_space<vmem_shared>>
        tpu.enqueue_indirect_dma source(%arg10 : memref<128x128xf32, #tpu.memory_space<vmem>>) target(%dma_start3A_335 : memref<10112x128xf32, #tpu.memory_space<vmem_shared>>) offsets(%dma_start3A_332 : memref<128xi32, #tpu.memory_space<vmem>>) semaphore(%run_scoped3A_329 : memref<!tpu.dma_semaphore, #tpu.memory_space<semaphore_mem>>) {add = true}
        %dma_wait3A_336 = arith.constant 0 : i32
        %dma_wait3A_337 = tpu.memref_slice %arg8[%rem3A_60, %run_scoped3A_186, %dma_wait3A_336] : memref<2x16x128xi32, #tpu.memory_space<vmem>> -> memref<1x1x128xi32, #tpu.memory_space<vmem>>
        %dma_wait3A_338 = tpu.memref_squeeze %dma_wait3A_337 : memref<1x1x128xi32, #tpu.memory_space<vmem>> -> memref<128xi32, #tpu.memory_space<vmem>>
        %dma_wait3A_339 = arith.constant 0 : i32
        %dma_wait3A_340 = arith.constant 0 : i32
        %dma_wait3A_341 = tpu.memref_slice %arg11[%dma_wait3A_339, %dma_wait3A_340] : memref<10112x128xf32, #tpu.memory_space<vmem_shared>> -> memref<10112x128xf32, #tpu.memory_space<vmem_shared>>
        tpu.wait_indirect_dma semaphore(%run_scoped3A_329 : memref<!tpu.dma_semaphore, #tpu.memory_space<semaphore_mem>>) src(%arg10 : memref<128x128xf32, #tpu.memory_space<vmem>>) dst(%dma_wait3A_341 : memref<10112x128xf32, #tpu.memory_space<vmem_shared>>)
        tpu.yield
      }) : () -> ()
      %dma_start3A_187 = arith.constant 9 : i32
      %dma_start3A_188 = arith.constant 0 : i32
      %dma_start3A_189 = tpu.memref_slice %arg7[%rem3A_60, %dma_start3A_187, %dma_start3A_188] : memref<2x16x128xi32, #tpu.memory_space<vmem>> -> memref<1x1x128xi32, #tpu.memory_space<vmem>>
      %dma_start3A_190 = tpu.memref_squeeze %dma_start3A_189 : memref<1x1x128xi32, #tpu.memory_space<vmem>> -> memref<128xi32, #tpu.memory_space<vmem>>
      %dma_start3A_191 = arith.constant 0 : i32
      %dma_start3A_192 = arith.constant 0 : i32
      %dma_start3A_193 = tpu.memref_slice %arg2[%dma_start3A_191, %dma_start3A_192] : memref<10000x128xf32, #tpu.memory_space<hbm>> -> memref<10000x128xf32, #tpu.memory_space<hbm>>
      tpu.enqueue_indirect_dma source(%dma_start3A_193 : memref<10000x128xf32, #tpu.memory_space<hbm>>) target(%arg10 : memref<128x128xf32, #tpu.memory_space<vmem>>) offsets(%dma_start3A_190 : memref<128xi32, #tpu.memory_space<vmem>>) semaphore(%arg13 : memref<!tpu.dma_semaphore, #tpu.memory_space<semaphore_mem>>)
      %dma_wait3A_194 = arith.constant 0 : i32
      %dma_wait3A_195 = arith.constant 0 : i32
      %dma_wait3A_196 = arith.constant 0 : i32
      %dma_wait3A_197 = tpu.memref_slice %arg7[%dma_wait3A_194, %dma_wait3A_195, %dma_wait3A_196] : memref<2x16x128xi32, #tpu.memory_space<vmem>> -> memref<1x1x128xi32, #tpu.memory_space<vmem>>
      %dma_wait3A_198 = tpu.memref_squeeze %dma_wait3A_197 : memref<1x1x128xi32, #tpu.memory_space<vmem>> -> memref<128xi32, #tpu.memory_space<vmem>>
      %dma_wait3A_199 = arith.constant 0 : i32
      %dma_wait3A_200 = arith.constant 0 : i32
      %dma_wait3A_201 = tpu.memref_slice %arg2[%dma_wait3A_199, %dma_wait3A_200] : memref<10000x128xf32, #tpu.memory_space<hbm>> -> memref<10000x128xf32, #tpu.memory_space<hbm>>
      tpu.wait_indirect_dma semaphore(%arg12 : memref<!tpu.dma_semaphore, #tpu.memory_space<semaphore_mem>>) src(%dma_wait3A_201 : memref<10000x128xf32, #tpu.memory_space<hbm>>) dst(%arg9 : memref<128x128xf32, #tpu.memory_space<vmem>>)
      %run_scoped3A_202 = arith.constant 8 : i32
      "tpu.region"() ({
        %run_scoped3A_329 = tpu.sem_alloc : memref<!tpu.dma_semaphore, #tpu.memory_space<semaphore_mem>>
        %dma_start3A_330 = arith.constant 0 : i32
        %dma_start3A_331 = tpu.memref_slice %arg8[%rem3A_60, %run_scoped3A_202, %dma_start3A_330] : memref<2x16x128xi32, #tpu.memory_space<vmem>> -> memref<1x1x128xi32, #tpu.memory_space<vmem>>
        %dma_start3A_332 = tpu.memref_squeeze %dma_start3A_331 : memref<1x1x128xi32, #tpu.memory_space<vmem>> -> memref<128xi32, #tpu.memory_space<vmem>>
        %dma_start3A_333 = arith.constant 0 : i32
        %dma_start3A_334 = arith.constant 0 : i32
        %dma_start3A_335 = tpu.memref_slice %arg11[%dma_start3A_333, %dma_start3A_334] : memref<10112x128xf32, #tpu.memory_space<vmem_shared>> -> memref<10112x128xf32, #tpu.memory_space<vmem_shared>>
        tpu.enqueue_indirect_dma source(%arg9 : memref<128x128xf32, #tpu.memory_space<vmem>>) target(%dma_start3A_335 : memref<10112x128xf32, #tpu.memory_space<vmem_shared>>) offsets(%dma_start3A_332 : memref<128xi32, #tpu.memory_space<vmem>>) semaphore(%run_scoped3A_329 : memref<!tpu.dma_semaphore, #tpu.memory_space<semaphore_mem>>) {add = true}
        %dma_wait3A_336 = arith.constant 0 : i32
        %dma_wait3A_337 = tpu.memref_slice %arg8[%rem3A_60, %run_scoped3A_202, %dma_wait3A_336] : memref<2x16x128xi32, #tpu.memory_space<vmem>> -> memref<1x1x128xi32, #tpu.memory_space<vmem>>
        %dma_wait3A_338 = tpu.memref_squeeze %dma_wait3A_337 : memref<1x1x128xi32, #tpu.memory_space<vmem>> -> memref<128xi32, #tpu.memory_space<vmem>>
        %dma_wait3A_339 = arith.constant 0 : i32
        %dma_wait3A_340 = arith.constant 0 : i32
        %dma_wait3A_341 = tpu.memref_slice %arg11[%dma_wait3A_339, %dma_wait3A_340] : memref<10112x128xf32, #tpu.memory_space<vmem_shared>> -> memref<10112x128xf32, #tpu.memory_space<vmem_shared>>
        tpu.wait_indirect_dma semaphore(%run_scoped3A_329 : memref<!tpu.dma_semaphore, #tpu.memory_space<semaphore_mem>>) src(%arg9 : memref<128x128xf32, #tpu.memory_space<vmem>>) dst(%dma_wait3A_341 : memref<10112x128xf32, #tpu.memory_space<vmem_shared>>)
        tpu.yield
      }) : () -> ()
      %dma_start3A_203 = arith.constant 10 : i32
      %dma_start3A_204 = arith.constant 0 : i32
      %dma_start3A_205 = tpu.memref_slice %arg7[%rem3A_60, %dma_start3A_203, %dma_start3A_204] : memref<2x16x128xi32, #tpu.memory_space<vmem>> -> memref<1x1x128xi32, #tpu.memory_space<vmem>>
      %dma_start3A_206 = tpu.memref_squeeze %dma_start3A_205 : memref<1x1x128xi32, #tpu.memory_space<vmem>> -> memref<128xi32, #tpu.memory_space<vmem>>
      %dma_start3A_207 = arith.constant 0 : i32
      %dma_start3A_208 = arith.constant 0 : i32
      %dma_start3A_209 = tpu.memref_slice %arg2[%dma_start3A_207, %dma_start3A_208] : memref<10000x128xf32, #tpu.memory_space<hbm>> -> memref<10000x128xf32, #tpu.memory_space<hbm>>
      tpu.enqueue_indirect_dma source(%dma_start3A_209 : memref<10000x128xf32, #tpu.memory_space<hbm>>) target(%arg9 : memref<128x128xf32, #tpu.memory_space<vmem>>) offsets(%dma_start3A_206 : memref<128xi32, #tpu.memory_space<vmem>>) semaphore(%arg12 : memref<!tpu.dma_semaphore, #tpu.memory_space<semaphore_mem>>)
      %dma_wait3A_210 = arith.constant 0 : i32
      %dma_wait3A_211 = arith.constant 0 : i32
      %dma_wait3A_212 = arith.constant 0 : i32
      %dma_wait3A_213 = tpu.memref_slice %arg7[%dma_wait3A_210, %dma_wait3A_211, %dma_wait3A_212] : memref<2x16x128xi32, #tpu.memory_space<vmem>> -> memref<1x1x128xi32, #tpu.memory_space<vmem>>
      %dma_wait3A_214 = tpu.memref_squeeze %dma_wait3A_213 : memref<1x1x128xi32, #tpu.memory_space<vmem>> -> memref<128xi32, #tpu.memory_space<vmem>>
      %dma_wait3A_215 = arith.constant 0 : i32
      %dma_wait3A_216 = arith.constant 0 : i32
      %dma_wait3A_217 = tpu.memref_slice %arg2[%dma_wait3A_215, %dma_wait3A_216] : memref<10000x128xf32, #tpu.memory_space<hbm>> -> memref<10000x128xf32, #tpu.memory_space<hbm>>
      tpu.wait_indirect_dma semaphore(%arg13 : memref<!tpu.dma_semaphore, #tpu.memory_space<semaphore_mem>>) src(%dma_wait3A_217 : memref<10000x128xf32, #tpu.memory_space<hbm>>) dst(%arg10 : memref<128x128xf32, #tpu.memory_space<vmem>>)
      %run_scoped3A_218 = arith.constant 9 : i32
      "tpu.region"() ({
        %run_scoped3A_329 = tpu.sem_alloc : memref<!tpu.dma_semaphore, #tpu.memory_space<semaphore_mem>>
        %dma_start3A_330 = arith.constant 0 : i32
        %dma_start3A_331 = tpu.memref_slice %arg8[%rem3A_60, %run_scoped3A_218, %dma_start3A_330] : memref<2x16x128xi32, #tpu.memory_space<vmem>> -> memref<1x1x128xi32, #tpu.memory_space<vmem>>
        %dma_start3A_332 = tpu.memref_squeeze %dma_start3A_331 : memref<1x1x128xi32, #tpu.memory_space<vmem>> -> memref<128xi32, #tpu.memory_space<vmem>>
        %dma_start3A_333 = arith.constant 0 : i32
        %dma_start3A_334 = arith.constant 0 : i32
        %dma_start3A_335 = tpu.memref_slice %arg11[%dma_start3A_333, %dma_start3A_334] : memref<10112x128xf32, #tpu.memory_space<vmem_shared>> -> memref<10112x128xf32, #tpu.memory_space<vmem_shared>>
        tpu.enqueue_indirect_dma source(%arg10 : memref<128x128xf32, #tpu.memory_space<vmem>>) target(%dma_start3A_335 : memref<10112x128xf32, #tpu.memory_space<vmem_shared>>) offsets(%dma_start3A_332 : memref<128xi32, #tpu.memory_space<vmem>>) semaphore(%run_scoped3A_329 : memref<!tpu.dma_semaphore, #tpu.memory_space<semaphore_mem>>) {add = true}
        %dma_wait3A_336 = arith.constant 0 : i32
        %dma_wait3A_337 = tpu.memref_slice %arg8[%rem3A_60, %run_scoped3A_218, %dma_wait3A_336] : memref<2x16x128xi32, #tpu.memory_space<vmem>> -> memref<1x1x128xi32, #tpu.memory_space<vmem>>
        %dma_wait3A_338 = tpu.memref_squeeze %dma_wait3A_337 : memref<1x1x128xi32, #tpu.memory_space<vmem>> -> memref<128xi32, #tpu.memory_space<vmem>>
        %dma_wait3A_339 = arith.constant 0 : i32
        %dma_wait3A_340 = arith.constant 0 : i32
        %dma_wait3A_341 = tpu.memref_slice %arg11[%dma_wait3A_339, %dma_wait3A_340] : memref<10112x128xf32, #tpu.memory_space<vmem_shared>> -> memref<10112x128xf32, #tpu.memory_space<vmem_shared>>
        tpu.wait_indirect_dma semaphore(%run_scoped3A_329 : memref<!tpu.dma_semaphore, #tpu.memory_space<semaphore_mem>>) src(%arg10 : memref<128x128xf32, #tpu.memory_space<vmem>>) dst(%dma_wait3A_341 : memref<10112x128xf32, #tpu.memory_space<vmem_shared>>)
        tpu.yield
      }) : () -> ()
      %dma_start3A_219 = arith.constant 11 : i32
      %dma_start3A_220 = arith.constant 0 : i32
      %dma_start3A_221 = tpu.memref_slice %arg7[%rem3A_60, %dma_start3A_219, %dma_start3A_220] : memref<2x16x128xi32, #tpu.memory_space<vmem>> -> memref<1x1x128xi32, #tpu.memory_space<vmem>>
      %dma_start3A_222 = tpu.memref_squeeze %dma_start3A_221 : memref<1x1x128xi32, #tpu.memory_space<vmem>> -> memref<128xi32, #tpu.memory_space<vmem>>
      %dma_start3A_223 = arith.constant 0 : i32
      %dma_start3A_224 = arith.constant 0 : i32
      %dma_start3A_225 = tpu.memref_slice %arg2[%dma_start3A_223, %dma_start3A_224] : memref<10000x128xf32, #tpu.memory_space<hbm>> -> memref<10000x128xf32, #tpu.memory_space<hbm>>
      tpu.enqueue_indirect_dma source(%dma_start3A_225 : memref<10000x128xf32, #tpu.memory_space<hbm>>) target(%arg10 : memref<128x128xf32, #tpu.memory_space<vmem>>) offsets(%dma_start3A_222 : memref<128xi32, #tpu.memory_space<vmem>>) semaphore(%arg13 : memref<!tpu.dma_semaphore, #tpu.memory_space<semaphore_mem>>)
      %dma_wait3A_226 = arith.constant 0 : i32
      %dma_wait3A_227 = arith.constant 0 : i32
      %dma_wait3A_228 = arith.constant 0 : i32
      %dma_wait3A_229 = tpu.memref_slice %arg7[%dma_wait3A_226, %dma_wait3A_227, %dma_wait3A_228] : memref<2x16x128xi32, #tpu.memory_space<vmem>> -> memref<1x1x128xi32, #tpu.memory_space<vmem>>
      %dma_wait3A_230 = tpu.memref_squeeze %dma_wait3A_229 : memref<1x1x128xi32, #tpu.memory_space<vmem>> -> memref<128xi32, #tpu.memory_space<vmem>>
      %dma_wait3A_231 = arith.constant 0 : i32
      %dma_wait3A_232 = arith.constant 0 : i32
      %dma_wait3A_233 = tpu.memref_slice %arg2[%dma_wait3A_231, %dma_wait3A_232] : memref<10000x128xf32, #tpu.memory_space<hbm>> -> memref<10000x128xf32, #tpu.memory_space<hbm>>
      tpu.wait_indirect_dma semaphore(%arg12 : memref<!tpu.dma_semaphore, #tpu.memory_space<semaphore_mem>>) src(%dma_wait3A_233 : memref<10000x128xf32, #tpu.memory_space<hbm>>) dst(%arg9 : memref<128x128xf32, #tpu.memory_space<vmem>>)
      %run_scoped3A_234 = arith.constant 10 : i32
      "tpu.region"() ({
        %run_scoped3A_329 = tpu.sem_alloc : memref<!tpu.dma_semaphore, #tpu.memory_space<semaphore_mem>>
        %dma_start3A_330 = arith.constant 0 : i32
        %dma_start3A_331 = tpu.memref_slice %arg8[%rem3A_60, %run_scoped3A_234, %dma_start3A_330] : memref<2x16x128xi32, #tpu.memory_space<vmem>> -> memref<1x1x128xi32, #tpu.memory_space<vmem>>
        %dma_start3A_332 = tpu.memref_squeeze %dma_start3A_331 : memref<1x1x128xi32, #tpu.memory_space<vmem>> -> memref<128xi32, #tpu.memory_space<vmem>>
        %dma_start3A_333 = arith.constant 0 : i32
        %dma_start3A_334 = arith.constant 0 : i32
        %dma_start3A_335 = tpu.memref_slice %arg11[%dma_start3A_333, %dma_start3A_334] : memref<10112x128xf32, #tpu.memory_space<vmem_shared>> -> memref<10112x128xf32, #tpu.memory_space<vmem_shared>>
        tpu.enqueue_indirect_dma source(%arg9 : memref<128x128xf32, #tpu.memory_space<vmem>>) target(%dma_start3A_335 : memref<10112x128xf32, #tpu.memory_space<vmem_shared>>) offsets(%dma_start3A_332 : memref<128xi32, #tpu.memory_space<vmem>>) semaphore(%run_scoped3A_329 : memref<!tpu.dma_semaphore, #tpu.memory_space<semaphore_mem>>) {add = true}
        %dma_wait3A_336 = arith.constant 0 : i32
        %dma_wait3A_337 = tpu.memref_slice %arg8[%rem3A_60, %run_scoped3A_234, %dma_wait3A_336] : memref<2x16x128xi32, #tpu.memory_space<vmem>> -> memref<1x1x128xi32, #tpu.memory_space<vmem>>
        %dma_wait3A_338 = tpu.memref_squeeze %dma_wait3A_337 : memref<1x1x128xi32, #tpu.memory_space<vmem>> -> memref<128xi32, #tpu.memory_space<vmem>>
        %dma_wait3A_339 = arith.constant 0 : i32
        %dma_wait3A_340 = arith.constant 0 : i32
        %dma_wait3A_341 = tpu.memref_slice %arg11[%dma_wait3A_339, %dma_wait3A_340] : memref<10112x128xf32, #tpu.memory_space<vmem_shared>> -> memref<10112x128xf32, #tpu.memory_space<vmem_shared>>
        tpu.wait_indirect_dma semaphore(%run_scoped3A_329 : memref<!tpu.dma_semaphore, #tpu.memory_space<semaphore_mem>>) src(%arg9 : memref<128x128xf32, #tpu.memory_space<vmem>>) dst(%dma_wait3A_341 : memref<10112x128xf32, #tpu.memory_space<vmem_shared>>)
        tpu.yield
      }) : () -> ()
      %dma_start3A_235 = arith.constant 12 : i32
      %dma_start3A_236 = arith.constant 0 : i32
      %dma_start3A_237 = tpu.memref_slice %arg7[%rem3A_60, %dma_start3A_235, %dma_start3A_236] : memref<2x16x128xi32, #tpu.memory_space<vmem>> -> memref<1x1x128xi32, #tpu.memory_space<vmem>>
      %dma_start3A_238 = tpu.memref_squeeze %dma_start3A_237 : memref<1x1x128xi32, #tpu.memory_space<vmem>> -> memref<128xi32, #tpu.memory_space<vmem>>
      %dma_start3A_239 = arith.constant 0 : i32
      %dma_start3A_240 = arith.constant 0 : i32
      %dma_start3A_241 = tpu.memref_slice %arg2[%dma_start3A_239, %dma_start3A_240] : memref<10000x128xf32, #tpu.memory_space<hbm>> -> memref<10000x128xf32, #tpu.memory_space<hbm>>
      tpu.enqueue_indirect_dma source(%dma_start3A_241 : memref<10000x128xf32, #tpu.memory_space<hbm>>) target(%arg9 : memref<128x128xf32, #tpu.memory_space<vmem>>) offsets(%dma_start3A_238 : memref<128xi32, #tpu.memory_space<vmem>>) semaphore(%arg12 : memref<!tpu.dma_semaphore, #tpu.memory_space<semaphore_mem>>)
      %dma_wait3A_242 = arith.constant 0 : i32
      %dma_wait3A_243 = arith.constant 0 : i32
      %dma_wait3A_244 = arith.constant 0 : i32
      %dma_wait3A_245 = tpu.memref_slice %arg7[%dma_wait3A_242, %dma_wait3A_243, %dma_wait3A_244] : memref<2x16x128xi32, #tpu.memory_space<vmem>> -> memref<1x1x128xi32, #tpu.memory_space<vmem>>
      %dma_wait3A_246 = tpu.memref_squeeze %dma_wait3A_245 : memref<1x1x128xi32, #tpu.memory_space<vmem>> -> memref<128xi32, #tpu.memory_space<vmem>>
      %dma_wait3A_247 = arith.constant 0 : i32
      %dma_wait3A_248 = arith.constant 0 : i32
      %dma_wait3A_249 = tpu.memref_slice %arg2[%dma_wait3A_247, %dma_wait3A_248] : memref<10000x128xf32, #tpu.memory_space<hbm>> -> memref<10000x128xf32, #tpu.memory_space<hbm>>
      tpu.wait_indirect_dma semaphore(%arg13 : memref<!tpu.dma_semaphore, #tpu.memory_space<semaphore_mem>>) src(%dma_wait3A_249 : memref<10000x128xf32, #tpu.memory_space<hbm>>) dst(%arg10 : memref<128x128xf32, #tpu.memory_space<vmem>>)
      %run_scoped3A_250 = arith.constant 11 : i32
      "tpu.region"() ({
        %run_scoped3A_329 = tpu.sem_alloc : memref<!tpu.dma_semaphore, #tpu.memory_space<semaphore_mem>>
        %dma_start3A_330 = arith.constant 0 : i32
        %dma_start3A_331 = tpu.memref_slice %arg8[%rem3A_60, %run_scoped3A_250, %dma_start3A_330] : memref<2x16x128xi32, #tpu.memory_space<vmem>> -> memref<1x1x128xi32, #tpu.memory_space<vmem>>
        %dma_start3A_332 = tpu.memref_squeeze %dma_start3A_331 : memref<1x1x128xi32, #tpu.memory_space<vmem>> -> memref<128xi32, #tpu.memory_space<vmem>>
        %dma_start3A_333 = arith.constant 0 : i32
        %dma_start3A_334 = arith.constant 0 : i32
        %dma_start3A_335 = tpu.memref_slice %arg11[%dma_start3A_333, %dma_start3A_334] : memref<10112x128xf32, #tpu.memory_space<vmem_shared>> -> memref<10112x128xf32, #tpu.memory_space<vmem_shared>>
        tpu.enqueue_indirect_dma source(%arg10 : memref<128x128xf32, #tpu.memory_space<vmem>>) target(%dma_start3A_335 : memref<10112x128xf32, #tpu.memory_space<vmem_shared>>) offsets(%dma_start3A_332 : memref<128xi32, #tpu.memory_space<vmem>>) semaphore(%run_scoped3A_329 : memref<!tpu.dma_semaphore, #tpu.memory_space<semaphore_mem>>) {add = true}
        %dma_wait3A_336 = arith.constant 0 : i32
        %dma_wait3A_337 = tpu.memref_slice %arg8[%rem3A_60, %run_scoped3A_250, %dma_wait3A_336] : memref<2x16x128xi32, #tpu.memory_space<vmem>> -> memref<1x1x128xi32, #tpu.memory_space<vmem>>
        %dma_wait3A_338 = tpu.memref_squeeze %dma_wait3A_337 : memref<1x1x128xi32, #tpu.memory_space<vmem>> -> memref<128xi32, #tpu.memory_space<vmem>>
        %dma_wait3A_339 = arith.constant 0 : i32
        %dma_wait3A_340 = arith.constant 0 : i32
        %dma_wait3A_341 = tpu.memref_slice %arg11[%dma_wait3A_339, %dma_wait3A_340] : memref<10112x128xf32, #tpu.memory_space<vmem_shared>> -> memref<10112x128xf32, #tpu.memory_space<vmem_shared>>
        tpu.wait_indirect_dma semaphore(%run_scoped3A_329 : memref<!tpu.dma_semaphore, #tpu.memory_space<semaphore_mem>>) src(%arg10 : memref<128x128xf32, #tpu.memory_space<vmem>>) dst(%dma_wait3A_341 : memref<10112x128xf32, #tpu.memory_space<vmem_shared>>)
        tpu.yield
      }) : () -> ()
      %dma_start3A_251 = arith.constant 13 : i32
      %dma_start3A_252 = arith.constant 0 : i32
      %dma_start3A_253 = tpu.memref_slice %arg7[%rem3A_60, %dma_start3A_251, %dma_start3A_252] : memref<2x16x128xi32, #tpu.memory_space<vmem>> -> memref<1x1x128xi32, #tpu.memory_space<vmem>>
      %dma_start3A_254 = tpu.memref_squeeze %dma_start3A_253 : memref<1x1x128xi32, #tpu.memory_space<vmem>> -> memref<128xi32, #tpu.memory_space<vmem>>
      %dma_start3A_255 = arith.constant 0 : i32
      %dma_start3A_256 = arith.constant 0 : i32
      %dma_start3A_257 = tpu.memref_slice %arg2[%dma_start3A_255, %dma_start3A_256] : memref<10000x128xf32, #tpu.memory_space<hbm>> -> memref<10000x128xf32, #tpu.memory_space<hbm>>
      tpu.enqueue_indirect_dma source(%dma_start3A_257 : memref<10000x128xf32, #tpu.memory_space<hbm>>) target(%arg10 : memref<128x128xf32, #tpu.memory_space<vmem>>) offsets(%dma_start3A_254 : memref<128xi32, #tpu.memory_space<vmem>>) semaphore(%arg13 : memref<!tpu.dma_semaphore, #tpu.memory_space<semaphore_mem>>)
      %dma_wait3A_258 = arith.constant 0 : i32
      %dma_wait3A_259 = arith.constant 0 : i32
      %dma_wait3A_260 = arith.constant 0 : i32
      %dma_wait3A_261 = tpu.memref_slice %arg7[%dma_wait3A_258, %dma_wait3A_259, %dma_wait3A_260] : memref<2x16x128xi32, #tpu.memory_space<vmem>> -> memref<1x1x128xi32, #tpu.memory_space<vmem>>
      %dma_wait3A_262 = tpu.memref_squeeze %dma_wait3A_261 : memref<1x1x128xi32, #tpu.memory_space<vmem>> -> memref<128xi32, #tpu.memory_space<vmem>>
      %dma_wait3A_263 = arith.constant 0 : i32
      %dma_wait3A_264 = arith.constant 0 : i32
      %dma_wait3A_265 = tpu.memref_slice %arg2[%dma_wait3A_263, %dma_wait3A_264] : memref<10000x128xf32, #tpu.memory_space<hbm>> -> memref<10000x128xf32, #tpu.memory_space<hbm>>
      tpu.wait_indirect_dma semaphore(%arg12 : memref<!tpu.dma_semaphore, #tpu.memory_space<semaphore_mem>>) src(%dma_wait3A_265 : memref<10000x128xf32, #tpu.memory_space<hbm>>) dst(%arg9 : memref<128x128xf32, #tpu.memory_space<vmem>>)
      %run_scoped3A_266 = arith.constant 12 : i32
      "tpu.region"() ({
        %run_scoped3A_329 = tpu.sem_alloc : memref<!tpu.dma_semaphore, #tpu.memory_space<semaphore_mem>>
        %dma_start3A_330 = arith.constant 0 : i32
        %dma_start3A_331 = tpu.memref_slice %arg8[%rem3A_60, %run_scoped3A_266, %dma_start3A_330] : memref<2x16x128xi32, #tpu.memory_space<vmem>> -> memref<1x1x128xi32, #tpu.memory_space<vmem>>
        %dma_start3A_332 = tpu.memref_squeeze %dma_start3A_331 : memref<1x1x128xi32, #tpu.memory_space<vmem>> -> memref<128xi32, #tpu.memory_space<vmem>>
        %dma_start3A_333 = arith.constant 0 : i32
        %dma_start3A_334 = arith.constant 0 : i32
        %dma_start3A_335 = tpu.memref_slice %arg11[%dma_start3A_333, %dma_start3A_334] : memref<10112x128xf32, #tpu.memory_space<vmem_shared>> -> memref<10112x128xf32, #tpu.memory_space<vmem_shared>>
        tpu.enqueue_indirect_dma source(%arg9 : memref<128x128xf32, #tpu.memory_space<vmem>>) target(%dma_start3A_335 : memref<10112x128xf32, #tpu.memory_space<vmem_shared>>) offsets(%dma_start3A_332 : memref<128xi32, #tpu.memory_space<vmem>>) semaphore(%run_scoped3A_329 : memref<!tpu.dma_semaphore, #tpu.memory_space<semaphore_mem>>) {add = true}
        %dma_wait3A_336 = arith.constant 0 : i32
        %dma_wait3A_337 = tpu.memref_slice %arg8[%rem3A_60, %run_scoped3A_266, %dma_wait3A_336] : memref<2x16x128xi32, #tpu.memory_space<vmem>> -> memref<1x1x128xi32, #tpu.memory_space<vmem>>
        %dma_wait3A_338 = tpu.memref_squeeze %dma_wait3A_337 : memref<1x1x128xi32, #tpu.memory_space<vmem>> -> memref<128xi32, #tpu.memory_space<vmem>>
        %dma_wait3A_339 = arith.constant 0 : i32
        %dma_wait3A_340 = arith.constant 0 : i32
        %dma_wait3A_341 = tpu.memref_slice %arg11[%dma_wait3A_339, %dma_wait3A_340] : memref<10112x128xf32, #tpu.memory_space<vmem_shared>> -> memref<10112x128xf32, #tpu.memory_space<vmem_shared>>
        tpu.wait_indirect_dma semaphore(%run_scoped3A_329 : memref<!tpu.dma_semaphore, #tpu.memory_space<semaphore_mem>>) src(%arg9 : memref<128x128xf32, #tpu.memory_space<vmem>>) dst(%dma_wait3A_341 : memref<10112x128xf32, #tpu.memory_space<vmem_shared>>)
        tpu.yield
      }) : () -> ()
      %dma_start3A_267 = arith.constant 14 : i32
      %dma_start3A_268 = arith.constant 0 : i32
      %dma_start3A_269 = tpu.memref_slice %arg7[%rem3A_60, %dma_start3A_267, %dma_start3A_268] : memref<2x16x128xi32, #tpu.memory_space<vmem>> -> memref<1x1x128xi32, #tpu.memory_space<vmem>>
      %dma_start3A_270 = tpu.memref_squeeze %dma_start3A_269 : memref<1x1x128xi32, #tpu.memory_space<vmem>> -> memref<128xi32, #tpu.memory_space<vmem>>
      %dma_start3A_271 = arith.constant 0 : i32
      %dma_start3A_272 = arith.constant 0 : i32
      %dma_start3A_273 = tpu.memref_slice %arg2[%dma_start3A_271, %dma_start3A_272] : memref<10000x128xf32, #tpu.memory_space<hbm>> -> memref<10000x128xf32, #tpu.memory_space<hbm>>
      tpu.enqueue_indirect_dma source(%dma_start3A_273 : memref<10000x128xf32, #tpu.memory_space<hbm>>) target(%arg9 : memref<128x128xf32, #tpu.memory_space<vmem>>) offsets(%dma_start3A_270 : memref<128xi32, #tpu.memory_space<vmem>>) semaphore(%arg12 : memref<!tpu.dma_semaphore, #tpu.memory_space<semaphore_mem>>)
      %dma_wait3A_274 = arith.constant 0 : i32
      %dma_wait3A_275 = arith.constant 0 : i32
      %dma_wait3A_276 = arith.constant 0 : i32
      %dma_wait3A_277 = tpu.memref_slice %arg7[%dma_wait3A_274, %dma_wait3A_275, %dma_wait3A_276] : memref<2x16x128xi32, #tpu.memory_space<vmem>> -> memref<1x1x128xi32, #tpu.memory_space<vmem>>
      %dma_wait3A_278 = tpu.memref_squeeze %dma_wait3A_277 : memref<1x1x128xi32, #tpu.memory_space<vmem>> -> memref<128xi32, #tpu.memory_space<vmem>>
      %dma_wait3A_279 = arith.constant 0 : i32
      %dma_wait3A_280 = arith.constant 0 : i32
      %dma_wait3A_281 = tpu.memref_slice %arg2[%dma_wait3A_279, %dma_wait3A_280] : memref<10000x128xf32, #tpu.memory_space<hbm>> -> memref<10000x128xf32, #tpu.memory_space<hbm>>
      tpu.wait_indirect_dma semaphore(%arg13 : memref<!tpu.dma_semaphore, #tpu.memory_space<semaphore_mem>>) src(%dma_wait3A_281 : memref<10000x128xf32, #tpu.memory_space<hbm>>) dst(%arg10 : memref<128x128xf32, #tpu.memory_space<vmem>>)
      %run_scoped3A_282 = arith.constant 13 : i32
      "tpu.region"() ({
        %run_scoped3A_329 = tpu.sem_alloc : memref<!tpu.dma_semaphore, #tpu.memory_space<semaphore_mem>>
        %dma_start3A_330 = arith.constant 0 : i32
        %dma_start3A_331 = tpu.memref_slice %arg8[%rem3A_60, %run_scoped3A_282, %dma_start3A_330] : memref<2x16x128xi32, #tpu.memory_space<vmem>> -> memref<1x1x128xi32, #tpu.memory_space<vmem>>
        %dma_start3A_332 = tpu.memref_squeeze %dma_start3A_331 : memref<1x1x128xi32, #tpu.memory_space<vmem>> -> memref<128xi32, #tpu.memory_space<vmem>>
        %dma_start3A_333 = arith.constant 0 : i32
        %dma_start3A_334 = arith.constant 0 : i32
        %dma_start3A_335 = tpu.memref_slice %arg11[%dma_start3A_333, %dma_start3A_334] : memref<10112x128xf32, #tpu.memory_space<vmem_shared>> -> memref<10112x128xf32, #tpu.memory_space<vmem_shared>>
        tpu.enqueue_indirect_dma source(%arg10 : memref<128x128xf32, #tpu.memory_space<vmem>>) target(%dma_start3A_335 : memref<10112x128xf32, #tpu.memory_space<vmem_shared>>) offsets(%dma_start3A_332 : memref<128xi32, #tpu.memory_space<vmem>>) semaphore(%run_scoped3A_329 : memref<!tpu.dma_semaphore, #tpu.memory_space<semaphore_mem>>) {add = true}
        %dma_wait3A_336 = arith.constant 0 : i32
        %dma_wait3A_337 = tpu.memref_slice %arg8[%rem3A_60, %run_scoped3A_282, %dma_wait3A_336] : memref<2x16x128xi32, #tpu.memory_space<vmem>> -> memref<1x1x128xi32, #tpu.memory_space<vmem>>
        %dma_wait3A_338 = tpu.memref_squeeze %dma_wait3A_337 : memref<1x1x128xi32, #tpu.memory_space<vmem>> -> memref<128xi32, #tpu.memory_space<vmem>>
        %dma_wait3A_339 = arith.constant 0 : i32
        %dma_wait3A_340 = arith.constant 0 : i32
        %dma_wait3A_341 = tpu.memref_slice %arg11[%dma_wait3A_339, %dma_wait3A_340] : memref<10112x128xf32, #tpu.memory_space<vmem_shared>> -> memref<10112x128xf32, #tpu.memory_space<vmem_shared>>
        tpu.wait_indirect_dma semaphore(%run_scoped3A_329 : memref<!tpu.dma_semaphore, #tpu.memory_space<semaphore_mem>>) src(%arg10 : memref<128x128xf32, #tpu.memory_space<vmem>>) dst(%dma_wait3A_341 : memref<10112x128xf32, #tpu.memory_space<vmem_shared>>)
        tpu.yield
      }) : () -> ()
      %dma_start3A_283 = arith.constant 15 : i32
      %dma_start3A_284 = arith.constant 0 : i32
      %dma_start3A_285 = tpu.memref_slice %arg7[%rem3A_60, %dma_start3A_283, %dma_start3A_284] : memref<2x16x128xi32, #tpu.memory_space<vmem>> -> memref<1x1x128xi32, #tpu.memory_space<vmem>>
      %dma_start3A_286 = tpu.memref_squeeze %dma_start3A_285 : memref<1x1x128xi32, #tpu.memory_space<vmem>> -> memref<128xi32, #tpu.memory_space<vmem>>
      %dma_start3A_287 = arith.constant 0 : i32
      %dma_start3A_288 = arith.constant 0 : i32
      %dma_start3A_289 = tpu.memref_slice %arg2[%dma_start3A_287, %dma_start3A_288] : memref<10000x128xf32, #tpu.memory_space<hbm>> -> memref<10000x128xf32, #tpu.memory_space<hbm>>
      tpu.enqueue_indirect_dma source(%dma_start3A_289 : memref<10000x128xf32, #tpu.memory_space<hbm>>) target(%arg10 : memref<128x128xf32, #tpu.memory_space<vmem>>) offsets(%dma_start3A_286 : memref<128xi32, #tpu.memory_space<vmem>>) semaphore(%arg13 : memref<!tpu.dma_semaphore, #tpu.memory_space<semaphore_mem>>)
      %dma_wait3A_290 = arith.constant 0 : i32
      %dma_wait3A_291 = arith.constant 0 : i32
      %dma_wait3A_292 = arith.constant 0 : i32
      %dma_wait3A_293 = tpu.memref_slice %arg7[%dma_wait3A_290, %dma_wait3A_291, %dma_wait3A_292] : memref<2x16x128xi32, #tpu.memory_space<vmem>> -> memref<1x1x128xi32, #tpu.memory_space<vmem>>
      %dma_wait3A_294 = tpu.memref_squeeze %dma_wait3A_293 : memref<1x1x128xi32, #tpu.memory_space<vmem>> -> memref<128xi32, #tpu.memory_space<vmem>>
      %dma_wait3A_295 = arith.constant 0 : i32
      %dma_wait3A_296 = arith.constant 0 : i32
      %dma_wait3A_297 = tpu.memref_slice %arg2[%dma_wait3A_295, %dma_wait3A_296] : memref<10000x128xf32, #tpu.memory_space<hbm>> -> memref<10000x128xf32, #tpu.memory_space<hbm>>
      tpu.wait_indirect_dma semaphore(%arg12 : memref<!tpu.dma_semaphore, #tpu.memory_space<semaphore_mem>>) src(%dma_wait3A_297 : memref<10000x128xf32, #tpu.memory_space<hbm>>) dst(%arg9 : memref<128x128xf32, #tpu.memory_space<vmem>>)
      %run_scoped3A_298 = arith.constant 14 : i32
      "tpu.region"() ({
        %run_scoped3A_329 = tpu.sem_alloc : memref<!tpu.dma_semaphore, #tpu.memory_space<semaphore_mem>>
        %dma_start3A_330 = arith.constant 0 : i32
        %dma_start3A_331 = tpu.memref_slice %arg8[%rem3A_60, %run_scoped3A_298, %dma_start3A_330] : memref<2x16x128xi32, #tpu.memory_space<vmem>> -> memref<1x1x128xi32, #tpu.memory_space<vmem>>
        %dma_start3A_332 = tpu.memref_squeeze %dma_start3A_331 : memref<1x1x128xi32, #tpu.memory_space<vmem>> -> memref<128xi32, #tpu.memory_space<vmem>>
        %dma_start3A_333 = arith.constant 0 : i32
        %dma_start3A_334 = arith.constant 0 : i32
        %dma_start3A_335 = tpu.memref_slice %arg11[%dma_start3A_333, %dma_start3A_334] : memref<10112x128xf32, #tpu.memory_space<vmem_shared>> -> memref<10112x128xf32, #tpu.memory_space<vmem_shared>>
        tpu.enqueue_indirect_dma source(%arg9 : memref<128x128xf32, #tpu.memory_space<vmem>>) target(%dma_start3A_335 : memref<10112x128xf32, #tpu.memory_space<vmem_shared>>) offsets(%dma_start3A_332 : memref<128xi32, #tpu.memory_space<vmem>>) semaphore(%run_scoped3A_329 : memref<!tpu.dma_semaphore, #tpu.memory_space<semaphore_mem>>) {add = true}
        %dma_wait3A_336 = arith.constant 0 : i32
        %dma_wait3A_337 = tpu.memref_slice %arg8[%rem3A_60, %run_scoped3A_298, %dma_wait3A_336] : memref<2x16x128xi32, #tpu.memory_space<vmem>> -> memref<1x1x128xi32, #tpu.memory_space<vmem>>
        %dma_wait3A_338 = tpu.memref_squeeze %dma_wait3A_337 : memref<1x1x128xi32, #tpu.memory_space<vmem>> -> memref<128xi32, #tpu.memory_space<vmem>>
        %dma_wait3A_339 = arith.constant 0 : i32
        %dma_wait3A_340 = arith.constant 0 : i32
        %dma_wait3A_341 = tpu.memref_slice %arg11[%dma_wait3A_339, %dma_wait3A_340] : memref<10112x128xf32, #tpu.memory_space<vmem_shared>> -> memref<10112x128xf32, #tpu.memory_space<vmem_shared>>
        tpu.wait_indirect_dma semaphore(%run_scoped3A_329 : memref<!tpu.dma_semaphore, #tpu.memory_space<semaphore_mem>>) src(%arg9 : memref<128x128xf32, #tpu.memory_space<vmem>>) dst(%dma_wait3A_341 : memref<10112x128xf32, #tpu.memory_space<vmem_shared>>)
        tpu.yield
      }) : () -> ()
      %add3A_299 = arith.constant 1 : i32
      %add3A_300 = arith.addi %scan3A_59, %add3A_299 : i32
      %lt3A_301 = arith.constant 5 : i32
      %lt3A_302 = arith.cmpi slt, %add3A_300, %lt3A_301 : i32
      %convert_element_type3A_303 = arith.extui %lt3A_302 : i1 to i32
      %cond3A_304 = arith.constant 0 : i32
      %cond3A_305 = arith.cmpi ne, %convert_element_type3A_303, %cond3A_304 : i32
      scf.if %cond3A_305 {
        %dma_wait3A_329 = arith.constant 0 : i32
        %dma_wait3A_330 = arith.constant 0 : i32
        %dma_wait3A_331 = arith.constant 0 : i32
        %dma_wait3A_332 = tpu.memref_slice %arg7[%dma_wait3A_329, %dma_wait3A_330, %dma_wait3A_331] : memref<2x16x128xi32, #tpu.memory_space<vmem>> -> memref<1x16x128xi32, #tpu.memory_space<vmem>>
        %dma_wait3A_333 = tpu.memref_squeeze %dma_wait3A_332 : memref<1x16x128xi32, #tpu.memory_space<vmem>> -> memref<16x128xi32, #tpu.memory_space<vmem>>
        %dma_wait3A_334 = arith.constant 0 : i32
        %dma_wait3A_335 = arith.constant 0 : i32
        %dma_wait3A_336 = tpu.memref_slice %arg3[%add3A, %dma_wait3A_334, %dma_wait3A_335] : memref<32x80x128xi32, #tpu.memory_space<hbm>> -> memref<1x16x128xi32, #tpu.memory_space<hbm>>
        %dma_wait3A_337 = tpu.memref_squeeze %dma_wait3A_336 : memref<1x16x128xi32, #tpu.memory_space<hbm>> -> memref<16x128xi32, #tpu.memory_space<hbm>>
        %dma_wait3A_338 = arith.constant 0 : i32
        %dma_wait3A_339 = arith.constant 0 : i32
        %dma_wait3A_340 = tpu.memref_slice %arg7[%dma_wait3A_329, %dma_wait3A_338, %dma_wait3A_339] : memref<2x16x128xi32, #tpu.memory_space<vmem>> -> memref<1x16x128xi32, #tpu.memory_space<vmem>>
        %dma_wait3A_341 = tpu.memref_squeeze %dma_wait3A_340 : memref<1x16x128xi32, #tpu.memory_space<vmem>> -> memref<16x128xi32, #tpu.memory_space<vmem>>
        %dma_wait3A_342 = arith.constant 0 : i32
        %dma_wait3A_343 = arith.constant 0 : i32
        %dma_wait3A_344 = tpu.memref_slice %arg3[%add3A, %dma_wait3A_342, %dma_wait3A_343] : memref<32x80x128xi32, #tpu.memory_space<hbm>> -> memref<1x16x128xi32, #tpu.memory_space<hbm>>
        %dma_wait3A_345 = tpu.memref_squeeze %dma_wait3A_344 : memref<1x16x128xi32, #tpu.memory_space<hbm>> -> memref<16x128xi32, #tpu.memory_space<hbm>>
        tpu.wait_dma2 semaphore(%arg14 : memref<!tpu.dma_semaphore, #tpu.memory_space<semaphore_mem>>) src(%dma_wait3A_345 : memref<16x128xi32, #tpu.memory_space<hbm>>) dst(%dma_wait3A_341 : memref<16x128xi32, #tpu.memory_space<vmem>>)
        %dma_wait3A_346 = arith.constant 0 : i32
        %dma_wait3A_347 = arith.constant 0 : i32
        %dma_wait3A_348 = arith.constant 0 : i32
        %dma_wait3A_349 = tpu.memref_slice %arg8[%dma_wait3A_346, %dma_wait3A_347, %dma_wait3A_348] : memref<2x16x128xi32, #tpu.memory_space<vmem>> -> memref<1x16x128xi32, #tpu.memory_space<vmem>>
        %dma_wait3A_350 = tpu.memref_squeeze %dma_wait3A_349 : memref<1x16x128xi32, #tpu.memory_space<vmem>> -> memref<16x128xi32, #tpu.memory_space<vmem>>
        %dma_wait3A_351 = arith.constant 0 : i32
        %dma_wait3A_352 = arith.constant 0 : i32
        %dma_wait3A_353 = tpu.memref_slice %arg4[%add3A, %dma_wait3A_351, %dma_wait3A_352] : memref<32x80x128xi32, #tpu.memory_space<hbm>> -> memref<1x16x128xi32, #tpu.memory_space<hbm>>
        %dma_wait3A_354 = tpu.memref_squeeze %dma_wait3A_353 : memref<1x16x128xi32, #tpu.memory_space<hbm>> -> memref<16x128xi32, #tpu.memory_space<hbm>>
        %dma_wait3A_355 = arith.constant 0 : i32
        %dma_wait3A_356 = arith.constant 0 : i32
        %dma_wait3A_357 = tpu.memref_slice %arg8[%dma_wait3A_346, %dma_wait3A_355, %dma_wait3A_356] : memref<2x16x128xi32, #tpu.memory_space<vmem>> -> memref<1x16x128xi32, #tpu.memory_space<vmem>>
        %dma_wait3A_358 = tpu.memref_squeeze %dma_wait3A_357 : memref<1x16x128xi32, #tpu.memory_space<vmem>> -> memref<16x128xi32, #tpu.memory_space<vmem>>
        %dma_wait3A_359 = arith.constant 0 : i32
        %dma_wait3A_360 = arith.constant 0 : i32
        %dma_wait3A_361 = tpu.memref_slice %arg4[%add3A, %dma_wait3A_359, %dma_wait3A_360] : memref<32x80x128xi32, #tpu.memory_space<hbm>> -> memref<1x16x128xi32, #tpu.memory_space<hbm>>
        %dma_wait3A_362 = tpu.memref_squeeze %dma_wait3A_361 : memref<1x16x128xi32, #tpu.memory_space<hbm>> -> memref<16x128xi32, #tpu.memory_space<hbm>>
        tpu.wait_dma2 semaphore(%arg14 : memref<!tpu.dma_semaphore, #tpu.memory_space<semaphore_mem>>) src(%dma_wait3A_362 : memref<16x128xi32, #tpu.memory_space<hbm>>) dst(%dma_wait3A_358 : memref<16x128xi32, #tpu.memory_space<vmem>>)
      } else {
      }
      %add3A_306 = arith.constant 1 : i32
      %add3A_307 = arith.addi %scan3A_59, %add3A_306 : i32
      %lt3A_308 = arith.constant 5 : i32
      %lt3A_309 = arith.cmpi slt, %add3A_307, %lt3A_308 : i32
      %convert_element_type3A_310 = arith.extui %lt3A_309 : i1 to i32
      %cond3A_311 = arith.constant 0 : i32
      %cond3A_312 = arith.cmpi ne, %convert_element_type3A_310, %cond3A_311 : i32
      scf.if %cond3A_312 {
        %dma_start3A_329 = arith.constant 0 : i32
        %dma_start3A_330 = arith.constant 0 : i32
        %dma_start3A_331 = tpu.memref_slice %arg7[%sub3A_61, %dma_start3A_329, %dma_start3A_330] : memref<2x16x128xi32, #tpu.memory_space<vmem>> -> memref<1x1x128xi32, #tpu.memory_space<vmem>>
        %dma_start3A_332 = tpu.memref_squeeze %dma_start3A_331 : memref<1x1x128xi32, #tpu.memory_space<vmem>> -> memref<128xi32, #tpu.memory_space<vmem>>
        %dma_start3A_333 = arith.constant 0 : i32
        %dma_start3A_334 = arith.constant 0 : i32
        %dma_start3A_335 = tpu.memref_slice %arg2[%dma_start3A_333, %dma_start3A_334] : memref<10000x128xf32, #tpu.memory_space<hbm>> -> memref<10000x128xf32, #tpu.memory_space<hbm>>
        tpu.enqueue_indirect_dma source(%dma_start3A_335 : memref<10000x128xf32, #tpu.memory_space<hbm>>) target(%arg9 : memref<128x128xf32, #tpu.memory_space<vmem>>) offsets(%dma_start3A_332 : memref<128xi32, #tpu.memory_space<vmem>>) semaphore(%arg12 : memref<!tpu.dma_semaphore, #tpu.memory_space<semaphore_mem>>)
      } else {
      }
      %dma_wait3A_313 = arith.constant 0 : i32
      %dma_wait3A_314 = arith.constant 0 : i32
      %dma_wait3A_315 = arith.constant 0 : i32
      %dma_wait3A_316 = tpu.memref_slice %arg7[%dma_wait3A_313, %dma_wait3A_314, %dma_wait3A_315] : memref<2x16x128xi32, #tpu.memory_space<vmem>> -> memref<1x1x128xi32, #tpu.memory_space<vmem>>
      %dma_wait3A_317 = tpu.memref_squeeze %dma_wait3A_316 : memref<1x1x128xi32, #tpu.memory_space<vmem>> -> memref<128xi32, #tpu.memory_space<vmem>>
      %dma_wait3A_318 = arith.constant 0 : i32
      %dma_wait3A_319 = arith.constant 0 : i32
      %dma_wait3A_320 = tpu.memref_slice %arg2[%dma_wait3A_318, %dma_wait3A_319] : memref<10000x128xf32, #tpu.memory_space<hbm>> -> memref<10000x128xf32, #tpu.memory_space<hbm>>
      tpu.wait_indirect_dma semaphore(%arg13 : memref<!tpu.dma_semaphore, #tpu.memory_space<semaphore_mem>>) src(%dma_wait3A_320 : memref<10000x128xf32, #tpu.memory_space<hbm>>) dst(%arg10 : memref<128x128xf32, #tpu.memory_space<vmem>>)
      %run_scoped3A_321 = arith.constant 15 : i32
      "tpu.region"() ({
        %run_scoped3A_329 = tpu.sem_alloc : memref<!tpu.dma_semaphore, #tpu.memory_space<semaphore_mem>>
        %dma_start3A_330 = arith.constant 0 : i32
        %dma_start3A_331 = tpu.memref_slice %arg8[%rem3A_60, %run_scoped3A_321, %dma_start3A_330] : memref<2x16x128xi32, #tpu.memory_space<vmem>> -> memref<1x1x128xi32, #tpu.memory_space<vmem>>
        %dma_start3A_332 = tpu.memref_squeeze %dma_start3A_331 : memref<1x1x128xi32, #tpu.memory_space<vmem>> -> memref<128xi32, #tpu.memory_space<vmem>>
        %dma_start3A_333 = arith.constant 0 : i32
        %dma_start3A_334 = arith.constant 0 : i32
        %dma_start3A_335 = tpu.memref_slice %arg11[%dma_start3A_333, %dma_start3A_334] : memref<10112x128xf32, #tpu.memory_space<vmem_shared>> -> memref<10112x128xf32, #tpu.memory_space<vmem_shared>>
        tpu.enqueue_indirect_dma source(%arg10 : memref<128x128xf32, #tpu.memory_space<vmem>>) target(%dma_start3A_335 : memref<10112x128xf32, #tpu.memory_space<vmem_shared>>) offsets(%dma_start3A_332 : memref<128xi32, #tpu.memory_space<vmem>>) semaphore(%run_scoped3A_329 : memref<!tpu.dma_semaphore, #tpu.memory_space<semaphore_mem>>) {add = true}
        %dma_wait3A_336 = arith.constant 0 : i32
        %dma_wait3A_337 = tpu.memref_slice %arg8[%rem3A_60, %run_scoped3A_321, %dma_wait3A_336] : memref<2x16x128xi32, #tpu.memory_space<vmem>> -> memref<1x1x128xi32, #tpu.memory_space<vmem>>
        %dma_wait3A_338 = tpu.memref_squeeze %dma_wait3A_337 : memref<1x1x128xi32, #tpu.memory_space<vmem>> -> memref<128xi32, #tpu.memory_space<vmem>>
        %dma_wait3A_339 = arith.constant 0 : i32
        %dma_wait3A_340 = arith.constant 0 : i32
        %dma_wait3A_341 = tpu.memref_slice %arg11[%dma_wait3A_339, %dma_wait3A_340] : memref<10112x128xf32, #tpu.memory_space<vmem_shared>> -> memref<10112x128xf32, #tpu.memory_space<vmem_shared>>
        tpu.wait_indirect_dma semaphore(%run_scoped3A_329 : memref<!tpu.dma_semaphore, #tpu.memory_space<semaphore_mem>>) src(%arg10 : memref<128x128xf32, #tpu.memory_space<vmem>>) dst(%dma_wait3A_341 : memref<10112x128xf32, #tpu.memory_space<vmem_shared>>)
        tpu.yield
      }) : () -> ()
      %add3A_322 = arith.constant 1 : i32
      %add3A_323 = arith.addi %scan3A_59, %add3A_322 : i32
      %lt3A_324 = arith.constant 5 : i32
      %lt3A_325 = arith.cmpi slt, %add3A_323, %lt3A_324 : i32
      %convert_element_type3A_326 = arith.extui %lt3A_325 : i1 to i32
      %cond3A_327 = arith.constant 0 : i32
      %cond3A_328 = arith.cmpi ne, %convert_element_type3A_326, %cond3A_327 : i32
      scf.if %cond3A_328 {
        %dma_start3A_329 = arith.constant 1 : i32
        %dma_start3A_330 = arith.constant 0 : i32
        %dma_start3A_331 = tpu.memref_slice %arg7[%sub3A_61, %dma_start3A_329, %dma_start3A_330] : memref<2x16x128xi32, #tpu.memory_space<vmem>> -> memref<1x1x128xi32, #tpu.memory_space<vmem>>
        %dma_start3A_332 = tpu.memref_squeeze %dma_start3A_331 : memref<1x1x128xi32, #tpu.memory_space<vmem>> -> memref<128xi32, #tpu.memory_space<vmem>>
        %dma_start3A_333 = arith.constant 0 : i32
        %dma_start3A_334 = arith.constant 0 : i32
        %dma_start3A_335 = tpu.memref_slice %arg2[%dma_start3A_333, %dma_start3A_334] : memref<10000x128xf32, #tpu.memory_space<hbm>> -> memref<10000x128xf32, #tpu.memory_space<hbm>>
        tpu.enqueue_indirect_dma source(%dma_start3A_335 : memref<10000x128xf32, #tpu.memory_space<hbm>>) target(%arg10 : memref<128x128xf32, #tpu.memory_space<vmem>>) offsets(%dma_start3A_332 : memref<128xi32, #tpu.memory_space<vmem>>) semaphore(%arg13 : memref<!tpu.dma_semaphore, #tpu.memory_space<semaphore_mem>>)
      } else {
      }
    }
    %scan3A_57 = arith.constant 5 : i32
    %barrier3A_58 = arith.constant 0 : index
    tpu.barrier barrier_id(%barrier3A_58)
    "tpu.region"() ({
      %run_scoped3A_59 = tpu.sem_alloc : memref<!tpu.dma_semaphore, #tpu.memory_space<semaphore_mem>>
      %dma_start3A_60 = arith.constant 0 : i32
      %dma_start3A_61 = tpu.memref_slice %arg6[%arg0, %mul3A_0, %dma_start3A_60] : memref<2x10112x128xf32, #tpu.memory_space<hbm>> -> memref<1x632x128xf32, #tpu.memory_space<hbm>>
      %dma_start3A_62 = tpu.memref_squeeze %dma_start3A_61 : memref<1x632x128xf32, #tpu.memory_space<hbm>> -> memref<632x128xf32, #tpu.memory_space<hbm>>
      %dma_start3A_63 = arith.constant 0 : i32
      %dma_start3A_64 = tpu.memref_slice %arg11[%mul3A_0, %dma_start3A_63] : memref<10112x128xf32, #tpu.memory_space<vmem_shared>> -> memref<632x128xf32, #tpu.memory_space<vmem_shared>>
      tpu.enqueue_dma source(%dma_start3A_64 : memref<632x128xf32, #tpu.memory_space<vmem_shared>>) target(%dma_start3A_62 : memref<632x128xf32, #tpu.memory_space<hbm>>) target_semaphore(%run_scoped3A_59 : memref<!tpu.dma_semaphore, #tpu.memory_space<semaphore_mem>>)
      %dma_wait3A = arith.constant 0 : i32
      %dma_wait3A_65 = tpu.memref_slice %arg6[%arg0, %mul3A_0, %dma_wait3A] : memref<2x10112x128xf32, #tpu.memory_space<hbm>> -> memref<1x632x128xf32, #tpu.memory_space<hbm>>
      %dma_wait3A_66 = tpu.memref_squeeze %dma_wait3A_65 : memref<1x632x128xf32, #tpu.memory_space<hbm>> -> memref<632x128xf32, #tpu.memory_space<hbm>>
      %dma_wait3A_67 = arith.constant 0 : i32
      %dma_wait3A_68 = tpu.memref_slice %arg11[%mul3A_0, %dma_wait3A_67] : memref<10112x128xf32, #tpu.memory_space<vmem_shared>> -> memref<632x128xf32, #tpu.memory_space<vmem_shared>>
      tpu.wait_dma2 semaphore(%run_scoped3A_59 : memref<!tpu.dma_semaphore, #tpu.memory_space<semaphore_mem>>) src(%dma_wait3A_68 : memref<632x128xf32, #tpu.memory_space<vmem_shared>>) dst(%dma_wait3A_66 : memref<632x128xf32, #tpu.memory_space<hbm>>)
      tpu.yield
    }) : () -> ()
    return
  }
}

#map = affine_map<(d0, d1) -> (0, 0)>
#map1 = affine_map<(d0, d1) -> (0, 0, 0)>
module attributes {stable_mosaic.version = 14 : i64} {
  func.func @agg_kernel(%arg0: i32, %arg1: i32, %arg2: memref<10000x128xf32, #tpu.memory_space<hbm>>, %arg3: memref<32x80x128xi32, #tpu.memory_space<hbm>>, %arg4: memref<32x80x128xi32, #tpu.memory_space<hbm>>, %arg5: memref<10112x128xf32, #tpu.memory_space<hbm>>, %arg6: memref<2x10112x128xf32, #tpu.memory_space<hbm>>, %arg7: memref<2x16x128xi32, #tpu.memory_space<vmem>>, %arg8: memref<2x16x128xi32, #tpu.memory_space<vmem>>, %arg9: memref<128x128xf32, #tpu.memory_space<vmem>>, %arg10: memref<128x128xf32, #tpu.memory_space<vmem>>, %arg11: memref<10112x128xf32, #tpu.memory_space<vmem_shared>>, %arg12: memref<!tpu.dma_semaphore, #tpu.memory_space<semaphore_mem>>, %arg13: memref<!tpu.dma_semaphore, #tpu.memory_space<semaphore_mem>>, %arg14: memref<!tpu.dma_semaphore, #tpu.memory_space<semaphore_mem>>) attributes {dimension_semantics = [#tpu.dimension_semantics<core_parallel>, #tpu.dimension_semantics<subcore_parallel>], iteration_bounds = array<i64: 2, 16>, scalar_prefetch = 0 : i64, scratch_operands = 8 : i64, tpu.core_type = #tpu.core_type<sc_vector_subcore>, window_params = [{transform_indices = #map}, {transform_indices = #map1}, {transform_indices = #map1}, {transform_indices = #map}, {transform_indices = #map1}]} {
    %mul3A = arith.constant 632 : i32
    %mul3A_0 = arith.muli %arg1, %mul3A : i32
    "tpu.region"() ({
      %run_scoped3A_59 = tpu.sem_alloc : memref<!tpu.dma_semaphore, #tpu.memory_space<semaphore_mem>>
      %dma_start3A_60 = arith.constant 0 : i32
      %dma_start3A_61 = tpu.memref_slice %arg11[%mul3A_0, %dma_start3A_60] : memref<10112x128xf32, #tpu.memory_space<vmem_shared>> -> memref<632x128xf32, #tpu.memory_space<vmem_shared>>
      %dma_start3A_62 = arith.constant 0 : i32
      %dma_start3A_63 = tpu.memref_slice %arg5[%mul3A_0, %dma_start3A_62] : memref<10112x128xf32, #tpu.memory_space<hbm>> -> memref<632x128xf32, #tpu.memory_space<hbm>>
      tpu.enqueue_dma source(%dma_start3A_63 : memref<632x128xf32, #tpu.memory_space<hbm>>) target(%dma_start3A_61 : memref<632x128xf32, #tpu.memory_space<vmem_shared>>) target_semaphore(%run_scoped3A_59 : memref<!tpu.dma_semaphore, #tpu.memory_space<semaphore_mem>>)
      %dma_wait3A = arith.constant 0 : i32
      %dma_wait3A_64 = tpu.memref_slice %arg11[%mul3A_0, %dma_wait3A] : memref<10112x128xf32, #tpu.memory_space<vmem_shared>> -> memref<632x128xf32, #tpu.memory_space<vmem_shared>>
      %dma_wait3A_65 = arith.constant 0 : i32
      %dma_wait3A_66 = tpu.memref_slice %arg5[%mul3A_0, %dma_wait3A_65] : memref<10112x128xf32, #tpu.memory_space<hbm>> -> memref<632x128xf32, #tpu.memory_space<hbm>>
      tpu.wait_dma2 semaphore(%run_scoped3A_59 : memref<!tpu.dma_semaphore, #tpu.memory_space<semaphore_mem>>) src(%dma_wait3A_66 : memref<632x128xf32, #tpu.memory_space<hbm>>) dst(%dma_wait3A_64 : memref<632x128xf32, #tpu.memory_space<vmem_shared>>)
      tpu.yield
    }) : () -> ()
    %barrier3A = arith.constant 0 : index
    tpu.barrier barrier_id(%barrier3A)
    %mul3A_1 = arith.constant 2 : i32
    %mul3A_2 = arith.muli %arg1, %mul3A_1 : i32
    %add3A = arith.addi %mul3A_2, %arg0 : i32
    %run_scoped3A = arith.constant 0 : i32
    "tpu.region"() ({
      %run_scoped3A_59 = tpu.sem_alloc : memref<!tpu.dma_semaphore, #tpu.memory_space<semaphore_mem>>
      %dma_start3A_60 = arith.constant 0 : i32
      %dma_start3A_61 = arith.constant 0 : i32
      %dma_start3A_62 = tpu.memref_slice %arg7[%run_scoped3A, %dma_start3A_60, %dma_start3A_61] : memref<2x16x128xi32, #tpu.memory_space<vmem>> -> memref<1x16x128xi32, #tpu.memory_space<vmem>>
      %dma_start3A_63 = tpu.memref_squeeze %dma_start3A_62 : memref<1x16x128xi32, #tpu.memory_space<vmem>> -> memref<16x128xi32, #tpu.memory_space<vmem>>
      %dma_start3A_64 = arith.constant 0 : i32
      %dma_start3A_65 = arith.constant 0 : i32
      %dma_start3A_66 = tpu.memref_slice %arg3[%add3A, %dma_start3A_64, %dma_start3A_65] : memref<32x80x128xi32, #tpu.memory_space<hbm>> -> memref<1x16x128xi32, #tpu.memory_space<hbm>>
      %dma_start3A_67 = tpu.memref_squeeze %dma_start3A_66 : memref<1x16x128xi32, #tpu.memory_space<hbm>> -> memref<16x128xi32, #tpu.memory_space<hbm>>
      %dma_start3A_68 = arith.constant 0 : i32
      %dma_start3A_69 = arith.constant 0 : i32
      %dma_start3A_70 = tpu.memref_slice %arg7[%run_scoped3A, %dma_start3A_68, %dma_start3A_69] : memref<2x16x128xi32, #tpu.memory_space<vmem>> -> memref<1x16x128xi32, #tpu.memory_space<vmem>>
      %dma_start3A_71 = tpu.memref_squeeze %dma_start3A_70 : memref<1x16x128xi32, #tpu.memory_space<vmem>> -> memref<16x128xi32, #tpu.memory_space<vmem>>
      %dma_start3A_72 = arith.constant 0 : i32
      %dma_start3A_73 = arith.constant 0 : i32
      %dma_start3A_74 = tpu.memref_slice %arg3[%add3A, %dma_start3A_72, %dma_start3A_73] : memref<32x80x128xi32, #tpu.memory_space<hbm>> -> memref<1x16x128xi32, #tpu.memory_space<hbm>>
      %dma_start3A_75 = tpu.memref_squeeze %dma_start3A_74 : memref<1x16x128xi32, #tpu.memory_space<hbm>> -> memref<16x128xi32, #tpu.memory_space<hbm>>
      tpu.enqueue_dma source(%dma_start3A_75 : memref<16x128xi32, #tpu.memory_space<hbm>>) target(%dma_start3A_71 : memref<16x128xi32, #tpu.memory_space<vmem>>) target_semaphore(%run_scoped3A_59 : memref<!tpu.dma_semaphore, #tpu.memory_space<semaphore_mem>>)
      %dma_wait3A = arith.constant 0 : i32
      %dma_wait3A_76 = arith.constant 0 : i32
      %dma_wait3A_77 = tpu.memref_slice %arg7[%run_scoped3A, %dma_wait3A, %dma_wait3A_76] : memref<2x16x128xi32, #tpu.memory_space<vmem>> -> memref<1x16x128xi32, #tpu.memory_space<vmem>>
      %dma_wait3A_78 = tpu.memref_squeeze %dma_wait3A_77 : memref<1x16x128xi32, #tpu.memory_space<vmem>> -> memref<16x128xi32, #tpu.memory_space<vmem>>
      %dma_wait3A_79 = arith.constant 0 : i32
      %dma_wait3A_80 = arith.constant 0 : i32
      %dma_wait3A_81 = tpu.memref_slice %arg3[%add3A, %dma_wait3A_79, %dma_wait3A_80] : memref<32x80x128xi32, #tpu.memory_space<hbm>> -> memref<1x16x128xi32, #tpu.memory_space<hbm>>
      %dma_wait3A_82 = tpu.memref_squeeze %dma_wait3A_81 : memref<1x16x128xi32, #tpu.memory_space<hbm>> -> memref<16x128xi32, #tpu.memory_space<hbm>>
      %dma_wait3A_83 = arith.constant 0 : i32
      %dma_wait3A_84 = arith.constant 0 : i32
      %dma_wait3A_85 = tpu.memref_slice %arg7[%run_scoped3A, %dma_wait3A_83, %dma_wait3A_84] : memref<2x16x128xi32, #tpu.memory_space<vmem>> -> memref<1x16x128xi32, #tpu.memory_space<vmem>>
      %dma_wait3A_86 = tpu.memref_squeeze %dma_wait3A_85 : memref<1x16x128xi32, #tpu.memory_space<vmem>> -> memref<16x128xi32, #tpu.memory_space<vmem>>
      %dma_wait3A_87 = arith.constant 0 : i32
      %dma_wait3A_88 = arith.constant 0 : i32
      %dma_wait3A_89 = tpu.memref_slice %arg3[%add3A, %dma_wait3A_87, %dma_wait3A_88] : memref<32x80x128xi32, #tpu.memory_space<hbm>> -> memref<1x16x128xi32, #tpu.memory_space<hbm>>
      %dma_wait3A_90 = tpu.memref_squeeze %dma_wait3A_89 : memref<1x16x128xi32, #tpu.memory_space<hbm>> -> memref<16x128xi32, #tpu.memory_space<hbm>>
      tpu.wait_dma2 semaphore(%run_scoped3A_59 : memref<!tpu.dma_semaphore, #tpu.memory_space<semaphore_mem>>) src(%dma_wait3A_90 : memref<16x128xi32, #tpu.memory_space<hbm>>) dst(%dma_wait3A_86 : memref<16x128xi32, #tpu.memory_space<vmem>>)
      tpu.yield
    }) : () -> ()
    %run_scoped3A_3 = arith.constant 0 : i32
    "tpu.region"() ({
      %run_scoped3A_59 = tpu.sem_alloc : memref<!tpu.dma_semaphore, #tpu.memory_space<semaphore_mem>>
      %dma_start3A_60 = arith.constant 0 : i32
      %dma_start3A_61 = arith.constant 0 : i32
      %dma_start3A_62 = tpu.memref_slice %arg8[%run_scoped3A_3, %dma_start3A_60, %dma_start3A_61] : memref<2x16x128xi32, #tpu.memory_space<vmem>> -> memref<1x16x128xi32, #tpu.memory_space<vmem>>
      %dma_start3A_63 = tpu.memref_squeeze %dma_start3A_62 : memref<1x16x128xi32, #tpu.memory_space<vmem>> -> memref<16x128xi32, #tpu.memory_space<vmem>>
      %dma_start3A_64 = arith.constant 0 : i32
      %dma_start3A_65 = arith.constant 0 : i32
      %dma_start3A_66 = tpu.memref_slice %arg4[%add3A, %dma_start3A_64, %dma_start3A_65] : memref<32x80x128xi32, #tpu.memory_space<hbm>> -> memref<1x16x128xi32, #tpu.memory_space<hbm>>
      %dma_start3A_67 = tpu.memref_squeeze %dma_start3A_66 : memref<1x16x128xi32, #tpu.memory_space<hbm>> -> memref<16x128xi32, #tpu.memory_space<hbm>>
      %dma_start3A_68 = arith.constant 0 : i32
      %dma_start3A_69 = arith.constant 0 : i32
      %dma_start3A_70 = tpu.memref_slice %arg8[%run_scoped3A_3, %dma_start3A_68, %dma_start3A_69] : memref<2x16x128xi32, #tpu.memory_space<vmem>> -> memref<1x16x128xi32, #tpu.memory_space<vmem>>
      %dma_start3A_71 = tpu.memref_squeeze %dma_start3A_70 : memref<1x16x128xi32, #tpu.memory_space<vmem>> -> memref<16x128xi32, #tpu.memory_space<vmem>>
      %dma_start3A_72 = arith.constant 0 : i32
      %dma_start3A_73 = arith.constant 0 : i32
      %dma_start3A_74 = tpu.memref_slice %arg4[%add3A, %dma_start3A_72, %dma_start3A_73] : memref<32x80x128xi32, #tpu.memory_space<hbm>> -> memref<1x16x128xi32, #tpu.memory_space<hbm>>
      %dma_start3A_75 = tpu.memref_squeeze %dma_start3A_74 : memref<1x16x128xi32, #tpu.memory_space<hbm>> -> memref<16x128xi32, #tpu.memory_space<hbm>>
      tpu.enqueue_dma source(%dma_start3A_75 : memref<16x128xi32, #tpu.memory_space<hbm>>) target(%dma_start3A_71 : memref<16x128xi32, #tpu.memory_space<vmem>>) target_semaphore(%run_scoped3A_59 : memref<!tpu.dma_semaphore, #tpu.memory_space<semaphore_mem>>)
      %dma_wait3A = arith.constant 0 : i32
      %dma_wait3A_76 = arith.constant 0 : i32
      %dma_wait3A_77 = tpu.memref_slice %arg8[%run_scoped3A_3, %dma_wait3A, %dma_wait3A_76] : memref<2x16x128xi32, #tpu.memory_space<vmem>> -> memref<1x16x128xi32, #tpu.memory_space<vmem>>
      %dma_wait3A_78 = tpu.memref_squeeze %dma_wait3A_77 : memref<1x16x128xi32, #tpu.memory_space<vmem>> -> memref<16x128xi32, #tpu.memory_space<vmem>>
      %dma_wait3A_79 = arith.constant 0 : i32
      %dma_wait3A_80 = arith.constant 0 : i32
      %dma_wait3A_81 = tpu.memref_slice %arg4[%add3A, %dma_wait3A_79, %dma_wait3A_80] : memref<32x80x128xi32, #tpu.memory_space<hbm>> -> memref<1x16x128xi32, #tpu.memory_space<hbm>>
      %dma_wait3A_82 = tpu.memref_squeeze %dma_wait3A_81 : memref<1x16x128xi32, #tpu.memory_space<hbm>> -> memref<16x128xi32, #tpu.memory_space<hbm>>
      %dma_wait3A_83 = arith.constant 0 : i32
      %dma_wait3A_84 = arith.constant 0 : i32
      %dma_wait3A_85 = tpu.memref_slice %arg8[%run_scoped3A_3, %dma_wait3A_83, %dma_wait3A_84] : memref<2x16x128xi32, #tpu.memory_space<vmem>> -> memref<1x16x128xi32, #tpu.memory_space<vmem>>
      %dma_wait3A_86 = tpu.memref_squeeze %dma_wait3A_85 : memref<1x16x128xi32, #tpu.memory_space<vmem>> -> memref<16x128xi32, #tpu.memory_space<vmem>>
      %dma_wait3A_87 = arith.constant 0 : i32
      %dma_wait3A_88 = arith.constant 0 : i32
      %dma_wait3A_89 = tpu.memref_slice %arg4[%add3A, %dma_wait3A_87, %dma_wait3A_88] : memref<32x80x128xi32, #tpu.memory_space<hbm>> -> memref<1x16x128xi32, #tpu.memory_space<hbm>>
      %dma_wait3A_90 = tpu.memref_squeeze %dma_wait3A_89 : memref<1x16x128xi32, #tpu.memory_space<hbm>> -> memref<16x128xi32, #tpu.memory_space<hbm>>
      tpu.wait_dma2 semaphore(%run_scoped3A_59 : memref<!tpu.dma_semaphore, #tpu.memory_space<semaphore_mem>>) src(%dma_wait3A_90 : memref<16x128xi32, #tpu.memory_space<hbm>>) dst(%dma_wait3A_86 : memref<16x128xi32, #tpu.memory_space<vmem>>)
      tpu.yield
    }) : () -> ()
    %dma_start3A = arith.constant 1 : i32
    %dma_start3A_4 = arith.constant 0 : i32
    %dma_start3A_5 = arith.constant 0 : i32
    %dma_start3A_6 = tpu.memref_slice %arg7[%dma_start3A, %dma_start3A_4, %dma_start3A_5] : memref<2x16x128xi32, #tpu.memory_space<vmem>> -> memref<1x16x128xi32, #tpu.memory_space<vmem>>
    %dma_start3A_7 = tpu.memref_squeeze %dma_start3A_6 : memref<1x16x128xi32, #tpu.memory_space<vmem>> -> memref<16x128xi32, #tpu.memory_space<vmem>>
    %dma_start3A_8 = arith.constant 16 : i32
    %dma_start3A_9 = arith.constant 0 : i32
    %dma_start3A_10 = tpu.memref_slice %arg3[%add3A, %dma_start3A_8, %dma_start3A_9] : memref<32x80x128xi32, #tpu.memory_space<hbm>> -> memref<1x16x128xi32, #tpu.memory_space<hbm>>
    %dma_start3A_11 = tpu.memref_squeeze %dma_start3A_10 : memref<1x16x128xi32, #tpu.memory_space<hbm>> -> memref<16x128xi32, #tpu.memory_space<hbm>>
    %dma_start3A_12 = arith.constant 0 : i32
    %dma_start3A_13 = arith.constant 0 : i32
    %dma_start3A_14 = tpu.memref_slice %arg7[%dma_start3A, %dma_start3A_12, %dma_start3A_13] : memref<2x16x128xi32, #tpu.memory_space<vmem>> -> memref<1x16x128xi32, #tpu.memory_space<vmem>>
    %dma_start3A_15 = tpu.memref_squeeze %dma_start3A_14 : memref<1x16x128xi32, #tpu.memory_space<vmem>> -> memref<16x128xi32, #tpu.memory_space<vmem>>
    %dma_start3A_16 = arith.constant 16 : i32
    %dma_start3A_17 = arith.constant 0 : i32
    %dma_start3A_18 = tpu.memref_slice %arg3[%add3A, %dma_start3A_16, %dma_start3A_17] : memref<32x80x128xi32, #tpu.memory_space<hbm>> -> memref<1x16x128xi32, #tpu.memory_space<hbm>>
    %dma_start3A_19 = tpu.memref_squeeze %dma_start3A_18 : memref<1x16x128xi32, #tpu.memory_space<hbm>> -> memref<16x128xi32, #tpu.memory_space<hbm>>
    tpu.enqueue_dma source(%dma_start3A_19 : memref<16x128xi32, #tpu.memory_space<hbm>>) target(%dma_start3A_15 : memref<16x128xi32, #tpu.memory_space<vmem>>) target_semaphore(%arg14 : memref<!tpu.dma_semaphore, #tpu.memory_space<semaphore_mem>>)
    %dma_start3A_20 = arith.constant 1 : i32
    %dma_start3A_21 = arith.constant 0 : i32
    %dma_start3A_22 = arith.constant 0 : i32
    %dma_start3A_23 = tpu.memref_slice %arg8[%dma_start3A_20, %dma_start3A_21, %dma_start3A_22] : memref<2x16x128xi32, #tpu.memory_space<vmem>> -> memref<1x16x128xi32, #tpu.memory_space<vmem>>
    %dma_start3A_24 = tpu.memref_squeeze %dma_start3A_23 : memref<1x16x128xi32, #tpu.memory_space<vmem>> -> memref<16x128xi32, #tpu.memory_space<vmem>>
    %dma_start3A_25 = arith.constant 16 : i32
    %dma_start3A_26 = arith.constant 0 : i32
    %dma_start3A_27 = tpu.memref_slice %arg4[%add3A, %dma_start3A_25, %dma_start3A_26] : memref<32x80x128xi32, #tpu.memory_space<hbm>> -> memref<1x16x128xi32, #tpu.memory_space<hbm>>
    %dma_start3A_28 = tpu.memref_squeeze %dma_start3A_27 : memref<1x16x128xi32, #tpu.memory_space<hbm>> -> memref<16x128xi32, #tpu.memory_space<hbm>>
    %dma_start3A_29 = arith.constant 0 : i32
    %dma_start3A_30 = arith.constant 0 : i32
    %dma_start3A_31 = tpu.memref_slice %arg8[%dma_start3A_20, %dma_start3A_29, %dma_start3A_30] : memref<2x16x128xi32, #tpu.memory_space<vmem>> -> memref<1x16x128xi32, #tpu.memory_space<vmem>>
    %dma_start3A_32 = tpu.memref_squeeze %dma_start3A_31 : memref<1x16x128xi32, #tpu.memory_space<vmem>> -> memref<16x128xi32, #tpu.memory_space<vmem>>
    %dma_start3A_33 = arith.constant 16 : i32
    %dma_start3A_34 = arith.constant 0 : i32
    %dma_start3A_35 = tpu.memref_slice %arg4[%add3A, %dma_start3A_33, %dma_start3A_34] : memref<32x80x128xi32, #tpu.memory_space<hbm>> -> memref<1x16x128xi32, #tpu.memory_space<hbm>>
    %dma_start3A_36 = tpu.memref_squeeze %dma_start3A_35 : memref<1x16x128xi32, #tpu.memory_space<hbm>> -> memref<16x128xi32, #tpu.memory_space<hbm>>
    tpu.enqueue_dma source(%dma_start3A_36 : memref<16x128xi32, #tpu.memory_space<hbm>>) target(%dma_start3A_32 : memref<16x128xi32, #tpu.memory_space<vmem>>) target_semaphore(%arg14 : memref<!tpu.dma_semaphore, #tpu.memory_space<semaphore_mem>>)
    %dma_start3A_37 = arith.constant 0 : i32
    %dma_start3A_38 = arith.constant 0 : i32
    %dma_start3A_39 = arith.constant 0 : i32
    %dma_start3A_40 = tpu.memref_slice %arg7[%dma_start3A_37, %dma_start3A_38, %dma_start3A_39] : memref<2x16x128xi32, #tpu.memory_space<vmem>> -> memref<1x1x128xi32, #tpu.memory_space<vmem>>
    %dma_start3A_41 = tpu.memref_squeeze %dma_start3A_40 : memref<1x1x128xi32, #tpu.memory_space<vmem>> -> memref<128xi32, #tpu.memory_space<vmem>>
    %dma_start3A_42 = arith.constant 0 : i32
    %dma_start3A_43 = arith.constant 0 : i32
    %dma_start3A_44 = tpu.memref_slice %arg2[%dma_start3A_42, %dma_start3A_43] : memref<10000x128xf32, #tpu.memory_space<hbm>> -> memref<10000x128xf32, #tpu.memory_space<hbm>>
    tpu.enqueue_indirect_dma source(%dma_start3A_44 : memref<10000x128xf32, #tpu.memory_space<hbm>>) target(%arg9 : memref<128x128xf32, #tpu.memory_space<vmem>>) offsets(%dma_start3A_41 : memref<128xi32, #tpu.memory_space<vmem>>) semaphore(%arg12 : memref<!tpu.dma_semaphore, #tpu.memory_space<semaphore_mem>>)
    %dma_start3A_45 = arith.constant 0 : i32
    %dma_start3A_46 = arith.constant 1 : i32
    %dma_start3A_47 = arith.constant 0 : i32
    %dma_start3A_48 = tpu.memref_slice %arg7[%dma_start3A_45, %dma_start3A_46, %dma_start3A_47] : memref<2x16x128xi32, #tpu.memory_space<vmem>> -> memref<1x1x128xi32, #tpu.memory_space<vmem>>
    %dma_start3A_49 = tpu.memref_squeeze %dma_start3A_48 : memref<1x1x128xi32, #tpu.memory_space<vmem>> -> memref<128xi32, #tpu.memory_space<vmem>>
    %dma_start3A_50 = arith.constant 0 : i32
    %dma_start3A_51 = arith.constant 0 : i32
    %dma_start3A_52 = tpu.memref_slice %arg2[%dma_start3A_50, %dma_start3A_51] : memref<10000x128xf32, #tpu.memory_space<hbm>> -> memref<10000x128xf32, #tpu.memory_space<hbm>>
    tpu.enqueue_indirect_dma source(%dma_start3A_52 : memref<10000x128xf32, #tpu.memory_space<hbm>>) target(%arg10 : memref<128x128xf32, #tpu.memory_space<vmem>>) offsets(%dma_start3A_49 : memref<128xi32, #tpu.memory_space<vmem>>) semaphore(%arg13 : memref<!tpu.dma_semaphore, #tpu.memory_space<semaphore_mem>>)
    %scan3A = arith.constant 0 : i32
    %scan3A_53 = arith.constant 0 : i32
    %scan3A_54 = arith.constant 5 : i32
    %scan3A_55 = arith.addi %scan3A_53, %scan3A_54 : i32
    %scan3A_56 = arith.constant 1 : i32
    scf.for %scan3A_59 = %scan3A_53 to %scan3A_55 step %scan3A_56  : i32 {
      %rem3A = arith.constant 2 : i32
      %rem3A_60 = arith.remsi %scan3A_59, %rem3A : i32
      %sub3A = arith.constant 1 : i32
      %sub3A_61 = arith.subi %sub3A, %rem3A_60 : i32
      %gt3A = arith.constant 0 : i32
      %gt3A_62 = arith.cmpi sgt, %scan3A_59, %gt3A : i32
      %add3A_63 = arith.constant 1 : i32
      %add3A_64 = arith.addi %scan3A_59, %add3A_63 : i32
      %lt3A = arith.constant 5 : i32
      %lt3A_65 = arith.cmpi slt, %add3A_64, %lt3A : i32
      %and3A = arith.andi %gt3A_62, %lt3A_65 : i1
      %convert_element_type3A = arith.extui %and3A : i1 to i32
      %cond3A = arith.constant 0 : i32
      %cond3A_66 = arith.cmpi ne, %convert_element_type3A, %cond3A : i32
      scf.if %cond3A_66 {
        %add3A_329 = arith.constant 1 : i32
        %add3A_330 = arith.addi %scan3A_59, %add3A_329 : i32
        %mul3A_331 = arith.constant 16 : i32
        %mul3A_332 = arith.muli %add3A_330, %mul3A_331 : i32
        %dma_start3A_333 = arith.constant 0 : i32
        %dma_start3A_334 = arith.constant 0 : i32
        %dma_start3A_335 = tpu.memref_slice %arg7[%sub3A_61, %dma_start3A_333, %dma_start3A_334] : memref<2x16x128xi32, #tpu.memory_space<vmem>> -> memref<1x16x128xi32, #tpu.memory_space<vmem>>
        %dma_start3A_336 = tpu.memref_squeeze %dma_start3A_335 : memref<1x16x128xi32, #tpu.memory_space<vmem>> -> memref<16x128xi32, #tpu.memory_space<vmem>>
        %dma_start3A_337 = arith.constant 0 : i32
        %dma_start3A_338 = tpu.memref_slice %arg3[%add3A, %mul3A_332, %dma_start3A_337] : memref<32x80x128xi32, #tpu.memory_space<hbm>> -> memref<1x16x128xi32, #tpu.memory_space<hbm>>
        %dma_start3A_339 = tpu.memref_squeeze %dma_start3A_338 : memref<1x16x128xi32, #tpu.memory_space<hbm>> -> memref<16x128xi32, #tpu.memory_space<hbm>>
        %dma_start3A_340 = arith.constant 0 : i32
        %dma_start3A_341 = arith.constant 0 : i32
        %dma_start3A_342 = tpu.memref_slice %arg7[%sub3A_61, %dma_start3A_340, %dma_start3A_341] : memref<2x16x128xi32, #tpu.memory_space<vmem>> -> memref<1x16x128xi32, #tpu.memory_space<vmem>>
        %dma_start3A_343 = tpu.memref_squeeze %dma_start3A_342 : memref<1x16x128xi32, #tpu.memory_space<vmem>> -> memref<16x128xi32, #tpu.memory_space<vmem>>
        %dma_start3A_344 = arith.constant 0 : i32
        %dma_start3A_345 = tpu.memref_slice %arg3[%add3A, %mul3A_332, %dma_start3A_344] : memref<32x80x128xi32, #tpu.memory_space<hbm>> -> memref<1x16x128xi32, #tpu.memory_space<hbm>>
        %dma_start3A_346 = tpu.memref_squeeze %dma_start3A_345 : memref<1x16x128xi32, #tpu.memory_space<hbm>> -> memref<16x128xi32, #tpu.memory_space<hbm>>
        tpu.enqueue_dma source(%dma_start3A_346 : memref<16x128xi32, #tpu.memory_space<hbm>>) target(%dma_start3A_343 : memref<16x128xi32, #tpu.memory_space<vmem>>) target_semaphore(%arg14 : memref<!tpu.dma_semaphore, #tpu.memory_space<semaphore_mem>>)
        %dma_start3A_347 = arith.constant 0 : i32
        %dma_start3A_348 = arith.constant 0 : i32
        %dma_start3A_349 = tpu.memref_slice %arg8[%sub3A_61, %dma_start3A_347, %dma_start3A_348] : memref<2x16x128xi32, #tpu.memory_space<vmem>> -> memref<1x16x128xi32, #tpu.memory_space<vmem>>
        %dma_start3A_350 = tpu.memref_squeeze %dma_start3A_349 : memref<1x16x128xi32, #tpu.memory_space<vmem>> -> memref<16x128xi32, #tpu.memory_space<vmem>>
        %dma_start3A_351 = arith.constant 0 : i32
        %dma_start3A_352 = tpu.memref_slice %arg4[%add3A, %mul3A_332, %dma_start3A_351] : memref<32x80x128xi32, #tpu.memory_space<hbm>> -> memref<1x16x128xi32, #tpu.memory_space<hbm>>
        %dma_start3A_353 = tpu.memref_squeeze %dma_start3A_352 : memref<1x16x128xi32, #tpu.memory_space<hbm>> -> memref<16x128xi32, #tpu.memory_space<hbm>>
        %dma_start3A_354 = arith.constant 0 : i32
        %dma_start3A_355 = arith.constant 0 : i32
        %dma_start3A_356 = tpu.memref_slice %arg8[%sub3A_61, %dma_start3A_354, %dma_start3A_355] : memref<2x16x128xi32, #tpu.memory_space<vmem>> -> memref<1x16x128xi32, #tpu.memory_space<vmem>>
        %dma_start3A_357 = tpu.memref_squeeze %dma_start3A_356 : memref<1x16x128xi32, #tpu.memory_space<vmem>> -> memref<16x128xi32, #tpu.memory_space<vmem>>
        %dma_start3A_358 = arith.constant 0 : i32
        %dma_start3A_359 = tpu.memref_slice %arg4[%add3A, %mul3A_332, %dma_start3A_358] : memref<32x80x128xi32, #tpu.memory_space<hbm>> -> memref<1x16x128xi32, #tpu.memory_space<hbm>>
        %dma_start3A_360 = tpu.memref_squeeze %dma_start3A_359 : memref<1x16x128xi32, #tpu.memory_space<hbm>> -> memref<16x128xi32, #tpu.memory_space<hbm>>
        tpu.enqueue_dma source(%dma_start3A_360 : memref<16x128xi32, #tpu.memory_space<hbm>>) target(%dma_start3A_357 : memref<16x128xi32, #tpu.memory_space<vmem>>) target_semaphore(%arg14 : memref<!tpu.dma_semaphore, #tpu.memory_space<semaphore_mem>>)
      } else {
      }
      %dma_wait3A = arith.constant 0 : i32
      %dma_wait3A_67 = arith.constant 0 : i32
      %dma_wait3A_68 = arith.constant 0 : i32
      %dma_wait3A_69 = tpu.memref_slice %arg7[%dma_wait3A, %dma_wait3A_67, %dma_wait3A_68] : memref<2x16x128xi32, #tpu.memory_space<vmem>> -> memref<1x1x128xi32, #tpu.memory_space<vmem>>
      %dma_wait3A_70 = tpu.memref_squeeze %dma_wait3A_69 : memref<1x1x128xi32, #tpu.memory_space<vmem>> -> memref<128xi32, #tpu.memory_space<vmem>>
      %dma_wait3A_71 = arith.constant 0 : i32
      %dma_wait3A_72 = arith.constant 0 : i32
      %dma_wait3A_73 = tpu.memref_slice %arg2[%dma_wait3A_71, %dma_wait3A_72] : memref<10000x128xf32, #tpu.memory_space<hbm>> -> memref<10000x128xf32, #tpu.memory_space<hbm>>
      tpu.wait_indirect_dma semaphore(%arg12 : memref<!tpu.dma_semaphore, #tpu.memory_space<semaphore_mem>>) src(%dma_wait3A_73 : memref<10000x128xf32, #tpu.memory_space<hbm>>) dst(%arg9 : memref<128x128xf32, #tpu.memory_space<vmem>>)
      %run_scoped3A_74 = arith.constant 0 : i32
      "tpu.region"() ({
        %run_scoped3A_329 = tpu.sem_alloc : memref<!tpu.dma_semaphore, #tpu.memory_space<semaphore_mem>>
        %dma_start3A_330 = arith.constant 0 : i32
        %dma_start3A_331 = tpu.memref_slice %arg8[%rem3A_60, %run_scoped3A_74, %dma_start3A_330] : memref<2x16x128xi32, #tpu.memory_space<vmem>> -> memref<1x1x128xi32, #tpu.memory_space<vmem>>
        %dma_start3A_332 = tpu.memref_squeeze %dma_start3A_331 : memref<1x1x128xi32, #tpu.memory_space<vmem>> -> memref<128xi32, #tpu.memory_space<vmem>>
        %dma_start3A_333 = arith.constant 0 : i32
        %dma_start3A_334 = arith.constant 0 : i32
        %dma_start3A_335 = tpu.memref_slice %arg11[%dma_start3A_333, %dma_start3A_334] : memref<10112x128xf32, #tpu.memory_space<vmem_shared>> -> memref<10112x128xf32, #tpu.memory_space<vmem_shared>>
        tpu.enqueue_indirect_dma source(%arg9 : memref<128x128xf32, #tpu.memory_space<vmem>>) target(%dma_start3A_335 : memref<10112x128xf32, #tpu.memory_space<vmem_shared>>) offsets(%dma_start3A_332 : memref<128xi32, #tpu.memory_space<vmem>>) semaphore(%run_scoped3A_329 : memref<!tpu.dma_semaphore, #tpu.memory_space<semaphore_mem>>) {add = true}
        %dma_wait3A_336 = arith.constant 0 : i32
        %dma_wait3A_337 = tpu.memref_slice %arg8[%rem3A_60, %run_scoped3A_74, %dma_wait3A_336] : memref<2x16x128xi32, #tpu.memory_space<vmem>> -> memref<1x1x128xi32, #tpu.memory_space<vmem>>
        %dma_wait3A_338 = tpu.memref_squeeze %dma_wait3A_337 : memref<1x1x128xi32, #tpu.memory_space<vmem>> -> memref<128xi32, #tpu.memory_space<vmem>>
        %dma_wait3A_339 = arith.constant 0 : i32
        %dma_wait3A_340 = arith.constant 0 : i32
        %dma_wait3A_341 = tpu.memref_slice %arg11[%dma_wait3A_339, %dma_wait3A_340] : memref<10112x128xf32, #tpu.memory_space<vmem_shared>> -> memref<10112x128xf32, #tpu.memory_space<vmem_shared>>
        tpu.wait_indirect_dma semaphore(%run_scoped3A_329 : memref<!tpu.dma_semaphore, #tpu.memory_space<semaphore_mem>>) src(%arg9 : memref<128x128xf32, #tpu.memory_space<vmem>>) dst(%dma_wait3A_341 : memref<10112x128xf32, #tpu.memory_space<vmem_shared>>)
        tpu.yield
      }) : () -> ()
      %dma_start3A_75 = arith.constant 2 : i32
      %dma_start3A_76 = arith.constant 0 : i32
      %dma_start3A_77 = tpu.memref_slice %arg7[%rem3A_60, %dma_start3A_75, %dma_start3A_76] : memref<2x16x128xi32, #tpu.memory_space<vmem>> -> memref<1x1x128xi32, #tpu.memory_space<vmem>>
      %dma_start3A_78 = tpu.memref_squeeze %dma_start3A_77 : memref<1x1x128xi32, #tpu.memory_space<vmem>> -> memref<128xi32, #tpu.memory_space<vmem>>
      %dma_start3A_79 = arith.constant 0 : i32
      %dma_start3A_80 = arith.constant 0 : i32
      %dma_start3A_81 = tpu.memref_slice %arg2[%dma_start3A_79, %dma_start3A_80] : memref<10000x128xf32, #tpu.memory_space<hbm>> -> memref<10000x128xf32, #tpu.memory_space<hbm>>
      tpu.enqueue_indirect_dma source(%dma_start3A_81 : memref<10000x128xf32, #tpu.memory_space<hbm>>) target(%arg9 : memref<128x128xf32, #tpu.memory_space<vmem>>) offsets(%dma_start3A_78 : memref<128xi32, #tpu.memory_space<vmem>>) semaphore(%arg12 : memref<!tpu.dma_semaphore, #tpu.memory_space<semaphore_mem>>)
      %dma_wait3A_82 = arith.constant 0 : i32
      %dma_wait3A_83 = arith.constant 0 : i32
      %dma_wait3A_84 = arith.constant 0 : i32
      %dma_wait3A_85 = tpu.memref_slice %arg7[%dma_wait3A_82, %dma_wait3A_83, %dma_wait3A_84] : memref<2x16x128xi32, #tpu.memory_space<vmem>> -> memref<1x1x128xi32, #tpu.memory_space<vmem>>
      %dma_wait3A_86 = tpu.memref_squeeze %dma_wait3A_85 : memref<1x1x128xi32, #tpu.memory_space<vmem>> -> memref<128xi32, #tpu.memory_space<vmem>>
      %dma_wait3A_87 = arith.constant 0 : i32
      %dma_wait3A_88 = arith.constant 0 : i32
      %dma_wait3A_89 = tpu.memref_slice %arg2[%dma_wait3A_87, %dma_wait3A_88] : memref<10000x128xf32, #tpu.memory_space<hbm>> -> memref<10000x128xf32, #tpu.memory_space<hbm>>
      tpu.wait_indirect_dma semaphore(%arg13 : memref<!tpu.dma_semaphore, #tpu.memory_space<semaphore_mem>>) src(%dma_wait3A_89 : memref<10000x128xf32, #tpu.memory_space<hbm>>) dst(%arg10 : memref<128x128xf32, #tpu.memory_space<vmem>>)
      %run_scoped3A_90 = arith.constant 1 : i32
      "tpu.region"() ({
        %run_scoped3A_329 = tpu.sem_alloc : memref<!tpu.dma_semaphore, #tpu.memory_space<semaphore_mem>>
        %dma_start3A_330 = arith.constant 0 : i32
        %dma_start3A_331 = tpu.memref_slice %arg8[%rem3A_60, %run_scoped3A_90, %dma_start3A_330] : memref<2x16x128xi32, #tpu.memory_space<vmem>> -> memref<1x1x128xi32, #tpu.memory_space<vmem>>
        %dma_start3A_332 = tpu.memref_squeeze %dma_start3A_331 : memref<1x1x128xi32, #tpu.memory_space<vmem>> -> memref<128xi32, #tpu.memory_space<vmem>>
        %dma_start3A_333 = arith.constant 0 : i32
        %dma_start3A_334 = arith.constant 0 : i32
        %dma_start3A_335 = tpu.memref_slice %arg11[%dma_start3A_333, %dma_start3A_334] : memref<10112x128xf32, #tpu.memory_space<vmem_shared>> -> memref<10112x128xf32, #tpu.memory_space<vmem_shared>>
        tpu.enqueue_indirect_dma source(%arg10 : memref<128x128xf32, #tpu.memory_space<vmem>>) target(%dma_start3A_335 : memref<10112x128xf32, #tpu.memory_space<vmem_shared>>) offsets(%dma_start3A_332 : memref<128xi32, #tpu.memory_space<vmem>>) semaphore(%run_scoped3A_329 : memref<!tpu.dma_semaphore, #tpu.memory_space<semaphore_mem>>) {add = true}
        %dma_wait3A_336 = arith.constant 0 : i32
        %dma_wait3A_337 = tpu.memref_slice %arg8[%rem3A_60, %run_scoped3A_90, %dma_wait3A_336] : memref<2x16x128xi32, #tpu.memory_space<vmem>> -> memref<1x1x128xi32, #tpu.memory_space<vmem>>
        %dma_wait3A_338 = tpu.memref_squeeze %dma_wait3A_337 : memref<1x1x128xi32, #tpu.memory_space<vmem>> -> memref<128xi32, #tpu.memory_space<vmem>>
        %dma_wait3A_339 = arith.constant 0 : i32
        %dma_wait3A_340 = arith.constant 0 : i32
        %dma_wait3A_341 = tpu.memref_slice %arg11[%dma_wait3A_339, %dma_wait3A_340] : memref<10112x128xf32, #tpu.memory_space<vmem_shared>> -> memref<10112x128xf32, #tpu.memory_space<vmem_shared>>
        tpu.wait_indirect_dma semaphore(%run_scoped3A_329 : memref<!tpu.dma_semaphore, #tpu.memory_space<semaphore_mem>>) src(%arg10 : memref<128x128xf32, #tpu.memory_space<vmem>>) dst(%dma_wait3A_341 : memref<10112x128xf32, #tpu.memory_space<vmem_shared>>)
        tpu.yield
      }) : () -> ()
      %dma_start3A_91 = arith.constant 3 : i32
      %dma_start3A_92 = arith.constant 0 : i32
      %dma_start3A_93 = tpu.memref_slice %arg7[%rem3A_60, %dma_start3A_91, %dma_start3A_92] : memref<2x16x128xi32, #tpu.memory_space<vmem>> -> memref<1x1x128xi32, #tpu.memory_space<vmem>>
      %dma_start3A_94 = tpu.memref_squeeze %dma_start3A_93 : memref<1x1x128xi32, #tpu.memory_space<vmem>> -> memref<128xi32, #tpu.memory_space<vmem>>
      %dma_start3A_95 = arith.constant 0 : i32
      %dma_start3A_96 = arith.constant 0 : i32
      %dma_start3A_97 = tpu.memref_slice %arg2[%dma_start3A_95, %dma_start3A_96] : memref<10000x128xf32, #tpu.memory_space<hbm>> -> memref<10000x128xf32, #tpu.memory_space<hbm>>
      tpu.enqueue_indirect_dma source(%dma_start3A_97 : memref<10000x128xf32, #tpu.memory_space<hbm>>) target(%arg10 : memref<128x128xf32, #tpu.memory_space<vmem>>) offsets(%dma_start3A_94 : memref<128xi32, #tpu.memory_space<vmem>>) semaphore(%arg13 : memref<!tpu.dma_semaphore, #tpu.memory_space<semaphore_mem>>)
      %dma_wait3A_98 = arith.constant 0 : i32
      %dma_wait3A_99 = arith.constant 0 : i32
      %dma_wait3A_100 = arith.constant 0 : i32
      %dma_wait3A_101 = tpu.memref_slice %arg7[%dma_wait3A_98, %dma_wait3A_99, %dma_wait3A_100] : memref<2x16x128xi32, #tpu.memory_space<vmem>> -> memref<1x1x128xi32, #tpu.memory_space<vmem>>
      %dma_wait3A_102 = tpu.memref_squeeze %dma_wait3A_101 : memref<1x1x128xi32, #tpu.memory_space<vmem>> -> memref<128xi32, #tpu.memory_space<vmem>>
      %dma_wait3A_103 = arith.constant 0 : i32
      %dma_wait3A_104 = arith.constant 0 : i32
      %dma_wait3A_105 = tpu.memref_slice %arg2[%dma_wait3A_103, %dma_wait3A_104] : memref<10000x128xf32, #tpu.memory_space<hbm>> -> memref<10000x128xf32, #tpu.memory_space<hbm>>
      tpu.wait_indirect_dma semaphore(%arg12 : memref<!tpu.dma_semaphore, #tpu.memory_space<semaphore_mem>>) src(%dma_wait3A_105 : memref<10000x128xf32, #tpu.memory_space<hbm>>) dst(%arg9 : memref<128x128xf32, #tpu.memory_space<vmem>>)
      %run_scoped3A_106 = arith.constant 2 : i32
      "tpu.region"() ({
        %run_scoped3A_329 = tpu.sem_alloc : memref<!tpu.dma_semaphore, #tpu.memory_space<semaphore_mem>>
        %dma_start3A_330 = arith.constant 0 : i32
        %dma_start3A_331 = tpu.memref_slice %arg8[%rem3A_60, %run_scoped3A_106, %dma_start3A_330] : memref<2x16x128xi32, #tpu.memory_space<vmem>> -> memref<1x1x128xi32, #tpu.memory_space<vmem>>
        %dma_start3A_332 = tpu.memref_squeeze %dma_start3A_331 : memref<1x1x128xi32, #tpu.memory_space<vmem>> -> memref<128xi32, #tpu.memory_space<vmem>>
        %dma_start3A_333 = arith.constant 0 : i32
        %dma_start3A_334 = arith.constant 0 : i32
        %dma_start3A_335 = tpu.memref_slice %arg11[%dma_start3A_333, %dma_start3A_334] : memref<10112x128xf32, #tpu.memory_space<vmem_shared>> -> memref<10112x128xf32, #tpu.memory_space<vmem_shared>>
        tpu.enqueue_indirect_dma source(%arg9 : memref<128x128xf32, #tpu.memory_space<vmem>>) target(%dma_start3A_335 : memref<10112x128xf32, #tpu.memory_space<vmem_shared>>) offsets(%dma_start3A_332 : memref<128xi32, #tpu.memory_space<vmem>>) semaphore(%run_scoped3A_329 : memref<!tpu.dma_semaphore, #tpu.memory_space<semaphore_mem>>) {add = true}
        %dma_wait3A_336 = arith.constant 0 : i32
        %dma_wait3A_337 = tpu.memref_slice %arg8[%rem3A_60, %run_scoped3A_106, %dma_wait3A_336] : memref<2x16x128xi32, #tpu.memory_space<vmem>> -> memref<1x1x128xi32, #tpu.memory_space<vmem>>
        %dma_wait3A_338 = tpu.memref_squeeze %dma_wait3A_337 : memref<1x1x128xi32, #tpu.memory_space<vmem>> -> memref<128xi32, #tpu.memory_space<vmem>>
        %dma_wait3A_339 = arith.constant 0 : i32
        %dma_wait3A_340 = arith.constant 0 : i32
        %dma_wait3A_341 = tpu.memref_slice %arg11[%dma_wait3A_339, %dma_wait3A_340] : memref<10112x128xf32, #tpu.memory_space<vmem_shared>> -> memref<10112x128xf32, #tpu.memory_space<vmem_shared>>
        tpu.wait_indirect_dma semaphore(%run_scoped3A_329 : memref<!tpu.dma_semaphore, #tpu.memory_space<semaphore_mem>>) src(%arg9 : memref<128x128xf32, #tpu.memory_space<vmem>>) dst(%dma_wait3A_341 : memref<10112x128xf32, #tpu.memory_space<vmem_shared>>)
        tpu.yield
      }) : () -> ()
      %dma_start3A_107 = arith.constant 4 : i32
      %dma_start3A_108 = arith.constant 0 : i32
      %dma_start3A_109 = tpu.memref_slice %arg7[%rem3A_60, %dma_start3A_107, %dma_start3A_108] : memref<2x16x128xi32, #tpu.memory_space<vmem>> -> memref<1x1x128xi32, #tpu.memory_space<vmem>>
      %dma_start3A_110 = tpu.memref_squeeze %dma_start3A_109 : memref<1x1x128xi32, #tpu.memory_space<vmem>> -> memref<128xi32, #tpu.memory_space<vmem>>
      %dma_start3A_111 = arith.constant 0 : i32
      %dma_start3A_112 = arith.constant 0 : i32
      %dma_start3A_113 = tpu.memref_slice %arg2[%dma_start3A_111, %dma_start3A_112] : memref<10000x128xf32, #tpu.memory_space<hbm>> -> memref<10000x128xf32, #tpu.memory_space<hbm>>
      tpu.enqueue_indirect_dma source(%dma_start3A_113 : memref<10000x128xf32, #tpu.memory_space<hbm>>) target(%arg9 : memref<128x128xf32, #tpu.memory_space<vmem>>) offsets(%dma_start3A_110 : memref<128xi32, #tpu.memory_space<vmem>>) semaphore(%arg12 : memref<!tpu.dma_semaphore, #tpu.memory_space<semaphore_mem>>)
      %dma_wait3A_114 = arith.constant 0 : i32
      %dma_wait3A_115 = arith.constant 0 : i32
      %dma_wait3A_116 = arith.constant 0 : i32
      %dma_wait3A_117 = tpu.memref_slice %arg7[%dma_wait3A_114, %dma_wait3A_115, %dma_wait3A_116] : memref<2x16x128xi32, #tpu.memory_space<vmem>> -> memref<1x1x128xi32, #tpu.memory_space<vmem>>
      %dma_wait3A_118 = tpu.memref_squeeze %dma_wait3A_117 : memref<1x1x128xi32, #tpu.memory_space<vmem>> -> memref<128xi32, #tpu.memory_space<vmem>>
      %dma_wait3A_119 = arith.constant 0 : i32
      %dma_wait3A_120 = arith.constant 0 : i32
      %dma_wait3A_121 = tpu.memref_slice %arg2[%dma_wait3A_119, %dma_wait3A_120] : memref<10000x128xf32, #tpu.memory_space<hbm>> -> memref<10000x128xf32, #tpu.memory_space<hbm>>
      tpu.wait_indirect_dma semaphore(%arg13 : memref<!tpu.dma_semaphore, #tpu.memory_space<semaphore_mem>>) src(%dma_wait3A_121 : memref<10000x128xf32, #tpu.memory_space<hbm>>) dst(%arg10 : memref<128x128xf32, #tpu.memory_space<vmem>>)
      %run_scoped3A_122 = arith.constant 3 : i32
      "tpu.region"() ({
        %run_scoped3A_329 = tpu.sem_alloc : memref<!tpu.dma_semaphore, #tpu.memory_space<semaphore_mem>>
        %dma_start3A_330 = arith.constant 0 : i32
        %dma_start3A_331 = tpu.memref_slice %arg8[%rem3A_60, %run_scoped3A_122, %dma_start3A_330] : memref<2x16x128xi32, #tpu.memory_space<vmem>> -> memref<1x1x128xi32, #tpu.memory_space<vmem>>
        %dma_start3A_332 = tpu.memref_squeeze %dma_start3A_331 : memref<1x1x128xi32, #tpu.memory_space<vmem>> -> memref<128xi32, #tpu.memory_space<vmem>>
        %dma_start3A_333 = arith.constant 0 : i32
        %dma_start3A_334 = arith.constant 0 : i32
        %dma_start3A_335 = tpu.memref_slice %arg11[%dma_start3A_333, %dma_start3A_334] : memref<10112x128xf32, #tpu.memory_space<vmem_shared>> -> memref<10112x128xf32, #tpu.memory_space<vmem_shared>>
        tpu.enqueue_indirect_dma source(%arg10 : memref<128x128xf32, #tpu.memory_space<vmem>>) target(%dma_start3A_335 : memref<10112x128xf32, #tpu.memory_space<vmem_shared>>) offsets(%dma_start3A_332 : memref<128xi32, #tpu.memory_space<vmem>>) semaphore(%run_scoped3A_329 : memref<!tpu.dma_semaphore, #tpu.memory_space<semaphore_mem>>) {add = true}
        %dma_wait3A_336 = arith.constant 0 : i32
        %dma_wait3A_337 = tpu.memref_slice %arg8[%rem3A_60, %run_scoped3A_122, %dma_wait3A_336] : memref<2x16x128xi32, #tpu.memory_space<vmem>> -> memref<1x1x128xi32, #tpu.memory_space<vmem>>
        %dma_wait3A_338 = tpu.memref_squeeze %dma_wait3A_337 : memref<1x1x128xi32, #tpu.memory_space<vmem>> -> memref<128xi32, #tpu.memory_space<vmem>>
        %dma_wait3A_339 = arith.constant 0 : i32
        %dma_wait3A_340 = arith.constant 0 : i32
        %dma_wait3A_341 = tpu.memref_slice %arg11[%dma_wait3A_339, %dma_wait3A_340] : memref<10112x128xf32, #tpu.memory_space<vmem_shared>> -> memref<10112x128xf32, #tpu.memory_space<vmem_shared>>
        tpu.wait_indirect_dma semaphore(%run_scoped3A_329 : memref<!tpu.dma_semaphore, #tpu.memory_space<semaphore_mem>>) src(%arg10 : memref<128x128xf32, #tpu.memory_space<vmem>>) dst(%dma_wait3A_341 : memref<10112x128xf32, #tpu.memory_space<vmem_shared>>)
        tpu.yield
      }) : () -> ()
      %dma_start3A_123 = arith.constant 5 : i32
      %dma_start3A_124 = arith.constant 0 : i32
      %dma_start3A_125 = tpu.memref_slice %arg7[%rem3A_60, %dma_start3A_123, %dma_start3A_124] : memref<2x16x128xi32, #tpu.memory_space<vmem>> -> memref<1x1x128xi32, #tpu.memory_space<vmem>>
      %dma_start3A_126 = tpu.memref_squeeze %dma_start3A_125 : memref<1x1x128xi32, #tpu.memory_space<vmem>> -> memref<128xi32, #tpu.memory_space<vmem>>
      %dma_start3A_127 = arith.constant 0 : i32
      %dma_start3A_128 = arith.constant 0 : i32
      %dma_start3A_129 = tpu.memref_slice %arg2[%dma_start3A_127, %dma_start3A_128] : memref<10000x128xf32, #tpu.memory_space<hbm>> -> memref<10000x128xf32, #tpu.memory_space<hbm>>
      tpu.enqueue_indirect_dma source(%dma_start3A_129 : memref<10000x128xf32, #tpu.memory_space<hbm>>) target(%arg10 : memref<128x128xf32, #tpu.memory_space<vmem>>) offsets(%dma_start3A_126 : memref<128xi32, #tpu.memory_space<vmem>>) semaphore(%arg13 : memref<!tpu.dma_semaphore, #tpu.memory_space<semaphore_mem>>)
      %dma_wait3A_130 = arith.constant 0 : i32
      %dma_wait3A_131 = arith.constant 0 : i32
      %dma_wait3A_132 = arith.constant 0 : i32
      %dma_wait3A_133 = tpu.memref_slice %arg7[%dma_wait3A_130, %dma_wait3A_131, %dma_wait3A_132] : memref<2x16x128xi32, #tpu.memory_space<vmem>> -> memref<1x1x128xi32, #tpu.memory_space<vmem>>
      %dma_wait3A_134 = tpu.memref_squeeze %dma_wait3A_133 : memref<1x1x128xi32, #tpu.memory_space<vmem>> -> memref<128xi32, #tpu.memory_space<vmem>>
      %dma_wait3A_135 = arith.constant 0 : i32
      %dma_wait3A_136 = arith.constant 0 : i32
      %dma_wait3A_137 = tpu.memref_slice %arg2[%dma_wait3A_135, %dma_wait3A_136] : memref<10000x128xf32, #tpu.memory_space<hbm>> -> memref<10000x128xf32, #tpu.memory_space<hbm>>
      tpu.wait_indirect_dma semaphore(%arg12 : memref<!tpu.dma_semaphore, #tpu.memory_space<semaphore_mem>>) src(%dma_wait3A_137 : memref<10000x128xf32, #tpu.memory_space<hbm>>) dst(%arg9 : memref<128x128xf32, #tpu.memory_space<vmem>>)
      %run_scoped3A_138 = arith.constant 4 : i32
      "tpu.region"() ({
        %run_scoped3A_329 = tpu.sem_alloc : memref<!tpu.dma_semaphore, #tpu.memory_space<semaphore_mem>>
        %dma_start3A_330 = arith.constant 0 : i32
        %dma_start3A_331 = tpu.memref_slice %arg8[%rem3A_60, %run_scoped3A_138, %dma_start3A_330] : memref<2x16x128xi32, #tpu.memory_space<vmem>> -> memref<1x1x128xi32, #tpu.memory_space<vmem>>
        %dma_start3A_332 = tpu.memref_squeeze %dma_start3A_331 : memref<1x1x128xi32, #tpu.memory_space<vmem>> -> memref<128xi32, #tpu.memory_space<vmem>>
        %dma_start3A_333 = arith.constant 0 : i32
        %dma_start3A_334 = arith.constant 0 : i32
        %dma_start3A_335 = tpu.memref_slice %arg11[%dma_start3A_333, %dma_start3A_334] : memref<10112x128xf32, #tpu.memory_space<vmem_shared>> -> memref<10112x128xf32, #tpu.memory_space<vmem_shared>>
        tpu.enqueue_indirect_dma source(%arg9 : memref<128x128xf32, #tpu.memory_space<vmem>>) target(%dma_start3A_335 : memref<10112x128xf32, #tpu.memory_space<vmem_shared>>) offsets(%dma_start3A_332 : memref<128xi32, #tpu.memory_space<vmem>>) semaphore(%run_scoped3A_329 : memref<!tpu.dma_semaphore, #tpu.memory_space<semaphore_mem>>) {add = true}
        %dma_wait3A_336 = arith.constant 0 : i32
        %dma_wait3A_337 = tpu.memref_slice %arg8[%rem3A_60, %run_scoped3A_138, %dma_wait3A_336] : memref<2x16x128xi32, #tpu.memory_space<vmem>> -> memref<1x1x128xi32, #tpu.memory_space<vmem>>
        %dma_wait3A_338 = tpu.memref_squeeze %dma_wait3A_337 : memref<1x1x128xi32, #tpu.memory_space<vmem>> -> memref<128xi32, #tpu.memory_space<vmem>>
        %dma_wait3A_339 = arith.constant 0 : i32
        %dma_wait3A_340 = arith.constant 0 : i32
        %dma_wait3A_341 = tpu.memref_slice %arg11[%dma_wait3A_339, %dma_wait3A_340] : memref<10112x128xf32, #tpu.memory_space<vmem_shared>> -> memref<10112x128xf32, #tpu.memory_space<vmem_shared>>
        tpu.wait_indirect_dma semaphore(%run_scoped3A_329 : memref<!tpu.dma_semaphore, #tpu.memory_space<semaphore_mem>>) src(%arg9 : memref<128x128xf32, #tpu.memory_space<vmem>>) dst(%dma_wait3A_341 : memref<10112x128xf32, #tpu.memory_space<vmem_shared>>)
        tpu.yield
      }) : () -> ()
      %dma_start3A_139 = arith.constant 6 : i32
      %dma_start3A_140 = arith.constant 0 : i32
      %dma_start3A_141 = tpu.memref_slice %arg7[%rem3A_60, %dma_start3A_139, %dma_start3A_140] : memref<2x16x128xi32, #tpu.memory_space<vmem>> -> memref<1x1x128xi32, #tpu.memory_space<vmem>>
      %dma_start3A_142 = tpu.memref_squeeze %dma_start3A_141 : memref<1x1x128xi32, #tpu.memory_space<vmem>> -> memref<128xi32, #tpu.memory_space<vmem>>
      %dma_start3A_143 = arith.constant 0 : i32
      %dma_start3A_144 = arith.constant 0 : i32
      %dma_start3A_145 = tpu.memref_slice %arg2[%dma_start3A_143, %dma_start3A_144] : memref<10000x128xf32, #tpu.memory_space<hbm>> -> memref<10000x128xf32, #tpu.memory_space<hbm>>
      tpu.enqueue_indirect_dma source(%dma_start3A_145 : memref<10000x128xf32, #tpu.memory_space<hbm>>) target(%arg9 : memref<128x128xf32, #tpu.memory_space<vmem>>) offsets(%dma_start3A_142 : memref<128xi32, #tpu.memory_space<vmem>>) semaphore(%arg12 : memref<!tpu.dma_semaphore, #tpu.memory_space<semaphore_mem>>)
      %dma_wait3A_146 = arith.constant 0 : i32
      %dma_wait3A_147 = arith.constant 0 : i32
      %dma_wait3A_148 = arith.constant 0 : i32
      %dma_wait3A_149 = tpu.memref_slice %arg7[%dma_wait3A_146, %dma_wait3A_147, %dma_wait3A_148] : memref<2x16x128xi32, #tpu.memory_space<vmem>> -> memref<1x1x128xi32, #tpu.memory_space<vmem>>
      %dma_wait3A_150 = tpu.memref_squeeze %dma_wait3A_149 : memref<1x1x128xi32, #tpu.memory_space<vmem>> -> memref<128xi32, #tpu.memory_space<vmem>>
      %dma_wait3A_151 = arith.constant 0 : i32
      %dma_wait3A_152 = arith.constant 0 : i32
      %dma_wait3A_153 = tpu.memref_slice %arg2[%dma_wait3A_151, %dma_wait3A_152] : memref<10000x128xf32, #tpu.memory_space<hbm>> -> memref<10000x128xf32, #tpu.memory_space<hbm>>
      tpu.wait_indirect_dma semaphore(%arg13 : memref<!tpu.dma_semaphore, #tpu.memory_space<semaphore_mem>>) src(%dma_wait3A_153 : memref<10000x128xf32, #tpu.memory_space<hbm>>) dst(%arg10 : memref<128x128xf32, #tpu.memory_space<vmem>>)
      %run_scoped3A_154 = arith.constant 5 : i32
      "tpu.region"() ({
        %run_scoped3A_329 = tpu.sem_alloc : memref<!tpu.dma_semaphore, #tpu.memory_space<semaphore_mem>>
        %dma_start3A_330 = arith.constant 0 : i32
        %dma_start3A_331 = tpu.memref_slice %arg8[%rem3A_60, %run_scoped3A_154, %dma_start3A_330] : memref<2x16x128xi32, #tpu.memory_space<vmem>> -> memref<1x1x128xi32, #tpu.memory_space<vmem>>
        %dma_start3A_332 = tpu.memref_squeeze %dma_start3A_331 : memref<1x1x128xi32, #tpu.memory_space<vmem>> -> memref<128xi32, #tpu.memory_space<vmem>>
        %dma_start3A_333 = arith.constant 0 : i32
        %dma_start3A_334 = arith.constant 0 : i32
        %dma_start3A_335 = tpu.memref_slice %arg11[%dma_start3A_333, %dma_start3A_334] : memref<10112x128xf32, #tpu.memory_space<vmem_shared>> -> memref<10112x128xf32, #tpu.memory_space<vmem_shared>>
        tpu.enqueue_indirect_dma source(%arg10 : memref<128x128xf32, #tpu.memory_space<vmem>>) target(%dma_start3A_335 : memref<10112x128xf32, #tpu.memory_space<vmem_shared>>) offsets(%dma_start3A_332 : memref<128xi32, #tpu.memory_space<vmem>>) semaphore(%run_scoped3A_329 : memref<!tpu.dma_semaphore, #tpu.memory_space<semaphore_mem>>) {add = true}
        %dma_wait3A_336 = arith.constant 0 : i32
        %dma_wait3A_337 = tpu.memref_slice %arg8[%rem3A_60, %run_scoped3A_154, %dma_wait3A_336] : memref<2x16x128xi32, #tpu.memory_space<vmem>> -> memref<1x1x128xi32, #tpu.memory_space<vmem>>
        %dma_wait3A_338 = tpu.memref_squeeze %dma_wait3A_337 : memref<1x1x128xi32, #tpu.memory_space<vmem>> -> memref<128xi32, #tpu.memory_space<vmem>>
        %dma_wait3A_339 = arith.constant 0 : i32
        %dma_wait3A_340 = arith.constant 0 : i32
        %dma_wait3A_341 = tpu.memref_slice %arg11[%dma_wait3A_339, %dma_wait3A_340] : memref<10112x128xf32, #tpu.memory_space<vmem_shared>> -> memref<10112x128xf32, #tpu.memory_space<vmem_shared>>
        tpu.wait_indirect_dma semaphore(%run_scoped3A_329 : memref<!tpu.dma_semaphore, #tpu.memory_space<semaphore_mem>>) src(%arg10 : memref<128x128xf32, #tpu.memory_space<vmem>>) dst(%dma_wait3A_341 : memref<10112x128xf32, #tpu.memory_space<vmem_shared>>)
        tpu.yield
      }) : () -> ()
      %dma_start3A_155 = arith.constant 7 : i32
      %dma_start3A_156 = arith.constant 0 : i32
      %dma_start3A_157 = tpu.memref_slice %arg7[%rem3A_60, %dma_start3A_155, %dma_start3A_156] : memref<2x16x128xi32, #tpu.memory_space<vmem>> -> memref<1x1x128xi32, #tpu.memory_space<vmem>>
      %dma_start3A_158 = tpu.memref_squeeze %dma_start3A_157 : memref<1x1x128xi32, #tpu.memory_space<vmem>> -> memref<128xi32, #tpu.memory_space<vmem>>
      %dma_start3A_159 = arith.constant 0 : i32
      %dma_start3A_160 = arith.constant 0 : i32
      %dma_start3A_161 = tpu.memref_slice %arg2[%dma_start3A_159, %dma_start3A_160] : memref<10000x128xf32, #tpu.memory_space<hbm>> -> memref<10000x128xf32, #tpu.memory_space<hbm>>
      tpu.enqueue_indirect_dma source(%dma_start3A_161 : memref<10000x128xf32, #tpu.memory_space<hbm>>) target(%arg10 : memref<128x128xf32, #tpu.memory_space<vmem>>) offsets(%dma_start3A_158 : memref<128xi32, #tpu.memory_space<vmem>>) semaphore(%arg13 : memref<!tpu.dma_semaphore, #tpu.memory_space<semaphore_mem>>)
      %dma_wait3A_162 = arith.constant 0 : i32
      %dma_wait3A_163 = arith.constant 0 : i32
      %dma_wait3A_164 = arith.constant 0 : i32
      %dma_wait3A_165 = tpu.memref_slice %arg7[%dma_wait3A_162, %dma_wait3A_163, %dma_wait3A_164] : memref<2x16x128xi32, #tpu.memory_space<vmem>> -> memref<1x1x128xi32, #tpu.memory_space<vmem>>
      %dma_wait3A_166 = tpu.memref_squeeze %dma_wait3A_165 : memref<1x1x128xi32, #tpu.memory_space<vmem>> -> memref<128xi32, #tpu.memory_space<vmem>>
      %dma_wait3A_167 = arith.constant 0 : i32
      %dma_wait3A_168 = arith.constant 0 : i32
      %dma_wait3A_169 = tpu.memref_slice %arg2[%dma_wait3A_167, %dma_wait3A_168] : memref<10000x128xf32, #tpu.memory_space<hbm>> -> memref<10000x128xf32, #tpu.memory_space<hbm>>
      tpu.wait_indirect_dma semaphore(%arg12 : memref<!tpu.dma_semaphore, #tpu.memory_space<semaphore_mem>>) src(%dma_wait3A_169 : memref<10000x128xf32, #tpu.memory_space<hbm>>) dst(%arg9 : memref<128x128xf32, #tpu.memory_space<vmem>>)
      %run_scoped3A_170 = arith.constant 6 : i32
      "tpu.region"() ({
        %run_scoped3A_329 = tpu.sem_alloc : memref<!tpu.dma_semaphore, #tpu.memory_space<semaphore_mem>>
        %dma_start3A_330 = arith.constant 0 : i32
        %dma_start3A_331 = tpu.memref_slice %arg8[%rem3A_60, %run_scoped3A_170, %dma_start3A_330] : memref<2x16x128xi32, #tpu.memory_space<vmem>> -> memref<1x1x128xi32, #tpu.memory_space<vmem>>
        %dma_start3A_332 = tpu.memref_squeeze %dma_start3A_331 : memref<1x1x128xi32, #tpu.memory_space<vmem>> -> memref<128xi32, #tpu.memory_space<vmem>>
        %dma_start3A_333 = arith.constant 0 : i32
        %dma_start3A_334 = arith.constant 0 : i32
        %dma_start3A_335 = tpu.memref_slice %arg11[%dma_start3A_333, %dma_start3A_334] : memref<10112x128xf32, #tpu.memory_space<vmem_shared>> -> memref<10112x128xf32, #tpu.memory_space<vmem_shared>>
        tpu.enqueue_indirect_dma source(%arg9 : memref<128x128xf32, #tpu.memory_space<vmem>>) target(%dma_start3A_335 : memref<10112x128xf32, #tpu.memory_space<vmem_shared>>) offsets(%dma_start3A_332 : memref<128xi32, #tpu.memory_space<vmem>>) semaphore(%run_scoped3A_329 : memref<!tpu.dma_semaphore, #tpu.memory_space<semaphore_mem>>) {add = true}
        %dma_wait3A_336 = arith.constant 0 : i32
        %dma_wait3A_337 = tpu.memref_slice %arg8[%rem3A_60, %run_scoped3A_170, %dma_wait3A_336] : memref<2x16x128xi32, #tpu.memory_space<vmem>> -> memref<1x1x128xi32, #tpu.memory_space<vmem>>
        %dma_wait3A_338 = tpu.memref_squeeze %dma_wait3A_337 : memref<1x1x128xi32, #tpu.memory_space<vmem>> -> memref<128xi32, #tpu.memory_space<vmem>>
        %dma_wait3A_339 = arith.constant 0 : i32
        %dma_wait3A_340 = arith.constant 0 : i32
        %dma_wait3A_341 = tpu.memref_slice %arg11[%dma_wait3A_339, %dma_wait3A_340] : memref<10112x128xf32, #tpu.memory_space<vmem_shared>> -> memref<10112x128xf32, #tpu.memory_space<vmem_shared>>
        tpu.wait_indirect_dma semaphore(%run_scoped3A_329 : memref<!tpu.dma_semaphore, #tpu.memory_space<semaphore_mem>>) src(%arg9 : memref<128x128xf32, #tpu.memory_space<vmem>>) dst(%dma_wait3A_341 : memref<10112x128xf32, #tpu.memory_space<vmem_shared>>)
        tpu.yield
      }) : () -> ()
      %dma_start3A_171 = arith.constant 8 : i32
      %dma_start3A_172 = arith.constant 0 : i32
      %dma_start3A_173 = tpu.memref_slice %arg7[%rem3A_60, %dma_start3A_171, %dma_start3A_172] : memref<2x16x128xi32, #tpu.memory_space<vmem>> -> memref<1x1x128xi32, #tpu.memory_space<vmem>>
      %dma_start3A_174 = tpu.memref_squeeze %dma_start3A_173 : memref<1x1x128xi32, #tpu.memory_space<vmem>> -> memref<128xi32, #tpu.memory_space<vmem>>
      %dma_start3A_175 = arith.constant 0 : i32
      %dma_start3A_176 = arith.constant 0 : i32
      %dma_start3A_177 = tpu.memref_slice %arg2[%dma_start3A_175, %dma_start3A_176] : memref<10000x128xf32, #tpu.memory_space<hbm>> -> memref<10000x128xf32, #tpu.memory_space<hbm>>
      tpu.enqueue_indirect_dma source(%dma_start3A_177 : memref<10000x128xf32, #tpu.memory_space<hbm>>) target(%arg9 : memref<128x128xf32, #tpu.memory_space<vmem>>) offsets(%dma_start3A_174 : memref<128xi32, #tpu.memory_space<vmem>>) semaphore(%arg12 : memref<!tpu.dma_semaphore, #tpu.memory_space<semaphore_mem>>)
      %dma_wait3A_178 = arith.constant 0 : i32
      %dma_wait3A_179 = arith.constant 0 : i32
      %dma_wait3A_180 = arith.constant 0 : i32
      %dma_wait3A_181 = tpu.memref_slice %arg7[%dma_wait3A_178, %dma_wait3A_179, %dma_wait3A_180] : memref<2x16x128xi32, #tpu.memory_space<vmem>> -> memref<1x1x128xi32, #tpu.memory_space<vmem>>
      %dma_wait3A_182 = tpu.memref_squeeze %dma_wait3A_181 : memref<1x1x128xi32, #tpu.memory_space<vmem>> -> memref<128xi32, #tpu.memory_space<vmem>>
      %dma_wait3A_183 = arith.constant 0 : i32
      %dma_wait3A_184 = arith.constant 0 : i32
      %dma_wait3A_185 = tpu.memref_slice %arg2[%dma_wait3A_183, %dma_wait3A_184] : memref<10000x128xf32, #tpu.memory_space<hbm>> -> memref<10000x128xf32, #tpu.memory_space<hbm>>
      tpu.wait_indirect_dma semaphore(%arg13 : memref<!tpu.dma_semaphore, #tpu.memory_space<semaphore_mem>>) src(%dma_wait3A_185 : memref<10000x128xf32, #tpu.memory_space<hbm>>) dst(%arg10 : memref<128x128xf32, #tpu.memory_space<vmem>>)
      %run_scoped3A_186 = arith.constant 7 : i32
      "tpu.region"() ({
        %run_scoped3A_329 = tpu.sem_alloc : memref<!tpu.dma_semaphore, #tpu.memory_space<semaphore_mem>>
        %dma_start3A_330 = arith.constant 0 : i32
        %dma_start3A_331 = tpu.memref_slice %arg8[%rem3A_60, %run_scoped3A_186, %dma_start3A_330] : memref<2x16x128xi32, #tpu.memory_space<vmem>> -> memref<1x1x128xi32, #tpu.memory_space<vmem>>
        %dma_start3A_332 = tpu.memref_squeeze %dma_start3A_331 : memref<1x1x128xi32, #tpu.memory_space<vmem>> -> memref<128xi32, #tpu.memory_space<vmem>>
        %dma_start3A_333 = arith.constant 0 : i32
        %dma_start3A_334 = arith.constant 0 : i32
        %dma_start3A_335 = tpu.memref_slice %arg11[%dma_start3A_333, %dma_start3A_334] : memref<10112x128xf32, #tpu.memory_space<vmem_shared>> -> memref<10112x128xf32, #tpu.memory_space<vmem_shared>>
        tpu.enqueue_indirect_dma source(%arg10 : memref<128x128xf32, #tpu.memory_space<vmem>>) target(%dma_start3A_335 : memref<10112x128xf32, #tpu.memory_space<vmem_shared>>) offsets(%dma_start3A_332 : memref<128xi32, #tpu.memory_space<vmem>>) semaphore(%run_scoped3A_329 : memref<!tpu.dma_semaphore, #tpu.memory_space<semaphore_mem>>) {add = true}
        %dma_wait3A_336 = arith.constant 0 : i32
        %dma_wait3A_337 = tpu.memref_slice %arg8[%rem3A_60, %run_scoped3A_186, %dma_wait3A_336] : memref<2x16x128xi32, #tpu.memory_space<vmem>> -> memref<1x1x128xi32, #tpu.memory_space<vmem>>
        %dma_wait3A_338 = tpu.memref_squeeze %dma_wait3A_337 : memref<1x1x128xi32, #tpu.memory_space<vmem>> -> memref<128xi32, #tpu.memory_space<vmem>>
        %dma_wait3A_339 = arith.constant 0 : i32
        %dma_wait3A_340 = arith.constant 0 : i32
        %dma_wait3A_341 = tpu.memref_slice %arg11[%dma_wait3A_339, %dma_wait3A_340] : memref<10112x128xf32, #tpu.memory_space<vmem_shared>> -> memref<10112x128xf32, #tpu.memory_space<vmem_shared>>
        tpu.wait_indirect_dma semaphore(%run_scoped3A_329 : memref<!tpu.dma_semaphore, #tpu.memory_space<semaphore_mem>>) src(%arg10 : memref<128x128xf32, #tpu.memory_space<vmem>>) dst(%dma_wait3A_341 : memref<10112x128xf32, #tpu.memory_space<vmem_shared>>)
        tpu.yield
      }) : () -> ()
      %dma_start3A_187 = arith.constant 9 : i32
      %dma_start3A_188 = arith.constant 0 : i32
      %dma_start3A_189 = tpu.memref_slice %arg7[%rem3A_60, %dma_start3A_187, %dma_start3A_188] : memref<2x16x128xi32, #tpu.memory_space<vmem>> -> memref<1x1x128xi32, #tpu.memory_space<vmem>>
      %dma_start3A_190 = tpu.memref_squeeze %dma_start3A_189 : memref<1x1x128xi32, #tpu.memory_space<vmem>> -> memref<128xi32, #tpu.memory_space<vmem>>
      %dma_start3A_191 = arith.constant 0 : i32
      %dma_start3A_192 = arith.constant 0 : i32
      %dma_start3A_193 = tpu.memref_slice %arg2[%dma_start3A_191, %dma_start3A_192] : memref<10000x128xf32, #tpu.memory_space<hbm>> -> memref<10000x128xf32, #tpu.memory_space<hbm>>
      tpu.enqueue_indirect_dma source(%dma_start3A_193 : memref<10000x128xf32, #tpu.memory_space<hbm>>) target(%arg10 : memref<128x128xf32, #tpu.memory_space<vmem>>) offsets(%dma_start3A_190 : memref<128xi32, #tpu.memory_space<vmem>>) semaphore(%arg13 : memref<!tpu.dma_semaphore, #tpu.memory_space<semaphore_mem>>)
      %dma_wait3A_194 = arith.constant 0 : i32
      %dma_wait3A_195 = arith.constant 0 : i32
      %dma_wait3A_196 = arith.constant 0 : i32
      %dma_wait3A_197 = tpu.memref_slice %arg7[%dma_wait3A_194, %dma_wait3A_195, %dma_wait3A_196] : memref<2x16x128xi32, #tpu.memory_space<vmem>> -> memref<1x1x128xi32, #tpu.memory_space<vmem>>
      %dma_wait3A_198 = tpu.memref_squeeze %dma_wait3A_197 : memref<1x1x128xi32, #tpu.memory_space<vmem>> -> memref<128xi32, #tpu.memory_space<vmem>>
      %dma_wait3A_199 = arith.constant 0 : i32
      %dma_wait3A_200 = arith.constant 0 : i32
      %dma_wait3A_201 = tpu.memref_slice %arg2[%dma_wait3A_199, %dma_wait3A_200] : memref<10000x128xf32, #tpu.memory_space<hbm>> -> memref<10000x128xf32, #tpu.memory_space<hbm>>
      tpu.wait_indirect_dma semaphore(%arg12 : memref<!tpu.dma_semaphore, #tpu.memory_space<semaphore_mem>>) src(%dma_wait3A_201 : memref<10000x128xf32, #tpu.memory_space<hbm>>) dst(%arg9 : memref<128x128xf32, #tpu.memory_space<vmem>>)
      %run_scoped3A_202 = arith.constant 8 : i32
      "tpu.region"() ({
        %run_scoped3A_329 = tpu.sem_alloc : memref<!tpu.dma_semaphore, #tpu.memory_space<semaphore_mem>>
        %dma_start3A_330 = arith.constant 0 : i32
        %dma_start3A_331 = tpu.memref_slice %arg8[%rem3A_60, %run_scoped3A_202, %dma_start3A_330] : memref<2x16x128xi32, #tpu.memory_space<vmem>> -> memref<1x1x128xi32, #tpu.memory_space<vmem>>
        %dma_start3A_332 = tpu.memref_squeeze %dma_start3A_331 : memref<1x1x128xi32, #tpu.memory_space<vmem>> -> memref<128xi32, #tpu.memory_space<vmem>>
        %dma_start3A_333 = arith.constant 0 : i32
        %dma_start3A_334 = arith.constant 0 : i32
        %dma_start3A_335 = tpu.memref_slice %arg11[%dma_start3A_333, %dma_start3A_334] : memref<10112x128xf32, #tpu.memory_space<vmem_shared>> -> memref<10112x128xf32, #tpu.memory_space<vmem_shared>>
        tpu.enqueue_indirect_dma source(%arg9 : memref<128x128xf32, #tpu.memory_space<vmem>>) target(%dma_start3A_335 : memref<10112x128xf32, #tpu.memory_space<vmem_shared>>) offsets(%dma_start3A_332 : memref<128xi32, #tpu.memory_space<vmem>>) semaphore(%run_scoped3A_329 : memref<!tpu.dma_semaphore, #tpu.memory_space<semaphore_mem>>) {add = true}
        %dma_wait3A_336 = arith.constant 0 : i32
        %dma_wait3A_337 = tpu.memref_slice %arg8[%rem3A_60, %run_scoped3A_202, %dma_wait3A_336] : memref<2x16x128xi32, #tpu.memory_space<vmem>> -> memref<1x1x128xi32, #tpu.memory_space<vmem>>
        %dma_wait3A_338 = tpu.memref_squeeze %dma_wait3A_337 : memref<1x1x128xi32, #tpu.memory_space<vmem>> -> memref<128xi32, #tpu.memory_space<vmem>>
        %dma_wait3A_339 = arith.constant 0 : i32
        %dma_wait3A_340 = arith.constant 0 : i32
        %dma_wait3A_341 = tpu.memref_slice %arg11[%dma_wait3A_339, %dma_wait3A_340] : memref<10112x128xf32, #tpu.memory_space<vmem_shared>> -> memref<10112x128xf32, #tpu.memory_space<vmem_shared>>
        tpu.wait_indirect_dma semaphore(%run_scoped3A_329 : memref<!tpu.dma_semaphore, #tpu.memory_space<semaphore_mem>>) src(%arg9 : memref<128x128xf32, #tpu.memory_space<vmem>>) dst(%dma_wait3A_341 : memref<10112x128xf32, #tpu.memory_space<vmem_shared>>)
        tpu.yield
      }) : () -> ()
      %dma_start3A_203 = arith.constant 10 : i32
      %dma_start3A_204 = arith.constant 0 : i32
      %dma_start3A_205 = tpu.memref_slice %arg7[%rem3A_60, %dma_start3A_203, %dma_start3A_204] : memref<2x16x128xi32, #tpu.memory_space<vmem>> -> memref<1x1x128xi32, #tpu.memory_space<vmem>>
      %dma_start3A_206 = tpu.memref_squeeze %dma_start3A_205 : memref<1x1x128xi32, #tpu.memory_space<vmem>> -> memref<128xi32, #tpu.memory_space<vmem>>
      %dma_start3A_207 = arith.constant 0 : i32
      %dma_start3A_208 = arith.constant 0 : i32
      %dma_start3A_209 = tpu.memref_slice %arg2[%dma_start3A_207, %dma_start3A_208] : memref<10000x128xf32, #tpu.memory_space<hbm>> -> memref<10000x128xf32, #tpu.memory_space<hbm>>
      tpu.enqueue_indirect_dma source(%dma_start3A_209 : memref<10000x128xf32, #tpu.memory_space<hbm>>) target(%arg9 : memref<128x128xf32, #tpu.memory_space<vmem>>) offsets(%dma_start3A_206 : memref<128xi32, #tpu.memory_space<vmem>>) semaphore(%arg12 : memref<!tpu.dma_semaphore, #tpu.memory_space<semaphore_mem>>)
      %dma_wait3A_210 = arith.constant 0 : i32
      %dma_wait3A_211 = arith.constant 0 : i32
      %dma_wait3A_212 = arith.constant 0 : i32
      %dma_wait3A_213 = tpu.memref_slice %arg7[%dma_wait3A_210, %dma_wait3A_211, %dma_wait3A_212] : memref<2x16x128xi32, #tpu.memory_space<vmem>> -> memref<1x1x128xi32, #tpu.memory_space<vmem>>
      %dma_wait3A_214 = tpu.memref_squeeze %dma_wait3A_213 : memref<1x1x128xi32, #tpu.memory_space<vmem>> -> memref<128xi32, #tpu.memory_space<vmem>>
      %dma_wait3A_215 = arith.constant 0 : i32
      %dma_wait3A_216 = arith.constant 0 : i32
      %dma_wait3A_217 = tpu.memref_slice %arg2[%dma_wait3A_215, %dma_wait3A_216] : memref<10000x128xf32, #tpu.memory_space<hbm>> -> memref<10000x128xf32, #tpu.memory_space<hbm>>
      tpu.wait_indirect_dma semaphore(%arg13 : memref<!tpu.dma_semaphore, #tpu.memory_space<semaphore_mem>>) src(%dma_wait3A_217 : memref<10000x128xf32, #tpu.memory_space<hbm>>) dst(%arg10 : memref<128x128xf32, #tpu.memory_space<vmem>>)
      %run_scoped3A_218 = arith.constant 9 : i32
      "tpu.region"() ({
        %run_scoped3A_329 = tpu.sem_alloc : memref<!tpu.dma_semaphore, #tpu.memory_space<semaphore_mem>>
        %dma_start3A_330 = arith.constant 0 : i32
        %dma_start3A_331 = tpu.memref_slice %arg8[%rem3A_60, %run_scoped3A_218, %dma_start3A_330] : memref<2x16x128xi32, #tpu.memory_space<vmem>> -> memref<1x1x128xi32, #tpu.memory_space<vmem>>
        %dma_start3A_332 = tpu.memref_squeeze %dma_start3A_331 : memref<1x1x128xi32, #tpu.memory_space<vmem>> -> memref<128xi32, #tpu.memory_space<vmem>>
        %dma_start3A_333 = arith.constant 0 : i32
        %dma_start3A_334 = arith.constant 0 : i32
        %dma_start3A_335 = tpu.memref_slice %arg11[%dma_start3A_333, %dma_start3A_334] : memref<10112x128xf32, #tpu.memory_space<vmem_shared>> -> memref<10112x128xf32, #tpu.memory_space<vmem_shared>>
        tpu.enqueue_indirect_dma source(%arg10 : memref<128x128xf32, #tpu.memory_space<vmem>>) target(%dma_start3A_335 : memref<10112x128xf32, #tpu.memory_space<vmem_shared>>) offsets(%dma_start3A_332 : memref<128xi32, #tpu.memory_space<vmem>>) semaphore(%run_scoped3A_329 : memref<!tpu.dma_semaphore, #tpu.memory_space<semaphore_mem>>) {add = true}
        %dma_wait3A_336 = arith.constant 0 : i32
        %dma_wait3A_337 = tpu.memref_slice %arg8[%rem3A_60, %run_scoped3A_218, %dma_wait3A_336] : memref<2x16x128xi32, #tpu.memory_space<vmem>> -> memref<1x1x128xi32, #tpu.memory_space<vmem>>
        %dma_wait3A_338 = tpu.memref_squeeze %dma_wait3A_337 : memref<1x1x128xi32, #tpu.memory_space<vmem>> -> memref<128xi32, #tpu.memory_space<vmem>>
        %dma_wait3A_339 = arith.constant 0 : i32
        %dma_wait3A_340 = arith.constant 0 : i32
        %dma_wait3A_341 = tpu.memref_slice %arg11[%dma_wait3A_339, %dma_wait3A_340] : memref<10112x128xf32, #tpu.memory_space<vmem_shared>> -> memref<10112x128xf32, #tpu.memory_space<vmem_shared>>
        tpu.wait_indirect_dma semaphore(%run_scoped3A_329 : memref<!tpu.dma_semaphore, #tpu.memory_space<semaphore_mem>>) src(%arg10 : memref<128x128xf32, #tpu.memory_space<vmem>>) dst(%dma_wait3A_341 : memref<10112x128xf32, #tpu.memory_space<vmem_shared>>)
        tpu.yield
      }) : () -> ()
      %dma_start3A_219 = arith.constant 11 : i32
      %dma_start3A_220 = arith.constant 0 : i32
      %dma_start3A_221 = tpu.memref_slice %arg7[%rem3A_60, %dma_start3A_219, %dma_start3A_220] : memref<2x16x128xi32, #tpu.memory_space<vmem>> -> memref<1x1x128xi32, #tpu.memory_space<vmem>>
      %dma_start3A_222 = tpu.memref_squeeze %dma_start3A_221 : memref<1x1x128xi32, #tpu.memory_space<vmem>> -> memref<128xi32, #tpu.memory_space<vmem>>
      %dma_start3A_223 = arith.constant 0 : i32
      %dma_start3A_224 = arith.constant 0 : i32
      %dma_start3A_225 = tpu.memref_slice %arg2[%dma_start3A_223, %dma_start3A_224] : memref<10000x128xf32, #tpu.memory_space<hbm>> -> memref<10000x128xf32, #tpu.memory_space<hbm>>
      tpu.enqueue_indirect_dma source(%dma_start3A_225 : memref<10000x128xf32, #tpu.memory_space<hbm>>) target(%arg10 : memref<128x128xf32, #tpu.memory_space<vmem>>) offsets(%dma_start3A_222 : memref<128xi32, #tpu.memory_space<vmem>>) semaphore(%arg13 : memref<!tpu.dma_semaphore, #tpu.memory_space<semaphore_mem>>)
      %dma_wait3A_226 = arith.constant 0 : i32
      %dma_wait3A_227 = arith.constant 0 : i32
      %dma_wait3A_228 = arith.constant 0 : i32
      %dma_wait3A_229 = tpu.memref_slice %arg7[%dma_wait3A_226, %dma_wait3A_227, %dma_wait3A_228] : memref<2x16x128xi32, #tpu.memory_space<vmem>> -> memref<1x1x128xi32, #tpu.memory_space<vmem>>
      %dma_wait3A_230 = tpu.memref_squeeze %dma_wait3A_229 : memref<1x1x128xi32, #tpu.memory_space<vmem>> -> memref<128xi32, #tpu.memory_space<vmem>>
      %dma_wait3A_231 = arith.constant 0 : i32
      %dma_wait3A_232 = arith.constant 0 : i32
      %dma_wait3A_233 = tpu.memref_slice %arg2[%dma_wait3A_231, %dma_wait3A_232] : memref<10000x128xf32, #tpu.memory_space<hbm>> -> memref<10000x128xf32, #tpu.memory_space<hbm>>
      tpu.wait_indirect_dma semaphore(%arg12 : memref<!tpu.dma_semaphore, #tpu.memory_space<semaphore_mem>>) src(%dma_wait3A_233 : memref<10000x128xf32, #tpu.memory_space<hbm>>) dst(%arg9 : memref<128x128xf32, #tpu.memory_space<vmem>>)
      %run_scoped3A_234 = arith.constant 10 : i32
      "tpu.region"() ({
        %run_scoped3A_329 = tpu.sem_alloc : memref<!tpu.dma_semaphore, #tpu.memory_space<semaphore_mem>>
        %dma_start3A_330 = arith.constant 0 : i32
        %dma_start3A_331 = tpu.memref_slice %arg8[%rem3A_60, %run_scoped3A_234, %dma_start3A_330] : memref<2x16x128xi32, #tpu.memory_space<vmem>> -> memref<1x1x128xi32, #tpu.memory_space<vmem>>
        %dma_start3A_332 = tpu.memref_squeeze %dma_start3A_331 : memref<1x1x128xi32, #tpu.memory_space<vmem>> -> memref<128xi32, #tpu.memory_space<vmem>>
        %dma_start3A_333 = arith.constant 0 : i32
        %dma_start3A_334 = arith.constant 0 : i32
        %dma_start3A_335 = tpu.memref_slice %arg11[%dma_start3A_333, %dma_start3A_334] : memref<10112x128xf32, #tpu.memory_space<vmem_shared>> -> memref<10112x128xf32, #tpu.memory_space<vmem_shared>>
        tpu.enqueue_indirect_dma source(%arg9 : memref<128x128xf32, #tpu.memory_space<vmem>>) target(%dma_start3A_335 : memref<10112x128xf32, #tpu.memory_space<vmem_shared>>) offsets(%dma_start3A_332 : memref<128xi32, #tpu.memory_space<vmem>>) semaphore(%run_scoped3A_329 : memref<!tpu.dma_semaphore, #tpu.memory_space<semaphore_mem>>) {add = true}
        %dma_wait3A_336 = arith.constant 0 : i32
        %dma_wait3A_337 = tpu.memref_slice %arg8[%rem3A_60, %run_scoped3A_234, %dma_wait3A_336] : memref<2x16x128xi32, #tpu.memory_space<vmem>> -> memref<1x1x128xi32, #tpu.memory_space<vmem>>
        %dma_wait3A_338 = tpu.memref_squeeze %dma_wait3A_337 : memref<1x1x128xi32, #tpu.memory_space<vmem>> -> memref<128xi32, #tpu.memory_space<vmem>>
        %dma_wait3A_339 = arith.constant 0 : i32
        %dma_wait3A_340 = arith.constant 0 : i32
        %dma_wait3A_341 = tpu.memref_slice %arg11[%dma_wait3A_339, %dma_wait3A_340] : memref<10112x128xf32, #tpu.memory_space<vmem_shared>> -> memref<10112x128xf32, #tpu.memory_space<vmem_shared>>
        tpu.wait_indirect_dma semaphore(%run_scoped3A_329 : memref<!tpu.dma_semaphore, #tpu.memory_space<semaphore_mem>>) src(%arg9 : memref<128x128xf32, #tpu.memory_space<vmem>>) dst(%dma_wait3A_341 : memref<10112x128xf32, #tpu.memory_space<vmem_shared>>)
        tpu.yield
      }) : () -> ()
      %dma_start3A_235 = arith.constant 12 : i32
      %dma_start3A_236 = arith.constant 0 : i32
      %dma_start3A_237 = tpu.memref_slice %arg7[%rem3A_60, %dma_start3A_235, %dma_start3A_236] : memref<2x16x128xi32, #tpu.memory_space<vmem>> -> memref<1x1x128xi32, #tpu.memory_space<vmem>>
      %dma_start3A_238 = tpu.memref_squeeze %dma_start3A_237 : memref<1x1x128xi32, #tpu.memory_space<vmem>> -> memref<128xi32, #tpu.memory_space<vmem>>
      %dma_start3A_239 = arith.constant 0 : i32
      %dma_start3A_240 = arith.constant 0 : i32
      %dma_start3A_241 = tpu.memref_slice %arg2[%dma_start3A_239, %dma_start3A_240] : memref<10000x128xf32, #tpu.memory_space<hbm>> -> memref<10000x128xf32, #tpu.memory_space<hbm>>
      tpu.enqueue_indirect_dma source(%dma_start3A_241 : memref<10000x128xf32, #tpu.memory_space<hbm>>) target(%arg9 : memref<128x128xf32, #tpu.memory_space<vmem>>) offsets(%dma_start3A_238 : memref<128xi32, #tpu.memory_space<vmem>>) semaphore(%arg12 : memref<!tpu.dma_semaphore, #tpu.memory_space<semaphore_mem>>)
      %dma_wait3A_242 = arith.constant 0 : i32
      %dma_wait3A_243 = arith.constant 0 : i32
      %dma_wait3A_244 = arith.constant 0 : i32
      %dma_wait3A_245 = tpu.memref_slice %arg7[%dma_wait3A_242, %dma_wait3A_243, %dma_wait3A_244] : memref<2x16x128xi32, #tpu.memory_space<vmem>> -> memref<1x1x128xi32, #tpu.memory_space<vmem>>
      %dma_wait3A_246 = tpu.memref_squeeze %dma_wait3A_245 : memref<1x1x128xi32, #tpu.memory_space<vmem>> -> memref<128xi32, #tpu.memory_space<vmem>>
      %dma_wait3A_247 = arith.constant 0 : i32
      %dma_wait3A_248 = arith.constant 0 : i32
      %dma_wait3A_249 = tpu.memref_slice %arg2[%dma_wait3A_247, %dma_wait3A_248] : memref<10000x128xf32, #tpu.memory_space<hbm>> -> memref<10000x128xf32, #tpu.memory_space<hbm>>
      tpu.wait_indirect_dma semaphore(%arg13 : memref<!tpu.dma_semaphore, #tpu.memory_space<semaphore_mem>>) src(%dma_wait3A_249 : memref<10000x128xf32, #tpu.memory_space<hbm>>) dst(%arg10 : memref<128x128xf32, #tpu.memory_space<vmem>>)
      %run_scoped3A_250 = arith.constant 11 : i32
      "tpu.region"() ({
        %run_scoped3A_329 = tpu.sem_alloc : memref<!tpu.dma_semaphore, #tpu.memory_space<semaphore_mem>>
        %dma_start3A_330 = arith.constant 0 : i32
        %dma_start3A_331 = tpu.memref_slice %arg8[%rem3A_60, %run_scoped3A_250, %dma_start3A_330] : memref<2x16x128xi32, #tpu.memory_space<vmem>> -> memref<1x1x128xi32, #tpu.memory_space<vmem>>
        %dma_start3A_332 = tpu.memref_squeeze %dma_start3A_331 : memref<1x1x128xi32, #tpu.memory_space<vmem>> -> memref<128xi32, #tpu.memory_space<vmem>>
        %dma_start3A_333 = arith.constant 0 : i32
        %dma_start3A_334 = arith.constant 0 : i32
        %dma_start3A_335 = tpu.memref_slice %arg11[%dma_start3A_333, %dma_start3A_334] : memref<10112x128xf32, #tpu.memory_space<vmem_shared>> -> memref<10112x128xf32, #tpu.memory_space<vmem_shared>>
        tpu.enqueue_indirect_dma source(%arg10 : memref<128x128xf32, #tpu.memory_space<vmem>>) target(%dma_start3A_335 : memref<10112x128xf32, #tpu.memory_space<vmem_shared>>) offsets(%dma_start3A_332 : memref<128xi32, #tpu.memory_space<vmem>>) semaphore(%run_scoped3A_329 : memref<!tpu.dma_semaphore, #tpu.memory_space<semaphore_mem>>) {add = true}
        %dma_wait3A_336 = arith.constant 0 : i32
        %dma_wait3A_337 = tpu.memref_slice %arg8[%rem3A_60, %run_scoped3A_250, %dma_wait3A_336] : memref<2x16x128xi32, #tpu.memory_space<vmem>> -> memref<1x1x128xi32, #tpu.memory_space<vmem>>
        %dma_wait3A_338 = tpu.memref_squeeze %dma_wait3A_337 : memref<1x1x128xi32, #tpu.memory_space<vmem>> -> memref<128xi32, #tpu.memory_space<vmem>>
        %dma_wait3A_339 = arith.constant 0 : i32
        %dma_wait3A_340 = arith.constant 0 : i32
        %dma_wait3A_341 = tpu.memref_slice %arg11[%dma_wait3A_339, %dma_wait3A_340] : memref<10112x128xf32, #tpu.memory_space<vmem_shared>> -> memref<10112x128xf32, #tpu.memory_space<vmem_shared>>
        tpu.wait_indirect_dma semaphore(%run_scoped3A_329 : memref<!tpu.dma_semaphore, #tpu.memory_space<semaphore_mem>>) src(%arg10 : memref<128x128xf32, #tpu.memory_space<vmem>>) dst(%dma_wait3A_341 : memref<10112x128xf32, #tpu.memory_space<vmem_shared>>)
        tpu.yield
      }) : () -> ()
      %dma_start3A_251 = arith.constant 13 : i32
      %dma_start3A_252 = arith.constant 0 : i32
      %dma_start3A_253 = tpu.memref_slice %arg7[%rem3A_60, %dma_start3A_251, %dma_start3A_252] : memref<2x16x128xi32, #tpu.memory_space<vmem>> -> memref<1x1x128xi32, #tpu.memory_space<vmem>>
      %dma_start3A_254 = tpu.memref_squeeze %dma_start3A_253 : memref<1x1x128xi32, #tpu.memory_space<vmem>> -> memref<128xi32, #tpu.memory_space<vmem>>
      %dma_start3A_255 = arith.constant 0 : i32
      %dma_start3A_256 = arith.constant 0 : i32
      %dma_start3A_257 = tpu.memref_slice %arg2[%dma_start3A_255, %dma_start3A_256] : memref<10000x128xf32, #tpu.memory_space<hbm>> -> memref<10000x128xf32, #tpu.memory_space<hbm>>
      tpu.enqueue_indirect_dma source(%dma_start3A_257 : memref<10000x128xf32, #tpu.memory_space<hbm>>) target(%arg10 : memref<128x128xf32, #tpu.memory_space<vmem>>) offsets(%dma_start3A_254 : memref<128xi32, #tpu.memory_space<vmem>>) semaphore(%arg13 : memref<!tpu.dma_semaphore, #tpu.memory_space<semaphore_mem>>)
      %dma_wait3A_258 = arith.constant 0 : i32
      %dma_wait3A_259 = arith.constant 0 : i32
      %dma_wait3A_260 = arith.constant 0 : i32
      %dma_wait3A_261 = tpu.memref_slice %arg7[%dma_wait3A_258, %dma_wait3A_259, %dma_wait3A_260] : memref<2x16x128xi32, #tpu.memory_space<vmem>> -> memref<1x1x128xi32, #tpu.memory_space<vmem>>
      %dma_wait3A_262 = tpu.memref_squeeze %dma_wait3A_261 : memref<1x1x128xi32, #tpu.memory_space<vmem>> -> memref<128xi32, #tpu.memory_space<vmem>>
      %dma_wait3A_263 = arith.constant 0 : i32
      %dma_wait3A_264 = arith.constant 0 : i32
      %dma_wait3A_265 = tpu.memref_slice %arg2[%dma_wait3A_263, %dma_wait3A_264] : memref<10000x128xf32, #tpu.memory_space<hbm>> -> memref<10000x128xf32, #tpu.memory_space<hbm>>
      tpu.wait_indirect_dma semaphore(%arg12 : memref<!tpu.dma_semaphore, #tpu.memory_space<semaphore_mem>>) src(%dma_wait3A_265 : memref<10000x128xf32, #tpu.memory_space<hbm>>) dst(%arg9 : memref<128x128xf32, #tpu.memory_space<vmem>>)
      %run_scoped3A_266 = arith.constant 12 : i32
      "tpu.region"() ({
        %run_scoped3A_329 = tpu.sem_alloc : memref<!tpu.dma_semaphore, #tpu.memory_space<semaphore_mem>>
        %dma_start3A_330 = arith.constant 0 : i32
        %dma_start3A_331 = tpu.memref_slice %arg8[%rem3A_60, %run_scoped3A_266, %dma_start3A_330] : memref<2x16x128xi32, #tpu.memory_space<vmem>> -> memref<1x1x128xi32, #tpu.memory_space<vmem>>
        %dma_start3A_332 = tpu.memref_squeeze %dma_start3A_331 : memref<1x1x128xi32, #tpu.memory_space<vmem>> -> memref<128xi32, #tpu.memory_space<vmem>>
        %dma_start3A_333 = arith.constant 0 : i32
        %dma_start3A_334 = arith.constant 0 : i32
        %dma_start3A_335 = tpu.memref_slice %arg11[%dma_start3A_333, %dma_start3A_334] : memref<10112x128xf32, #tpu.memory_space<vmem_shared>> -> memref<10112x128xf32, #tpu.memory_space<vmem_shared>>
        tpu.enqueue_indirect_dma source(%arg9 : memref<128x128xf32, #tpu.memory_space<vmem>>) target(%dma_start3A_335 : memref<10112x128xf32, #tpu.memory_space<vmem_shared>>) offsets(%dma_start3A_332 : memref<128xi32, #tpu.memory_space<vmem>>) semaphore(%run_scoped3A_329 : memref<!tpu.dma_semaphore, #tpu.memory_space<semaphore_mem>>) {add = true}
        %dma_wait3A_336 = arith.constant 0 : i32
        %dma_wait3A_337 = tpu.memref_slice %arg8[%rem3A_60, %run_scoped3A_266, %dma_wait3A_336] : memref<2x16x128xi32, #tpu.memory_space<vmem>> -> memref<1x1x128xi32, #tpu.memory_space<vmem>>
        %dma_wait3A_338 = tpu.memref_squeeze %dma_wait3A_337 : memref<1x1x128xi32, #tpu.memory_space<vmem>> -> memref<128xi32, #tpu.memory_space<vmem>>
        %dma_wait3A_339 = arith.constant 0 : i32
        %dma_wait3A_340 = arith.constant 0 : i32
        %dma_wait3A_341 = tpu.memref_slice %arg11[%dma_wait3A_339, %dma_wait3A_340] : memref<10112x128xf32, #tpu.memory_space<vmem_shared>> -> memref<10112x128xf32, #tpu.memory_space<vmem_shared>>
        tpu.wait_indirect_dma semaphore(%run_scoped3A_329 : memref<!tpu.dma_semaphore, #tpu.memory_space<semaphore_mem>>) src(%arg9 : memref<128x128xf32, #tpu.memory_space<vmem>>) dst(%dma_wait3A_341 : memref<10112x128xf32, #tpu.memory_space<vmem_shared>>)
        tpu.yield
      }) : () -> ()
      %dma_start3A_267 = arith.constant 14 : i32
      %dma_start3A_268 = arith.constant 0 : i32
      %dma_start3A_269 = tpu.memref_slice %arg7[%rem3A_60, %dma_start3A_267, %dma_start3A_268] : memref<2x16x128xi32, #tpu.memory_space<vmem>> -> memref<1x1x128xi32, #tpu.memory_space<vmem>>
      %dma_start3A_270 = tpu.memref_squeeze %dma_start3A_269 : memref<1x1x128xi32, #tpu.memory_space<vmem>> -> memref<128xi32, #tpu.memory_space<vmem>>
      %dma_start3A_271 = arith.constant 0 : i32
      %dma_start3A_272 = arith.constant 0 : i32
      %dma_start3A_273 = tpu.memref_slice %arg2[%dma_start3A_271, %dma_start3A_272] : memref<10000x128xf32, #tpu.memory_space<hbm>> -> memref<10000x128xf32, #tpu.memory_space<hbm>>
      tpu.enqueue_indirect_dma source(%dma_start3A_273 : memref<10000x128xf32, #tpu.memory_space<hbm>>) target(%arg9 : memref<128x128xf32, #tpu.memory_space<vmem>>) offsets(%dma_start3A_270 : memref<128xi32, #tpu.memory_space<vmem>>) semaphore(%arg12 : memref<!tpu.dma_semaphore, #tpu.memory_space<semaphore_mem>>)
      %dma_wait3A_274 = arith.constant 0 : i32
      %dma_wait3A_275 = arith.constant 0 : i32
      %dma_wait3A_276 = arith.constant 0 : i32
      %dma_wait3A_277 = tpu.memref_slice %arg7[%dma_wait3A_274, %dma_wait3A_275, %dma_wait3A_276] : memref<2x16x128xi32, #tpu.memory_space<vmem>> -> memref<1x1x128xi32, #tpu.memory_space<vmem>>
      %dma_wait3A_278 = tpu.memref_squeeze %dma_wait3A_277 : memref<1x1x128xi32, #tpu.memory_space<vmem>> -> memref<128xi32, #tpu.memory_space<vmem>>
      %dma_wait3A_279 = arith.constant 0 : i32
      %dma_wait3A_280 = arith.constant 0 : i32
      %dma_wait3A_281 = tpu.memref_slice %arg2[%dma_wait3A_279, %dma_wait3A_280] : memref<10000x128xf32, #tpu.memory_space<hbm>> -> memref<10000x128xf32, #tpu.memory_space<hbm>>
      tpu.wait_indirect_dma semaphore(%arg13 : memref<!tpu.dma_semaphore, #tpu.memory_space<semaphore_mem>>) src(%dma_wait3A_281 : memref<10000x128xf32, #tpu.memory_space<hbm>>) dst(%arg10 : memref<128x128xf32, #tpu.memory_space<vmem>>)
      %run_scoped3A_282 = arith.constant 13 : i32
      "tpu.region"() ({
        %run_scoped3A_329 = tpu.sem_alloc : memref<!tpu.dma_semaphore, #tpu.memory_space<semaphore_mem>>
        %dma_start3A_330 = arith.constant 0 : i32
        %dma_start3A_331 = tpu.memref_slice %arg8[%rem3A_60, %run_scoped3A_282, %dma_start3A_330] : memref<2x16x128xi32, #tpu.memory_space<vmem>> -> memref<1x1x128xi32, #tpu.memory_space<vmem>>
        %dma_start3A_332 = tpu.memref_squeeze %dma_start3A_331 : memref<1x1x128xi32, #tpu.memory_space<vmem>> -> memref<128xi32, #tpu.memory_space<vmem>>
        %dma_start3A_333 = arith.constant 0 : i32
        %dma_start3A_334 = arith.constant 0 : i32
        %dma_start3A_335 = tpu.memref_slice %arg11[%dma_start3A_333, %dma_start3A_334] : memref<10112x128xf32, #tpu.memory_space<vmem_shared>> -> memref<10112x128xf32, #tpu.memory_space<vmem_shared>>
        tpu.enqueue_indirect_dma source(%arg10 : memref<128x128xf32, #tpu.memory_space<vmem>>) target(%dma_start3A_335 : memref<10112x128xf32, #tpu.memory_space<vmem_shared>>) offsets(%dma_start3A_332 : memref<128xi32, #tpu.memory_space<vmem>>) semaphore(%run_scoped3A_329 : memref<!tpu.dma_semaphore, #tpu.memory_space<semaphore_mem>>) {add = true}
        %dma_wait3A_336 = arith.constant 0 : i32
        %dma_wait3A_337 = tpu.memref_slice %arg8[%rem3A_60, %run_scoped3A_282, %dma_wait3A_336] : memref<2x16x128xi32, #tpu.memory_space<vmem>> -> memref<1x1x128xi32, #tpu.memory_space<vmem>>
        %dma_wait3A_338 = tpu.memref_squeeze %dma_wait3A_337 : memref<1x1x128xi32, #tpu.memory_space<vmem>> -> memref<128xi32, #tpu.memory_space<vmem>>
        %dma_wait3A_339 = arith.constant 0 : i32
        %dma_wait3A_340 = arith.constant 0 : i32
        %dma_wait3A_341 = tpu.memref_slice %arg11[%dma_wait3A_339, %dma_wait3A_340] : memref<10112x128xf32, #tpu.memory_space<vmem_shared>> -> memref<10112x128xf32, #tpu.memory_space<vmem_shared>>
        tpu.wait_indirect_dma semaphore(%run_scoped3A_329 : memref<!tpu.dma_semaphore, #tpu.memory_space<semaphore_mem>>) src(%arg10 : memref<128x128xf32, #tpu.memory_space<vmem>>) dst(%dma_wait3A_341 : memref<10112x128xf32, #tpu.memory_space<vmem_shared>>)
        tpu.yield
      }) : () -> ()
      %dma_start3A_283 = arith.constant 15 : i32
      %dma_start3A_284 = arith.constant 0 : i32
      %dma_start3A_285 = tpu.memref_slice %arg7[%rem3A_60, %dma_start3A_283, %dma_start3A_284] : memref<2x16x128xi32, #tpu.memory_space<vmem>> -> memref<1x1x128xi32, #tpu.memory_space<vmem>>
      %dma_start3A_286 = tpu.memref_squeeze %dma_start3A_285 : memref<1x1x128xi32, #tpu.memory_space<vmem>> -> memref<128xi32, #tpu.memory_space<vmem>>
      %dma_start3A_287 = arith.constant 0 : i32
      %dma_start3A_288 = arith.constant 0 : i32
      %dma_start3A_289 = tpu.memref_slice %arg2[%dma_start3A_287, %dma_start3A_288] : memref<10000x128xf32, #tpu.memory_space<hbm>> -> memref<10000x128xf32, #tpu.memory_space<hbm>>
      tpu.enqueue_indirect_dma source(%dma_start3A_289 : memref<10000x128xf32, #tpu.memory_space<hbm>>) target(%arg10 : memref<128x128xf32, #tpu.memory_space<vmem>>) offsets(%dma_start3A_286 : memref<128xi32, #tpu.memory_space<vmem>>) semaphore(%arg13 : memref<!tpu.dma_semaphore, #tpu.memory_space<semaphore_mem>>)
      %dma_wait3A_290 = arith.constant 0 : i32
      %dma_wait3A_291 = arith.constant 0 : i32
      %dma_wait3A_292 = arith.constant 0 : i32
      %dma_wait3A_293 = tpu.memref_slice %arg7[%dma_wait3A_290, %dma_wait3A_291, %dma_wait3A_292] : memref<2x16x128xi32, #tpu.memory_space<vmem>> -> memref<1x1x128xi32, #tpu.memory_space<vmem>>
      %dma_wait3A_294 = tpu.memref_squeeze %dma_wait3A_293 : memref<1x1x128xi32, #tpu.memory_space<vmem>> -> memref<128xi32, #tpu.memory_space<vmem>>
      %dma_wait3A_295 = arith.constant 0 : i32
      %dma_wait3A_296 = arith.constant 0 : i32
      %dma_wait3A_297 = tpu.memref_slice %arg2[%dma_wait3A_295, %dma_wait3A_296] : memref<10000x128xf32, #tpu.memory_space<hbm>> -> memref<10000x128xf32, #tpu.memory_space<hbm>>
      tpu.wait_indirect_dma semaphore(%arg12 : memref<!tpu.dma_semaphore, #tpu.memory_space<semaphore_mem>>) src(%dma_wait3A_297 : memref<10000x128xf32, #tpu.memory_space<hbm>>) dst(%arg9 : memref<128x128xf32, #tpu.memory_space<vmem>>)
      %run_scoped3A_298 = arith.constant 14 : i32
      "tpu.region"() ({
        %run_scoped3A_329 = tpu.sem_alloc : memref<!tpu.dma_semaphore, #tpu.memory_space<semaphore_mem>>
        %dma_start3A_330 = arith.constant 0 : i32
        %dma_start3A_331 = tpu.memref_slice %arg8[%rem3A_60, %run_scoped3A_298, %dma_start3A_330] : memref<2x16x128xi32, #tpu.memory_space<vmem>> -> memref<1x1x128xi32, #tpu.memory_space<vmem>>
        %dma_start3A_332 = tpu.memref_squeeze %dma_start3A_331 : memref<1x1x128xi32, #tpu.memory_space<vmem>> -> memref<128xi32, #tpu.memory_space<vmem>>
        %dma_start3A_333 = arith.constant 0 : i32
        %dma_start3A_334 = arith.constant 0 : i32
        %dma_start3A_335 = tpu.memref_slice %arg11[%dma_start3A_333, %dma_start3A_334] : memref<10112x128xf32, #tpu.memory_space<vmem_shared>> -> memref<10112x128xf32, #tpu.memory_space<vmem_shared>>
        tpu.enqueue_indirect_dma source(%arg9 : memref<128x128xf32, #tpu.memory_space<vmem>>) target(%dma_start3A_335 : memref<10112x128xf32, #tpu.memory_space<vmem_shared>>) offsets(%dma_start3A_332 : memref<128xi32, #tpu.memory_space<vmem>>) semaphore(%run_scoped3A_329 : memref<!tpu.dma_semaphore, #tpu.memory_space<semaphore_mem>>) {add = true}
        %dma_wait3A_336 = arith.constant 0 : i32
        %dma_wait3A_337 = tpu.memref_slice %arg8[%rem3A_60, %run_scoped3A_298, %dma_wait3A_336] : memref<2x16x128xi32, #tpu.memory_space<vmem>> -> memref<1x1x128xi32, #tpu.memory_space<vmem>>
        %dma_wait3A_338 = tpu.memref_squeeze %dma_wait3A_337 : memref<1x1x128xi32, #tpu.memory_space<vmem>> -> memref<128xi32, #tpu.memory_space<vmem>>
        %dma_wait3A_339 = arith.constant 0 : i32
        %dma_wait3A_340 = arith.constant 0 : i32
        %dma_wait3A_341 = tpu.memref_slice %arg11[%dma_wait3A_339, %dma_wait3A_340] : memref<10112x128xf32, #tpu.memory_space<vmem_shared>> -> memref<10112x128xf32, #tpu.memory_space<vmem_shared>>
        tpu.wait_indirect_dma semaphore(%run_scoped3A_329 : memref<!tpu.dma_semaphore, #tpu.memory_space<semaphore_mem>>) src(%arg9 : memref<128x128xf32, #tpu.memory_space<vmem>>) dst(%dma_wait3A_341 : memref<10112x128xf32, #tpu.memory_space<vmem_shared>>)
        tpu.yield
      }) : () -> ()
      %add3A_299 = arith.constant 1 : i32
      %add3A_300 = arith.addi %scan3A_59, %add3A_299 : i32
      %lt3A_301 = arith.constant 5 : i32
      %lt3A_302 = arith.cmpi slt, %add3A_300, %lt3A_301 : i32
      %convert_element_type3A_303 = arith.extui %lt3A_302 : i1 to i32
      %cond3A_304 = arith.constant 0 : i32
      %cond3A_305 = arith.cmpi ne, %convert_element_type3A_303, %cond3A_304 : i32
      scf.if %cond3A_305 {
        %dma_wait3A_329 = arith.constant 0 : i32
        %dma_wait3A_330 = arith.constant 0 : i32
        %dma_wait3A_331 = arith.constant 0 : i32
        %dma_wait3A_332 = tpu.memref_slice %arg7[%dma_wait3A_329, %dma_wait3A_330, %dma_wait3A_331] : memref<2x16x128xi32, #tpu.memory_space<vmem>> -> memref<1x16x128xi32, #tpu.memory_space<vmem>>
        %dma_wait3A_333 = tpu.memref_squeeze %dma_wait3A_332 : memref<1x16x128xi32, #tpu.memory_space<vmem>> -> memref<16x128xi32, #tpu.memory_space<vmem>>
        %dma_wait3A_334 = arith.constant 0 : i32
        %dma_wait3A_335 = arith.constant 0 : i32
        %dma_wait3A_336 = tpu.memref_slice %arg3[%add3A, %dma_wait3A_334, %dma_wait3A_335] : memref<32x80x128xi32, #tpu.memory_space<hbm>> -> memref<1x16x128xi32, #tpu.memory_space<hbm>>
        %dma_wait3A_337 = tpu.memref_squeeze %dma_wait3A_336 : memref<1x16x128xi32, #tpu.memory_space<hbm>> -> memref<16x128xi32, #tpu.memory_space<hbm>>
        %dma_wait3A_338 = arith.constant 0 : i32
        %dma_wait3A_339 = arith.constant 0 : i32
        %dma_wait3A_340 = tpu.memref_slice %arg7[%dma_wait3A_329, %dma_wait3A_338, %dma_wait3A_339] : memref<2x16x128xi32, #tpu.memory_space<vmem>> -> memref<1x16x128xi32, #tpu.memory_space<vmem>>
        %dma_wait3A_341 = tpu.memref_squeeze %dma_wait3A_340 : memref<1x16x128xi32, #tpu.memory_space<vmem>> -> memref<16x128xi32, #tpu.memory_space<vmem>>
        %dma_wait3A_342 = arith.constant 0 : i32
        %dma_wait3A_343 = arith.constant 0 : i32
        %dma_wait3A_344 = tpu.memref_slice %arg3[%add3A, %dma_wait3A_342, %dma_wait3A_343] : memref<32x80x128xi32, #tpu.memory_space<hbm>> -> memref<1x16x128xi32, #tpu.memory_space<hbm>>
        %dma_wait3A_345 = tpu.memref_squeeze %dma_wait3A_344 : memref<1x16x128xi32, #tpu.memory_space<hbm>> -> memref<16x128xi32, #tpu.memory_space<hbm>>
        tpu.wait_dma2 semaphore(%arg14 : memref<!tpu.dma_semaphore, #tpu.memory_space<semaphore_mem>>) src(%dma_wait3A_345 : memref<16x128xi32, #tpu.memory_space<hbm>>) dst(%dma_wait3A_341 : memref<16x128xi32, #tpu.memory_space<vmem>>)
        %dma_wait3A_346 = arith.constant 0 : i32
        %dma_wait3A_347 = arith.constant 0 : i32
        %dma_wait3A_348 = arith.constant 0 : i32
        %dma_wait3A_349 = tpu.memref_slice %arg8[%dma_wait3A_346, %dma_wait3A_347, %dma_wait3A_348] : memref<2x16x128xi32, #tpu.memory_space<vmem>> -> memref<1x16x128xi32, #tpu.memory_space<vmem>>
        %dma_wait3A_350 = tpu.memref_squeeze %dma_wait3A_349 : memref<1x16x128xi32, #tpu.memory_space<vmem>> -> memref<16x128xi32, #tpu.memory_space<vmem>>
        %dma_wait3A_351 = arith.constant 0 : i32
        %dma_wait3A_352 = arith.constant 0 : i32
        %dma_wait3A_353 = tpu.memref_slice %arg4[%add3A, %dma_wait3A_351, %dma_wait3A_352] : memref<32x80x128xi32, #tpu.memory_space<hbm>> -> memref<1x16x128xi32, #tpu.memory_space<hbm>>
        %dma_wait3A_354 = tpu.memref_squeeze %dma_wait3A_353 : memref<1x16x128xi32, #tpu.memory_space<hbm>> -> memref<16x128xi32, #tpu.memory_space<hbm>>
        %dma_wait3A_355 = arith.constant 0 : i32
        %dma_wait3A_356 = arith.constant 0 : i32
        %dma_wait3A_357 = tpu.memref_slice %arg8[%dma_wait3A_346, %dma_wait3A_355, %dma_wait3A_356] : memref<2x16x128xi32, #tpu.memory_space<vmem>> -> memref<1x16x128xi32, #tpu.memory_space<vmem>>
        %dma_wait3A_358 = tpu.memref_squeeze %dma_wait3A_357 : memref<1x16x128xi32, #tpu.memory_space<vmem>> -> memref<16x128xi32, #tpu.memory_space<vmem>>
        %dma_wait3A_359 = arith.constant 0 : i32
        %dma_wait3A_360 = arith.constant 0 : i32
        %dma_wait3A_361 = tpu.memref_slice %arg4[%add3A, %dma_wait3A_359, %dma_wait3A_360] : memref<32x80x128xi32, #tpu.memory_space<hbm>> -> memref<1x16x128xi32, #tpu.memory_space<hbm>>
        %dma_wait3A_362 = tpu.memref_squeeze %dma_wait3A_361 : memref<1x16x128xi32, #tpu.memory_space<hbm>> -> memref<16x128xi32, #tpu.memory_space<hbm>>
        tpu.wait_dma2 semaphore(%arg14 : memref<!tpu.dma_semaphore, #tpu.memory_space<semaphore_mem>>) src(%dma_wait3A_362 : memref<16x128xi32, #tpu.memory_space<hbm>>) dst(%dma_wait3A_358 : memref<16x128xi32, #tpu.memory_space<vmem>>)
      } else {
      }
      %add3A_306 = arith.constant 1 : i32
      %add3A_307 = arith.addi %scan3A_59, %add3A_306 : i32
      %lt3A_308 = arith.constant 5 : i32
      %lt3A_309 = arith.cmpi slt, %add3A_307, %lt3A_308 : i32
      %convert_element_type3A_310 = arith.extui %lt3A_309 : i1 to i32
      %cond3A_311 = arith.constant 0 : i32
      %cond3A_312 = arith.cmpi ne, %convert_element_type3A_310, %cond3A_311 : i32
      scf.if %cond3A_312 {
        %dma_start3A_329 = arith.constant 0 : i32
        %dma_start3A_330 = arith.constant 0 : i32
        %dma_start3A_331 = tpu.memref_slice %arg7[%sub3A_61, %dma_start3A_329, %dma_start3A_330] : memref<2x16x128xi32, #tpu.memory_space<vmem>> -> memref<1x1x128xi32, #tpu.memory_space<vmem>>
        %dma_start3A_332 = tpu.memref_squeeze %dma_start3A_331 : memref<1x1x128xi32, #tpu.memory_space<vmem>> -> memref<128xi32, #tpu.memory_space<vmem>>
        %dma_start3A_333 = arith.constant 0 : i32
        %dma_start3A_334 = arith.constant 0 : i32
        %dma_start3A_335 = tpu.memref_slice %arg2[%dma_start3A_333, %dma_start3A_334] : memref<10000x128xf32, #tpu.memory_space<hbm>> -> memref<10000x128xf32, #tpu.memory_space<hbm>>
        tpu.enqueue_indirect_dma source(%dma_start3A_335 : memref<10000x128xf32, #tpu.memory_space<hbm>>) target(%arg9 : memref<128x128xf32, #tpu.memory_space<vmem>>) offsets(%dma_start3A_332 : memref<128xi32, #tpu.memory_space<vmem>>) semaphore(%arg12 : memref<!tpu.dma_semaphore, #tpu.memory_space<semaphore_mem>>)
      } else {
      }
      %dma_wait3A_313 = arith.constant 0 : i32
      %dma_wait3A_314 = arith.constant 0 : i32
      %dma_wait3A_315 = arith.constant 0 : i32
      %dma_wait3A_316 = tpu.memref_slice %arg7[%dma_wait3A_313, %dma_wait3A_314, %dma_wait3A_315] : memref<2x16x128xi32, #tpu.memory_space<vmem>> -> memref<1x1x128xi32, #tpu.memory_space<vmem>>
      %dma_wait3A_317 = tpu.memref_squeeze %dma_wait3A_316 : memref<1x1x128xi32, #tpu.memory_space<vmem>> -> memref<128xi32, #tpu.memory_space<vmem>>
      %dma_wait3A_318 = arith.constant 0 : i32
      %dma_wait3A_319 = arith.constant 0 : i32
      %dma_wait3A_320 = tpu.memref_slice %arg2[%dma_wait3A_318, %dma_wait3A_319] : memref<10000x128xf32, #tpu.memory_space<hbm>> -> memref<10000x128xf32, #tpu.memory_space<hbm>>
      tpu.wait_indirect_dma semaphore(%arg13 : memref<!tpu.dma_semaphore, #tpu.memory_space<semaphore_mem>>) src(%dma_wait3A_320 : memref<10000x128xf32, #tpu.memory_space<hbm>>) dst(%arg10 : memref<128x128xf32, #tpu.memory_space<vmem>>)
      %run_scoped3A_321 = arith.constant 15 : i32
      "tpu.region"() ({
        %run_scoped3A_329 = tpu.sem_alloc : memref<!tpu.dma_semaphore, #tpu.memory_space<semaphore_mem>>
        %dma_start3A_330 = arith.constant 0 : i32
        %dma_start3A_331 = tpu.memref_slice %arg8[%rem3A_60, %run_scoped3A_321, %dma_start3A_330] : memref<2x16x128xi32, #tpu.memory_space<vmem>> -> memref<1x1x128xi32, #tpu.memory_space<vmem>>
        %dma_start3A_332 = tpu.memref_squeeze %dma_start3A_331 : memref<1x1x128xi32, #tpu.memory_space<vmem>> -> memref<128xi32, #tpu.memory_space<vmem>>
        %dma_start3A_333 = arith.constant 0 : i32
        %dma_start3A_334 = arith.constant 0 : i32
        %dma_start3A_335 = tpu.memref_slice %arg11[%dma_start3A_333, %dma_start3A_334] : memref<10112x128xf32, #tpu.memory_space<vmem_shared>> -> memref<10112x128xf32, #tpu.memory_space<vmem_shared>>
        tpu.enqueue_indirect_dma source(%arg10 : memref<128x128xf32, #tpu.memory_space<vmem>>) target(%dma_start3A_335 : memref<10112x128xf32, #tpu.memory_space<vmem_shared>>) offsets(%dma_start3A_332 : memref<128xi32, #tpu.memory_space<vmem>>) semaphore(%run_scoped3A_329 : memref<!tpu.dma_semaphore, #tpu.memory_space<semaphore_mem>>) {add = true}
        %dma_wait3A_336 = arith.constant 0 : i32
        %dma_wait3A_337 = tpu.memref_slice %arg8[%rem3A_60, %run_scoped3A_321, %dma_wait3A_336] : memref<2x16x128xi32, #tpu.memory_space<vmem>> -> memref<1x1x128xi32, #tpu.memory_space<vmem>>
        %dma_wait3A_338 = tpu.memref_squeeze %dma_wait3A_337 : memref<1x1x128xi32, #tpu.memory_space<vmem>> -> memref<128xi32, #tpu.memory_space<vmem>>
        %dma_wait3A_339 = arith.constant 0 : i32
        %dma_wait3A_340 = arith.constant 0 : i32
        %dma_wait3A_341 = tpu.memref_slice %arg11[%dma_wait3A_339, %dma_wait3A_340] : memref<10112x128xf32, #tpu.memory_space<vmem_shared>> -> memref<10112x128xf32, #tpu.memory_space<vmem_shared>>
        tpu.wait_indirect_dma semaphore(%run_scoped3A_329 : memref<!tpu.dma_semaphore, #tpu.memory_space<semaphore_mem>>) src(%arg10 : memref<128x128xf32, #tpu.memory_space<vmem>>) dst(%dma_wait3A_341 : memref<10112x128xf32, #tpu.memory_space<vmem_shared>>)
        tpu.yield
      }) : () -> ()
      %add3A_322 = arith.constant 1 : i32
      %add3A_323 = arith.addi %scan3A_59, %add3A_322 : i32
      %lt3A_324 = arith.constant 5 : i32
      %lt3A_325 = arith.cmpi slt, %add3A_323, %lt3A_324 : i32
      %convert_element_type3A_326 = arith.extui %lt3A_325 : i1 to i32
      %cond3A_327 = arith.constant 0 : i32
      %cond3A_328 = arith.cmpi ne, %convert_element_type3A_326, %cond3A_327 : i32
      scf.if %cond3A_328 {
        %dma_start3A_329 = arith.constant 1 : i32
        %dma_start3A_330 = arith.constant 0 : i32
        %dma_start3A_331 = tpu.memref_slice %arg7[%sub3A_61, %dma_start3A_329, %dma_start3A_330] : memref<2x16x128xi32, #tpu.memory_space<vmem>> -> memref<1x1x128xi32, #tpu.memory_space<vmem>>
        %dma_start3A_332 = tpu.memref_squeeze %dma_start3A_331 : memref<1x1x128xi32, #tpu.memory_space<vmem>> -> memref<128xi32, #tpu.memory_space<vmem>>
        %dma_start3A_333 = arith.constant 0 : i32
        %dma_start3A_334 = arith.constant 0 : i32
        %dma_start3A_335 = tpu.memref_slice %arg2[%dma_start3A_333, %dma_start3A_334] : memref<10000x128xf32, #tpu.memory_space<hbm>> -> memref<10000x128xf32, #tpu.memory_space<hbm>>
        tpu.enqueue_indirect_dma source(%dma_start3A_335 : memref<10000x128xf32, #tpu.memory_space<hbm>>) target(%arg10 : memref<128x128xf32, #tpu.memory_space<vmem>>) offsets(%dma_start3A_332 : memref<128xi32, #tpu.memory_space<vmem>>) semaphore(%arg13 : memref<!tpu.dma_semaphore, #tpu.memory_space<semaphore_mem>>)
      } else {
      }
    }
    %scan3A_57 = arith.constant 5 : i32
    %barrier3A_58 = arith.constant 0 : index
    tpu.barrier barrier_id(%barrier3A_58)
    "tpu.region"() ({
      %run_scoped3A_59 = tpu.sem_alloc : memref<!tpu.dma_semaphore, #tpu.memory_space<semaphore_mem>>
      %dma_start3A_60 = arith.constant 0 : i32
      %dma_start3A_61 = tpu.memref_slice %arg6[%arg0, %mul3A_0, %dma_start3A_60] : memref<2x10112x128xf32, #tpu.memory_space<hbm>> -> memref<1x632x128xf32, #tpu.memory_space<hbm>>
      %dma_start3A_62 = tpu.memref_squeeze %dma_start3A_61 : memref<1x632x128xf32, #tpu.memory_space<hbm>> -> memref<632x128xf32, #tpu.memory_space<hbm>>
      %dma_start3A_63 = arith.constant 0 : i32
      %dma_start3A_64 = tpu.memref_slice %arg11[%mul3A_0, %dma_start3A_63] : memref<10112x128xf32, #tpu.memory_space<vmem_shared>> -> memref<632x128xf32, #tpu.memory_space<vmem_shared>>
      tpu.enqueue_dma source(%dma_start3A_64 : memref<632x128xf32, #tpu.memory_space<vmem_shared>>) target(%dma_start3A_62 : memref<632x128xf32, #tpu.memory_space<hbm>>) target_semaphore(%run_scoped3A_59 : memref<!tpu.dma_semaphore, #tpu.memory_space<semaphore_mem>>)
      %dma_wait3A = arith.constant 0 : i32
      %dma_wait3A_65 = tpu.memref_slice %arg6[%arg0, %mul3A_0, %dma_wait3A] : memref<2x10112x128xf32, #tpu.memory_space<hbm>> -> memref<1x632x128xf32, #tpu.memory_space<hbm>>
      %dma_wait3A_66 = tpu.memref_squeeze %dma_wait3A_65 : memref<1x632x128xf32, #tpu.memory_space<hbm>> -> memref<632x128xf32, #tpu.memory_space<hbm>>
      %dma_wait3A_67 = arith.constant 0 : i32
      %dma_wait3A_68 = tpu.memref_slice %arg11[%mul3A_0, %dma_wait3A_67] : memref<10112x128xf32, #tpu.memory_space<vmem_shared>> -> memref<632x128xf32, #tpu.memory_space<vmem_shared>>
      tpu.wait_dma2 semaphore(%run_scoped3A_59 : memref<!tpu.dma_semaphore, #tpu.memory_space<semaphore_mem>>) src(%dma_wait3A_68 : memref<632x128xf32, #tpu.memory_space<vmem_shared>>) dst(%dma_wait3A_66 : memref<632x128xf32, #tpu.memory_space<hbm>>)
      tpu.yield
    }) : () -> ()
    return
  }
}

#map = affine_map<(d0, d1) -> (0, 0)>
#map1 = affine_map<(d0, d1) -> (0, 0, 0)>
module attributes {stable_mosaic.version = 14 : i64} {
  func.func @agg_kernel(%arg0: i32, %arg1: i32, %arg2: memref<10000x128xf32, #tpu.memory_space<hbm>>, %arg3: memref<32x80x128xi32, #tpu.memory_space<hbm>>, %arg4: memref<32x80x128xi32, #tpu.memory_space<hbm>>, %arg5: memref<10112x128xf32, #tpu.memory_space<hbm>>, %arg6: memref<2x10112x128xf32, #tpu.memory_space<hbm>>, %arg7: memref<2x16x128xi32, #tpu.memory_space<vmem>>, %arg8: memref<2x16x128xi32, #tpu.memory_space<vmem>>, %arg9: memref<128x128xf32, #tpu.memory_space<vmem>>, %arg10: memref<128x128xf32, #tpu.memory_space<vmem>>, %arg11: memref<10112x128xf32, #tpu.memory_space<vmem_shared>>, %arg12: memref<!tpu.dma_semaphore, #tpu.memory_space<semaphore_mem>>, %arg13: memref<!tpu.dma_semaphore, #tpu.memory_space<semaphore_mem>>, %arg14: memref<!tpu.dma_semaphore, #tpu.memory_space<semaphore_mem>>) attributes {dimension_semantics = [#tpu.dimension_semantics<core_parallel>, #tpu.dimension_semantics<subcore_parallel>], iteration_bounds = array<i64: 2, 16>, scalar_prefetch = 0 : i64, scratch_operands = 8 : i64, tpu.core_type = #tpu.core_type<sc_vector_subcore>, window_params = [{transform_indices = #map}, {transform_indices = #map1}, {transform_indices = #map1}, {transform_indices = #map}, {transform_indices = #map1}]} {
    %mul3A = arith.constant 632 : i32
    %mul3A_0 = arith.muli %arg1, %mul3A : i32
    "tpu.region"() ({
      %run_scoped3A_59 = tpu.sem_alloc : memref<!tpu.dma_semaphore, #tpu.memory_space<semaphore_mem>>
      %dma_start3A_60 = arith.constant 0 : i32
      %dma_start3A_61 = tpu.memref_slice %arg11[%mul3A_0, %dma_start3A_60] : memref<10112x128xf32, #tpu.memory_space<vmem_shared>> -> memref<632x128xf32, #tpu.memory_space<vmem_shared>>
      %dma_start3A_62 = arith.constant 0 : i32
      %dma_start3A_63 = tpu.memref_slice %arg5[%mul3A_0, %dma_start3A_62] : memref<10112x128xf32, #tpu.memory_space<hbm>> -> memref<632x128xf32, #tpu.memory_space<hbm>>
      tpu.enqueue_dma source(%dma_start3A_63 : memref<632x128xf32, #tpu.memory_space<hbm>>) target(%dma_start3A_61 : memref<632x128xf32, #tpu.memory_space<vmem_shared>>) target_semaphore(%run_scoped3A_59 : memref<!tpu.dma_semaphore, #tpu.memory_space<semaphore_mem>>)
      %dma_wait3A = arith.constant 0 : i32
      %dma_wait3A_64 = tpu.memref_slice %arg11[%mul3A_0, %dma_wait3A] : memref<10112x128xf32, #tpu.memory_space<vmem_shared>> -> memref<632x128xf32, #tpu.memory_space<vmem_shared>>
      %dma_wait3A_65 = arith.constant 0 : i32
      %dma_wait3A_66 = tpu.memref_slice %arg5[%mul3A_0, %dma_wait3A_65] : memref<10112x128xf32, #tpu.memory_space<hbm>> -> memref<632x128xf32, #tpu.memory_space<hbm>>
      tpu.wait_dma2 semaphore(%run_scoped3A_59 : memref<!tpu.dma_semaphore, #tpu.memory_space<semaphore_mem>>) src(%dma_wait3A_66 : memref<632x128xf32, #tpu.memory_space<hbm>>) dst(%dma_wait3A_64 : memref<632x128xf32, #tpu.memory_space<vmem_shared>>)
      tpu.yield
    }) : () -> ()
    %barrier3A = arith.constant 0 : index
    tpu.barrier barrier_id(%barrier3A)
    %mul3A_1 = arith.constant 2 : i32
    %mul3A_2 = arith.muli %arg1, %mul3A_1 : i32
    %add3A = arith.addi %mul3A_2, %arg0 : i32
    %run_scoped3A = arith.constant 0 : i32
    "tpu.region"() ({
      %run_scoped3A_59 = tpu.sem_alloc : memref<!tpu.dma_semaphore, #tpu.memory_space<semaphore_mem>>
      %dma_start3A_60 = arith.constant 0 : i32
      %dma_start3A_61 = arith.constant 0 : i32
      %dma_start3A_62 = tpu.memref_slice %arg7[%run_scoped3A, %dma_start3A_60, %dma_start3A_61] : memref<2x16x128xi32, #tpu.memory_space<vmem>> -> memref<1x16x128xi32, #tpu.memory_space<vmem>>
      %dma_start3A_63 = tpu.memref_squeeze %dma_start3A_62 : memref<1x16x128xi32, #tpu.memory_space<vmem>> -> memref<16x128xi32, #tpu.memory_space<vmem>>
      %dma_start3A_64 = arith.constant 0 : i32
      %dma_start3A_65 = arith.constant 0 : i32
      %dma_start3A_66 = tpu.memref_slice %arg3[%add3A, %dma_start3A_64, %dma_start3A_65] : memref<32x80x128xi32, #tpu.memory_space<hbm>> -> memref<1x16x128xi32, #tpu.memory_space<hbm>>
      %dma_start3A_67 = tpu.memref_squeeze %dma_start3A_66 : memref<1x16x128xi32, #tpu.memory_space<hbm>> -> memref<16x128xi32, #tpu.memory_space<hbm>>
      %dma_start3A_68 = arith.constant 0 : i32
      %dma_start3A_69 = arith.constant 0 : i32
      %dma_start3A_70 = tpu.memref_slice %arg7[%run_scoped3A, %dma_start3A_68, %dma_start3A_69] : memref<2x16x128xi32, #tpu.memory_space<vmem>> -> memref<1x16x128xi32, #tpu.memory_space<vmem>>
      %dma_start3A_71 = tpu.memref_squeeze %dma_start3A_70 : memref<1x16x128xi32, #tpu.memory_space<vmem>> -> memref<16x128xi32, #tpu.memory_space<vmem>>
      %dma_start3A_72 = arith.constant 0 : i32
      %dma_start3A_73 = arith.constant 0 : i32
      %dma_start3A_74 = tpu.memref_slice %arg3[%add3A, %dma_start3A_72, %dma_start3A_73] : memref<32x80x128xi32, #tpu.memory_space<hbm>> -> memref<1x16x128xi32, #tpu.memory_space<hbm>>
      %dma_start3A_75 = tpu.memref_squeeze %dma_start3A_74 : memref<1x16x128xi32, #tpu.memory_space<hbm>> -> memref<16x128xi32, #tpu.memory_space<hbm>>
      tpu.enqueue_dma source(%dma_start3A_75 : memref<16x128xi32, #tpu.memory_space<hbm>>) target(%dma_start3A_71 : memref<16x128xi32, #tpu.memory_space<vmem>>) target_semaphore(%run_scoped3A_59 : memref<!tpu.dma_semaphore, #tpu.memory_space<semaphore_mem>>)
      %dma_wait3A = arith.constant 0 : i32
      %dma_wait3A_76 = arith.constant 0 : i32
      %dma_wait3A_77 = tpu.memref_slice %arg7[%run_scoped3A, %dma_wait3A, %dma_wait3A_76] : memref<2x16x128xi32, #tpu.memory_space<vmem>> -> memref<1x16x128xi32, #tpu.memory_space<vmem>>
      %dma_wait3A_78 = tpu.memref_squeeze %dma_wait3A_77 : memref<1x16x128xi32, #tpu.memory_space<vmem>> -> memref<16x128xi32, #tpu.memory_space<vmem>>
      %dma_wait3A_79 = arith.constant 0 : i32
      %dma_wait3A_80 = arith.constant 0 : i32
      %dma_wait3A_81 = tpu.memref_slice %arg3[%add3A, %dma_wait3A_79, %dma_wait3A_80] : memref<32x80x128xi32, #tpu.memory_space<hbm>> -> memref<1x16x128xi32, #tpu.memory_space<hbm>>
      %dma_wait3A_82 = tpu.memref_squeeze %dma_wait3A_81 : memref<1x16x128xi32, #tpu.memory_space<hbm>> -> memref<16x128xi32, #tpu.memory_space<hbm>>
      %dma_wait3A_83 = arith.constant 0 : i32
      %dma_wait3A_84 = arith.constant 0 : i32
      %dma_wait3A_85 = tpu.memref_slice %arg7[%run_scoped3A, %dma_wait3A_83, %dma_wait3A_84] : memref<2x16x128xi32, #tpu.memory_space<vmem>> -> memref<1x16x128xi32, #tpu.memory_space<vmem>>
      %dma_wait3A_86 = tpu.memref_squeeze %dma_wait3A_85 : memref<1x16x128xi32, #tpu.memory_space<vmem>> -> memref<16x128xi32, #tpu.memory_space<vmem>>
      %dma_wait3A_87 = arith.constant 0 : i32
      %dma_wait3A_88 = arith.constant 0 : i32
      %dma_wait3A_89 = tpu.memref_slice %arg3[%add3A, %dma_wait3A_87, %dma_wait3A_88] : memref<32x80x128xi32, #tpu.memory_space<hbm>> -> memref<1x16x128xi32, #tpu.memory_space<hbm>>
      %dma_wait3A_90 = tpu.memref_squeeze %dma_wait3A_89 : memref<1x16x128xi32, #tpu.memory_space<hbm>> -> memref<16x128xi32, #tpu.memory_space<hbm>>
      tpu.wait_dma2 semaphore(%run_scoped3A_59 : memref<!tpu.dma_semaphore, #tpu.memory_space<semaphore_mem>>) src(%dma_wait3A_90 : memref<16x128xi32, #tpu.memory_space<hbm>>) dst(%dma_wait3A_86 : memref<16x128xi32, #tpu.memory_space<vmem>>)
      tpu.yield
    }) : () -> ()
    %run_scoped3A_3 = arith.constant 0 : i32
    "tpu.region"() ({
      %run_scoped3A_59 = tpu.sem_alloc : memref<!tpu.dma_semaphore, #tpu.memory_space<semaphore_mem>>
      %dma_start3A_60 = arith.constant 0 : i32
      %dma_start3A_61 = arith.constant 0 : i32
      %dma_start3A_62 = tpu.memref_slice %arg8[%run_scoped3A_3, %dma_start3A_60, %dma_start3A_61] : memref<2x16x128xi32, #tpu.memory_space<vmem>> -> memref<1x16x128xi32, #tpu.memory_space<vmem>>
      %dma_start3A_63 = tpu.memref_squeeze %dma_start3A_62 : memref<1x16x128xi32, #tpu.memory_space<vmem>> -> memref<16x128xi32, #tpu.memory_space<vmem>>
      %dma_start3A_64 = arith.constant 0 : i32
      %dma_start3A_65 = arith.constant 0 : i32
      %dma_start3A_66 = tpu.memref_slice %arg4[%add3A, %dma_start3A_64, %dma_start3A_65] : memref<32x80x128xi32, #tpu.memory_space<hbm>> -> memref<1x16x128xi32, #tpu.memory_space<hbm>>
      %dma_start3A_67 = tpu.memref_squeeze %dma_start3A_66 : memref<1x16x128xi32, #tpu.memory_space<hbm>> -> memref<16x128xi32, #tpu.memory_space<hbm>>
      %dma_start3A_68 = arith.constant 0 : i32
      %dma_start3A_69 = arith.constant 0 : i32
      %dma_start3A_70 = tpu.memref_slice %arg8[%run_scoped3A_3, %dma_start3A_68, %dma_start3A_69] : memref<2x16x128xi32, #tpu.memory_space<vmem>> -> memref<1x16x128xi32, #tpu.memory_space<vmem>>
      %dma_start3A_71 = tpu.memref_squeeze %dma_start3A_70 : memref<1x16x128xi32, #tpu.memory_space<vmem>> -> memref<16x128xi32, #tpu.memory_space<vmem>>
      %dma_start3A_72 = arith.constant 0 : i32
      %dma_start3A_73 = arith.constant 0 : i32
      %dma_start3A_74 = tpu.memref_slice %arg4[%add3A, %dma_start3A_72, %dma_start3A_73] : memref<32x80x128xi32, #tpu.memory_space<hbm>> -> memref<1x16x128xi32, #tpu.memory_space<hbm>>
      %dma_start3A_75 = tpu.memref_squeeze %dma_start3A_74 : memref<1x16x128xi32, #tpu.memory_space<hbm>> -> memref<16x128xi32, #tpu.memory_space<hbm>>
      tpu.enqueue_dma source(%dma_start3A_75 : memref<16x128xi32, #tpu.memory_space<hbm>>) target(%dma_start3A_71 : memref<16x128xi32, #tpu.memory_space<vmem>>) target_semaphore(%run_scoped3A_59 : memref<!tpu.dma_semaphore, #tpu.memory_space<semaphore_mem>>)
      %dma_wait3A = arith.constant 0 : i32
      %dma_wait3A_76 = arith.constant 0 : i32
      %dma_wait3A_77 = tpu.memref_slice %arg8[%run_scoped3A_3, %dma_wait3A, %dma_wait3A_76] : memref<2x16x128xi32, #tpu.memory_space<vmem>> -> memref<1x16x128xi32, #tpu.memory_space<vmem>>
      %dma_wait3A_78 = tpu.memref_squeeze %dma_wait3A_77 : memref<1x16x128xi32, #tpu.memory_space<vmem>> -> memref<16x128xi32, #tpu.memory_space<vmem>>
      %dma_wait3A_79 = arith.constant 0 : i32
      %dma_wait3A_80 = arith.constant 0 : i32
      %dma_wait3A_81 = tpu.memref_slice %arg4[%add3A, %dma_wait3A_79, %dma_wait3A_80] : memref<32x80x128xi32, #tpu.memory_space<hbm>> -> memref<1x16x128xi32, #tpu.memory_space<hbm>>
      %dma_wait3A_82 = tpu.memref_squeeze %dma_wait3A_81 : memref<1x16x128xi32, #tpu.memory_space<hbm>> -> memref<16x128xi32, #tpu.memory_space<hbm>>
      %dma_wait3A_83 = arith.constant 0 : i32
      %dma_wait3A_84 = arith.constant 0 : i32
      %dma_wait3A_85 = tpu.memref_slice %arg8[%run_scoped3A_3, %dma_wait3A_83, %dma_wait3A_84] : memref<2x16x128xi32, #tpu.memory_space<vmem>> -> memref<1x16x128xi32, #tpu.memory_space<vmem>>
      %dma_wait3A_86 = tpu.memref_squeeze %dma_wait3A_85 : memref<1x16x128xi32, #tpu.memory_space<vmem>> -> memref<16x128xi32, #tpu.memory_space<vmem>>
      %dma_wait3A_87 = arith.constant 0 : i32
      %dma_wait3A_88 = arith.constant 0 : i32
      %dma_wait3A_89 = tpu.memref_slice %arg4[%add3A, %dma_wait3A_87, %dma_wait3A_88] : memref<32x80x128xi32, #tpu.memory_space<hbm>> -> memref<1x16x128xi32, #tpu.memory_space<hbm>>
      %dma_wait3A_90 = tpu.memref_squeeze %dma_wait3A_89 : memref<1x16x128xi32, #tpu.memory_space<hbm>> -> memref<16x128xi32, #tpu.memory_space<hbm>>
      tpu.wait_dma2 semaphore(%run_scoped3A_59 : memref<!tpu.dma_semaphore, #tpu.memory_space<semaphore_mem>>) src(%dma_wait3A_90 : memref<16x128xi32, #tpu.memory_space<hbm>>) dst(%dma_wait3A_86 : memref<16x128xi32, #tpu.memory_space<vmem>>)
      tpu.yield
    }) : () -> ()
    %dma_start3A = arith.constant 1 : i32
    %dma_start3A_4 = arith.constant 0 : i32
    %dma_start3A_5 = arith.constant 0 : i32
    %dma_start3A_6 = tpu.memref_slice %arg7[%dma_start3A, %dma_start3A_4, %dma_start3A_5] : memref<2x16x128xi32, #tpu.memory_space<vmem>> -> memref<1x16x128xi32, #tpu.memory_space<vmem>>
    %dma_start3A_7 = tpu.memref_squeeze %dma_start3A_6 : memref<1x16x128xi32, #tpu.memory_space<vmem>> -> memref<16x128xi32, #tpu.memory_space<vmem>>
    %dma_start3A_8 = arith.constant 16 : i32
    %dma_start3A_9 = arith.constant 0 : i32
    %dma_start3A_10 = tpu.memref_slice %arg3[%add3A, %dma_start3A_8, %dma_start3A_9] : memref<32x80x128xi32, #tpu.memory_space<hbm>> -> memref<1x16x128xi32, #tpu.memory_space<hbm>>
    %dma_start3A_11 = tpu.memref_squeeze %dma_start3A_10 : memref<1x16x128xi32, #tpu.memory_space<hbm>> -> memref<16x128xi32, #tpu.memory_space<hbm>>
    %dma_start3A_12 = arith.constant 0 : i32
    %dma_start3A_13 = arith.constant 0 : i32
    %dma_start3A_14 = tpu.memref_slice %arg7[%dma_start3A, %dma_start3A_12, %dma_start3A_13] : memref<2x16x128xi32, #tpu.memory_space<vmem>> -> memref<1x16x128xi32, #tpu.memory_space<vmem>>
    %dma_start3A_15 = tpu.memref_squeeze %dma_start3A_14 : memref<1x16x128xi32, #tpu.memory_space<vmem>> -> memref<16x128xi32, #tpu.memory_space<vmem>>
    %dma_start3A_16 = arith.constant 16 : i32
    %dma_start3A_17 = arith.constant 0 : i32
    %dma_start3A_18 = tpu.memref_slice %arg3[%add3A, %dma_start3A_16, %dma_start3A_17] : memref<32x80x128xi32, #tpu.memory_space<hbm>> -> memref<1x16x128xi32, #tpu.memory_space<hbm>>
    %dma_start3A_19 = tpu.memref_squeeze %dma_start3A_18 : memref<1x16x128xi32, #tpu.memory_space<hbm>> -> memref<16x128xi32, #tpu.memory_space<hbm>>
    tpu.enqueue_dma source(%dma_start3A_19 : memref<16x128xi32, #tpu.memory_space<hbm>>) target(%dma_start3A_15 : memref<16x128xi32, #tpu.memory_space<vmem>>) target_semaphore(%arg14 : memref<!tpu.dma_semaphore, #tpu.memory_space<semaphore_mem>>)
    %dma_start3A_20 = arith.constant 1 : i32
    %dma_start3A_21 = arith.constant 0 : i32
    %dma_start3A_22 = arith.constant 0 : i32
    %dma_start3A_23 = tpu.memref_slice %arg8[%dma_start3A_20, %dma_start3A_21, %dma_start3A_22] : memref<2x16x128xi32, #tpu.memory_space<vmem>> -> memref<1x16x128xi32, #tpu.memory_space<vmem>>
    %dma_start3A_24 = tpu.memref_squeeze %dma_start3A_23 : memref<1x16x128xi32, #tpu.memory_space<vmem>> -> memref<16x128xi32, #tpu.memory_space<vmem>>
    %dma_start3A_25 = arith.constant 16 : i32
    %dma_start3A_26 = arith.constant 0 : i32
    %dma_start3A_27 = tpu.memref_slice %arg4[%add3A, %dma_start3A_25, %dma_start3A_26] : memref<32x80x128xi32, #tpu.memory_space<hbm>> -> memref<1x16x128xi32, #tpu.memory_space<hbm>>
    %dma_start3A_28 = tpu.memref_squeeze %dma_start3A_27 : memref<1x16x128xi32, #tpu.memory_space<hbm>> -> memref<16x128xi32, #tpu.memory_space<hbm>>
    %dma_start3A_29 = arith.constant 0 : i32
    %dma_start3A_30 = arith.constant 0 : i32
    %dma_start3A_31 = tpu.memref_slice %arg8[%dma_start3A_20, %dma_start3A_29, %dma_start3A_30] : memref<2x16x128xi32, #tpu.memory_space<vmem>> -> memref<1x16x128xi32, #tpu.memory_space<vmem>>
    %dma_start3A_32 = tpu.memref_squeeze %dma_start3A_31 : memref<1x16x128xi32, #tpu.memory_space<vmem>> -> memref<16x128xi32, #tpu.memory_space<vmem>>
    %dma_start3A_33 = arith.constant 16 : i32
    %dma_start3A_34 = arith.constant 0 : i32
    %dma_start3A_35 = tpu.memref_slice %arg4[%add3A, %dma_start3A_33, %dma_start3A_34] : memref<32x80x128xi32, #tpu.memory_space<hbm>> -> memref<1x16x128xi32, #tpu.memory_space<hbm>>
    %dma_start3A_36 = tpu.memref_squeeze %dma_start3A_35 : memref<1x16x128xi32, #tpu.memory_space<hbm>> -> memref<16x128xi32, #tpu.memory_space<hbm>>
    tpu.enqueue_dma source(%dma_start3A_36 : memref<16x128xi32, #tpu.memory_space<hbm>>) target(%dma_start3A_32 : memref<16x128xi32, #tpu.memory_space<vmem>>) target_semaphore(%arg14 : memref<!tpu.dma_semaphore, #tpu.memory_space<semaphore_mem>>)
    %dma_start3A_37 = arith.constant 0 : i32
    %dma_start3A_38 = arith.constant 0 : i32
    %dma_start3A_39 = arith.constant 0 : i32
    %dma_start3A_40 = tpu.memref_slice %arg7[%dma_start3A_37, %dma_start3A_38, %dma_start3A_39] : memref<2x16x128xi32, #tpu.memory_space<vmem>> -> memref<1x1x128xi32, #tpu.memory_space<vmem>>
    %dma_start3A_41 = tpu.memref_squeeze %dma_start3A_40 : memref<1x1x128xi32, #tpu.memory_space<vmem>> -> memref<128xi32, #tpu.memory_space<vmem>>
    %dma_start3A_42 = arith.constant 0 : i32
    %dma_start3A_43 = arith.constant 0 : i32
    %dma_start3A_44 = tpu.memref_slice %arg2[%dma_start3A_42, %dma_start3A_43] : memref<10000x128xf32, #tpu.memory_space<hbm>> -> memref<10000x128xf32, #tpu.memory_space<hbm>>
    tpu.enqueue_indirect_dma source(%dma_start3A_44 : memref<10000x128xf32, #tpu.memory_space<hbm>>) target(%arg9 : memref<128x128xf32, #tpu.memory_space<vmem>>) offsets(%dma_start3A_41 : memref<128xi32, #tpu.memory_space<vmem>>) semaphore(%arg12 : memref<!tpu.dma_semaphore, #tpu.memory_space<semaphore_mem>>)
    %dma_start3A_45 = arith.constant 0 : i32
    %dma_start3A_46 = arith.constant 1 : i32
    %dma_start3A_47 = arith.constant 0 : i32
    %dma_start3A_48 = tpu.memref_slice %arg7[%dma_start3A_45, %dma_start3A_46, %dma_start3A_47] : memref<2x16x128xi32, #tpu.memory_space<vmem>> -> memref<1x1x128xi32, #tpu.memory_space<vmem>>
    %dma_start3A_49 = tpu.memref_squeeze %dma_start3A_48 : memref<1x1x128xi32, #tpu.memory_space<vmem>> -> memref<128xi32, #tpu.memory_space<vmem>>
    %dma_start3A_50 = arith.constant 0 : i32
    %dma_start3A_51 = arith.constant 0 : i32
    %dma_start3A_52 = tpu.memref_slice %arg2[%dma_start3A_50, %dma_start3A_51] : memref<10000x128xf32, #tpu.memory_space<hbm>> -> memref<10000x128xf32, #tpu.memory_space<hbm>>
    tpu.enqueue_indirect_dma source(%dma_start3A_52 : memref<10000x128xf32, #tpu.memory_space<hbm>>) target(%arg10 : memref<128x128xf32, #tpu.memory_space<vmem>>) offsets(%dma_start3A_49 : memref<128xi32, #tpu.memory_space<vmem>>) semaphore(%arg13 : memref<!tpu.dma_semaphore, #tpu.memory_space<semaphore_mem>>)
    %scan3A = arith.constant 0 : i32
    %scan3A_53 = arith.constant 0 : i32
    %scan3A_54 = arith.constant 5 : i32
    %scan3A_55 = arith.addi %scan3A_53, %scan3A_54 : i32
    %scan3A_56 = arith.constant 1 : i32
    scf.for %scan3A_59 = %scan3A_53 to %scan3A_55 step %scan3A_56  : i32 {
      %rem3A = arith.constant 2 : i32
      %rem3A_60 = arith.remsi %scan3A_59, %rem3A : i32
      %sub3A = arith.constant 1 : i32
      %sub3A_61 = arith.subi %sub3A, %rem3A_60 : i32
      %gt3A = arith.constant 0 : i32
      %gt3A_62 = arith.cmpi sgt, %scan3A_59, %gt3A : i32
      %add3A_63 = arith.constant 1 : i32
      %add3A_64 = arith.addi %scan3A_59, %add3A_63 : i32
      %lt3A = arith.constant 5 : i32
      %lt3A_65 = arith.cmpi slt, %add3A_64, %lt3A : i32
      %and3A = arith.andi %gt3A_62, %lt3A_65 : i1
      %convert_element_type3A = arith.extui %and3A : i1 to i32
      %cond3A = arith.constant 0 : i32
      %cond3A_66 = arith.cmpi ne, %convert_element_type3A, %cond3A : i32
      scf.if %cond3A_66 {
        %add3A_329 = arith.constant 1 : i32
        %add3A_330 = arith.addi %scan3A_59, %add3A_329 : i32
        %mul3A_331 = arith.constant 16 : i32
        %mul3A_332 = arith.muli %add3A_330, %mul3A_331 : i32
        %dma_start3A_333 = arith.constant 0 : i32
        %dma_start3A_334 = arith.constant 0 : i32
        %dma_start3A_335 = tpu.memref_slice %arg7[%sub3A_61, %dma_start3A_333, %dma_start3A_334] : memref<2x16x128xi32, #tpu.memory_space<vmem>> -> memref<1x16x128xi32, #tpu.memory_space<vmem>>
        %dma_start3A_336 = tpu.memref_squeeze %dma_start3A_335 : memref<1x16x128xi32, #tpu.memory_space<vmem>> -> memref<16x128xi32, #tpu.memory_space<vmem>>
        %dma_start3A_337 = arith.constant 0 : i32
        %dma_start3A_338 = tpu.memref_slice %arg3[%add3A, %mul3A_332, %dma_start3A_337] : memref<32x80x128xi32, #tpu.memory_space<hbm>> -> memref<1x16x128xi32, #tpu.memory_space<hbm>>
        %dma_start3A_339 = tpu.memref_squeeze %dma_start3A_338 : memref<1x16x128xi32, #tpu.memory_space<hbm>> -> memref<16x128xi32, #tpu.memory_space<hbm>>
        %dma_start3A_340 = arith.constant 0 : i32
        %dma_start3A_341 = arith.constant 0 : i32
        %dma_start3A_342 = tpu.memref_slice %arg7[%sub3A_61, %dma_start3A_340, %dma_start3A_341] : memref<2x16x128xi32, #tpu.memory_space<vmem>> -> memref<1x16x128xi32, #tpu.memory_space<vmem>>
        %dma_start3A_343 = tpu.memref_squeeze %dma_start3A_342 : memref<1x16x128xi32, #tpu.memory_space<vmem>> -> memref<16x128xi32, #tpu.memory_space<vmem>>
        %dma_start3A_344 = arith.constant 0 : i32
        %dma_start3A_345 = tpu.memref_slice %arg3[%add3A, %mul3A_332, %dma_start3A_344] : memref<32x80x128xi32, #tpu.memory_space<hbm>> -> memref<1x16x128xi32, #tpu.memory_space<hbm>>
        %dma_start3A_346 = tpu.memref_squeeze %dma_start3A_345 : memref<1x16x128xi32, #tpu.memory_space<hbm>> -> memref<16x128xi32, #tpu.memory_space<hbm>>
        tpu.enqueue_dma source(%dma_start3A_346 : memref<16x128xi32, #tpu.memory_space<hbm>>) target(%dma_start3A_343 : memref<16x128xi32, #tpu.memory_space<vmem>>) target_semaphore(%arg14 : memref<!tpu.dma_semaphore, #tpu.memory_space<semaphore_mem>>)
        %dma_start3A_347 = arith.constant 0 : i32
        %dma_start3A_348 = arith.constant 0 : i32
        %dma_start3A_349 = tpu.memref_slice %arg8[%sub3A_61, %dma_start3A_347, %dma_start3A_348] : memref<2x16x128xi32, #tpu.memory_space<vmem>> -> memref<1x16x128xi32, #tpu.memory_space<vmem>>
        %dma_start3A_350 = tpu.memref_squeeze %dma_start3A_349 : memref<1x16x128xi32, #tpu.memory_space<vmem>> -> memref<16x128xi32, #tpu.memory_space<vmem>>
        %dma_start3A_351 = arith.constant 0 : i32
        %dma_start3A_352 = tpu.memref_slice %arg4[%add3A, %mul3A_332, %dma_start3A_351] : memref<32x80x128xi32, #tpu.memory_space<hbm>> -> memref<1x16x128xi32, #tpu.memory_space<hbm>>
        %dma_start3A_353 = tpu.memref_squeeze %dma_start3A_352 : memref<1x16x128xi32, #tpu.memory_space<hbm>> -> memref<16x128xi32, #tpu.memory_space<hbm>>
        %dma_start3A_354 = arith.constant 0 : i32
        %dma_start3A_355 = arith.constant 0 : i32
        %dma_start3A_356 = tpu.memref_slice %arg8[%sub3A_61, %dma_start3A_354, %dma_start3A_355] : memref<2x16x128xi32, #tpu.memory_space<vmem>> -> memref<1x16x128xi32, #tpu.memory_space<vmem>>
        %dma_start3A_357 = tpu.memref_squeeze %dma_start3A_356 : memref<1x16x128xi32, #tpu.memory_space<vmem>> -> memref<16x128xi32, #tpu.memory_space<vmem>>
        %dma_start3A_358 = arith.constant 0 : i32
        %dma_start3A_359 = tpu.memref_slice %arg4[%add3A, %mul3A_332, %dma_start3A_358] : memref<32x80x128xi32, #tpu.memory_space<hbm>> -> memref<1x16x128xi32, #tpu.memory_space<hbm>>
        %dma_start3A_360 = tpu.memref_squeeze %dma_start3A_359 : memref<1x16x128xi32, #tpu.memory_space<hbm>> -> memref<16x128xi32, #tpu.memory_space<hbm>>
        tpu.enqueue_dma source(%dma_start3A_360 : memref<16x128xi32, #tpu.memory_space<hbm>>) target(%dma_start3A_357 : memref<16x128xi32, #tpu.memory_space<vmem>>) target_semaphore(%arg14 : memref<!tpu.dma_semaphore, #tpu.memory_space<semaphore_mem>>)
      } else {
      }
      %dma_wait3A = arith.constant 0 : i32
      %dma_wait3A_67 = arith.constant 0 : i32
      %dma_wait3A_68 = arith.constant 0 : i32
      %dma_wait3A_69 = tpu.memref_slice %arg7[%dma_wait3A, %dma_wait3A_67, %dma_wait3A_68] : memref<2x16x128xi32, #tpu.memory_space<vmem>> -> memref<1x1x128xi32, #tpu.memory_space<vmem>>
      %dma_wait3A_70 = tpu.memref_squeeze %dma_wait3A_69 : memref<1x1x128xi32, #tpu.memory_space<vmem>> -> memref<128xi32, #tpu.memory_space<vmem>>
      %dma_wait3A_71 = arith.constant 0 : i32
      %dma_wait3A_72 = arith.constant 0 : i32
      %dma_wait3A_73 = tpu.memref_slice %arg2[%dma_wait3A_71, %dma_wait3A_72] : memref<10000x128xf32, #tpu.memory_space<hbm>> -> memref<10000x128xf32, #tpu.memory_space<hbm>>
      tpu.wait_indirect_dma semaphore(%arg12 : memref<!tpu.dma_semaphore, #tpu.memory_space<semaphore_mem>>) src(%dma_wait3A_73 : memref<10000x128xf32, #tpu.memory_space<hbm>>) dst(%arg9 : memref<128x128xf32, #tpu.memory_space<vmem>>)
      %run_scoped3A_74 = arith.constant 0 : i32
      "tpu.region"() ({
        %run_scoped3A_329 = tpu.sem_alloc : memref<!tpu.dma_semaphore, #tpu.memory_space<semaphore_mem>>
        %dma_start3A_330 = arith.constant 0 : i32
        %dma_start3A_331 = tpu.memref_slice %arg8[%rem3A_60, %run_scoped3A_74, %dma_start3A_330] : memref<2x16x128xi32, #tpu.memory_space<vmem>> -> memref<1x1x128xi32, #tpu.memory_space<vmem>>
        %dma_start3A_332 = tpu.memref_squeeze %dma_start3A_331 : memref<1x1x128xi32, #tpu.memory_space<vmem>> -> memref<128xi32, #tpu.memory_space<vmem>>
        %dma_start3A_333 = arith.constant 0 : i32
        %dma_start3A_334 = arith.constant 0 : i32
        %dma_start3A_335 = tpu.memref_slice %arg11[%dma_start3A_333, %dma_start3A_334] : memref<10112x128xf32, #tpu.memory_space<vmem_shared>> -> memref<10112x128xf32, #tpu.memory_space<vmem_shared>>
        tpu.enqueue_indirect_dma source(%arg9 : memref<128x128xf32, #tpu.memory_space<vmem>>) target(%dma_start3A_335 : memref<10112x128xf32, #tpu.memory_space<vmem_shared>>) offsets(%dma_start3A_332 : memref<128xi32, #tpu.memory_space<vmem>>) semaphore(%run_scoped3A_329 : memref<!tpu.dma_semaphore, #tpu.memory_space<semaphore_mem>>) {add = true}
        %dma_wait3A_336 = arith.constant 0 : i32
        %dma_wait3A_337 = tpu.memref_slice %arg8[%rem3A_60, %run_scoped3A_74, %dma_wait3A_336] : memref<2x16x128xi32, #tpu.memory_space<vmem>> -> memref<1x1x128xi32, #tpu.memory_space<vmem>>
        %dma_wait3A_338 = tpu.memref_squeeze %dma_wait3A_337 : memref<1x1x128xi32, #tpu.memory_space<vmem>> -> memref<128xi32, #tpu.memory_space<vmem>>
        %dma_wait3A_339 = arith.constant 0 : i32
        %dma_wait3A_340 = arith.constant 0 : i32
        %dma_wait3A_341 = tpu.memref_slice %arg11[%dma_wait3A_339, %dma_wait3A_340] : memref<10112x128xf32, #tpu.memory_space<vmem_shared>> -> memref<10112x128xf32, #tpu.memory_space<vmem_shared>>
        tpu.wait_indirect_dma semaphore(%run_scoped3A_329 : memref<!tpu.dma_semaphore, #tpu.memory_space<semaphore_mem>>) src(%arg9 : memref<128x128xf32, #tpu.memory_space<vmem>>) dst(%dma_wait3A_341 : memref<10112x128xf32, #tpu.memory_space<vmem_shared>>)
        tpu.yield
      }) : () -> ()
      %dma_start3A_75 = arith.constant 2 : i32
      %dma_start3A_76 = arith.constant 0 : i32
      %dma_start3A_77 = tpu.memref_slice %arg7[%rem3A_60, %dma_start3A_75, %dma_start3A_76] : memref<2x16x128xi32, #tpu.memory_space<vmem>> -> memref<1x1x128xi32, #tpu.memory_space<vmem>>
      %dma_start3A_78 = tpu.memref_squeeze %dma_start3A_77 : memref<1x1x128xi32, #tpu.memory_space<vmem>> -> memref<128xi32, #tpu.memory_space<vmem>>
      %dma_start3A_79 = arith.constant 0 : i32
      %dma_start3A_80 = arith.constant 0 : i32
      %dma_start3A_81 = tpu.memref_slice %arg2[%dma_start3A_79, %dma_start3A_80] : memref<10000x128xf32, #tpu.memory_space<hbm>> -> memref<10000x128xf32, #tpu.memory_space<hbm>>
      tpu.enqueue_indirect_dma source(%dma_start3A_81 : memref<10000x128xf32, #tpu.memory_space<hbm>>) target(%arg9 : memref<128x128xf32, #tpu.memory_space<vmem>>) offsets(%dma_start3A_78 : memref<128xi32, #tpu.memory_space<vmem>>) semaphore(%arg12 : memref<!tpu.dma_semaphore, #tpu.memory_space<semaphore_mem>>)
      %dma_wait3A_82 = arith.constant 0 : i32
      %dma_wait3A_83 = arith.constant 0 : i32
      %dma_wait3A_84 = arith.constant 0 : i32
      %dma_wait3A_85 = tpu.memref_slice %arg7[%dma_wait3A_82, %dma_wait3A_83, %dma_wait3A_84] : memref<2x16x128xi32, #tpu.memory_space<vmem>> -> memref<1x1x128xi32, #tpu.memory_space<vmem>>
      %dma_wait3A_86 = tpu.memref_squeeze %dma_wait3A_85 : memref<1x1x128xi32, #tpu.memory_space<vmem>> -> memref<128xi32, #tpu.memory_space<vmem>>
      %dma_wait3A_87 = arith.constant 0 : i32
      %dma_wait3A_88 = arith.constant 0 : i32
      %dma_wait3A_89 = tpu.memref_slice %arg2[%dma_wait3A_87, %dma_wait3A_88] : memref<10000x128xf32, #tpu.memory_space<hbm>> -> memref<10000x128xf32, #tpu.memory_space<hbm>>
      tpu.wait_indirect_dma semaphore(%arg13 : memref<!tpu.dma_semaphore, #tpu.memory_space<semaphore_mem>>) src(%dma_wait3A_89 : memref<10000x128xf32, #tpu.memory_space<hbm>>) dst(%arg10 : memref<128x128xf32, #tpu.memory_space<vmem>>)
      %run_scoped3A_90 = arith.constant 1 : i32
      "tpu.region"() ({
        %run_scoped3A_329 = tpu.sem_alloc : memref<!tpu.dma_semaphore, #tpu.memory_space<semaphore_mem>>
        %dma_start3A_330 = arith.constant 0 : i32
        %dma_start3A_331 = tpu.memref_slice %arg8[%rem3A_60, %run_scoped3A_90, %dma_start3A_330] : memref<2x16x128xi32, #tpu.memory_space<vmem>> -> memref<1x1x128xi32, #tpu.memory_space<vmem>>
        %dma_start3A_332 = tpu.memref_squeeze %dma_start3A_331 : memref<1x1x128xi32, #tpu.memory_space<vmem>> -> memref<128xi32, #tpu.memory_space<vmem>>
        %dma_start3A_333 = arith.constant 0 : i32
        %dma_start3A_334 = arith.constant 0 : i32
        %dma_start3A_335 = tpu.memref_slice %arg11[%dma_start3A_333, %dma_start3A_334] : memref<10112x128xf32, #tpu.memory_space<vmem_shared>> -> memref<10112x128xf32, #tpu.memory_space<vmem_shared>>
        tpu.enqueue_indirect_dma source(%arg10 : memref<128x128xf32, #tpu.memory_space<vmem>>) target(%dma_start3A_335 : memref<10112x128xf32, #tpu.memory_space<vmem_shared>>) offsets(%dma_start3A_332 : memref<128xi32, #tpu.memory_space<vmem>>) semaphore(%run_scoped3A_329 : memref<!tpu.dma_semaphore, #tpu.memory_space<semaphore_mem>>) {add = true}
        %dma_wait3A_336 = arith.constant 0 : i32
        %dma_wait3A_337 = tpu.memref_slice %arg8[%rem3A_60, %run_scoped3A_90, %dma_wait3A_336] : memref<2x16x128xi32, #tpu.memory_space<vmem>> -> memref<1x1x128xi32, #tpu.memory_space<vmem>>
        %dma_wait3A_338 = tpu.memref_squeeze %dma_wait3A_337 : memref<1x1x128xi32, #tpu.memory_space<vmem>> -> memref<128xi32, #tpu.memory_space<vmem>>
        %dma_wait3A_339 = arith.constant 0 : i32
        %dma_wait3A_340 = arith.constant 0 : i32
        %dma_wait3A_341 = tpu.memref_slice %arg11[%dma_wait3A_339, %dma_wait3A_340] : memref<10112x128xf32, #tpu.memory_space<vmem_shared>> -> memref<10112x128xf32, #tpu.memory_space<vmem_shared>>
        tpu.wait_indirect_dma semaphore(%run_scoped3A_329 : memref<!tpu.dma_semaphore, #tpu.memory_space<semaphore_mem>>) src(%arg10 : memref<128x128xf32, #tpu.memory_space<vmem>>) dst(%dma_wait3A_341 : memref<10112x128xf32, #tpu.memory_space<vmem_shared>>)
        tpu.yield
      }) : () -> ()
      %dma_start3A_91 = arith.constant 3 : i32
      %dma_start3A_92 = arith.constant 0 : i32
      %dma_start3A_93 = tpu.memref_slice %arg7[%rem3A_60, %dma_start3A_91, %dma_start3A_92] : memref<2x16x128xi32, #tpu.memory_space<vmem>> -> memref<1x1x128xi32, #tpu.memory_space<vmem>>
      %dma_start3A_94 = tpu.memref_squeeze %dma_start3A_93 : memref<1x1x128xi32, #tpu.memory_space<vmem>> -> memref<128xi32, #tpu.memory_space<vmem>>
      %dma_start3A_95 = arith.constant 0 : i32
      %dma_start3A_96 = arith.constant 0 : i32
      %dma_start3A_97 = tpu.memref_slice %arg2[%dma_start3A_95, %dma_start3A_96] : memref<10000x128xf32, #tpu.memory_space<hbm>> -> memref<10000x128xf32, #tpu.memory_space<hbm>>
      tpu.enqueue_indirect_dma source(%dma_start3A_97 : memref<10000x128xf32, #tpu.memory_space<hbm>>) target(%arg10 : memref<128x128xf32, #tpu.memory_space<vmem>>) offsets(%dma_start3A_94 : memref<128xi32, #tpu.memory_space<vmem>>) semaphore(%arg13 : memref<!tpu.dma_semaphore, #tpu.memory_space<semaphore_mem>>)
      %dma_wait3A_98 = arith.constant 0 : i32
      %dma_wait3A_99 = arith.constant 0 : i32
      %dma_wait3A_100 = arith.constant 0 : i32
      %dma_wait3A_101 = tpu.memref_slice %arg7[%dma_wait3A_98, %dma_wait3A_99, %dma_wait3A_100] : memref<2x16x128xi32, #tpu.memory_space<vmem>> -> memref<1x1x128xi32, #tpu.memory_space<vmem>>
      %dma_wait3A_102 = tpu.memref_squeeze %dma_wait3A_101 : memref<1x1x128xi32, #tpu.memory_space<vmem>> -> memref<128xi32, #tpu.memory_space<vmem>>
      %dma_wait3A_103 = arith.constant 0 : i32
      %dma_wait3A_104 = arith.constant 0 : i32
      %dma_wait3A_105 = tpu.memref_slice %arg2[%dma_wait3A_103, %dma_wait3A_104] : memref<10000x128xf32, #tpu.memory_space<hbm>> -> memref<10000x128xf32, #tpu.memory_space<hbm>>
      tpu.wait_indirect_dma semaphore(%arg12 : memref<!tpu.dma_semaphore, #tpu.memory_space<semaphore_mem>>) src(%dma_wait3A_105 : memref<10000x128xf32, #tpu.memory_space<hbm>>) dst(%arg9 : memref<128x128xf32, #tpu.memory_space<vmem>>)
      %run_scoped3A_106 = arith.constant 2 : i32
      "tpu.region"() ({
        %run_scoped3A_329 = tpu.sem_alloc : memref<!tpu.dma_semaphore, #tpu.memory_space<semaphore_mem>>
        %dma_start3A_330 = arith.constant 0 : i32
        %dma_start3A_331 = tpu.memref_slice %arg8[%rem3A_60, %run_scoped3A_106, %dma_start3A_330] : memref<2x16x128xi32, #tpu.memory_space<vmem>> -> memref<1x1x128xi32, #tpu.memory_space<vmem>>
        %dma_start3A_332 = tpu.memref_squeeze %dma_start3A_331 : memref<1x1x128xi32, #tpu.memory_space<vmem>> -> memref<128xi32, #tpu.memory_space<vmem>>
        %dma_start3A_333 = arith.constant 0 : i32
        %dma_start3A_334 = arith.constant 0 : i32
        %dma_start3A_335 = tpu.memref_slice %arg11[%dma_start3A_333, %dma_start3A_334] : memref<10112x128xf32, #tpu.memory_space<vmem_shared>> -> memref<10112x128xf32, #tpu.memory_space<vmem_shared>>
        tpu.enqueue_indirect_dma source(%arg9 : memref<128x128xf32, #tpu.memory_space<vmem>>) target(%dma_start3A_335 : memref<10112x128xf32, #tpu.memory_space<vmem_shared>>) offsets(%dma_start3A_332 : memref<128xi32, #tpu.memory_space<vmem>>) semaphore(%run_scoped3A_329 : memref<!tpu.dma_semaphore, #tpu.memory_space<semaphore_mem>>) {add = true}
        %dma_wait3A_336 = arith.constant 0 : i32
        %dma_wait3A_337 = tpu.memref_slice %arg8[%rem3A_60, %run_scoped3A_106, %dma_wait3A_336] : memref<2x16x128xi32, #tpu.memory_space<vmem>> -> memref<1x1x128xi32, #tpu.memory_space<vmem>>
        %dma_wait3A_338 = tpu.memref_squeeze %dma_wait3A_337 : memref<1x1x128xi32, #tpu.memory_space<vmem>> -> memref<128xi32, #tpu.memory_space<vmem>>
        %dma_wait3A_339 = arith.constant 0 : i32
        %dma_wait3A_340 = arith.constant 0 : i32
        %dma_wait3A_341 = tpu.memref_slice %arg11[%dma_wait3A_339, %dma_wait3A_340] : memref<10112x128xf32, #tpu.memory_space<vmem_shared>> -> memref<10112x128xf32, #tpu.memory_space<vmem_shared>>
        tpu.wait_indirect_dma semaphore(%run_scoped3A_329 : memref<!tpu.dma_semaphore, #tpu.memory_space<semaphore_mem>>) src(%arg9 : memref<128x128xf32, #tpu.memory_space<vmem>>) dst(%dma_wait3A_341 : memref<10112x128xf32, #tpu.memory_space<vmem_shared>>)
        tpu.yield
      }) : () -> ()
      %dma_start3A_107 = arith.constant 4 : i32
      %dma_start3A_108 = arith.constant 0 : i32
      %dma_start3A_109 = tpu.memref_slice %arg7[%rem3A_60, %dma_start3A_107, %dma_start3A_108] : memref<2x16x128xi32, #tpu.memory_space<vmem>> -> memref<1x1x128xi32, #tpu.memory_space<vmem>>
      %dma_start3A_110 = tpu.memref_squeeze %dma_start3A_109 : memref<1x1x128xi32, #tpu.memory_space<vmem>> -> memref<128xi32, #tpu.memory_space<vmem>>
      %dma_start3A_111 = arith.constant 0 : i32
      %dma_start3A_112 = arith.constant 0 : i32
      %dma_start3A_113 = tpu.memref_slice %arg2[%dma_start3A_111, %dma_start3A_112] : memref<10000x128xf32, #tpu.memory_space<hbm>> -> memref<10000x128xf32, #tpu.memory_space<hbm>>
      tpu.enqueue_indirect_dma source(%dma_start3A_113 : memref<10000x128xf32, #tpu.memory_space<hbm>>) target(%arg9 : memref<128x128xf32, #tpu.memory_space<vmem>>) offsets(%dma_start3A_110 : memref<128xi32, #tpu.memory_space<vmem>>) semaphore(%arg12 : memref<!tpu.dma_semaphore, #tpu.memory_space<semaphore_mem>>)
      %dma_wait3A_114 = arith.constant 0 : i32
      %dma_wait3A_115 = arith.constant 0 : i32
      %dma_wait3A_116 = arith.constant 0 : i32
      %dma_wait3A_117 = tpu.memref_slice %arg7[%dma_wait3A_114, %dma_wait3A_115, %dma_wait3A_116] : memref<2x16x128xi32, #tpu.memory_space<vmem>> -> memref<1x1x128xi32, #tpu.memory_space<vmem>>
      %dma_wait3A_118 = tpu.memref_squeeze %dma_wait3A_117 : memref<1x1x128xi32, #tpu.memory_space<vmem>> -> memref<128xi32, #tpu.memory_space<vmem>>
      %dma_wait3A_119 = arith.constant 0 : i32
      %dma_wait3A_120 = arith.constant 0 : i32
      %dma_wait3A_121 = tpu.memref_slice %arg2[%dma_wait3A_119, %dma_wait3A_120] : memref<10000x128xf32, #tpu.memory_space<hbm>> -> memref<10000x128xf32, #tpu.memory_space<hbm>>
      tpu.wait_indirect_dma semaphore(%arg13 : memref<!tpu.dma_semaphore, #tpu.memory_space<semaphore_mem>>) src(%dma_wait3A_121 : memref<10000x128xf32, #tpu.memory_space<hbm>>) dst(%arg10 : memref<128x128xf32, #tpu.memory_space<vmem>>)
      %run_scoped3A_122 = arith.constant 3 : i32
      "tpu.region"() ({
        %run_scoped3A_329 = tpu.sem_alloc : memref<!tpu.dma_semaphore, #tpu.memory_space<semaphore_mem>>
        %dma_start3A_330 = arith.constant 0 : i32
        %dma_start3A_331 = tpu.memref_slice %arg8[%rem3A_60, %run_scoped3A_122, %dma_start3A_330] : memref<2x16x128xi32, #tpu.memory_space<vmem>> -> memref<1x1x128xi32, #tpu.memory_space<vmem>>
        %dma_start3A_332 = tpu.memref_squeeze %dma_start3A_331 : memref<1x1x128xi32, #tpu.memory_space<vmem>> -> memref<128xi32, #tpu.memory_space<vmem>>
        %dma_start3A_333 = arith.constant 0 : i32
        %dma_start3A_334 = arith.constant 0 : i32
        %dma_start3A_335 = tpu.memref_slice %arg11[%dma_start3A_333, %dma_start3A_334] : memref<10112x128xf32, #tpu.memory_space<vmem_shared>> -> memref<10112x128xf32, #tpu.memory_space<vmem_shared>>
        tpu.enqueue_indirect_dma source(%arg10 : memref<128x128xf32, #tpu.memory_space<vmem>>) target(%dma_start3A_335 : memref<10112x128xf32, #tpu.memory_space<vmem_shared>>) offsets(%dma_start3A_332 : memref<128xi32, #tpu.memory_space<vmem>>) semaphore(%run_scoped3A_329 : memref<!tpu.dma_semaphore, #tpu.memory_space<semaphore_mem>>) {add = true}
        %dma_wait3A_336 = arith.constant 0 : i32
        %dma_wait3A_337 = tpu.memref_slice %arg8[%rem3A_60, %run_scoped3A_122, %dma_wait3A_336] : memref<2x16x128xi32, #tpu.memory_space<vmem>> -> memref<1x1x128xi32, #tpu.memory_space<vmem>>
        %dma_wait3A_338 = tpu.memref_squeeze %dma_wait3A_337 : memref<1x1x128xi32, #tpu.memory_space<vmem>> -> memref<128xi32, #tpu.memory_space<vmem>>
        %dma_wait3A_339 = arith.constant 0 : i32
        %dma_wait3A_340 = arith.constant 0 : i32
        %dma_wait3A_341 = tpu.memref_slice %arg11[%dma_wait3A_339, %dma_wait3A_340] : memref<10112x128xf32, #tpu.memory_space<vmem_shared>> -> memref<10112x128xf32, #tpu.memory_space<vmem_shared>>
        tpu.wait_indirect_dma semaphore(%run_scoped3A_329 : memref<!tpu.dma_semaphore, #tpu.memory_space<semaphore_mem>>) src(%arg10 : memref<128x128xf32, #tpu.memory_space<vmem>>) dst(%dma_wait3A_341 : memref<10112x128xf32, #tpu.memory_space<vmem_shared>>)
        tpu.yield
      }) : () -> ()
      %dma_start3A_123 = arith.constant 5 : i32
      %dma_start3A_124 = arith.constant 0 : i32
      %dma_start3A_125 = tpu.memref_slice %arg7[%rem3A_60, %dma_start3A_123, %dma_start3A_124] : memref<2x16x128xi32, #tpu.memory_space<vmem>> -> memref<1x1x128xi32, #tpu.memory_space<vmem>>
      %dma_start3A_126 = tpu.memref_squeeze %dma_start3A_125 : memref<1x1x128xi32, #tpu.memory_space<vmem>> -> memref<128xi32, #tpu.memory_space<vmem>>
      %dma_start3A_127 = arith.constant 0 : i32
      %dma_start3A_128 = arith.constant 0 : i32
      %dma_start3A_129 = tpu.memref_slice %arg2[%dma_start3A_127, %dma_start3A_128] : memref<10000x128xf32, #tpu.memory_space<hbm>> -> memref<10000x128xf32, #tpu.memory_space<hbm>>
      tpu.enqueue_indirect_dma source(%dma_start3A_129 : memref<10000x128xf32, #tpu.memory_space<hbm>>) target(%arg10 : memref<128x128xf32, #tpu.memory_space<vmem>>) offsets(%dma_start3A_126 : memref<128xi32, #tpu.memory_space<vmem>>) semaphore(%arg13 : memref<!tpu.dma_semaphore, #tpu.memory_space<semaphore_mem>>)
      %dma_wait3A_130 = arith.constant 0 : i32
      %dma_wait3A_131 = arith.constant 0 : i32
      %dma_wait3A_132 = arith.constant 0 : i32
      %dma_wait3A_133 = tpu.memref_slice %arg7[%dma_wait3A_130, %dma_wait3A_131, %dma_wait3A_132] : memref<2x16x128xi32, #tpu.memory_space<vmem>> -> memref<1x1x128xi32, #tpu.memory_space<vmem>>
      %dma_wait3A_134 = tpu.memref_squeeze %dma_wait3A_133 : memref<1x1x128xi32, #tpu.memory_space<vmem>> -> memref<128xi32, #tpu.memory_space<vmem>>
      %dma_wait3A_135 = arith.constant 0 : i32
      %dma_wait3A_136 = arith.constant 0 : i32
      %dma_wait3A_137 = tpu.memref_slice %arg2[%dma_wait3A_135, %dma_wait3A_136] : memref<10000x128xf32, #tpu.memory_space<hbm>> -> memref<10000x128xf32, #tpu.memory_space<hbm>>
      tpu.wait_indirect_dma semaphore(%arg12 : memref<!tpu.dma_semaphore, #tpu.memory_space<semaphore_mem>>) src(%dma_wait3A_137 : memref<10000x128xf32, #tpu.memory_space<hbm>>) dst(%arg9 : memref<128x128xf32, #tpu.memory_space<vmem>>)
      %run_scoped3A_138 = arith.constant 4 : i32
      "tpu.region"() ({
        %run_scoped3A_329 = tpu.sem_alloc : memref<!tpu.dma_semaphore, #tpu.memory_space<semaphore_mem>>
        %dma_start3A_330 = arith.constant 0 : i32
        %dma_start3A_331 = tpu.memref_slice %arg8[%rem3A_60, %run_scoped3A_138, %dma_start3A_330] : memref<2x16x128xi32, #tpu.memory_space<vmem>> -> memref<1x1x128xi32, #tpu.memory_space<vmem>>
        %dma_start3A_332 = tpu.memref_squeeze %dma_start3A_331 : memref<1x1x128xi32, #tpu.memory_space<vmem>> -> memref<128xi32, #tpu.memory_space<vmem>>
        %dma_start3A_333 = arith.constant 0 : i32
        %dma_start3A_334 = arith.constant 0 : i32
        %dma_start3A_335 = tpu.memref_slice %arg11[%dma_start3A_333, %dma_start3A_334] : memref<10112x128xf32, #tpu.memory_space<vmem_shared>> -> memref<10112x128xf32, #tpu.memory_space<vmem_shared>>
        tpu.enqueue_indirect_dma source(%arg9 : memref<128x128xf32, #tpu.memory_space<vmem>>) target(%dma_start3A_335 : memref<10112x128xf32, #tpu.memory_space<vmem_shared>>) offsets(%dma_start3A_332 : memref<128xi32, #tpu.memory_space<vmem>>) semaphore(%run_scoped3A_329 : memref<!tpu.dma_semaphore, #tpu.memory_space<semaphore_mem>>) {add = true}
        %dma_wait3A_336 = arith.constant 0 : i32
        %dma_wait3A_337 = tpu.memref_slice %arg8[%rem3A_60, %run_scoped3A_138, %dma_wait3A_336] : memref<2x16x128xi32, #tpu.memory_space<vmem>> -> memref<1x1x128xi32, #tpu.memory_space<vmem>>
        %dma_wait3A_338 = tpu.memref_squeeze %dma_wait3A_337 : memref<1x1x128xi32, #tpu.memory_space<vmem>> -> memref<128xi32, #tpu.memory_space<vmem>>
        %dma_wait3A_339 = arith.constant 0 : i32
        %dma_wait3A_340 = arith.constant 0 : i32
        %dma_wait3A_341 = tpu.memref_slice %arg11[%dma_wait3A_339, %dma_wait3A_340] : memref<10112x128xf32, #tpu.memory_space<vmem_shared>> -> memref<10112x128xf32, #tpu.memory_space<vmem_shared>>
        tpu.wait_indirect_dma semaphore(%run_scoped3A_329 : memref<!tpu.dma_semaphore, #tpu.memory_space<semaphore_mem>>) src(%arg9 : memref<128x128xf32, #tpu.memory_space<vmem>>) dst(%dma_wait3A_341 : memref<10112x128xf32, #tpu.memory_space<vmem_shared>>)
        tpu.yield
      }) : () -> ()
      %dma_start3A_139 = arith.constant 6 : i32
      %dma_start3A_140 = arith.constant 0 : i32
      %dma_start3A_141 = tpu.memref_slice %arg7[%rem3A_60, %dma_start3A_139, %dma_start3A_140] : memref<2x16x128xi32, #tpu.memory_space<vmem>> -> memref<1x1x128xi32, #tpu.memory_space<vmem>>
      %dma_start3A_142 = tpu.memref_squeeze %dma_start3A_141 : memref<1x1x128xi32, #tpu.memory_space<vmem>> -> memref<128xi32, #tpu.memory_space<vmem>>
      %dma_start3A_143 = arith.constant 0 : i32
      %dma_start3A_144 = arith.constant 0 : i32
      %dma_start3A_145 = tpu.memref_slice %arg2[%dma_start3A_143, %dma_start3A_144] : memref<10000x128xf32, #tpu.memory_space<hbm>> -> memref<10000x128xf32, #tpu.memory_space<hbm>>
      tpu.enqueue_indirect_dma source(%dma_start3A_145 : memref<10000x128xf32, #tpu.memory_space<hbm>>) target(%arg9 : memref<128x128xf32, #tpu.memory_space<vmem>>) offsets(%dma_start3A_142 : memref<128xi32, #tpu.memory_space<vmem>>) semaphore(%arg12 : memref<!tpu.dma_semaphore, #tpu.memory_space<semaphore_mem>>)
      %dma_wait3A_146 = arith.constant 0 : i32
      %dma_wait3A_147 = arith.constant 0 : i32
      %dma_wait3A_148 = arith.constant 0 : i32
      %dma_wait3A_149 = tpu.memref_slice %arg7[%dma_wait3A_146, %dma_wait3A_147, %dma_wait3A_148] : memref<2x16x128xi32, #tpu.memory_space<vmem>> -> memref<1x1x128xi32, #tpu.memory_space<vmem>>
      %dma_wait3A_150 = tpu.memref_squeeze %dma_wait3A_149 : memref<1x1x128xi32, #tpu.memory_space<vmem>> -> memref<128xi32, #tpu.memory_space<vmem>>
      %dma_wait3A_151 = arith.constant 0 : i32
      %dma_wait3A_152 = arith.constant 0 : i32
      %dma_wait3A_153 = tpu.memref_slice %arg2[%dma_wait3A_151, %dma_wait3A_152] : memref<10000x128xf32, #tpu.memory_space<hbm>> -> memref<10000x128xf32, #tpu.memory_space<hbm>>
      tpu.wait_indirect_dma semaphore(%arg13 : memref<!tpu.dma_semaphore, #tpu.memory_space<semaphore_mem>>) src(%dma_wait3A_153 : memref<10000x128xf32, #tpu.memory_space<hbm>>) dst(%arg10 : memref<128x128xf32, #tpu.memory_space<vmem>>)
      %run_scoped3A_154 = arith.constant 5 : i32
      "tpu.region"() ({
        %run_scoped3A_329 = tpu.sem_alloc : memref<!tpu.dma_semaphore, #tpu.memory_space<semaphore_mem>>
        %dma_start3A_330 = arith.constant 0 : i32
        %dma_start3A_331 = tpu.memref_slice %arg8[%rem3A_60, %run_scoped3A_154, %dma_start3A_330] : memref<2x16x128xi32, #tpu.memory_space<vmem>> -> memref<1x1x128xi32, #tpu.memory_space<vmem>>
        %dma_start3A_332 = tpu.memref_squeeze %dma_start3A_331 : memref<1x1x128xi32, #tpu.memory_space<vmem>> -> memref<128xi32, #tpu.memory_space<vmem>>
        %dma_start3A_333 = arith.constant 0 : i32
        %dma_start3A_334 = arith.constant 0 : i32
        %dma_start3A_335 = tpu.memref_slice %arg11[%dma_start3A_333, %dma_start3A_334] : memref<10112x128xf32, #tpu.memory_space<vmem_shared>> -> memref<10112x128xf32, #tpu.memory_space<vmem_shared>>
        tpu.enqueue_indirect_dma source(%arg10 : memref<128x128xf32, #tpu.memory_space<vmem>>) target(%dma_start3A_335 : memref<10112x128xf32, #tpu.memory_space<vmem_shared>>) offsets(%dma_start3A_332 : memref<128xi32, #tpu.memory_space<vmem>>) semaphore(%run_scoped3A_329 : memref<!tpu.dma_semaphore, #tpu.memory_space<semaphore_mem>>) {add = true}
        %dma_wait3A_336 = arith.constant 0 : i32
        %dma_wait3A_337 = tpu.memref_slice %arg8[%rem3A_60, %run_scoped3A_154, %dma_wait3A_336] : memref<2x16x128xi32, #tpu.memory_space<vmem>> -> memref<1x1x128xi32, #tpu.memory_space<vmem>>
        %dma_wait3A_338 = tpu.memref_squeeze %dma_wait3A_337 : memref<1x1x128xi32, #tpu.memory_space<vmem>> -> memref<128xi32, #tpu.memory_space<vmem>>
        %dma_wait3A_339 = arith.constant 0 : i32
        %dma_wait3A_340 = arith.constant 0 : i32
        %dma_wait3A_341 = tpu.memref_slice %arg11[%dma_wait3A_339, %dma_wait3A_340] : memref<10112x128xf32, #tpu.memory_space<vmem_shared>> -> memref<10112x128xf32, #tpu.memory_space<vmem_shared>>
        tpu.wait_indirect_dma semaphore(%run_scoped3A_329 : memref<!tpu.dma_semaphore, #tpu.memory_space<semaphore_mem>>) src(%arg10 : memref<128x128xf32, #tpu.memory_space<vmem>>) dst(%dma_wait3A_341 : memref<10112x128xf32, #tpu.memory_space<vmem_shared>>)
        tpu.yield
      }) : () -> ()
      %dma_start3A_155 = arith.constant 7 : i32
      %dma_start3A_156 = arith.constant 0 : i32
      %dma_start3A_157 = tpu.memref_slice %arg7[%rem3A_60, %dma_start3A_155, %dma_start3A_156] : memref<2x16x128xi32, #tpu.memory_space<vmem>> -> memref<1x1x128xi32, #tpu.memory_space<vmem>>
      %dma_start3A_158 = tpu.memref_squeeze %dma_start3A_157 : memref<1x1x128xi32, #tpu.memory_space<vmem>> -> memref<128xi32, #tpu.memory_space<vmem>>
      %dma_start3A_159 = arith.constant 0 : i32
      %dma_start3A_160 = arith.constant 0 : i32
      %dma_start3A_161 = tpu.memref_slice %arg2[%dma_start3A_159, %dma_start3A_160] : memref<10000x128xf32, #tpu.memory_space<hbm>> -> memref<10000x128xf32, #tpu.memory_space<hbm>>
      tpu.enqueue_indirect_dma source(%dma_start3A_161 : memref<10000x128xf32, #tpu.memory_space<hbm>>) target(%arg10 : memref<128x128xf32, #tpu.memory_space<vmem>>) offsets(%dma_start3A_158 : memref<128xi32, #tpu.memory_space<vmem>>) semaphore(%arg13 : memref<!tpu.dma_semaphore, #tpu.memory_space<semaphore_mem>>)
      %dma_wait3A_162 = arith.constant 0 : i32
      %dma_wait3A_163 = arith.constant 0 : i32
      %dma_wait3A_164 = arith.constant 0 : i32
      %dma_wait3A_165 = tpu.memref_slice %arg7[%dma_wait3A_162, %dma_wait3A_163, %dma_wait3A_164] : memref<2x16x128xi32, #tpu.memory_space<vmem>> -> memref<1x1x128xi32, #tpu.memory_space<vmem>>
      %dma_wait3A_166 = tpu.memref_squeeze %dma_wait3A_165 : memref<1x1x128xi32, #tpu.memory_space<vmem>> -> memref<128xi32, #tpu.memory_space<vmem>>
      %dma_wait3A_167 = arith.constant 0 : i32
      %dma_wait3A_168 = arith.constant 0 : i32
      %dma_wait3A_169 = tpu.memref_slice %arg2[%dma_wait3A_167, %dma_wait3A_168] : memref<10000x128xf32, #tpu.memory_space<hbm>> -> memref<10000x128xf32, #tpu.memory_space<hbm>>
      tpu.wait_indirect_dma semaphore(%arg12 : memref<!tpu.dma_semaphore, #tpu.memory_space<semaphore_mem>>) src(%dma_wait3A_169 : memref<10000x128xf32, #tpu.memory_space<hbm>>) dst(%arg9 : memref<128x128xf32, #tpu.memory_space<vmem>>)
      %run_scoped3A_170 = arith.constant 6 : i32
      "tpu.region"() ({
        %run_scoped3A_329 = tpu.sem_alloc : memref<!tpu.dma_semaphore, #tpu.memory_space<semaphore_mem>>
        %dma_start3A_330 = arith.constant 0 : i32
        %dma_start3A_331 = tpu.memref_slice %arg8[%rem3A_60, %run_scoped3A_170, %dma_start3A_330] : memref<2x16x128xi32, #tpu.memory_space<vmem>> -> memref<1x1x128xi32, #tpu.memory_space<vmem>>
        %dma_start3A_332 = tpu.memref_squeeze %dma_start3A_331 : memref<1x1x128xi32, #tpu.memory_space<vmem>> -> memref<128xi32, #tpu.memory_space<vmem>>
        %dma_start3A_333 = arith.constant 0 : i32
        %dma_start3A_334 = arith.constant 0 : i32
        %dma_start3A_335 = tpu.memref_slice %arg11[%dma_start3A_333, %dma_start3A_334] : memref<10112x128xf32, #tpu.memory_space<vmem_shared>> -> memref<10112x128xf32, #tpu.memory_space<vmem_shared>>
        tpu.enqueue_indirect_dma source(%arg9 : memref<128x128xf32, #tpu.memory_space<vmem>>) target(%dma_start3A_335 : memref<10112x128xf32, #tpu.memory_space<vmem_shared>>) offsets(%dma_start3A_332 : memref<128xi32, #tpu.memory_space<vmem>>) semaphore(%run_scoped3A_329 : memref<!tpu.dma_semaphore, #tpu.memory_space<semaphore_mem>>) {add = true}
        %dma_wait3A_336 = arith.constant 0 : i32
        %dma_wait3A_337 = tpu.memref_slice %arg8[%rem3A_60, %run_scoped3A_170, %dma_wait3A_336] : memref<2x16x128xi32, #tpu.memory_space<vmem>> -> memref<1x1x128xi32, #tpu.memory_space<vmem>>
        %dma_wait3A_338 = tpu.memref_squeeze %dma_wait3A_337 : memref<1x1x128xi32, #tpu.memory_space<vmem>> -> memref<128xi32, #tpu.memory_space<vmem>>
        %dma_wait3A_339 = arith.constant 0 : i32
        %dma_wait3A_340 = arith.constant 0 : i32
        %dma_wait3A_341 = tpu.memref_slice %arg11[%dma_wait3A_339, %dma_wait3A_340] : memref<10112x128xf32, #tpu.memory_space<vmem_shared>> -> memref<10112x128xf32, #tpu.memory_space<vmem_shared>>
        tpu.wait_indirect_dma semaphore(%run_scoped3A_329 : memref<!tpu.dma_semaphore, #tpu.memory_space<semaphore_mem>>) src(%arg9 : memref<128x128xf32, #tpu.memory_space<vmem>>) dst(%dma_wait3A_341 : memref<10112x128xf32, #tpu.memory_space<vmem_shared>>)
        tpu.yield
      }) : () -> ()
      %dma_start3A_171 = arith.constant 8 : i32
      %dma_start3A_172 = arith.constant 0 : i32
      %dma_start3A_173 = tpu.memref_slice %arg7[%rem3A_60, %dma_start3A_171, %dma_start3A_172] : memref<2x16x128xi32, #tpu.memory_space<vmem>> -> memref<1x1x128xi32, #tpu.memory_space<vmem>>
      %dma_start3A_174 = tpu.memref_squeeze %dma_start3A_173 : memref<1x1x128xi32, #tpu.memory_space<vmem>> -> memref<128xi32, #tpu.memory_space<vmem>>
      %dma_start3A_175 = arith.constant 0 : i32
      %dma_start3A_176 = arith.constant 0 : i32
      %dma_start3A_177 = tpu.memref_slice %arg2[%dma_start3A_175, %dma_start3A_176] : memref<10000x128xf32, #tpu.memory_space<hbm>> -> memref<10000x128xf32, #tpu.memory_space<hbm>>
      tpu.enqueue_indirect_dma source(%dma_start3A_177 : memref<10000x128xf32, #tpu.memory_space<hbm>>) target(%arg9 : memref<128x128xf32, #tpu.memory_space<vmem>>) offsets(%dma_start3A_174 : memref<128xi32, #tpu.memory_space<vmem>>) semaphore(%arg12 : memref<!tpu.dma_semaphore, #tpu.memory_space<semaphore_mem>>)
      %dma_wait3A_178 = arith.constant 0 : i32
      %dma_wait3A_179 = arith.constant 0 : i32
      %dma_wait3A_180 = arith.constant 0 : i32
      %dma_wait3A_181 = tpu.memref_slice %arg7[%dma_wait3A_178, %dma_wait3A_179, %dma_wait3A_180] : memref<2x16x128xi32, #tpu.memory_space<vmem>> -> memref<1x1x128xi32, #tpu.memory_space<vmem>>
      %dma_wait3A_182 = tpu.memref_squeeze %dma_wait3A_181 : memref<1x1x128xi32, #tpu.memory_space<vmem>> -> memref<128xi32, #tpu.memory_space<vmem>>
      %dma_wait3A_183 = arith.constant 0 : i32
      %dma_wait3A_184 = arith.constant 0 : i32
      %dma_wait3A_185 = tpu.memref_slice %arg2[%dma_wait3A_183, %dma_wait3A_184] : memref<10000x128xf32, #tpu.memory_space<hbm>> -> memref<10000x128xf32, #tpu.memory_space<hbm>>
      tpu.wait_indirect_dma semaphore(%arg13 : memref<!tpu.dma_semaphore, #tpu.memory_space<semaphore_mem>>) src(%dma_wait3A_185 : memref<10000x128xf32, #tpu.memory_space<hbm>>) dst(%arg10 : memref<128x128xf32, #tpu.memory_space<vmem>>)
      %run_scoped3A_186 = arith.constant 7 : i32
      "tpu.region"() ({
        %run_scoped3A_329 = tpu.sem_alloc : memref<!tpu.dma_semaphore, #tpu.memory_space<semaphore_mem>>
        %dma_start3A_330 = arith.constant 0 : i32
        %dma_start3A_331 = tpu.memref_slice %arg8[%rem3A_60, %run_scoped3A_186, %dma_start3A_330] : memref<2x16x128xi32, #tpu.memory_space<vmem>> -> memref<1x1x128xi32, #tpu.memory_space<vmem>>
        %dma_start3A_332 = tpu.memref_squeeze %dma_start3A_331 : memref<1x1x128xi32, #tpu.memory_space<vmem>> -> memref<128xi32, #tpu.memory_space<vmem>>
        %dma_start3A_333 = arith.constant 0 : i32
        %dma_start3A_334 = arith.constant 0 : i32
        %dma_start3A_335 = tpu.memref_slice %arg11[%dma_start3A_333, %dma_start3A_334] : memref<10112x128xf32, #tpu.memory_space<vmem_shared>> -> memref<10112x128xf32, #tpu.memory_space<vmem_shared>>
        tpu.enqueue_indirect_dma source(%arg10 : memref<128x128xf32, #tpu.memory_space<vmem>>) target(%dma_start3A_335 : memref<10112x128xf32, #tpu.memory_space<vmem_shared>>) offsets(%dma_start3A_332 : memref<128xi32, #tpu.memory_space<vmem>>) semaphore(%run_scoped3A_329 : memref<!tpu.dma_semaphore, #tpu.memory_space<semaphore_mem>>) {add = true}
        %dma_wait3A_336 = arith.constant 0 : i32
        %dma_wait3A_337 = tpu.memref_slice %arg8[%rem3A_60, %run_scoped3A_186, %dma_wait3A_336] : memref<2x16x128xi32, #tpu.memory_space<vmem>> -> memref<1x1x128xi32, #tpu.memory_space<vmem>>
        %dma_wait3A_338 = tpu.memref_squeeze %dma_wait3A_337 : memref<1x1x128xi32, #tpu.memory_space<vmem>> -> memref<128xi32, #tpu.memory_space<vmem>>
        %dma_wait3A_339 = arith.constant 0 : i32
        %dma_wait3A_340 = arith.constant 0 : i32
        %dma_wait3A_341 = tpu.memref_slice %arg11[%dma_wait3A_339, %dma_wait3A_340] : memref<10112x128xf32, #tpu.memory_space<vmem_shared>> -> memref<10112x128xf32, #tpu.memory_space<vmem_shared>>
        tpu.wait_indirect_dma semaphore(%run_scoped3A_329 : memref<!tpu.dma_semaphore, #tpu.memory_space<semaphore_mem>>) src(%arg10 : memref<128x128xf32, #tpu.memory_space<vmem>>) dst(%dma_wait3A_341 : memref<10112x128xf32, #tpu.memory_space<vmem_shared>>)
        tpu.yield
      }) : () -> ()
      %dma_start3A_187 = arith.constant 9 : i32
      %dma_start3A_188 = arith.constant 0 : i32
      %dma_start3A_189 = tpu.memref_slice %arg7[%rem3A_60, %dma_start3A_187, %dma_start3A_188] : memref<2x16x128xi32, #tpu.memory_space<vmem>> -> memref<1x1x128xi32, #tpu.memory_space<vmem>>
      %dma_start3A_190 = tpu.memref_squeeze %dma_start3A_189 : memref<1x1x128xi32, #tpu.memory_space<vmem>> -> memref<128xi32, #tpu.memory_space<vmem>>
      %dma_start3A_191 = arith.constant 0 : i32
      %dma_start3A_192 = arith.constant 0 : i32
      %dma_start3A_193 = tpu.memref_slice %arg2[%dma_start3A_191, %dma_start3A_192] : memref<10000x128xf32, #tpu.memory_space<hbm>> -> memref<10000x128xf32, #tpu.memory_space<hbm>>
      tpu.enqueue_indirect_dma source(%dma_start3A_193 : memref<10000x128xf32, #tpu.memory_space<hbm>>) target(%arg10 : memref<128x128xf32, #tpu.memory_space<vmem>>) offsets(%dma_start3A_190 : memref<128xi32, #tpu.memory_space<vmem>>) semaphore(%arg13 : memref<!tpu.dma_semaphore, #tpu.memory_space<semaphore_mem>>)
      %dma_wait3A_194 = arith.constant 0 : i32
      %dma_wait3A_195 = arith.constant 0 : i32
      %dma_wait3A_196 = arith.constant 0 : i32
      %dma_wait3A_197 = tpu.memref_slice %arg7[%dma_wait3A_194, %dma_wait3A_195, %dma_wait3A_196] : memref<2x16x128xi32, #tpu.memory_space<vmem>> -> memref<1x1x128xi32, #tpu.memory_space<vmem>>
      %dma_wait3A_198 = tpu.memref_squeeze %dma_wait3A_197 : memref<1x1x128xi32, #tpu.memory_space<vmem>> -> memref<128xi32, #tpu.memory_space<vmem>>
      %dma_wait3A_199 = arith.constant 0 : i32
      %dma_wait3A_200 = arith.constant 0 : i32
      %dma_wait3A_201 = tpu.memref_slice %arg2[%dma_wait3A_199, %dma_wait3A_200] : memref<10000x128xf32, #tpu.memory_space<hbm>> -> memref<10000x128xf32, #tpu.memory_space<hbm>>
      tpu.wait_indirect_dma semaphore(%arg12 : memref<!tpu.dma_semaphore, #tpu.memory_space<semaphore_mem>>) src(%dma_wait3A_201 : memref<10000x128xf32, #tpu.memory_space<hbm>>) dst(%arg9 : memref<128x128xf32, #tpu.memory_space<vmem>>)
      %run_scoped3A_202 = arith.constant 8 : i32
      "tpu.region"() ({
        %run_scoped3A_329 = tpu.sem_alloc : memref<!tpu.dma_semaphore, #tpu.memory_space<semaphore_mem>>
        %dma_start3A_330 = arith.constant 0 : i32
        %dma_start3A_331 = tpu.memref_slice %arg8[%rem3A_60, %run_scoped3A_202, %dma_start3A_330] : memref<2x16x128xi32, #tpu.memory_space<vmem>> -> memref<1x1x128xi32, #tpu.memory_space<vmem>>
        %dma_start3A_332 = tpu.memref_squeeze %dma_start3A_331 : memref<1x1x128xi32, #tpu.memory_space<vmem>> -> memref<128xi32, #tpu.memory_space<vmem>>
        %dma_start3A_333 = arith.constant 0 : i32
        %dma_start3A_334 = arith.constant 0 : i32
        %dma_start3A_335 = tpu.memref_slice %arg11[%dma_start3A_333, %dma_start3A_334] : memref<10112x128xf32, #tpu.memory_space<vmem_shared>> -> memref<10112x128xf32, #tpu.memory_space<vmem_shared>>
        tpu.enqueue_indirect_dma source(%arg9 : memref<128x128xf32, #tpu.memory_space<vmem>>) target(%dma_start3A_335 : memref<10112x128xf32, #tpu.memory_space<vmem_shared>>) offsets(%dma_start3A_332 : memref<128xi32, #tpu.memory_space<vmem>>) semaphore(%run_scoped3A_329 : memref<!tpu.dma_semaphore, #tpu.memory_space<semaphore_mem>>) {add = true}
        %dma_wait3A_336 = arith.constant 0 : i32
        %dma_wait3A_337 = tpu.memref_slice %arg8[%rem3A_60, %run_scoped3A_202, %dma_wait3A_336] : memref<2x16x128xi32, #tpu.memory_space<vmem>> -> memref<1x1x128xi32, #tpu.memory_space<vmem>>
        %dma_wait3A_338 = tpu.memref_squeeze %dma_wait3A_337 : memref<1x1x128xi32, #tpu.memory_space<vmem>> -> memref<128xi32, #tpu.memory_space<vmem>>
        %dma_wait3A_339 = arith.constant 0 : i32
        %dma_wait3A_340 = arith.constant 0 : i32
        %dma_wait3A_341 = tpu.memref_slice %arg11[%dma_wait3A_339, %dma_wait3A_340] : memref<10112x128xf32, #tpu.memory_space<vmem_shared>> -> memref<10112x128xf32, #tpu.memory_space<vmem_shared>>
        tpu.wait_indirect_dma semaphore(%run_scoped3A_329 : memref<!tpu.dma_semaphore, #tpu.memory_space<semaphore_mem>>) src(%arg9 : memref<128x128xf32, #tpu.memory_space<vmem>>) dst(%dma_wait3A_341 : memref<10112x128xf32, #tpu.memory_space<vmem_shared>>)
        tpu.yield
      }) : () -> ()
      %dma_start3A_203 = arith.constant 10 : i32
      %dma_start3A_204 = arith.constant 0 : i32
      %dma_start3A_205 = tpu.memref_slice %arg7[%rem3A_60, %dma_start3A_203, %dma_start3A_204] : memref<2x16x128xi32, #tpu.memory_space<vmem>> -> memref<1x1x128xi32, #tpu.memory_space<vmem>>
      %dma_start3A_206 = tpu.memref_squeeze %dma_start3A_205 : memref<1x1x128xi32, #tpu.memory_space<vmem>> -> memref<128xi32, #tpu.memory_space<vmem>>
      %dma_start3A_207 = arith.constant 0 : i32
      %dma_start3A_208 = arith.constant 0 : i32
      %dma_start3A_209 = tpu.memref_slice %arg2[%dma_start3A_207, %dma_start3A_208] : memref<10000x128xf32, #tpu.memory_space<hbm>> -> memref<10000x128xf32, #tpu.memory_space<hbm>>
      tpu.enqueue_indirect_dma source(%dma_start3A_209 : memref<10000x128xf32, #tpu.memory_space<hbm>>) target(%arg9 : memref<128x128xf32, #tpu.memory_space<vmem>>) offsets(%dma_start3A_206 : memref<128xi32, #tpu.memory_space<vmem>>) semaphore(%arg12 : memref<!tpu.dma_semaphore, #tpu.memory_space<semaphore_mem>>)
      %dma_wait3A_210 = arith.constant 0 : i32
      %dma_wait3A_211 = arith.constant 0 : i32
      %dma_wait3A_212 = arith.constant 0 : i32
      %dma_wait3A_213 = tpu.memref_slice %arg7[%dma_wait3A_210, %dma_wait3A_211, %dma_wait3A_212] : memref<2x16x128xi32, #tpu.memory_space<vmem>> -> memref<1x1x128xi32, #tpu.memory_space<vmem>>
      %dma_wait3A_214 = tpu.memref_squeeze %dma_wait3A_213 : memref<1x1x128xi32, #tpu.memory_space<vmem>> -> memref<128xi32, #tpu.memory_space<vmem>>
      %dma_wait3A_215 = arith.constant 0 : i32
      %dma_wait3A_216 = arith.constant 0 : i32
      %dma_wait3A_217 = tpu.memref_slice %arg2[%dma_wait3A_215, %dma_wait3A_216] : memref<10000x128xf32, #tpu.memory_space<hbm>> -> memref<10000x128xf32, #tpu.memory_space<hbm>>
      tpu.wait_indirect_dma semaphore(%arg13 : memref<!tpu.dma_semaphore, #tpu.memory_space<semaphore_mem>>) src(%dma_wait3A_217 : memref<10000x128xf32, #tpu.memory_space<hbm>>) dst(%arg10 : memref<128x128xf32, #tpu.memory_space<vmem>>)
      %run_scoped3A_218 = arith.constant 9 : i32
      "tpu.region"() ({
        %run_scoped3A_329 = tpu.sem_alloc : memref<!tpu.dma_semaphore, #tpu.memory_space<semaphore_mem>>
        %dma_start3A_330 = arith.constant 0 : i32
        %dma_start3A_331 = tpu.memref_slice %arg8[%rem3A_60, %run_scoped3A_218, %dma_start3A_330] : memref<2x16x128xi32, #tpu.memory_space<vmem>> -> memref<1x1x128xi32, #tpu.memory_space<vmem>>
        %dma_start3A_332 = tpu.memref_squeeze %dma_start3A_331 : memref<1x1x128xi32, #tpu.memory_space<vmem>> -> memref<128xi32, #tpu.memory_space<vmem>>
        %dma_start3A_333 = arith.constant 0 : i32
        %dma_start3A_334 = arith.constant 0 : i32
        %dma_start3A_335 = tpu.memref_slice %arg11[%dma_start3A_333, %dma_start3A_334] : memref<10112x128xf32, #tpu.memory_space<vmem_shared>> -> memref<10112x128xf32, #tpu.memory_space<vmem_shared>>
        tpu.enqueue_indirect_dma source(%arg10 : memref<128x128xf32, #tpu.memory_space<vmem>>) target(%dma_start3A_335 : memref<10112x128xf32, #tpu.memory_space<vmem_shared>>) offsets(%dma_start3A_332 : memref<128xi32, #tpu.memory_space<vmem>>) semaphore(%run_scoped3A_329 : memref<!tpu.dma_semaphore, #tpu.memory_space<semaphore_mem>>) {add = true}
        %dma_wait3A_336 = arith.constant 0 : i32
        %dma_wait3A_337 = tpu.memref_slice %arg8[%rem3A_60, %run_scoped3A_218, %dma_wait3A_336] : memref<2x16x128xi32, #tpu.memory_space<vmem>> -> memref<1x1x128xi32, #tpu.memory_space<vmem>>
        %dma_wait3A_338 = tpu.memref_squeeze %dma_wait3A_337 : memref<1x1x128xi32, #tpu.memory_space<vmem>> -> memref<128xi32, #tpu.memory_space<vmem>>
        %dma_wait3A_339 = arith.constant 0 : i32
        %dma_wait3A_340 = arith.constant 0 : i32
        %dma_wait3A_341 = tpu.memref_slice %arg11[%dma_wait3A_339, %dma_wait3A_340] : memref<10112x128xf32, #tpu.memory_space<vmem_shared>> -> memref<10112x128xf32, #tpu.memory_space<vmem_shared>>
        tpu.wait_indirect_dma semaphore(%run_scoped3A_329 : memref<!tpu.dma_semaphore, #tpu.memory_space<semaphore_mem>>) src(%arg10 : memref<128x128xf32, #tpu.memory_space<vmem>>) dst(%dma_wait3A_341 : memref<10112x128xf32, #tpu.memory_space<vmem_shared>>)
        tpu.yield
      }) : () -> ()
      %dma_start3A_219 = arith.constant 11 : i32
      %dma_start3A_220 = arith.constant 0 : i32
      %dma_start3A_221 = tpu.memref_slice %arg7[%rem3A_60, %dma_start3A_219, %dma_start3A_220] : memref<2x16x128xi32, #tpu.memory_space<vmem>> -> memref<1x1x128xi32, #tpu.memory_space<vmem>>
      %dma_start3A_222 = tpu.memref_squeeze %dma_start3A_221 : memref<1x1x128xi32, #tpu.memory_space<vmem>> -> memref<128xi32, #tpu.memory_space<vmem>>
      %dma_start3A_223 = arith.constant 0 : i32
      %dma_start3A_224 = arith.constant 0 : i32
      %dma_start3A_225 = tpu.memref_slice %arg2[%dma_start3A_223, %dma_start3A_224] : memref<10000x128xf32, #tpu.memory_space<hbm>> -> memref<10000x128xf32, #tpu.memory_space<hbm>>
      tpu.enqueue_indirect_dma source(%dma_start3A_225 : memref<10000x128xf32, #tpu.memory_space<hbm>>) target(%arg10 : memref<128x128xf32, #tpu.memory_space<vmem>>) offsets(%dma_start3A_222 : memref<128xi32, #tpu.memory_space<vmem>>) semaphore(%arg13 : memref<!tpu.dma_semaphore, #tpu.memory_space<semaphore_mem>>)
      %dma_wait3A_226 = arith.constant 0 : i32
      %dma_wait3A_227 = arith.constant 0 : i32
      %dma_wait3A_228 = arith.constant 0 : i32
      %dma_wait3A_229 = tpu.memref_slice %arg7[%dma_wait3A_226, %dma_wait3A_227, %dma_wait3A_228] : memref<2x16x128xi32, #tpu.memory_space<vmem>> -> memref<1x1x128xi32, #tpu.memory_space<vmem>>
      %dma_wait3A_230 = tpu.memref_squeeze %dma_wait3A_229 : memref<1x1x128xi32, #tpu.memory_space<vmem>> -> memref<128xi32, #tpu.memory_space<vmem>>
      %dma_wait3A_231 = arith.constant 0 : i32
      %dma_wait3A_232 = arith.constant 0 : i32
      %dma_wait3A_233 = tpu.memref_slice %arg2[%dma_wait3A_231, %dma_wait3A_232] : memref<10000x128xf32, #tpu.memory_space<hbm>> -> memref<10000x128xf32, #tpu.memory_space<hbm>>
      tpu.wait_indirect_dma semaphore(%arg12 : memref<!tpu.dma_semaphore, #tpu.memory_space<semaphore_mem>>) src(%dma_wait3A_233 : memref<10000x128xf32, #tpu.memory_space<hbm>>) dst(%arg9 : memref<128x128xf32, #tpu.memory_space<vmem>>)
      %run_scoped3A_234 = arith.constant 10 : i32
      "tpu.region"() ({
        %run_scoped3A_329 = tpu.sem_alloc : memref<!tpu.dma_semaphore, #tpu.memory_space<semaphore_mem>>
        %dma_start3A_330 = arith.constant 0 : i32
        %dma_start3A_331 = tpu.memref_slice %arg8[%rem3A_60, %run_scoped3A_234, %dma_start3A_330] : memref<2x16x128xi32, #tpu.memory_space<vmem>> -> memref<1x1x128xi32, #tpu.memory_space<vmem>>
        %dma_start3A_332 = tpu.memref_squeeze %dma_start3A_331 : memref<1x1x128xi32, #tpu.memory_space<vmem>> -> memref<128xi32, #tpu.memory_space<vmem>>
        %dma_start3A_333 = arith.constant 0 : i32
        %dma_start3A_334 = arith.constant 0 : i32
        %dma_start3A_335 = tpu.memref_slice %arg11[%dma_start3A_333, %dma_start3A_334] : memref<10112x128xf32, #tpu.memory_space<vmem_shared>> -> memref<10112x128xf32, #tpu.memory_space<vmem_shared>>
        tpu.enqueue_indirect_dma source(%arg9 : memref<128x128xf32, #tpu.memory_space<vmem>>) target(%dma_start3A_335 : memref<10112x128xf32, #tpu.memory_space<vmem_shared>>) offsets(%dma_start3A_332 : memref<128xi32, #tpu.memory_space<vmem>>) semaphore(%run_scoped3A_329 : memref<!tpu.dma_semaphore, #tpu.memory_space<semaphore_mem>>) {add = true}
        %dma_wait3A_336 = arith.constant 0 : i32
        %dma_wait3A_337 = tpu.memref_slice %arg8[%rem3A_60, %run_scoped3A_234, %dma_wait3A_336] : memref<2x16x128xi32, #tpu.memory_space<vmem>> -> memref<1x1x128xi32, #tpu.memory_space<vmem>>
        %dma_wait3A_338 = tpu.memref_squeeze %dma_wait3A_337 : memref<1x1x128xi32, #tpu.memory_space<vmem>> -> memref<128xi32, #tpu.memory_space<vmem>>
        %dma_wait3A_339 = arith.constant 0 : i32
        %dma_wait3A_340 = arith.constant 0 : i32
        %dma_wait3A_341 = tpu.memref_slice %arg11[%dma_wait3A_339, %dma_wait3A_340] : memref<10112x128xf32, #tpu.memory_space<vmem_shared>> -> memref<10112x128xf32, #tpu.memory_space<vmem_shared>>
        tpu.wait_indirect_dma semaphore(%run_scoped3A_329 : memref<!tpu.dma_semaphore, #tpu.memory_space<semaphore_mem>>) src(%arg9 : memref<128x128xf32, #tpu.memory_space<vmem>>) dst(%dma_wait3A_341 : memref<10112x128xf32, #tpu.memory_space<vmem_shared>>)
        tpu.yield
      }) : () -> ()
      %dma_start3A_235 = arith.constant 12 : i32
      %dma_start3A_236 = arith.constant 0 : i32
      %dma_start3A_237 = tpu.memref_slice %arg7[%rem3A_60, %dma_start3A_235, %dma_start3A_236] : memref<2x16x128xi32, #tpu.memory_space<vmem>> -> memref<1x1x128xi32, #tpu.memory_space<vmem>>
      %dma_start3A_238 = tpu.memref_squeeze %dma_start3A_237 : memref<1x1x128xi32, #tpu.memory_space<vmem>> -> memref<128xi32, #tpu.memory_space<vmem>>
      %dma_start3A_239 = arith.constant 0 : i32
      %dma_start3A_240 = arith.constant 0 : i32
      %dma_start3A_241 = tpu.memref_slice %arg2[%dma_start3A_239, %dma_start3A_240] : memref<10000x128xf32, #tpu.memory_space<hbm>> -> memref<10000x128xf32, #tpu.memory_space<hbm>>
      tpu.enqueue_indirect_dma source(%dma_start3A_241 : memref<10000x128xf32, #tpu.memory_space<hbm>>) target(%arg9 : memref<128x128xf32, #tpu.memory_space<vmem>>) offsets(%dma_start3A_238 : memref<128xi32, #tpu.memory_space<vmem>>) semaphore(%arg12 : memref<!tpu.dma_semaphore, #tpu.memory_space<semaphore_mem>>)
      %dma_wait3A_242 = arith.constant 0 : i32
      %dma_wait3A_243 = arith.constant 0 : i32
      %dma_wait3A_244 = arith.constant 0 : i32
      %dma_wait3A_245 = tpu.memref_slice %arg7[%dma_wait3A_242, %dma_wait3A_243, %dma_wait3A_244] : memref<2x16x128xi32, #tpu.memory_space<vmem>> -> memref<1x1x128xi32, #tpu.memory_space<vmem>>
      %dma_wait3A_246 = tpu.memref_squeeze %dma_wait3A_245 : memref<1x1x128xi32, #tpu.memory_space<vmem>> -> memref<128xi32, #tpu.memory_space<vmem>>
      %dma_wait3A_247 = arith.constant 0 : i32
      %dma_wait3A_248 = arith.constant 0 : i32
      %dma_wait3A_249 = tpu.memref_slice %arg2[%dma_wait3A_247, %dma_wait3A_248] : memref<10000x128xf32, #tpu.memory_space<hbm>> -> memref<10000x128xf32, #tpu.memory_space<hbm>>
      tpu.wait_indirect_dma semaphore(%arg13 : memref<!tpu.dma_semaphore, #tpu.memory_space<semaphore_mem>>) src(%dma_wait3A_249 : memref<10000x128xf32, #tpu.memory_space<hbm>>) dst(%arg10 : memref<128x128xf32, #tpu.memory_space<vmem>>)
      %run_scoped3A_250 = arith.constant 11 : i32
      "tpu.region"() ({
        %run_scoped3A_329 = tpu.sem_alloc : memref<!tpu.dma_semaphore, #tpu.memory_space<semaphore_mem>>
        %dma_start3A_330 = arith.constant 0 : i32
        %dma_start3A_331 = tpu.memref_slice %arg8[%rem3A_60, %run_scoped3A_250, %dma_start3A_330] : memref<2x16x128xi32, #tpu.memory_space<vmem>> -> memref<1x1x128xi32, #tpu.memory_space<vmem>>
        %dma_start3A_332 = tpu.memref_squeeze %dma_start3A_331 : memref<1x1x128xi32, #tpu.memory_space<vmem>> -> memref<128xi32, #tpu.memory_space<vmem>>
        %dma_start3A_333 = arith.constant 0 : i32
        %dma_start3A_334 = arith.constant 0 : i32
        %dma_start3A_335 = tpu.memref_slice %arg11[%dma_start3A_333, %dma_start3A_334] : memref<10112x128xf32, #tpu.memory_space<vmem_shared>> -> memref<10112x128xf32, #tpu.memory_space<vmem_shared>>
        tpu.enqueue_indirect_dma source(%arg10 : memref<128x128xf32, #tpu.memory_space<vmem>>) target(%dma_start3A_335 : memref<10112x128xf32, #tpu.memory_space<vmem_shared>>) offsets(%dma_start3A_332 : memref<128xi32, #tpu.memory_space<vmem>>) semaphore(%run_scoped3A_329 : memref<!tpu.dma_semaphore, #tpu.memory_space<semaphore_mem>>) {add = true}
        %dma_wait3A_336 = arith.constant 0 : i32
        %dma_wait3A_337 = tpu.memref_slice %arg8[%rem3A_60, %run_scoped3A_250, %dma_wait3A_336] : memref<2x16x128xi32, #tpu.memory_space<vmem>> -> memref<1x1x128xi32, #tpu.memory_space<vmem>>
        %dma_wait3A_338 = tpu.memref_squeeze %dma_wait3A_337 : memref<1x1x128xi32, #tpu.memory_space<vmem>> -> memref<128xi32, #tpu.memory_space<vmem>>
        %dma_wait3A_339 = arith.constant 0 : i32
        %dma_wait3A_340 = arith.constant 0 : i32
        %dma_wait3A_341 = tpu.memref_slice %arg11[%dma_wait3A_339, %dma_wait3A_340] : memref<10112x128xf32, #tpu.memory_space<vmem_shared>> -> memref<10112x128xf32, #tpu.memory_space<vmem_shared>>
        tpu.wait_indirect_dma semaphore(%run_scoped3A_329 : memref<!tpu.dma_semaphore, #tpu.memory_space<semaphore_mem>>) src(%arg10 : memref<128x128xf32, #tpu.memory_space<vmem>>) dst(%dma_wait3A_341 : memref<10112x128xf32, #tpu.memory_space<vmem_shared>>)
        tpu.yield
      }) : () -> ()
      %dma_start3A_251 = arith.constant 13 : i32
      %dma_start3A_252 = arith.constant 0 : i32
      %dma_start3A_253 = tpu.memref_slice %arg7[%rem3A_60, %dma_start3A_251, %dma_start3A_252] : memref<2x16x128xi32, #tpu.memory_space<vmem>> -> memref<1x1x128xi32, #tpu.memory_space<vmem>>
      %dma_start3A_254 = tpu.memref_squeeze %dma_start3A_253 : memref<1x1x128xi32, #tpu.memory_space<vmem>> -> memref<128xi32, #tpu.memory_space<vmem>>
      %dma_start3A_255 = arith.constant 0 : i32
      %dma_start3A_256 = arith.constant 0 : i32
      %dma_start3A_257 = tpu.memref_slice %arg2[%dma_start3A_255, %dma_start3A_256] : memref<10000x128xf32, #tpu.memory_space<hbm>> -> memref<10000x128xf32, #tpu.memory_space<hbm>>
      tpu.enqueue_indirect_dma source(%dma_start3A_257 : memref<10000x128xf32, #tpu.memory_space<hbm>>) target(%arg10 : memref<128x128xf32, #tpu.memory_space<vmem>>) offsets(%dma_start3A_254 : memref<128xi32, #tpu.memory_space<vmem>>) semaphore(%arg13 : memref<!tpu.dma_semaphore, #tpu.memory_space<semaphore_mem>>)
      %dma_wait3A_258 = arith.constant 0 : i32
      %dma_wait3A_259 = arith.constant 0 : i32
      %dma_wait3A_260 = arith.constant 0 : i32
      %dma_wait3A_261 = tpu.memref_slice %arg7[%dma_wait3A_258, %dma_wait3A_259, %dma_wait3A_260] : memref<2x16x128xi32, #tpu.memory_space<vmem>> -> memref<1x1x128xi32, #tpu.memory_space<vmem>>
      %dma_wait3A_262 = tpu.memref_squeeze %dma_wait3A_261 : memref<1x1x128xi32, #tpu.memory_space<vmem>> -> memref<128xi32, #tpu.memory_space<vmem>>
      %dma_wait3A_263 = arith.constant 0 : i32
      %dma_wait3A_264 = arith.constant 0 : i32
      %dma_wait3A_265 = tpu.memref_slice %arg2[%dma_wait3A_263, %dma_wait3A_264] : memref<10000x128xf32, #tpu.memory_space<hbm>> -> memref<10000x128xf32, #tpu.memory_space<hbm>>
      tpu.wait_indirect_dma semaphore(%arg12 : memref<!tpu.dma_semaphore, #tpu.memory_space<semaphore_mem>>) src(%dma_wait3A_265 : memref<10000x128xf32, #tpu.memory_space<hbm>>) dst(%arg9 : memref<128x128xf32, #tpu.memory_space<vmem>>)
      %run_scoped3A_266 = arith.constant 12 : i32
      "tpu.region"() ({
        %run_scoped3A_329 = tpu.sem_alloc : memref<!tpu.dma_semaphore, #tpu.memory_space<semaphore_mem>>
        %dma_start3A_330 = arith.constant 0 : i32
        %dma_start3A_331 = tpu.memref_slice %arg8[%rem3A_60, %run_scoped3A_266, %dma_start3A_330] : memref<2x16x128xi32, #tpu.memory_space<vmem>> -> memref<1x1x128xi32, #tpu.memory_space<vmem>>
        %dma_start3A_332 = tpu.memref_squeeze %dma_start3A_331 : memref<1x1x128xi32, #tpu.memory_space<vmem>> -> memref<128xi32, #tpu.memory_space<vmem>>
        %dma_start3A_333 = arith.constant 0 : i32
        %dma_start3A_334 = arith.constant 0 : i32
        %dma_start3A_335 = tpu.memref_slice %arg11[%dma_start3A_333, %dma_start3A_334] : memref<10112x128xf32, #tpu.memory_space<vmem_shared>> -> memref<10112x128xf32, #tpu.memory_space<vmem_shared>>
        tpu.enqueue_indirect_dma source(%arg9 : memref<128x128xf32, #tpu.memory_space<vmem>>) target(%dma_start3A_335 : memref<10112x128xf32, #tpu.memory_space<vmem_shared>>) offsets(%dma_start3A_332 : memref<128xi32, #tpu.memory_space<vmem>>) semaphore(%run_scoped3A_329 : memref<!tpu.dma_semaphore, #tpu.memory_space<semaphore_mem>>) {add = true}
        %dma_wait3A_336 = arith.constant 0 : i32
        %dma_wait3A_337 = tpu.memref_slice %arg8[%rem3A_60, %run_scoped3A_266, %dma_wait3A_336] : memref<2x16x128xi32, #tpu.memory_space<vmem>> -> memref<1x1x128xi32, #tpu.memory_space<vmem>>
        %dma_wait3A_338 = tpu.memref_squeeze %dma_wait3A_337 : memref<1x1x128xi32, #tpu.memory_space<vmem>> -> memref<128xi32, #tpu.memory_space<vmem>>
        %dma_wait3A_339 = arith.constant 0 : i32
        %dma_wait3A_340 = arith.constant 0 : i32
        %dma_wait3A_341 = tpu.memref_slice %arg11[%dma_wait3A_339, %dma_wait3A_340] : memref<10112x128xf32, #tpu.memory_space<vmem_shared>> -> memref<10112x128xf32, #tpu.memory_space<vmem_shared>>
        tpu.wait_indirect_dma semaphore(%run_scoped3A_329 : memref<!tpu.dma_semaphore, #tpu.memory_space<semaphore_mem>>) src(%arg9 : memref<128x128xf32, #tpu.memory_space<vmem>>) dst(%dma_wait3A_341 : memref<10112x128xf32, #tpu.memory_space<vmem_shared>>)
        tpu.yield
      }) : () -> ()
      %dma_start3A_267 = arith.constant 14 : i32
      %dma_start3A_268 = arith.constant 0 : i32
      %dma_start3A_269 = tpu.memref_slice %arg7[%rem3A_60, %dma_start3A_267, %dma_start3A_268] : memref<2x16x128xi32, #tpu.memory_space<vmem>> -> memref<1x1x128xi32, #tpu.memory_space<vmem>>
      %dma_start3A_270 = tpu.memref_squeeze %dma_start3A_269 : memref<1x1x128xi32, #tpu.memory_space<vmem>> -> memref<128xi32, #tpu.memory_space<vmem>>
      %dma_start3A_271 = arith.constant 0 : i32
      %dma_start3A_272 = arith.constant 0 : i32
      %dma_start3A_273 = tpu.memref_slice %arg2[%dma_start3A_271, %dma_start3A_272] : memref<10000x128xf32, #tpu.memory_space<hbm>> -> memref<10000x128xf32, #tpu.memory_space<hbm>>
      tpu.enqueue_indirect_dma source(%dma_start3A_273 : memref<10000x128xf32, #tpu.memory_space<hbm>>) target(%arg9 : memref<128x128xf32, #tpu.memory_space<vmem>>) offsets(%dma_start3A_270 : memref<128xi32, #tpu.memory_space<vmem>>) semaphore(%arg12 : memref<!tpu.dma_semaphore, #tpu.memory_space<semaphore_mem>>)
      %dma_wait3A_274 = arith.constant 0 : i32
      %dma_wait3A_275 = arith.constant 0 : i32
      %dma_wait3A_276 = arith.constant 0 : i32
      %dma_wait3A_277 = tpu.memref_slice %arg7[%dma_wait3A_274, %dma_wait3A_275, %dma_wait3A_276] : memref<2x16x128xi32, #tpu.memory_space<vmem>> -> memref<1x1x128xi32, #tpu.memory_space<vmem>>
      %dma_wait3A_278 = tpu.memref_squeeze %dma_wait3A_277 : memref<1x1x128xi32, #tpu.memory_space<vmem>> -> memref<128xi32, #tpu.memory_space<vmem>>
      %dma_wait3A_279 = arith.constant 0 : i32
      %dma_wait3A_280 = arith.constant 0 : i32
      %dma_wait3A_281 = tpu.memref_slice %arg2[%dma_wait3A_279, %dma_wait3A_280] : memref<10000x128xf32, #tpu.memory_space<hbm>> -> memref<10000x128xf32, #tpu.memory_space<hbm>>
      tpu.wait_indirect_dma semaphore(%arg13 : memref<!tpu.dma_semaphore, #tpu.memory_space<semaphore_mem>>) src(%dma_wait3A_281 : memref<10000x128xf32, #tpu.memory_space<hbm>>) dst(%arg10 : memref<128x128xf32, #tpu.memory_space<vmem>>)
      %run_scoped3A_282 = arith.constant 13 : i32
      "tpu.region"() ({
        %run_scoped3A_329 = tpu.sem_alloc : memref<!tpu.dma_semaphore, #tpu.memory_space<semaphore_mem>>
        %dma_start3A_330 = arith.constant 0 : i32
        %dma_start3A_331 = tpu.memref_slice %arg8[%rem3A_60, %run_scoped3A_282, %dma_start3A_330] : memref<2x16x128xi32, #tpu.memory_space<vmem>> -> memref<1x1x128xi32, #tpu.memory_space<vmem>>
        %dma_start3A_332 = tpu.memref_squeeze %dma_start3A_331 : memref<1x1x128xi32, #tpu.memory_space<vmem>> -> memref<128xi32, #tpu.memory_space<vmem>>
        %dma_start3A_333 = arith.constant 0 : i32
        %dma_start3A_334 = arith.constant 0 : i32
        %dma_start3A_335 = tpu.memref_slice %arg11[%dma_start3A_333, %dma_start3A_334] : memref<10112x128xf32, #tpu.memory_space<vmem_shared>> -> memref<10112x128xf32, #tpu.memory_space<vmem_shared>>
        tpu.enqueue_indirect_dma source(%arg10 : memref<128x128xf32, #tpu.memory_space<vmem>>) target(%dma_start3A_335 : memref<10112x128xf32, #tpu.memory_space<vmem_shared>>) offsets(%dma_start3A_332 : memref<128xi32, #tpu.memory_space<vmem>>) semaphore(%run_scoped3A_329 : memref<!tpu.dma_semaphore, #tpu.memory_space<semaphore_mem>>) {add = true}
        %dma_wait3A_336 = arith.constant 0 : i32
        %dma_wait3A_337 = tpu.memref_slice %arg8[%rem3A_60, %run_scoped3A_282, %dma_wait3A_336] : memref<2x16x128xi32, #tpu.memory_space<vmem>> -> memref<1x1x128xi32, #tpu.memory_space<vmem>>
        %dma_wait3A_338 = tpu.memref_squeeze %dma_wait3A_337 : memref<1x1x128xi32, #tpu.memory_space<vmem>> -> memref<128xi32, #tpu.memory_space<vmem>>
        %dma_wait3A_339 = arith.constant 0 : i32
        %dma_wait3A_340 = arith.constant 0 : i32
        %dma_wait3A_341 = tpu.memref_slice %arg11[%dma_wait3A_339, %dma_wait3A_340] : memref<10112x128xf32, #tpu.memory_space<vmem_shared>> -> memref<10112x128xf32, #tpu.memory_space<vmem_shared>>
        tpu.wait_indirect_dma semaphore(%run_scoped3A_329 : memref<!tpu.dma_semaphore, #tpu.memory_space<semaphore_mem>>) src(%arg10 : memref<128x128xf32, #tpu.memory_space<vmem>>) dst(%dma_wait3A_341 : memref<10112x128xf32, #tpu.memory_space<vmem_shared>>)
        tpu.yield
      }) : () -> ()
      %dma_start3A_283 = arith.constant 15 : i32
      %dma_start3A_284 = arith.constant 0 : i32
      %dma_start3A_285 = tpu.memref_slice %arg7[%rem3A_60, %dma_start3A_283, %dma_start3A_284] : memref<2x16x128xi32, #tpu.memory_space<vmem>> -> memref<1x1x128xi32, #tpu.memory_space<vmem>>
      %dma_start3A_286 = tpu.memref_squeeze %dma_start3A_285 : memref<1x1x128xi32, #tpu.memory_space<vmem>> -> memref<128xi32, #tpu.memory_space<vmem>>
      %dma_start3A_287 = arith.constant 0 : i32
      %dma_start3A_288 = arith.constant 0 : i32
      %dma_start3A_289 = tpu.memref_slice %arg2[%dma_start3A_287, %dma_start3A_288] : memref<10000x128xf32, #tpu.memory_space<hbm>> -> memref<10000x128xf32, #tpu.memory_space<hbm>>
      tpu.enqueue_indirect_dma source(%dma_start3A_289 : memref<10000x128xf32, #tpu.memory_space<hbm>>) target(%arg10 : memref<128x128xf32, #tpu.memory_space<vmem>>) offsets(%dma_start3A_286 : memref<128xi32, #tpu.memory_space<vmem>>) semaphore(%arg13 : memref<!tpu.dma_semaphore, #tpu.memory_space<semaphore_mem>>)
      %dma_wait3A_290 = arith.constant 0 : i32
      %dma_wait3A_291 = arith.constant 0 : i32
      %dma_wait3A_292 = arith.constant 0 : i32
      %dma_wait3A_293 = tpu.memref_slice %arg7[%dma_wait3A_290, %dma_wait3A_291, %dma_wait3A_292] : memref<2x16x128xi32, #tpu.memory_space<vmem>> -> memref<1x1x128xi32, #tpu.memory_space<vmem>>
      %dma_wait3A_294 = tpu.memref_squeeze %dma_wait3A_293 : memref<1x1x128xi32, #tpu.memory_space<vmem>> -> memref<128xi32, #tpu.memory_space<vmem>>
      %dma_wait3A_295 = arith.constant 0 : i32
      %dma_wait3A_296 = arith.constant 0 : i32
      %dma_wait3A_297 = tpu.memref_slice %arg2[%dma_wait3A_295, %dma_wait3A_296] : memref<10000x128xf32, #tpu.memory_space<hbm>> -> memref<10000x128xf32, #tpu.memory_space<hbm>>
      tpu.wait_indirect_dma semaphore(%arg12 : memref<!tpu.dma_semaphore, #tpu.memory_space<semaphore_mem>>) src(%dma_wait3A_297 : memref<10000x128xf32, #tpu.memory_space<hbm>>) dst(%arg9 : memref<128x128xf32, #tpu.memory_space<vmem>>)
      %run_scoped3A_298 = arith.constant 14 : i32
      "tpu.region"() ({
        %run_scoped3A_329 = tpu.sem_alloc : memref<!tpu.dma_semaphore, #tpu.memory_space<semaphore_mem>>
        %dma_start3A_330 = arith.constant 0 : i32
        %dma_start3A_331 = tpu.memref_slice %arg8[%rem3A_60, %run_scoped3A_298, %dma_start3A_330] : memref<2x16x128xi32, #tpu.memory_space<vmem>> -> memref<1x1x128xi32, #tpu.memory_space<vmem>>
        %dma_start3A_332 = tpu.memref_squeeze %dma_start3A_331 : memref<1x1x128xi32, #tpu.memory_space<vmem>> -> memref<128xi32, #tpu.memory_space<vmem>>
        %dma_start3A_333 = arith.constant 0 : i32
        %dma_start3A_334 = arith.constant 0 : i32
        %dma_start3A_335 = tpu.memref_slice %arg11[%dma_start3A_333, %dma_start3A_334] : memref<10112x128xf32, #tpu.memory_space<vmem_shared>> -> memref<10112x128xf32, #tpu.memory_space<vmem_shared>>
        tpu.enqueue_indirect_dma source(%arg9 : memref<128x128xf32, #tpu.memory_space<vmem>>) target(%dma_start3A_335 : memref<10112x128xf32, #tpu.memory_space<vmem_shared>>) offsets(%dma_start3A_332 : memref<128xi32, #tpu.memory_space<vmem>>) semaphore(%run_scoped3A_329 : memref<!tpu.dma_semaphore, #tpu.memory_space<semaphore_mem>>) {add = true}
        %dma_wait3A_336 = arith.constant 0 : i32
        %dma_wait3A_337 = tpu.memref_slice %arg8[%rem3A_60, %run_scoped3A_298, %dma_wait3A_336] : memref<2x16x128xi32, #tpu.memory_space<vmem>> -> memref<1x1x128xi32, #tpu.memory_space<vmem>>
        %dma_wait3A_338 = tpu.memref_squeeze %dma_wait3A_337 : memref<1x1x128xi32, #tpu.memory_space<vmem>> -> memref<128xi32, #tpu.memory_space<vmem>>
        %dma_wait3A_339 = arith.constant 0 : i32
        %dma_wait3A_340 = arith.constant 0 : i32
        %dma_wait3A_341 = tpu.memref_slice %arg11[%dma_wait3A_339, %dma_wait3A_340] : memref<10112x128xf32, #tpu.memory_space<vmem_shared>> -> memref<10112x128xf32, #tpu.memory_space<vmem_shared>>
        tpu.wait_indirect_dma semaphore(%run_scoped3A_329 : memref<!tpu.dma_semaphore, #tpu.memory_space<semaphore_mem>>) src(%arg9 : memref<128x128xf32, #tpu.memory_space<vmem>>) dst(%dma_wait3A_341 : memref<10112x128xf32, #tpu.memory_space<vmem_shared>>)
        tpu.yield
      }) : () -> ()
      %add3A_299 = arith.constant 1 : i32
      %add3A_300 = arith.addi %scan3A_59, %add3A_299 : i32
      %lt3A_301 = arith.constant 5 : i32
      %lt3A_302 = arith.cmpi slt, %add3A_300, %lt3A_301 : i32
      %convert_element_type3A_303 = arith.extui %lt3A_302 : i1 to i32
      %cond3A_304 = arith.constant 0 : i32
      %cond3A_305 = arith.cmpi ne, %convert_element_type3A_303, %cond3A_304 : i32
      scf.if %cond3A_305 {
        %dma_wait3A_329 = arith.constant 0 : i32
        %dma_wait3A_330 = arith.constant 0 : i32
        %dma_wait3A_331 = arith.constant 0 : i32
        %dma_wait3A_332 = tpu.memref_slice %arg7[%dma_wait3A_329, %dma_wait3A_330, %dma_wait3A_331] : memref<2x16x128xi32, #tpu.memory_space<vmem>> -> memref<1x16x128xi32, #tpu.memory_space<vmem>>
        %dma_wait3A_333 = tpu.memref_squeeze %dma_wait3A_332 : memref<1x16x128xi32, #tpu.memory_space<vmem>> -> memref<16x128xi32, #tpu.memory_space<vmem>>
        %dma_wait3A_334 = arith.constant 0 : i32
        %dma_wait3A_335 = arith.constant 0 : i32
        %dma_wait3A_336 = tpu.memref_slice %arg3[%add3A, %dma_wait3A_334, %dma_wait3A_335] : memref<32x80x128xi32, #tpu.memory_space<hbm>> -> memref<1x16x128xi32, #tpu.memory_space<hbm>>
        %dma_wait3A_337 = tpu.memref_squeeze %dma_wait3A_336 : memref<1x16x128xi32, #tpu.memory_space<hbm>> -> memref<16x128xi32, #tpu.memory_space<hbm>>
        %dma_wait3A_338 = arith.constant 0 : i32
        %dma_wait3A_339 = arith.constant 0 : i32
        %dma_wait3A_340 = tpu.memref_slice %arg7[%dma_wait3A_329, %dma_wait3A_338, %dma_wait3A_339] : memref<2x16x128xi32, #tpu.memory_space<vmem>> -> memref<1x16x128xi32, #tpu.memory_space<vmem>>
        %dma_wait3A_341 = tpu.memref_squeeze %dma_wait3A_340 : memref<1x16x128xi32, #tpu.memory_space<vmem>> -> memref<16x128xi32, #tpu.memory_space<vmem>>
        %dma_wait3A_342 = arith.constant 0 : i32
        %dma_wait3A_343 = arith.constant 0 : i32
        %dma_wait3A_344 = tpu.memref_slice %arg3[%add3A, %dma_wait3A_342, %dma_wait3A_343] : memref<32x80x128xi32, #tpu.memory_space<hbm>> -> memref<1x16x128xi32, #tpu.memory_space<hbm>>
        %dma_wait3A_345 = tpu.memref_squeeze %dma_wait3A_344 : memref<1x16x128xi32, #tpu.memory_space<hbm>> -> memref<16x128xi32, #tpu.memory_space<hbm>>
        tpu.wait_dma2 semaphore(%arg14 : memref<!tpu.dma_semaphore, #tpu.memory_space<semaphore_mem>>) src(%dma_wait3A_345 : memref<16x128xi32, #tpu.memory_space<hbm>>) dst(%dma_wait3A_341 : memref<16x128xi32, #tpu.memory_space<vmem>>)
        %dma_wait3A_346 = arith.constant 0 : i32
        %dma_wait3A_347 = arith.constant 0 : i32
        %dma_wait3A_348 = arith.constant 0 : i32
        %dma_wait3A_349 = tpu.memref_slice %arg8[%dma_wait3A_346, %dma_wait3A_347, %dma_wait3A_348] : memref<2x16x128xi32, #tpu.memory_space<vmem>> -> memref<1x16x128xi32, #tpu.memory_space<vmem>>
        %dma_wait3A_350 = tpu.memref_squeeze %dma_wait3A_349 : memref<1x16x128xi32, #tpu.memory_space<vmem>> -> memref<16x128xi32, #tpu.memory_space<vmem>>
        %dma_wait3A_351 = arith.constant 0 : i32
        %dma_wait3A_352 = arith.constant 0 : i32
        %dma_wait3A_353 = tpu.memref_slice %arg4[%add3A, %dma_wait3A_351, %dma_wait3A_352] : memref<32x80x128xi32, #tpu.memory_space<hbm>> -> memref<1x16x128xi32, #tpu.memory_space<hbm>>
        %dma_wait3A_354 = tpu.memref_squeeze %dma_wait3A_353 : memref<1x16x128xi32, #tpu.memory_space<hbm>> -> memref<16x128xi32, #tpu.memory_space<hbm>>
        %dma_wait3A_355 = arith.constant 0 : i32
        %dma_wait3A_356 = arith.constant 0 : i32
        %dma_wait3A_357 = tpu.memref_slice %arg8[%dma_wait3A_346, %dma_wait3A_355, %dma_wait3A_356] : memref<2x16x128xi32, #tpu.memory_space<vmem>> -> memref<1x16x128xi32, #tpu.memory_space<vmem>>
        %dma_wait3A_358 = tpu.memref_squeeze %dma_wait3A_357 : memref<1x16x128xi32, #tpu.memory_space<vmem>> -> memref<16x128xi32, #tpu.memory_space<vmem>>
        %dma_wait3A_359 = arith.constant 0 : i32
        %dma_wait3A_360 = arith.constant 0 : i32
        %dma_wait3A_361 = tpu.memref_slice %arg4[%add3A, %dma_wait3A_359, %dma_wait3A_360] : memref<32x80x128xi32, #tpu.memory_space<hbm>> -> memref<1x16x128xi32, #tpu.memory_space<hbm>>
        %dma_wait3A_362 = tpu.memref_squeeze %dma_wait3A_361 : memref<1x16x128xi32, #tpu.memory_space<hbm>> -> memref<16x128xi32, #tpu.memory_space<hbm>>
        tpu.wait_dma2 semaphore(%arg14 : memref<!tpu.dma_semaphore, #tpu.memory_space<semaphore_mem>>) src(%dma_wait3A_362 : memref<16x128xi32, #tpu.memory_space<hbm>>) dst(%dma_wait3A_358 : memref<16x128xi32, #tpu.memory_space<vmem>>)
      } else {
      }
      %add3A_306 = arith.constant 1 : i32
      %add3A_307 = arith.addi %scan3A_59, %add3A_306 : i32
      %lt3A_308 = arith.constant 5 : i32
      %lt3A_309 = arith.cmpi slt, %add3A_307, %lt3A_308 : i32
      %convert_element_type3A_310 = arith.extui %lt3A_309 : i1 to i32
      %cond3A_311 = arith.constant 0 : i32
      %cond3A_312 = arith.cmpi ne, %convert_element_type3A_310, %cond3A_311 : i32
      scf.if %cond3A_312 {
        %dma_start3A_329 = arith.constant 0 : i32
        %dma_start3A_330 = arith.constant 0 : i32
        %dma_start3A_331 = tpu.memref_slice %arg7[%sub3A_61, %dma_start3A_329, %dma_start3A_330] : memref<2x16x128xi32, #tpu.memory_space<vmem>> -> memref<1x1x128xi32, #tpu.memory_space<vmem>>
        %dma_start3A_332 = tpu.memref_squeeze %dma_start3A_331 : memref<1x1x128xi32, #tpu.memory_space<vmem>> -> memref<128xi32, #tpu.memory_space<vmem>>
        %dma_start3A_333 = arith.constant 0 : i32
        %dma_start3A_334 = arith.constant 0 : i32
        %dma_start3A_335 = tpu.memref_slice %arg2[%dma_start3A_333, %dma_start3A_334] : memref<10000x128xf32, #tpu.memory_space<hbm>> -> memref<10000x128xf32, #tpu.memory_space<hbm>>
        tpu.enqueue_indirect_dma source(%dma_start3A_335 : memref<10000x128xf32, #tpu.memory_space<hbm>>) target(%arg9 : memref<128x128xf32, #tpu.memory_space<vmem>>) offsets(%dma_start3A_332 : memref<128xi32, #tpu.memory_space<vmem>>) semaphore(%arg12 : memref<!tpu.dma_semaphore, #tpu.memory_space<semaphore_mem>>)
      } else {
      }
      %dma_wait3A_313 = arith.constant 0 : i32
      %dma_wait3A_314 = arith.constant 0 : i32
      %dma_wait3A_315 = arith.constant 0 : i32
      %dma_wait3A_316 = tpu.memref_slice %arg7[%dma_wait3A_313, %dma_wait3A_314, %dma_wait3A_315] : memref<2x16x128xi32, #tpu.memory_space<vmem>> -> memref<1x1x128xi32, #tpu.memory_space<vmem>>
      %dma_wait3A_317 = tpu.memref_squeeze %dma_wait3A_316 : memref<1x1x128xi32, #tpu.memory_space<vmem>> -> memref<128xi32, #tpu.memory_space<vmem>>
      %dma_wait3A_318 = arith.constant 0 : i32
      %dma_wait3A_319 = arith.constant 0 : i32
      %dma_wait3A_320 = tpu.memref_slice %arg2[%dma_wait3A_318, %dma_wait3A_319] : memref<10000x128xf32, #tpu.memory_space<hbm>> -> memref<10000x128xf32, #tpu.memory_space<hbm>>
      tpu.wait_indirect_dma semaphore(%arg13 : memref<!tpu.dma_semaphore, #tpu.memory_space<semaphore_mem>>) src(%dma_wait3A_320 : memref<10000x128xf32, #tpu.memory_space<hbm>>) dst(%arg10 : memref<128x128xf32, #tpu.memory_space<vmem>>)
      %run_scoped3A_321 = arith.constant 15 : i32
      "tpu.region"() ({
        %run_scoped3A_329 = tpu.sem_alloc : memref<!tpu.dma_semaphore, #tpu.memory_space<semaphore_mem>>
        %dma_start3A_330 = arith.constant 0 : i32
        %dma_start3A_331 = tpu.memref_slice %arg8[%rem3A_60, %run_scoped3A_321, %dma_start3A_330] : memref<2x16x128xi32, #tpu.memory_space<vmem>> -> memref<1x1x128xi32, #tpu.memory_space<vmem>>
        %dma_start3A_332 = tpu.memref_squeeze %dma_start3A_331 : memref<1x1x128xi32, #tpu.memory_space<vmem>> -> memref<128xi32, #tpu.memory_space<vmem>>
        %dma_start3A_333 = arith.constant 0 : i32
        %dma_start3A_334 = arith.constant 0 : i32
        %dma_start3A_335 = tpu.memref_slice %arg11[%dma_start3A_333, %dma_start3A_334] : memref<10112x128xf32, #tpu.memory_space<vmem_shared>> -> memref<10112x128xf32, #tpu.memory_space<vmem_shared>>
        tpu.enqueue_indirect_dma source(%arg10 : memref<128x128xf32, #tpu.memory_space<vmem>>) target(%dma_start3A_335 : memref<10112x128xf32, #tpu.memory_space<vmem_shared>>) offsets(%dma_start3A_332 : memref<128xi32, #tpu.memory_space<vmem>>) semaphore(%run_scoped3A_329 : memref<!tpu.dma_semaphore, #tpu.memory_space<semaphore_mem>>) {add = true}
        %dma_wait3A_336 = arith.constant 0 : i32
        %dma_wait3A_337 = tpu.memref_slice %arg8[%rem3A_60, %run_scoped3A_321, %dma_wait3A_336] : memref<2x16x128xi32, #tpu.memory_space<vmem>> -> memref<1x1x128xi32, #tpu.memory_space<vmem>>
        %dma_wait3A_338 = tpu.memref_squeeze %dma_wait3A_337 : memref<1x1x128xi32, #tpu.memory_space<vmem>> -> memref<128xi32, #tpu.memory_space<vmem>>
        %dma_wait3A_339 = arith.constant 0 : i32
        %dma_wait3A_340 = arith.constant 0 : i32
        %dma_wait3A_341 = tpu.memref_slice %arg11[%dma_wait3A_339, %dma_wait3A_340] : memref<10112x128xf32, #tpu.memory_space<vmem_shared>> -> memref<10112x128xf32, #tpu.memory_space<vmem_shared>>
        tpu.wait_indirect_dma semaphore(%run_scoped3A_329 : memref<!tpu.dma_semaphore, #tpu.memory_space<semaphore_mem>>) src(%arg10 : memref<128x128xf32, #tpu.memory_space<vmem>>) dst(%dma_wait3A_341 : memref<10112x128xf32, #tpu.memory_space<vmem_shared>>)
        tpu.yield
      }) : () -> ()
      %add3A_322 = arith.constant 1 : i32
      %add3A_323 = arith.addi %scan3A_59, %add3A_322 : i32
      %lt3A_324 = arith.constant 5 : i32
      %lt3A_325 = arith.cmpi slt, %add3A_323, %lt3A_324 : i32
      %convert_element_type3A_326 = arith.extui %lt3A_325 : i1 to i32
      %cond3A_327 = arith.constant 0 : i32
      %cond3A_328 = arith.cmpi ne, %convert_element_type3A_326, %cond3A_327 : i32
      scf.if %cond3A_328 {
        %dma_start3A_329 = arith.constant 1 : i32
        %dma_start3A_330 = arith.constant 0 : i32
        %dma_start3A_331 = tpu.memref_slice %arg7[%sub3A_61, %dma_start3A_329, %dma_start3A_330] : memref<2x16x128xi32, #tpu.memory_space<vmem>> -> memref<1x1x128xi32, #tpu.memory_space<vmem>>
        %dma_start3A_332 = tpu.memref_squeeze %dma_start3A_331 : memref<1x1x128xi32, #tpu.memory_space<vmem>> -> memref<128xi32, #tpu.memory_space<vmem>>
        %dma_start3A_333 = arith.constant 0 : i32
        %dma_start3A_334 = arith.constant 0 : i32
        %dma_start3A_335 = tpu.memref_slice %arg2[%dma_start3A_333, %dma_start3A_334] : memref<10000x128xf32, #tpu.memory_space<hbm>> -> memref<10000x128xf32, #tpu.memory_space<hbm>>
        tpu.enqueue_indirect_dma source(%dma_start3A_335 : memref<10000x128xf32, #tpu.memory_space<hbm>>) target(%arg10 : memref<128x128xf32, #tpu.memory_space<vmem>>) offsets(%dma_start3A_332 : memref<128xi32, #tpu.memory_space<vmem>>) semaphore(%arg13 : memref<!tpu.dma_semaphore, #tpu.memory_space<semaphore_mem>>)
      } else {
      }
    }
    %scan3A_57 = arith.constant 5 : i32
    %barrier3A_58 = arith.constant 0 : index
    tpu.barrier barrier_id(%barrier3A_58)
    "tpu.region"() ({
      %run_scoped3A_59 = tpu.sem_alloc : memref<!tpu.dma_semaphore, #tpu.memory_space<semaphore_mem>>
      %dma_start3A_60 = arith.constant 0 : i32
      %dma_start3A_61 = tpu.memref_slice %arg6[%arg0, %mul3A_0, %dma_start3A_60] : memref<2x10112x128xf32, #tpu.memory_space<hbm>> -> memref<1x632x128xf32, #tpu.memory_space<hbm>>
      %dma_start3A_62 = tpu.memref_squeeze %dma_start3A_61 : memref<1x632x128xf32, #tpu.memory_space<hbm>> -> memref<632x128xf32, #tpu.memory_space<hbm>>
      %dma_start3A_63 = arith.constant 0 : i32
      %dma_start3A_64 = tpu.memref_slice %arg11[%mul3A_0, %dma_start3A_63] : memref<10112x128xf32, #tpu.memory_space<vmem_shared>> -> memref<632x128xf32, #tpu.memory_space<vmem_shared>>
      tpu.enqueue_dma source(%dma_start3A_64 : memref<632x128xf32, #tpu.memory_space<vmem_shared>>) target(%dma_start3A_62 : memref<632x128xf32, #tpu.memory_space<hbm>>) target_semaphore(%run_scoped3A_59 : memref<!tpu.dma_semaphore, #tpu.memory_space<semaphore_mem>>)
      %dma_wait3A = arith.constant 0 : i32
      %dma_wait3A_65 = tpu.memref_slice %arg6[%arg0, %mul3A_0, %dma_wait3A] : memref<2x10112x128xf32, #tpu.memory_space<hbm>> -> memref<1x632x128xf32, #tpu.memory_space<hbm>>
      %dma_wait3A_66 = tpu.memref_squeeze %dma_wait3A_65 : memref<1x632x128xf32, #tpu.memory_space<hbm>> -> memref<632x128xf32, #tpu.memory_space<hbm>>
      %dma_wait3A_67 = arith.constant 0 : i32
      %dma_wait3A_68 = tpu.memref_slice %arg11[%mul3A_0, %dma_wait3A_67] : memref<10112x128xf32, #tpu.memory_space<vmem_shared>> -> memref<632x128xf32, #tpu.memory_space<vmem_shared>>
      tpu.wait_dma2 semaphore(%run_scoped3A_59 : memref<!tpu.dma_semaphore, #tpu.memory_space<semaphore_mem>>) src(%dma_wait3A_68 : memref<632x128xf32, #tpu.memory_space<vmem_shared>>) dst(%dma_wait3A_66 : memref<632x128xf32, #tpu.memory_space<hbm>>)
      tpu.yield
    }) : () -> ()
    return
  }
}

#map = affine_map<(d0, d1) -> (0, 0)>
#map1 = affine_map<(d0, d1) -> (0, 0, 0)>
module attributes {stable_mosaic.version = 14 : i64} {
  func.func @deg_kernel(%arg0: i32, %arg1: i32, %arg2: memref<2560x128xi32, #tpu.memory_space<hbm>>, %arg3: memref<10112x128xf32, #tpu.memory_space<hbm>>, %arg4: memref<128x128xf32, #tpu.memory_space<hbm>>, %arg5: memref<2x10112x128xf32, #tpu.memory_space<hbm>>, %arg6: memref<80x128xi32, #tpu.memory_space<vmem>>, %arg7: memref<128x128xf32, #tpu.memory_space<vmem>>, %arg8: memref<10112x128xf32, #tpu.memory_space<vmem_shared>>) attributes {dimension_semantics = [#tpu.dimension_semantics<core_parallel>, #tpu.dimension_semantics<subcore_parallel>], iteration_bounds = array<i64: 2, 16>, scalar_prefetch = 0 : i64, scratch_operands = 3 : i64, tpu.core_type = #tpu.core_type<sc_vector_subcore>, window_params = [{transform_indices = #map}, {transform_indices = #map}, {transform_indices = #map}, {transform_indices = #map1}]} {
    %mul3A = arith.constant 632 : i32
    %mul3A_0 = arith.muli %arg1, %mul3A : i32
    "tpu.region"() ({
      %run_scoped3A = tpu.sem_alloc : memref<!tpu.dma_semaphore, #tpu.memory_space<semaphore_mem>>
      %dma_start3A = arith.constant 0 : i32
      %dma_start3A_11 = tpu.memref_slice %arg8[%mul3A_0, %dma_start3A] : memref<10112x128xf32, #tpu.memory_space<vmem_shared>> -> memref<632x128xf32, #tpu.memory_space<vmem_shared>>
      %dma_start3A_12 = arith.constant 0 : i32
      %dma_start3A_13 = tpu.memref_slice %arg3[%mul3A_0, %dma_start3A_12] : memref<10112x128xf32, #tpu.memory_space<hbm>> -> memref<632x128xf32, #tpu.memory_space<hbm>>
      tpu.enqueue_dma source(%dma_start3A_13 : memref<632x128xf32, #tpu.memory_space<hbm>>) target(%dma_start3A_11 : memref<632x128xf32, #tpu.memory_space<vmem_shared>>) target_semaphore(%run_scoped3A : memref<!tpu.dma_semaphore, #tpu.memory_space<semaphore_mem>>)
      %dma_wait3A = arith.constant 0 : i32
      %dma_wait3A_14 = tpu.memref_slice %arg8[%mul3A_0, %dma_wait3A] : memref<10112x128xf32, #tpu.memory_space<vmem_shared>> -> memref<632x128xf32, #tpu.memory_space<vmem_shared>>
      %dma_wait3A_15 = arith.constant 0 : i32
      %dma_wait3A_16 = tpu.memref_slice %arg3[%mul3A_0, %dma_wait3A_15] : memref<10112x128xf32, #tpu.memory_space<hbm>> -> memref<632x128xf32, #tpu.memory_space<hbm>>
      tpu.wait_dma2 semaphore(%run_scoped3A : memref<!tpu.dma_semaphore, #tpu.memory_space<semaphore_mem>>) src(%dma_wait3A_16 : memref<632x128xf32, #tpu.memory_space<hbm>>) dst(%dma_wait3A_14 : memref<632x128xf32, #tpu.memory_space<vmem_shared>>)
      tpu.yield
    }) : () -> ()
    %mul3A_1 = arith.constant 2 : i32
    %mul3A_2 = arith.muli %arg1, %mul3A_1 : i32
    %add3A = arith.addi %mul3A_2, %arg0 : i32
    %mul3A_3 = arith.constant 80 : i32
    %mul3A_4 = arith.muli %add3A, %mul3A_3 : i32
    "tpu.region"() ({
      %run_scoped3A = tpu.sem_alloc : memref<!tpu.dma_semaphore, #tpu.memory_space<semaphore_mem>>
      %dma_start3A = arith.constant 0 : i32
      %dma_start3A_11 = tpu.memref_slice %arg2[%mul3A_4, %dma_start3A] : memref<2560x128xi32, #tpu.memory_space<hbm>> -> memref<80x128xi32, #tpu.memory_space<hbm>>
      %dma_start3A_12 = arith.constant 0 : i32
      %dma_start3A_13 = tpu.memref_slice %arg2[%mul3A_4, %dma_start3A_12] : memref<2560x128xi32, #tpu.memory_space<hbm>> -> memref<80x128xi32, #tpu.memory_space<hbm>>
      tpu.enqueue_dma source(%dma_start3A_13 : memref<80x128xi32, #tpu.memory_space<hbm>>) target(%arg6 : memref<80x128xi32, #tpu.memory_space<vmem>>) target_semaphore(%run_scoped3A : memref<!tpu.dma_semaphore, #tpu.memory_space<semaphore_mem>>)
      %dma_wait3A = arith.constant 0 : i32
      %dma_wait3A_14 = tpu.memref_slice %arg2[%mul3A_4, %dma_wait3A] : memref<2560x128xi32, #tpu.memory_space<hbm>> -> memref<80x128xi32, #tpu.memory_space<hbm>>
      %dma_wait3A_15 = arith.constant 0 : i32
      %dma_wait3A_16 = tpu.memref_slice %arg2[%mul3A_4, %dma_wait3A_15] : memref<2560x128xi32, #tpu.memory_space<hbm>> -> memref<80x128xi32, #tpu.memory_space<hbm>>
      tpu.wait_dma2 semaphore(%run_scoped3A : memref<!tpu.dma_semaphore, #tpu.memory_space<semaphore_mem>>) src(%dma_wait3A_16 : memref<80x128xi32, #tpu.memory_space<hbm>>) dst(%arg6 : memref<80x128xi32, #tpu.memory_space<vmem>>)
      tpu.yield
    }) : () -> ()
    "tpu.region"() ({
      %run_scoped3A = tpu.sem_alloc : memref<!tpu.dma_semaphore, #tpu.memory_space<semaphore_mem>>
      tpu.enqueue_dma source(%arg4 : memref<128x128xf32, #tpu.memory_space<hbm>>) target(%arg7 : memref<128x128xf32, #tpu.memory_space<vmem>>) target_semaphore(%run_scoped3A : memref<!tpu.dma_semaphore, #tpu.memory_space<semaphore_mem>>)
      tpu.wait_dma2 semaphore(%run_scoped3A : memref<!tpu.dma_semaphore, #tpu.memory_space<semaphore_mem>>) src(%arg4 : memref<128x128xf32, #tpu.memory_space<hbm>>) dst(%arg7 : memref<128x128xf32, #tpu.memory_space<vmem>>)
      tpu.yield
    }) : () -> ()
    %barrier3A = arith.constant 0 : index
    tpu.barrier barrier_id(%barrier3A)
    %scan3A = arith.constant 0 : i32
    %scan3A_5 = arith.constant 0 : i32
    %scan3A_6 = arith.constant 80 : i32
    %scan3A_7 = arith.addi %scan3A_5, %scan3A_6 : i32
    %scan3A_8 = arith.constant 1 : i32
    scf.for %scan3A_11 = %scan3A_5 to %scan3A_7 step %scan3A_8  : i32 {
      "tpu.region"() ({
        %run_scoped3A = tpu.sem_alloc : memref<!tpu.dma_semaphore, #tpu.memory_space<semaphore_mem>>
        %dma_start3A = arith.constant 0 : i32
        %dma_start3A_12 = tpu.memref_slice %arg6[%scan3A_11, %dma_start3A] : memref<80x128xi32, #tpu.memory_space<vmem>> -> memref<1x128xi32, #tpu.memory_space<vmem>>
        %dma_start3A_13 = tpu.memref_squeeze %dma_start3A_12 : memref<1x128xi32, #tpu.memory_space<vmem>> -> memref<128xi32, #tpu.memory_space<vmem>>
        %dma_start3A_14 = arith.constant 0 : i32
        %dma_start3A_15 = arith.constant 0 : i32
        %dma_start3A_16 = tpu.memref_slice %arg8[%dma_start3A_14, %dma_start3A_15] : memref<10112x128xf32, #tpu.memory_space<vmem_shared>> -> memref<10112x128xf32, #tpu.memory_space<vmem_shared>>
        tpu.enqueue_indirect_dma source(%arg7 : memref<128x128xf32, #tpu.memory_space<vmem>>) target(%dma_start3A_16 : memref<10112x128xf32, #tpu.memory_space<vmem_shared>>) offsets(%dma_start3A_13 : memref<128xi32, #tpu.memory_space<vmem>>) semaphore(%run_scoped3A : memref<!tpu.dma_semaphore, #tpu.memory_space<semaphore_mem>>) {add = true}
        %dma_wait3A = arith.constant 0 : i32
        %dma_wait3A_17 = tpu.memref_slice %arg6[%scan3A_11, %dma_wait3A] : memref<80x128xi32, #tpu.memory_space<vmem>> -> memref<1x128xi32, #tpu.memory_space<vmem>>
        %dma_wait3A_18 = tpu.memref_squeeze %dma_wait3A_17 : memref<1x128xi32, #tpu.memory_space<vmem>> -> memref<128xi32, #tpu.memory_space<vmem>>
        %dma_wait3A_19 = arith.constant 0 : i32
        %dma_wait3A_20 = arith.constant 0 : i32
        %dma_wait3A_21 = tpu.memref_slice %arg8[%dma_wait3A_19, %dma_wait3A_20] : memref<10112x128xf32, #tpu.memory_space<vmem_shared>> -> memref<10112x128xf32, #tpu.memory_space<vmem_shared>>
        tpu.wait_indirect_dma semaphore(%run_scoped3A : memref<!tpu.dma_semaphore, #tpu.memory_space<semaphore_mem>>) src(%arg7 : memref<128x128xf32, #tpu.memory_space<vmem>>) dst(%dma_wait3A_21 : memref<10112x128xf32, #tpu.memory_space<vmem_shared>>)
        tpu.yield
      }) : () -> ()
    }
    %scan3A_9 = arith.constant 80 : i32
    %barrier3A_10 = arith.constant 0 : index
    tpu.barrier barrier_id(%barrier3A_10)
    "tpu.region"() ({
      %run_scoped3A = tpu.sem_alloc : memref<!tpu.dma_semaphore, #tpu.memory_space<semaphore_mem>>
      %dma_start3A = arith.constant 0 : i32
      %dma_start3A_11 = tpu.memref_slice %arg5[%arg0, %mul3A_0, %dma_start3A] : memref<2x10112x128xf32, #tpu.memory_space<hbm>> -> memref<1x632x128xf32, #tpu.memory_space<hbm>>
      %dma_start3A_12 = tpu.memref_squeeze %dma_start3A_11 : memref<1x632x128xf32, #tpu.memory_space<hbm>> -> memref<632x128xf32, #tpu.memory_space<hbm>>
      %dma_start3A_13 = arith.constant 0 : i32
      %dma_start3A_14 = tpu.memref_slice %arg8[%mul3A_0, %dma_start3A_13] : memref<10112x128xf32, #tpu.memory_space<vmem_shared>> -> memref<632x128xf32, #tpu.memory_space<vmem_shared>>
      tpu.enqueue_dma source(%dma_start3A_14 : memref<632x128xf32, #tpu.memory_space<vmem_shared>>) target(%dma_start3A_12 : memref<632x128xf32, #tpu.memory_space<hbm>>) target_semaphore(%run_scoped3A : memref<!tpu.dma_semaphore, #tpu.memory_space<semaphore_mem>>)
      %dma_wait3A = arith.constant 0 : i32
      %dma_wait3A_15 = tpu.memref_slice %arg5[%arg0, %mul3A_0, %dma_wait3A] : memref<2x10112x128xf32, #tpu.memory_space<hbm>> -> memref<1x632x128xf32, #tpu.memory_space<hbm>>
      %dma_wait3A_16 = tpu.memref_squeeze %dma_wait3A_15 : memref<1x632x128xf32, #tpu.memory_space<hbm>> -> memref<632x128xf32, #tpu.memory_space<hbm>>
      %dma_wait3A_17 = arith.constant 0 : i32
      %dma_wait3A_18 = tpu.memref_slice %arg8[%mul3A_0, %dma_wait3A_17] : memref<10112x128xf32, #tpu.memory_space<vmem_shared>> -> memref<632x128xf32, #tpu.memory_space<vmem_shared>>
      tpu.wait_dma2 semaphore(%run_scoped3A : memref<!tpu.dma_semaphore, #tpu.memory_space<semaphore_mem>>) src(%dma_wait3A_18 : memref<632x128xf32, #tpu.memory_space<vmem_shared>>) dst(%dma_wait3A_16 : memref<632x128xf32, #tpu.memory_space<hbm>>)
      tpu.yield
    }) : () -> ()
    return
  }
}

module attributes {stable_mosaic.version = 14 : i64} {
  func.func @_p_body(%arg0: i32, %arg1: memref<2x1000x128xf32, #tpu.memory_space<vmem>>, %arg2: memref<1000x128xf32, #tpu.memory_space<vmem>>, %arg3: memref<128x128xf32, #tpu.memory_space<vmem>>, %arg4: memref<1000x1xf32, #tpu.memory_space<vmem>>, %arg5: memref<1000x128xf32, #tpu.memory_space<vmem>>) attributes {dimension_semantics = [#tpu.dimension_semantics<arbitrary>], iteration_bounds = array<i64: 10>, scalar_prefetch = 0 : i64, scratch_operands = 0 : i64, tpu.core_type = #tpu.core_type<tc>, window_params = [{transform_indices = @transform_0, window_bounds = array<i64: 2, 1000, 128>}, {transform_indices = @transform_1, window_bounds = array<i64: 1000, 128>}, {pipeline_mode = #tpu.pipeline_mode<synchronous>, transform_indices = @transform_2, window_bounds = array<i64: 128, 128>}, {transform_indices = @transform_3, window_bounds = array<i64: 1000, 1>}, {transform_indices = @transform_4, window_bounds = array<i64: 1000, 128>}]} {
    %get3A = arith.constant 0 : index
    %get3A_0 = arith.constant 0 : index
    %get3A_1 = arith.constant 0 : index
    %get3A_2 = vector.load %arg1[%get3A, %get3A_0, %get3A_1] : memref<2x1000x128xf32, #tpu.memory_space<vmem>>, vector<1x1000x1xf32>
    %get3A_3 = vector.shape_cast %get3A_2 : vector<1x1000x1xf32> to vector<1000x1xf32>
    %get3A_4 = arith.constant 1 : index
    %get3A_5 = arith.constant 0 : index
    %get3A_6 = arith.constant 0 : index
    %get3A_7 = vector.load %arg1[%get3A_4, %get3A_5, %get3A_6] : memref<2x1000x128xf32, #tpu.memory_space<vmem>>, vector<1x1000x1xf32>
    %get3A_8 = vector.shape_cast %get3A_7 : vector<1x1000x1xf32> to vector<1000x1xf32>
    %add3A = arith.addf %get3A_3, %get3A_8 : vector<1000x1xf32>
    %add3A_9 = arith.constant 1.000000e+00 : f32
    %add3A_10 = vector.broadcast %add3A_9 : f32 to vector<1000x1xf32>
    %add3A_11 = arith.addf %add3A, %add3A_10 : vector<1000x1xf32>
    %rsqrt3A = math.rsqrt %add3A_11 : vector<1000x1xf32>
    %get3A_12 = arith.constant 0 : index
    %get3A_13 = arith.constant 0 : index
    %get3A_14 = vector.load %arg2[%get3A_12, %get3A_13] : memref<1000x128xf32, #tpu.memory_space<vmem>>, vector<1000x128xf32>
    %get3A_15 = arith.constant 0 : index
    %get3A_16 = arith.constant 0 : index
    %get3A_17 = vector.load %arg3[%get3A_15, %get3A_16] : memref<128x128xf32, #tpu.memory_space<vmem>>, vector<128x128xf32>
    %dot_general3A = arith.constant dense<0.000000e+00> : vector<1000x128xf32>
    %dot_general3A_18 = tpu.matmul %get3A_14, %get3A_17, %dot_general3A {dimension_numbers = #tpu.dot_dimension_numbers<[1], [0], [0], [1], [0, 0, 1, 1], [], []>, transpose_lhs_hint = false} : vector<1000x128xf32>, vector<128x128xf32>, vector<1000x128xf32> -> vector<1000x128xf32>
    %swap3A = arith.constant 0 : index
    %swap3A_19 = arith.constant 0 : index
    %swap3A_20 = vector.load %arg4[%swap3A, %swap3A_19] : memref<1000x1xf32, #tpu.memory_space<vmem>>, vector<1000x1xf32>
    tpu.vector_store %arg4[%swap3A, %swap3A_19], %rsqrt3A {strides = array<i32>} : memref<1000x1xf32, #tpu.memory_space<vmem>>, vector<1000x1xf32>,
    %mul3A = vector.broadcast %rsqrt3A : vector<1000x1xf32> to vector<1000x128xf32>
    %mul3A_21 = arith.mulf %mul3A, %dot_general3A_18 : vector<1000x128xf32>
    %swap3A_22 = arith.constant 0 : index
    %swap3A_23 = arith.constant 0 : index
    %swap3A_24 = vector.load %arg5[%swap3A_22, %swap3A_23] : memref<1000x128xf32, #tpu.memory_space<vmem>>, vector<1000x128xf32>
    tpu.vector_store %arg5[%swap3A_22, %swap3A_23], %mul3A_21 {strides = array<i32>} : memref<1000x128xf32, #tpu.memory_space<vmem>>, vector<1000x128xf32>,
    return
  }
  func.func @transform_0(%arg0: i32) -> (i32, i32, i32) {
    %c0_i32 = arith.constant 0 : i32
    %c0_i32_0 = arith.constant 0 : i32
    %c0_i32_1 = arith.constant 0 : i32
    return %c0_i32, %arg0, %c0_i32_0 : i32, i32, i32
  }
  func.func @transform_1(%arg0: i32) -> (i32, i32) {
    %c0_i32 = arith.constant 0 : i32
    %c0_i32_0 = arith.constant 0 : i32
    return %arg0, %c0_i32 : i32, i32
  }
  func.func @transform_2(%arg0: i32) -> (i32, i32) {
    %c0_i32 = arith.constant 0 : i32
    %c0_i32_0 = arith.constant 0 : i32
    %c0_i32_1 = arith.constant 0 : i32
    return %c0_i32, %c0_i32_0 : i32, i32
  }
  func.func @transform_3(%arg0: i32) -> (i32, i32) {
    %c0_i32 = arith.constant 0 : i32
    %c0_i32_0 = arith.constant 0 : i32
    return %arg0, %c0_i32 : i32, i32
  }
  func.func @transform_4(%arg0: i32) -> (i32, i32) {
    %c0_i32 = arith.constant 0 : i32
    %c0_i32_0 = arith.constant 0 : i32
    return %arg0, %c0_i32 : i32, i32
  }
}

module attributes {stable_mosaic.version = 14 : i64} {
  func.func @_a_body(%arg0: i32, %arg1: memref<2x1000x128xf32, #tpu.memory_space<vmem>>, %arg2: memref<1000x128xf32, #tpu.memory_space<vmem>>, %arg3: memref<1000x1xf32, #tpu.memory_space<vmem>>, %arg4: memref<1x128xf32, #tpu.memory_space<vmem>>, %arg5: memref<128x128xf32, #tpu.memory_space<vmem>>, %arg6: memref<1000x128xf32, #tpu.memory_space<vmem>>) attributes {dimension_semantics = [#tpu.dimension_semantics<arbitrary>], iteration_bounds = array<i64: 10>, scalar_prefetch = 0 : i64, scratch_operands = 0 : i64, tpu.core_type = #tpu.core_type<tc>, window_params = [{transform_indices = @transform_0, window_bounds = array<i64: 2, 1000, 128>}, {transform_indices = @transform_1, window_bounds = array<i64: 1000, 128>}, {transform_indices = @transform_2, window_bounds = array<i64: 1000, 1>}, {pipeline_mode = #tpu.pipeline_mode<synchronous>, transform_indices = @transform_3, window_bounds = array<i64: 1, 128>}, {pipeline_mode = #tpu.pipeline_mode<synchronous>, transform_indices = @transform_4, window_bounds = array<i64: 128, 128>}, {transform_indices = @transform_5, window_bounds = array<i64: 1000, 128>}]} {
    %get3A = arith.constant 0 : index
    %get3A_0 = arith.constant 0 : index
    %get3A_1 = arith.constant 0 : index
    %get3A_2 = vector.load %arg1[%get3A, %get3A_0, %get3A_1] : memref<2x1000x128xf32, #tpu.memory_space<vmem>>, vector<1x1000x128xf32>
    %get3A_3 = vector.shape_cast %get3A_2 : vector<1x1000x128xf32> to vector<1000x128xf32>
    %get3A_4 = arith.constant 1 : index
    %get3A_5 = arith.constant 0 : index
    %get3A_6 = arith.constant 0 : index
    %get3A_7 = vector.load %arg1[%get3A_4, %get3A_5, %get3A_6] : memref<2x1000x128xf32, #tpu.memory_space<vmem>>, vector<1x1000x128xf32>
    %get3A_8 = vector.shape_cast %get3A_7 : vector<1x1000x128xf32> to vector<1000x128xf32>
    %add3A = arith.addf %get3A_3, %get3A_8 : vector<1000x128xf32>
    %get3A_9 = arith.constant 0 : index
    %get3A_10 = arith.constant 0 : index
    %get3A_11 = vector.load %arg2[%get3A_9, %get3A_10] : memref<1000x128xf32, #tpu.memory_space<vmem>>, vector<1000x128xf32>
    %add3A_12 = arith.addf %add3A, %get3A_11 : vector<1000x128xf32>
    %get3A_13 = arith.constant 0 : index
    %get3A_14 = arith.constant 0 : index
    %get3A_15 = vector.load %arg3[%get3A_13, %get3A_14] : memref<1000x1xf32, #tpu.memory_space<vmem>>, vector<1000x1xf32>
    %mul3A = vector.broadcast %get3A_15 : vector<1000x1xf32> to vector<1000x128xf32>
    %mul3A_16 = arith.mulf %mul3A, %add3A_12 : vector<1000x128xf32>
    %get3A_17 = arith.constant 0 : index
    %get3A_18 = arith.constant 0 : index
    %get3A_19 = vector.load %arg4[%get3A_17, %get3A_18] : memref<1x128xf32, #tpu.memory_space<vmem>>, vector<1x128xf32>
    %add3A_20 = vector.broadcast %get3A_19 : vector<1x128xf32> to vector<1000x128xf32>
    %add3A_21 = arith.addf %mul3A_16, %add3A_20 : vector<1000x128xf32>
    %gt3A = arith.constant 0.000000e+00 : f32
    %gt3A_22 = vector.broadcast %gt3A : f32 to vector<1000x128xf32>
    %gt3A_23 = arith.cmpf ogt, %add3A_21, %gt3A_22 : vector<1000x128xf32>
    %exp3A = math.exp %add3A_21 : vector<1000x128xf32>
    %sub3A = arith.constant 1.000000e+00 : f32
    %sub3A_24 = vector.broadcast %sub3A : f32 to vector<1000x128xf32>
    %sub3A_25 = arith.subf %exp3A, %sub3A_24 : vector<1000x128xf32>
    %select_n3A = arith.select %gt3A_23, %add3A_21, %sub3A_25 : vector<1000x128xi1>, vector<1000x128xf32>
    %get3A_26 = arith.constant 0 : index
    %get3A_27 = arith.constant 0 : index
    %get3A_28 = vector.load %arg3[%get3A_26, %get3A_27] : memref<1000x1xf32, #tpu.memory_space<vmem>>, vector<1000x1xf32>
    %get3A_29 = arith.constant 0 : index
    %get3A_30 = arith.constant 0 : index
    %get3A_31 = vector.load %arg5[%get3A_29, %get3A_30] : memref<128x128xf32, #tpu.memory_space<vmem>>, vector<128x128xf32>
    %dot_general3A = arith.constant dense<0.000000e+00> : vector<1000x128xf32>
    %dot_general3A_32 = tpu.matmul %select_n3A, %get3A_31, %dot_general3A {dimension_numbers = #tpu.dot_dimension_numbers<[1], [0], [0], [1], [0, 0, 1, 1], [], []>, transpose_lhs_hint = false} : vector<1000x128xf32>, vector<128x128xf32>, vector<1000x128xf32> -> vector<1000x128xf32>
    %mul3A_33 = vector.broadcast %get3A_28 : vector<1000x1xf32> to vector<1000x128xf32>
    %mul3A_34 = arith.mulf %mul3A_33, %dot_general3A_32 : vector<1000x128xf32>
    %swap3A = arith.constant 0 : index
    %swap3A_35 = arith.constant 0 : index
    %swap3A_36 = vector.load %arg6[%swap3A, %swap3A_35] : memref<1000x128xf32, #tpu.memory_space<vmem>>, vector<1000x128xf32>
    tpu.vector_store %arg6[%swap3A, %swap3A_35], %mul3A_34 {strides = array<i32>} : memref<1000x128xf32, #tpu.memory_space<vmem>>, vector<1000x128xf32>,
    return
  }
  func.func @transform_0(%arg0: i32) -> (i32, i32, i32) {
    %c0_i32 = arith.constant 0 : i32
    %c0_i32_0 = arith.constant 0 : i32
    %c0_i32_1 = arith.constant 0 : i32
    return %c0_i32, %arg0, %c0_i32_0 : i32, i32, i32
  }
  func.func @transform_1(%arg0: i32) -> (i32, i32) {
    %c0_i32 = arith.constant 0 : i32
    %c0_i32_0 = arith.constant 0 : i32
    return %arg0, %c0_i32 : i32, i32
  }
  func.func @transform_2(%arg0: i32) -> (i32, i32) {
    %c0_i32 = arith.constant 0 : i32
    %c0_i32_0 = arith.constant 0 : i32
    return %arg0, %c0_i32 : i32, i32
  }
  func.func @transform_3(%arg0: i32) -> (i32, i32) {
    %c0_i32 = arith.constant 0 : i32
    %c0_i32_0 = arith.constant 0 : i32
    %c0_i32_1 = arith.constant 0 : i32
    return %c0_i32, %c0_i32_0 : i32, i32
  }
  func.func @transform_4(%arg0: i32) -> (i32, i32) {
    %c0_i32 = arith.constant 0 : i32
    %c0_i32_0 = arith.constant 0 : i32
    %c0_i32_1 = arith.constant 0 : i32
    return %c0_i32, %c0_i32_0 : i32, i32
  }
  func.func @transform_5(%arg0: i32) -> (i32, i32) {
    %c0_i32 = arith.constant 0 : i32
    %c0_i32_0 = arith.constant 0 : i32
    return %arg0, %c0_i32 : i32, i32
  }
}

module attributes {stable_mosaic.version = 14 : i64} {
  func.func @_f_body(%arg0: i32, %arg1: memref<2x1000x128xf32, #tpu.memory_space<vmem>>, %arg2: memref<1000x128xf32, #tpu.memory_space<vmem>>, %arg3: memref<1000x1xf32, #tpu.memory_space<vmem>>, %arg4: memref<1x128xf32, #tpu.memory_space<vmem>>, %arg5: memref<1000x1xi32, #tpu.memory_space<vmem>>, %arg6: memref<128x64xf32, #tpu.memory_space<vmem>>, %arg7: memref<1x64xf32, #tpu.memory_space<vmem>>, %arg8: memref<64x1xf32, #tpu.memory_space<vmem>>, %arg9: memref<1x1xf32, #tpu.memory_space<vmem>>, %arg10: memref<64x1xf32, #tpu.memory_space<vmem>>, %arg11: memref<64x128xf32, #tpu.memory_space<vmem>>, %arg12: memref<64x1xf32, #tpu.memory_space<vmem>>) attributes {dimension_semantics = [#tpu.dimension_semantics<arbitrary>], iteration_bounds = array<i64: 10>, scalar_prefetch = 0 : i64, scratch_operands = 2 : i64, tpu.core_type = #tpu.core_type<tc>, window_params = [{transform_indices = @transform_0, window_bounds = array<i64: 2, 1000, 128>}, {transform_indices = @transform_1, window_bounds = array<i64: 1000, 128>}, {transform_indices = @transform_2, window_bounds = array<i64: 1000, 1>}, {pipeline_mode = #tpu.pipeline_mode<synchronous>, transform_indices = @transform_3, window_bounds = array<i64: 1, 128>}, {transform_indices = @transform_4, window_bounds = array<i64: 1000, 1>}, {pipeline_mode = #tpu.pipeline_mode<synchronous>, transform_indices = @transform_5, window_bounds = array<i64: 128, 64>}, {pipeline_mode = #tpu.pipeline_mode<synchronous>, transform_indices = @transform_6, window_bounds = array<i64: 1, 64>}, {pipeline_mode = #tpu.pipeline_mode<synchronous>, transform_indices = @transform_7, window_bounds = array<i64: 64, 1>}, {pipeline_mode = #tpu.pipeline_mode<synchronous>, transform_indices = @transform_8, window_bounds = array<i64: 1, 1>}, {pipeline_mode = #tpu.pipeline_mode<synchronous>, transform_indices = @transform_9, window_bounds = array<i64: 64, 1>}]} {
    %eq3A = arith.constant 0 : i32
    %eq3A_0 = arith.cmpi eq, %arg0, %eq3A : i32
    %convert_element_type3A = arith.extui %eq3A_0 : i1 to i32
    %cond3A = arith.constant 0 : i32
    %cond3A_1 = arith.cmpi ne, %convert_element_type3A, %cond3A : i32
    scf.if %cond3A_1 {
      %broadcast_in_dim3A_58 = arith.constant 0.000000e+00 : f32
      %broadcast_in_dim3A_59 = vector.broadcast %broadcast_in_dim3A_58 : f32 to vector<64x128xf32>
      %swap3A_60 = arith.constant 0 : index
      %swap3A_61 = arith.constant 0 : index
      %swap3A_62 = vector.load %arg11[%swap3A_60, %swap3A_61] : memref<64x128xf32, #tpu.memory_space<vmem>>, vector<64x128xf32>
      tpu.vector_store %arg11[%swap3A_60, %swap3A_61], %broadcast_in_dim3A_59 {strides = array<i32>} : memref<64x128xf32, #tpu.memory_space<vmem>>, vector<64x128xf32>,
      %broadcast_in_dim3A_63 = arith.constant 0.000000e+00 : f32
      %broadcast_in_dim3A_64 = vector.broadcast %broadcast_in_dim3A_63 : f32 to vector<64x1xf32>
      %swap3A_65 = arith.constant 0 : index
      %swap3A_66 = arith.constant 0 : index
      %swap3A_67 = vector.load %arg12[%swap3A_65, %swap3A_66] : memref<64x1xf32, #tpu.memory_space<vmem>>, vector<64x1xf32>
      tpu.vector_store %arg12[%swap3A_65, %swap3A_66], %broadcast_in_dim3A_64 {strides = array<i32>} : memref<64x1xf32, #tpu.memory_space<vmem>>, vector<64x1xf32>,
    } else {
    }
    %get3A = arith.constant 0 : index
    %get3A_2 = arith.constant 0 : index
    %get3A_3 = arith.constant 0 : index
    %get3A_4 = vector.load %arg1[%get3A, %get3A_2, %get3A_3] : memref<2x1000x128xf32, #tpu.memory_space<vmem>>, vector<1x1000x128xf32>
    %get3A_5 = vector.shape_cast %get3A_4 : vector<1x1000x128xf32> to vector<1000x128xf32>
    %get3A_6 = arith.constant 1 : index
    %get3A_7 = arith.constant 0 : index
    %get3A_8 = arith.constant 0 : index
    %get3A_9 = vector.load %arg1[%get3A_6, %get3A_7, %get3A_8] : memref<2x1000x128xf32, #tpu.memory_space<vmem>>, vector<1x1000x128xf32>
    %get3A_10 = vector.shape_cast %get3A_9 : vector<1x1000x128xf32> to vector<1000x128xf32>
    %add3A = arith.addf %get3A_5, %get3A_10 : vector<1000x128xf32>
    %get3A_11 = arith.constant 0 : index
    %get3A_12 = arith.constant 0 : index
    %get3A_13 = vector.load %arg2[%get3A_11, %get3A_12] : memref<1000x128xf32, #tpu.memory_space<vmem>>, vector<1000x128xf32>
    %add3A_14 = arith.addf %add3A, %get3A_13 : vector<1000x128xf32>
    %get3A_15 = arith.constant 0 : index
    %get3A_16 = arith.constant 0 : index
    %get3A_17 = vector.load %arg3[%get3A_15, %get3A_16] : memref<1000x1xf32, #tpu.memory_space<vmem>>, vector<1000x1xf32>
    %mul3A = vector.broadcast %get3A_17 : vector<1000x1xf32> to vector<1000x128xf32>
    %mul3A_18 = arith.mulf %mul3A, %add3A_14 : vector<1000x128xf32>
    %get3A_19 = arith.constant 0 : index
    %get3A_20 = arith.constant 0 : index
    %get3A_21 = vector.load %arg4[%get3A_19, %get3A_20] : memref<1x128xf32, #tpu.memory_space<vmem>>, vector<1x128xf32>
    %add3A_22 = vector.broadcast %get3A_21 : vector<1x128xf32> to vector<1000x128xf32>
    %add3A_23 = arith.addf %mul3A_18, %add3A_22 : vector<1000x128xf32>
    %gt3A = arith.constant 0.000000e+00 : f32
    %gt3A_24 = vector.broadcast %gt3A : f32 to vector<1000x128xf32>
    %gt3A_25 = arith.cmpf ogt, %add3A_23, %gt3A_24 : vector<1000x128xf32>
    %exp3A = math.exp %add3A_23 : vector<1000x128xf32>
    %sub3A = arith.constant 1.000000e+00 : f32
    %sub3A_26 = vector.broadcast %sub3A : f32 to vector<1000x128xf32>
    %sub3A_27 = arith.subf %exp3A, %sub3A_26 : vector<1000x128xf32>
    %select_n3A = arith.select %gt3A_25, %add3A_23, %sub3A_27 : vector<1000x128xi1>, vector<1000x128xf32>
    %get3A_28 = arith.constant 0 : index
    %get3A_29 = arith.constant 0 : index
    %get3A_30 = vector.load %arg5[%get3A_28, %get3A_29] : memref<1000x1xi32, #tpu.memory_space<vmem>>, vector<1000x1xi32>
    %iota3A = tpu.iota {dimensions = array<i32: 1>} : vector<1x64xi32>
    %eq3A_31 = vector.broadcast %get3A_30 : vector<1000x1xi32> to vector<1000x64xi32>
    %eq3A_32 = vector.broadcast %iota3A : vector<1x64xi32> to vector<1000x64xi32>
    %eq3A_33 = arith.cmpi eq, %eq3A_31, %eq3A_32 : vector<1000x64xi32>
    %convert_element_type3A_34 = arith.extui %eq3A_33 : vector<1000x64xi1> to vector<1000x64xi32>
    %convert_element_type3A_35 = arith.sitofp %convert_element_type3A_34 : vector<1000x64xi32> to vector<1000x64xf32>
    %get3A_36 = arith.constant 0 : index
    %get3A_37 = arith.constant 0 : index
    %get3A_38 = vector.load %arg11[%get3A_36, %get3A_37] : memref<64x128xf32, #tpu.memory_space<vmem>>, vector<64x128xf32>
    %dot_general3A = arith.constant dense<0.000000e+00> : vector<64x128xf32>
    %dot_general3A_39 = tpu.matmul %convert_element_type3A_35, %select_n3A, %dot_general3A {dimension_numbers = #tpu.dot_dimension_numbers<[0], [0], [1], [1], [0, 1, 1, 1], [], []>, transpose_lhs_hint = false} : vector<1000x64xf32>, vector<1000x128xf32>, vector<64x128xf32> -> vector<64x128xf32>
    %add3A_40 = arith.addf %get3A_38, %dot_general3A_39 : vector<64x128xf32>
    %swap3A = arith.constant 0 : index
    %swap3A_41 = arith.constant 0 : index
    %swap3A_42 = vector.load %arg11[%swap3A, %swap3A_41] : memref<64x128xf32, #tpu.memory_space<vmem>>, vector<64x128xf32>
    tpu.vector_store %arg11[%swap3A, %swap3A_41], %add3A_40 {strides = array<i32>} : memref<64x128xf32, #tpu.memory_space<vmem>>, vector<64x128xf32>,
    %get3A_43 = arith.constant 0 : index
    %get3A_44 = arith.constant 0 : index
    %get3A_45 = vector.load %arg12[%get3A_43, %get3A_44] : memref<64x1xf32, #tpu.memory_space<vmem>>, vector<64x1xf32>
    %broadcast_in_dim3A = arith.constant 1.000000e+00 : f32
    %broadcast_in_dim3A_46 = vector.broadcast %broadcast_in_dim3A : f32 to vector<1000x1xf32>
    %dot_general3A_47 = arith.constant dense<0.000000e+00> : vector<64x1xf32>
    %dot_general3A_48 = tpu.matmul %convert_element_type3A_35, %broadcast_in_dim3A_46, %dot_general3A_47 {dimension_numbers = #tpu.dot_dimension_numbers<[0], [0], [1], [1], [0, 1, 1, 1], [], []>, transpose_lhs_hint = false} : vector<1000x64xf32>, vector<1000x1xf32>, vector<64x1xf32> -> vector<64x1xf32>
    %add3A_49 = arith.addf %get3A_45, %dot_general3A_48 : vector<64x1xf32>
    %swap3A_50 = arith.constant 0 : index
    %swap3A_51 = arith.constant 0 : index
    %swap3A_52 = vector.load %arg12[%swap3A_50, %swap3A_51] : memref<64x1xf32, #tpu.memory_space<vmem>>, vector<64x1xf32>
    tpu.vector_store %arg12[%swap3A_50, %swap3A_51], %add3A_49 {strides = array<i32>} : memref<64x1xf32, #tpu.memory_space<vmem>>, vector<64x1xf32>,
    %eq3A_53 = arith.constant 9 : i32
    %eq3A_54 = arith.cmpi eq, %arg0, %eq3A_53 : i32
    %convert_element_type3A_55 = arith.extui %eq3A_54 : i1 to i32
    %cond3A_56 = arith.constant 0 : i32
    %cond3A_57 = arith.cmpi ne, %convert_element_type3A_55, %cond3A_56 : i32
    scf.if %cond3A_57 {
      %get3A_58 = arith.constant 0 : index
      %get3A_59 = arith.constant 0 : index
      %get3A_60 = vector.load %arg11[%get3A_58, %get3A_59] : memref<64x128xf32, #tpu.memory_space<vmem>>, vector<64x128xf32>
      %get3A_61 = arith.constant 0 : index
      %get3A_62 = arith.constant 0 : index
      %get3A_63 = vector.load %arg12[%get3A_61, %get3A_62] : memref<64x1xf32, #tpu.memory_space<vmem>>, vector<64x1xf32>
      %max3A = arith.constant 1.000000e+00 : f32
      %max3A_64 = vector.broadcast %max3A : f32 to vector<64x1xf32>
      %max3A_65 = arith.maximumf %get3A_63, %max3A_64 : vector<64x1xf32>
      %div3A = vector.broadcast %max3A_65 : vector<64x1xf32> to vector<64x128xf32>
      %div3A_66 = arith.divf %get3A_60, %div3A : vector<64x128xf32>
      %get3A_67 = arith.constant 0 : index
      %get3A_68 = arith.constant 0 : index
      %get3A_69 = vector.load %arg6[%get3A_67, %get3A_68] : memref<128x64xf32, #tpu.memory_space<vmem>>, vector<128x64xf32>
      %dot_general3A_70 = arith.constant dense<0.000000e+00> : vector<64x64xf32>
      %dot_general3A_71 = tpu.matmul %div3A_66, %get3A_69, %dot_general3A_70 {dimension_numbers = #tpu.dot_dimension_numbers<[1], [0], [0], [1], [0, 0, 1, 1], [], []>, transpose_lhs_hint = false} : vector<64x128xf32>, vector<128x64xf32>, vector<64x64xf32> -> vector<64x64xf32>
      %get3A_72 = arith.constant 0 : index
      %get3A_73 = arith.constant 0 : index
      %get3A_74 = vector.load %arg7[%get3A_72, %get3A_73] : memref<1x64xf32, #tpu.memory_space<vmem>>, vector<1x64xf32>
      %add3A_75 = vector.broadcast %get3A_74 : vector<1x64xf32> to vector<64x64xf32>
      %add3A_76 = arith.addf %dot_general3A_71, %add3A_75 : vector<64x64xf32>
      %max3A_77 = arith.constant 0.000000e+00 : f32
      %max3A_78 = vector.broadcast %max3A_77 : f32 to vector<64x64xf32>
      %max3A_79 = arith.maximumf %add3A_76, %max3A_78 : vector<64x64xf32>
      %get3A_80 = arith.constant 0 : index
      %get3A_81 = arith.constant 0 : index
      %get3A_82 = vector.load %arg8[%get3A_80, %get3A_81] : memref<64x1xf32, #tpu.memory_space<vmem>>, vector<64x1xf32>
      %dot_general3A_83 = arith.constant dense<0.000000e+00> : vector<64x1xf32>
      %dot_general3A_84 = tpu.matmul %max3A_79, %get3A_82, %dot_general3A_83 {dimension_numbers = #tpu.dot_dimension_numbers<[1], [0], [0], [1], [0, 0, 1, 1], [], []>, transpose_lhs_hint = false} : vector<64x64xf32>, vector<64x1xf32>, vector<64x1xf32> -> vector<64x1xf32>
      %get3A_85 = arith.constant 0 : index
      %get3A_86 = arith.constant 0 : index
      %get3A_87 = vector.load %arg9[%get3A_85, %get3A_86] : memref<1x1xf32, #tpu.memory_space<vmem>>, vector<1x1xf32>
      %add3A_88 = vector.broadcast %get3A_87 : vector<1x1xf32> to vector<64x1xf32>
      %add3A_89 = arith.addf %dot_general3A_84, %add3A_88 : vector<64x1xf32>
      %neg3A = arith.constant 0.000000e+00 : f32
      %neg3A_90 = vector.broadcast %neg3A : f32 to vector<64x1xf32>
      %neg3A_91 = arith.subf %neg3A_90, %add3A_89 : vector<64x1xf32>
      %exp3A_92 = math.exp %neg3A_91 : vector<64x1xf32>
      %add3A_93 = arith.constant 1.000000e+00 : f32
      %add3A_94 = vector.broadcast %add3A_93 : f32 to vector<64x1xf32>
      %add3A_95 = arith.addf %add3A_94, %exp3A_92 : vector<64x1xf32>
      %div3A_96 = arith.constant 1.000000e+00 : f32
      %div3A_97 = vector.broadcast %div3A_96 : f32 to vector<64x1xf32>
      %div3A_98 = arith.divf %div3A_97, %add3A_95 : vector<64x1xf32>
      %swap3A_99 = arith.constant 0 : index
      %swap3A_100 = arith.constant 0 : index
      %swap3A_101 = vector.load %arg10[%swap3A_99, %swap3A_100] : memref<64x1xf32, #tpu.memory_space<vmem>>, vector<64x1xf32>
      tpu.vector_store %arg10[%swap3A_99, %swap3A_100], %div3A_98 {strides = array<i32>} : memref<64x1xf32, #tpu.memory_space<vmem>>, vector<64x1xf32>,
    } else {
    }
    return
  }
  func.func @transform_0(%arg0: i32) -> (i32, i32, i32) {
    %c0_i32 = arith.constant 0 : i32
    %c0_i32_0 = arith.constant 0 : i32
    %c0_i32_1 = arith.constant 0 : i32
    return %c0_i32, %arg0, %c0_i32_0 : i32, i32, i32
  }
  func.func @transform_1(%arg0: i32) -> (i32, i32) {
    %c0_i32 = arith.constant 0 : i32
    %c0_i32_0 = arith.constant 0 : i32
    return %arg0, %c0_i32 : i32, i32
  }
  func.func @transform_2(%arg0: i32) -> (i32, i32) {
    %c0_i32 = arith.constant 0 : i32
    %c0_i32_0 = arith.constant 0 : i32
    return %arg0, %c0_i32 : i32, i32
  }
  func.func @transform_3(%arg0: i32) -> (i32, i32) {
    %c0_i32 = arith.constant 0 : i32
    %c0_i32_0 = arith.constant 0 : i32
    %c0_i32_1 = arith.constant 0 : i32
    return %c0_i32, %c0_i32_0 : i32, i32
  }
  func.func @transform_4(%arg0: i32) -> (i32, i32) {
    %c0_i32 = arith.constant 0 : i32
    %c0_i32_0 = arith.constant 0 : i32
    return %arg0, %c0_i32 : i32, i32
  }
  func.func @transform_5(%arg0: i32) -> (i32, i32) {
    %c0_i32 = arith.constant 0 : i32
    %c0_i32_0 = arith.constant 0 : i32
    %c0_i32_1 = arith.constant 0 : i32
    return %c0_i32, %c0_i32_0 : i32, i32
  }
  func.func @transform_6(%arg0: i32) -> (i32, i32) {
    %c0_i32 = arith.constant 0 : i32
    %c0_i32_0 = arith.constant 0 : i32
    %c0_i32_1 = arith.constant 0 : i32
    return %c0_i32, %c0_i32_0 : i32, i32
  }
  func.func @transform_7(%arg0: i32) -> (i32, i32) {
    %c0_i32 = arith.constant 0 : i32
    %c0_i32_0 = arith.constant 0 : i32
    %c0_i32_1 = arith.constant 0 : i32
    return %c0_i32, %c0_i32_0 : i32, i32
  }
  func.func @transform_8(%arg0: i32) -> (i32, i32) {
    %c0_i32 = arith.constant 0 : i32
    %c0_i32_0 = arith.constant 0 : i32
    %c0_i32_1 = arith.constant 0 : i32
    return %c0_i32, %c0_i32_0 : i32, i32
  }
  func.func @transform_9(%arg0: i32) -> (i32, i32) {
    %c0_i32 = arith.constant 0 : i32
    %c0_i32_0 = arith.constant 0 : i32
    %c0_i32_1 = arith.constant 0 : i32
    return %c0_i32, %c0_i32_0 : i32, i32
  }
}

</mosaic_0001>

<sc_bundles>
// kernel: kernel.10.cloned.1.call-start
scs
__scs_entry_jumppad:
0x0: {  	(pc) =	sbr.rel $0x88, $3  }
0x1: {  	(tag) =	ssettag $0x0;
	lr =	simm.s32 $0x1  }
0x2: {  	[smem:$0x3F94] =	sst lr;
	_ =	strace $0xD0000000  }
0x3: {  	_ = 	snop  }
0x4: {  	_ = 	snop  }
0x5: {  	_ = 	snop  }
0x6: {  	_ = 	snop  }
0x7: {  	_ = 	snop  }
__scs_overlays_trampoline_lowered:
0x8: {  	[smem:$0x3FA3] =	sst s0  }
0x9: {  	[smem:$0x3FA4] =	sst s1  }
0xa: {  	[smem:$0x3FA5] =	sst s2  }
0xb: {  	[smem:$0x3FA6] =	sst s3  }
0xc: {  	[smem:$0x3FA7] =	sst s4  }
0xd: {  	[smem:$0x3FA8] =	sst s5  }
0xe: {  	[smem:$0x3FA9] =	sst s6  }
0xf: {  	[smem:$0x3FAA] =	sst s7  }
0x10: {  	[smem:$0x3FAB] =	sst s8  }
0x11: {  	[smem:$0x3FAC] =	sst s9;
	s0 =	simm.s32 @!p0 $0x0  }
0x12: {  	s1 =	sld [smem:$0x3F92];
	s0 =	simm.s32 @p0 $0x1  }
0x13: {  	[smem:$0x3FAD] =	sst s0;
	s0 =	simm.s32 @!p1 $0x0  }
0x14: {  	s2 =	sld [smem:$0x3F91];
	s0 =	simm.s32 @p1 $0x1  }
0x15: {  	[smem:$0x3FAE] =	sst s0;
	s0 =	simm.s32 @!p2 $0x0  }
0x16: {  	s3 =	sld [smem:$0x3FDB];
	s0 =	simm.s32 @p2 $0x1  }
0x17: {  	s4 =	simm.s32 $0x1BF5;
	[smem:$0x3FB0] =	sst s0  }
0x18: {  	s0 =	sld [smem:$0x3F93];
	_ =	swait.ge [sflag:s4], $0x0  }
0x19: {  	s7 =	sld [smem:$0x3F94]  }
0x1a: {  	s8 =	sadd.s32 $0xFFFFE003, lr  }
0x1b: {  	s9 =	sadd.s32 $0xFFFFFEF7, lr;
	s5 =	simm.s32 $0xFFFFFFFF;
	p2 =	slt.u32 s8, $0xFFFFF086  }
0x1c: {  	p1 =	slt.u32 s9, $0xF7A;
	s5 =	simm.s32 @!p2 $0x0  }
0x1d: {  	s5 =	simm.s32 @p1 $0x1;
	p0 =	seq.s32 s7, s2  }
0x1e: {  	s7 =	smul.u32 @!p0 $0xF7A, s2;
	p2 =	seq.s32 @!p0 s5, $0x0  }
0x1f: {  	s9 =	smul.u32 $0xF7A, s1;
	s8 =	simm.s32 @!p0 $0x1BF5;
	p2 =	por !p2, p0  }
0x20: {  	[sflag:s8] =	ssyncset.s32 @!p0 $0xFFFFF086;
	s6 =	sadd.s32 @!p0 s3, s7;
	s7 =	simm.s32 @!p0 $0x108  }
0x21: {  	s3 =	sadd.s32 s3, s9;
	s6 =	sadd.s32 @!p0 $0x88, s6;
	s7 =	simm.s32 @p2 $0x1082  }
0x22: {  	[simem:s7], [sflag:s8] =	dma.local @!p0 [hbm:s6], $0xF7A  }
0x23: {  	s9 =	sor.u32 $0xD0000000, s2;
	s6 =	simm.s32 $0x108;
	_ =	swait.ge @!p0 [sflag:s8], $0x0  }
0x24: {  	s3 =	sadd.s32 $0x88, s3;
	s6 =	simm.s32 @!p1 $0x1082;
	[sflag:s4] =	ssyncset.s32 $0xFFFFF086  }
0x25: {  	[simem:s6], [sflag:s4] =	dma.local [hbm:s3], $0xF7A  }
0x26: {  	[smem:$0x3F94] =	sst s1;
	(tag) =	ssettag s2;
	_ =	strace s9  }
0x27: {  	s1 =	sld [smem:$0x3FA4]  }
0x28: {  	s2 =	sld [smem:$0x3FA5]  }
0x29: {  	s4 =	sld [smem:$0x3FA7]  }
0x2a: {  	p0 =	seq.s32 s5, $0x0;
	s5 =	sld [smem:$0x3FA8]  }
0x2b: {  	s6 =	sld [smem:$0x3FA9]  }
0x2c: {  	s7 =	sld [smem:$0x3FAA]  }
0x2d: {  	s3 =	simm.s32 $0x108;
	s8 =	sld [smem:$0x3FAB]  }
0x2e: {  	s3 =	simm.s32 @!p0 $0x1082;
	s9 =	sld [smem:$0x3FAC]  }
0x2f: {  	lr =	sadd.s32 s0, s3;
	s0 =	sld [smem:$0x3FA3]  }
0x30: {  	s3 =	sld [smem:$0x3FA6]  }
0x31: {  	[smem:$0x3FAF] =	sst s10  }
0x32: {  	s10 =	sld [smem:$0x3FAD];
	_ =	sdelay $0x3  }
0x33: {  	p0 =	seq.s32 s10, $0x1;
	s10 =	sld [smem:$0x3FAF];
	_ =	sdelay $0x3  }
0x34: {  	[smem:$0x3FAF] =	sst s10  }
0x35: {  	s10 =	sld [smem:$0x3FAE];
	_ =	sdelay $0x3  }
0x36: {  	p1 =	seq.s32 s10, $0x1;
	s10 =	sld [smem:$0x3FAF];
	_ =	sdelay $0x3  }
0x37: {  	[smem:$0x3FAF] =	sst s10  }
0x38: {  	s10 =	sld [smem:$0x3FB0]  }
0x39: {  	_ = 	snop;
	(pc) =	sbr.ind lr, $3  }
0x3a: {  	_ = 	snop  }
0x3b: {  	_ = 	snop  }
0x3c: {  	p2 =	seq.s32 s10, $0x1;
	s10 =	sld [smem:$0x3FAF]  }
0x3d: {  	_ =	shalt  }
0x3e: {  	_ =	shalt  }
0x3f: {  	_ =	shalt  }
0x40: {  	_ =	shalt  }
0x41: {  	_ =	shalt  }
0x42: {  	_ =	shalt  }
0x43: {  	_ =	shalt  }
0x44: {  	_ =	shalt  }
0x45: {  	_ =	shalt  }
0x46: {  	_ =	shalt  }
0x47: {  	_ =	shalt  }
0x48: {  	_ =	shalt  }
0x49: {  	_ =	shalt  }
0x4a: {  	_ =	shalt  }
0x4b: {  	_ =	shalt  }
0x4c: {  	_ =	shalt  }
0x4d: {  	_ =	shalt  }
0x4e: {  	_ =	shalt  }
0x4f: {  	_ =	shalt  }
0x50: {  	_ =	shalt  }
0x51: {  	_ =	shalt  }
0x52: {  	_ =	shalt  }
0x53: {  	_ =	shalt  }
0x54: {  	_ =	shalt  }
0x55: {  	_ =	shalt  }
0x56: {  	_ =	shalt  }
0x57: {  	_ =	shalt  }
0x58: {  	_ =	shalt  }
0x59: {  	_ =	shalt  }
0x5a: {  	_ =	shalt  }
0x5b: {  	_ =	shalt  }
0x5c: {  	_ =	shalt  }
0x5d: {  	_ =	shalt  }
0x5e: {  	_ =	shalt  }
0x5f: {  	_ =	shalt  }
0x60: {  	_ =	shalt  }
0x61: {  	_ =	shalt  }
0x62: {  	_ =	shalt  }
0x63: {  	_ =	shalt  }
0x64: {  	_ =	shalt  }
0x65: {  	_ =	shalt  }
0x66: {  	_ =	shalt  }
0x67: {  	_ =	shalt  }
0x68: {  	_ =	shalt  }
0x69: {  	_ =	shalt  }
0x6a: {  	_ =	shalt  }
0x6b: {  	_ =	shalt  }
0x6c: {  	_ =	shalt  }
0x6d: {  	_ =	shalt  }
0x6e: {  	_ =	shalt  }
0x6f: {  	_ =	shalt  }
0x70: {  	_ =	shalt  }
0x71: {  	_ =	shalt  }
0x72: {  	_ =	shalt  }
0x73: {  	_ =	shalt  }
0x74: {  	_ =	shalt  }
0x75: {  	_ =	shalt  }
0x76: {  	_ =	shalt  }
0x77: {  	_ =	shalt  }
0x78: {  	_ =	shalt  }
0x79: {  	_ =	shalt  }
0x7a: {  	_ =	shalt  }
0x7b: {  	_ =	shalt  }
0x7c: {  	_ =	shalt  }
0x7d: {  	_ =	shalt  }
0x7e: {  	_ =	shalt  }
0x7f: {  	_ =	shalt  }
0x80: {  	_ =	shalt  }
0x81: {  	_ =	shalt  }
0x82: {  	_ =	shalt  }
0x83: {  	_ =	shalt  }
0x84: {  	_ =	shalt  }
0x85: {  	_ =	shalt  }
0x86: {  	_ =	shalt  }
0x87: {  	_ =	shalt  }
.Lfunc_end0:
.L_simem_size_0:
called_computation_lowered:
.L_overlay_start_0:
0x88: {  	s2 =	sld [smem:$0x3FD9]  }
0x89: {  	s3 =	sld [smem:$0x3FFE];
	_ =	sdelay $0x1  }
0x8a: {  	s1 =	srdreg.scid  }
0x8b: {  	s0 =	sand.u32 $0x1, s1  }
0x8c: {  	s16 =	sshll.u32 s0, $0xA;
	s2 =	sadd.s32 s3, s2  }
0x8d: {  	s2 =	sadd.s32 s2, s16  }
0x8e: {  	[smem:$0x3FBB] =	sst s2  }
0x8f: {  	_ = 	snop  }
0x90: {  	(tm) =	ssettm $0x1  }
0x91: {  	s17 =	sld [smem:$0x3FFB];
	_ =	sdelay $0x3  }
0x92: {  	_ =	strace s17  }
0x93: {  	s2 =	sld [smem:$0x3FFC];
	_ =	sdelay $0x3  }
0x94: {  	_ =	strace s2  }
0x95: {  	s2 =	sld [smem:$0x3FFD];
	_ =	sdelay $0x3  }
0x96: {  	_ =	strace s2  }
0x97: {  	_ =	strace $0x8FFFFFFF  }
0x98: {  	s18 =	sld [smem:$0x3FDB];
	_ =	sdelay $0x1  }
0x99: {  	s19 =	simm.s32 $_scs_section_size  }
0x9a: {  	s4 =	simm.s32 $_size__tile_overlayer_lowered;
	s5 =	simm.s32 $_tile_overlayer_lowered  }
0x9b: {  	s22 =	simm.s32 $0x1BFF;
	s21 =	sshll.u32 s5, $0x1;
	s2 =	sadd.s32 s19, s18  }
0x9c: {  	s6 =	simm.s32 $0x0;
	s20 =	sshll.u32 s4, $0x1;
	s4 =	sadd.s32 s21, s2  }
0x9d: {  	[timem:s6], [sflag:s22] =	dma.local [hbm:s4], s20  }
0x9e: {  	_ =	swait.ge [sflag:s22], s20  }
0x9f: {  	s3 =	ssub.s32 $0x0, s20;
	[sflag:s22] =	ssyncset.done $0x0  }
0xa0: {  	[sflag:s22] =	ssyncadd.s32 s3;
	_ =	sdelay $0x1  }
0xa1: {  	s23 =	simm.s32 $0x1B8B  }
0xa2: {  	_ =	swait.ge [sflag:s23], $0x1  }
0xa3: {  	[sflag:s23] =	ssyncset.done $0x0  }
0xa4: {  	s25 =	simm.s32 $0x1B8E;
	s24 =	sld [smem:$0x3FFE];
	[sflag:s23] =	ssyncadd.s32 $0xFFFFFFFF  }
0xa5: {  	s26 =	simm.s32 $execute0_lowered;
	[smem:$0x3FD2] =	sst s25  }
0xa6: {  	s4 =	sshll.u32 s26, $0x1;
	_ =	strace $0x80000046;
	[dreg:$0x1] =	wrdreg $0xFFFFFFFF  }
0xa7: {  	s28 =	simm.s32 $_size_execute0_lowered;
	s2 =	sadd.s32 s2, s4;
	[dreg:$0x0] =	wrdreg $0x0  }
0xa8: {  	s4 =	sshll.u32 s28, $0x1;
	[dreg:$0x2] =	wrdreg s2  }
0xa9: {  	[dreg:$0x3] =	wrdreg s4  }
0xaa: {  	[dreg:$0x4] =	wrdreg $0xC0  }
0xab: {  	_ =	task [dreg:s6], $0x5FFFF  }
0xac: {  	[dreg:$0x1] =	wrdreg $0xFFFFFFFF  }
0xad: {  	[dreg:$0x0] =	wrdreg $0x60  }
0xae: {  	[dreg:$0x2] =	wrdreg s24  }
0xaf: {  	[dreg:$0x3] =	wrdreg $0x68000  }
0xb0: {  	[dreg:$0x4] =	wrdreg $0x9  }
0xb1: {  	_ =	task.clear_ibuf [dreg:s6], $0x5FFFF;
	_ =	strace $0x90000046  }
0xb2: {  	s29 =	simm.s32 $0x9;
	_ =	strace $0x80000048  }
0xb3: {  	_ =	swait.ge [sflag:s29], $0x1  }
0xb4: {  	[sflag:s29] =	ssyncadd.s32 $0xFFFFFFFF  }
0xb5: {  	_ =	strace $0x90000048  }
0xb6: {  	_ =	sfence  }
0xb7: {  	s30 =	sld [smem:$0x0];
	_ =	sdelay $0x2  }
0xb8: {  	s31 =	sshll.u32 s1, $0xD;
	s1 =	sshrl.u32 s1, $0x2  }
0xb9: {  	s3 =	sand.u32 $0x4000, s31;
	s1 =	sadd.s32 s1, s30  }
0xba: {  	s0 =	sor.u32 s3, s0;
	s1 =	sshll.u32 s1, $0x11  }
0xbb: {  	s0 =	sor.u32 s1, s0  }
0xbc: {  	s0 =	sadd.s32 $0x8F2B, s0  }
0xbd: {  	[sflag:s0] =	ssyncadd.remote.s32 $0x1  }
0xbe: {  	_ =	sfence.sel $0xFFFF  }
0xbf: {  	[dreg:$0x0] =	wrdreg $0xFFFFFFFF;
	(pc) =	sbr.abs _section_cstart, $3  }
0xc0: {  	[dreg:$0x1] =	wrdreg $0xFFFFFFFF  }
0xc1: {  	_ =	task.clear_ibuf [dreg:s6], $0x2FFFF;
	_ =	strace $0x9FFFFFFF  }
0xc2: {  	(tm) =	ssettm $0x7FFFFFFF  }
0xc3: {  	_ =	shalt  }
tec
execute0_lowered:
.L_overlay_start_1:
0x0: {  	(tag) =	ssettag $0x1  }
0x1: {  	s1 =	srdreg.scid;
	s5 =	rddreg [dreg:$0x0]  }
0x2: {  	s0 =	stileid.u32;
	s2 =	rddreg [dreg:$0x1];
	s3 =	simm.s32 $0x0  }
0x3: {  	s14 =	simm.s32 $0x0;
	s4 =	sand.u32 $0x1, s1;
	s1 =	rddreg [dreg:$0x2]  }
0x4: {  	s25 =	sshll.u32 s0, $0x1;
	s7 =	smul.u32 $0x13C00, s0;
	[smem:$0x7FF] =	sst s3  }
0x5: {  	s29 =	smul.u32 $0x4F000, s0;
	s31 =	sshll.u32 s0, $0x6;
	s6 =	sor.u32 s4, s25  }
0x6: {  	s9 =	smul.u32 $0x13C000, s4;
	_ =	strace $0x80000047;
	s28 =	ssub.s32 $0x2, s4  }
0x7: {  	s4 =	sadd.s32 $0x3F200, s5;
	s6 =	smul.u32 $0x500, s6;
	s8 =	sshrl.u32 s7, $0x3  }
0x8: {  	s11 =	sshrl.u32 s28, $0x1;
	s30 =	sshrl.u32 s29, $0x2;
	s26 =	sadd.s32 s8, s5  }
0x9: {  	s7 =	sadd.s32 s7, s9;
	s11 =	ssub.s32 s28, s11;
	s13 =	sadd.s32 s30, s2  }
0xa: {  	s10 =	sadd.s32 s6, s5;
	s7 =	sshrl.u32 s7, $0x3;
	s6 =	sor.u32 $0x1C01, s31  }
0xb: {  	s9 =	smax.u32 s11, $0x1;
	s11 =	simm.s32 $0x1;
	s12 =	sadd.s32 s7, s5  }
0xc: {  	s5 =	sadd.s32 $0x17A00, s26;
	s7 =	sadd.s32 $0x3A00, s10;
	s10 =	sshrl.u32 s13, $0x3  }
0xd: {  	s13 =	simm.s32 $0x80;
	s8 =	sadd.s32 $0x3FA00, s12;
	s12 =	simm.s32 $0x2800  }
.LBB2_1:
0xe: {  	[spmem:s10], [sflag:s6] =	dma.local [hbm:s5], $0x2780  }
0xf: {  	_ =	swait.ge [sflag:s11], $0x2780  }
0x10: {  	[sflag:s11] =	ssyncset.done $0x0  }
0x11: {  	[sflag:s11] =	ssyncadd.s32 $0xFFFFD880  }
0x12: {  	[tilespmem:s3], [sflag:$0x1] =	stream.linear.gather [hbm4b:s7+s3], $0x2800, $0x38;
	[tilespmem:$0x1A400] =	vst v63  }
0x13: {  	_ =	swait.ge [sflag:s11], $0x2800  }
0x14: {  	[sflag:s11] =	ssyncset.done $0x0  }
0x15: {  	[sflag:s11] =	ssyncadd.s32 $0xFFFFD800  }
0x16: {  	[tilespmem:s12], [sflag:$0x1] =	stream.linear.gather [hbm4b:s4+s3], $0x4000, $0x38;
	[tilespmem:$0x1A400] =	vst v63  }
0x17: {  	_ =	swait.ge [sflag:s11], $0x4000  }
0x18: {  	[sflag:s11] =	ssyncset.done $0x0  }
0x19: {  	[sflag:s11] =	ssyncadd.s32 $0xFFFFC000  }
0x1a: {  	s15 =	simm.s32 $0x0;
	[bflag:$0x0] =	sbarrier.arrive $0xFFFF  }
0x1b: {  	[spmem:s2] =	stream.indirect.scatter.add.f32 [tilespmem:s12], [sflag:$0x1], $0x80, s15, s13, $0xb8;
	[tilespmem:$0x1A400] =	vst v63  }
0x1c: {  	_ =	swait.ge [sflag:s11], $0x4000  }
0x1d: {  	s15 =	simm.s32 $0x200;
	[sflag:s11] =	ssyncset.done $0x0  }
.LBB2_2:
0x1e: {  	s16 =	sshra.s32 s15, $0x2;
	[sflag:s11] =	ssyncadd.s32 $0xFFFFC000;
	p0 =	sne.s32 s15, $0x9E00  }
0x1f: {  	[spmem:s2] =	stream.indirect.scatter.add.f32 [tilespmem:s12], [sflag:$0x1], $0x80, s16, s13, $0xb8;
	[tilespmem:$0x1A400] =	vst v63  }
.Ltmp0:
0x20: {  	_ = 	snop;
	(pc) =	sbr.rel @p0 .LBB2_2-.Ltmp0, $4  }
0x21: {  	_ = 	snop  }
0x22: {  	s15 =	sadd.s32 $0x200, s15  }
0x23: {  	_ =	swait.ge [sflag:s11], $0x4000  }
0x24: {  	[sflag:s11] =	ssyncset.done $0x0  }
0x25: {  	s14 =	sadd.s32 $0x1, s14  }
0x26: {  	[sflag:s11] =	ssyncadd.s32 $0xFFFFC000;
	p0 =	sne.s32 s14, s9  }
.Ltmp1:
0x27: {  	[bflag:$0x0] =	sbarrier.arrive $0xFFFF;
	(pc) =	sbr.rel @p0 .LBB2_1-.Ltmp1, $4  }
0x28: {  	[hbm:s8], [sflag:s6] =	dma.local [spmem:s10], $0x2780  }
0x29: {  	_ =	swait.ge [sflag:s11], $0x2780  }
0x2a: {  	[sflag:s11] =	ssyncset.done $0x0  }
0x2b: {  	[sflag:s11] =	ssyncadd.s32 $0xFFFFD880  }
0x2c: {  	_ =	sfence.sel $0x180000  }
0x2d: {  	[bflag:$0x0] =	sbarrier.arrive $0xFFFF  }
0x2e: {  	p0 =	sne.s32 s0, $0x0;
	_ =	strace $0x90000047  }
0x2f: {  	s0 =	sadd.s32 @!p0 $0x100000, s1;
	[bflag:$0x2] =	sbarrier.arrive $0xFFFF  }
0x30: {  	[sflag:s0] =	ssyncadd.tile.s32 @!p0 $0x1;
	_ =	shalt  }
.Lfunc_end2:
_tile_overlayer_lowered:
.L_overlay_start_2:
0x31: {  	(tag) =	ssettag $0x2  }
0x32: {  	s0 =	rddreg [dreg:$0x0];
	s2 =	stileid.u32  }
0x33: {  	s1 =	rddreg [dreg:$0x1];
	p0 =	sne.s32 s2, $0x0  }
0x34: {  	s3 =	rddreg [dreg:$0x2];
	[bflag:$0x3] =	sbarrier.arrive $0xFFFF;
	s2 =	simm.s32 @!p0 $0x1C01  }
0x35: {  	[timem:s3], [sflag:s2] =	dma.local @!p0 [hbm:s0], s1  }
0x36: {  	s0 =	simm.s32 @!p0 $0x1  }
0x37: {  	_ =	swait.ge @!p0 [sflag:s0], s1  }
0x38: {  	s1 =	ssub.s32 @!p0 $0x0, s1;
	[sflag:s0] =	ssyncset.done @!p0 $0x0  }
0x39: {  	[sflag:s0] =	ssyncadd.s32 @!p0 s1  }
0x3a: {  	[bflag:$0x3] =	sbarrier.arrive $0xFFFF  }
0x3b: {  	_ =	shalt  }

// kernel: kernel.13.cloned.1.call-start
scs
__scs_entry_jumppad:
0x0: {  	(pc) =	sbr.rel $0x88, $3  }
0x1: {  	(tag) =	ssettag $0x0;
	lr =	simm.s32 $0x1  }
0x2: {  	[smem:$0x3F94] =	sst lr;
	_ =	strace $0xD0000000  }
0x3: {  	_ = 	snop  }
0x4: {  	_ = 	snop  }
0x5: {  	_ = 	snop  }
0x6: {  	_ = 	snop  }
0x7: {  	_ = 	snop  }
__scs_overlays_trampoline_lowered:
0x8: {  	[smem:$0x3FA3] =	sst s0  }
0x9: {  	[smem:$0x3FA4] =	sst s1  }
0xa: {  	[smem:$0x3FA5] =	sst s2  }
0xb: {  	[smem:$0x3FA6] =	sst s3  }
0xc: {  	[smem:$0x3FA7] =	sst s4  }
0xd: {  	[smem:$0x3FA8] =	sst s5  }
0xe: {  	[smem:$0x3FA9] =	sst s6  }
0xf: {  	[smem:$0x3FAA] =	sst s7  }
0x10: {  	[smem:$0x3FAB] =	sst s8  }
0x11: {  	[smem:$0x3FAC] =	sst s9;
	s0 =	simm.s32 @!p0 $0x0  }
0x12: {  	s1 =	sld [smem:$0x3F92];
	s0 =	simm.s32 @p0 $0x1  }
0x13: {  	[smem:$0x3FAD] =	sst s0;
	s0 =	simm.s32 @!p1 $0x0  }
0x14: {  	s2 =	sld [smem:$0x3F91];
	s0 =	simm.s32 @p1 $0x1  }
0x15: {  	[smem:$0x3FAE] =	sst s0;
	s0 =	simm.s32 @!p2 $0x0  }
0x16: {  	s3 =	sld [smem:$0x3FDB];
	s0 =	simm.s32 @p2 $0x1  }
0x17: {  	s4 =	simm.s32 $0x1BF5;
	[smem:$0x3FB0] =	sst s0  }
0x18: {  	s0 =	sld [smem:$0x3F93];
	_ =	swait.ge [sflag:s4], $0x0  }
0x19: {  	s7 =	sld [smem:$0x3F94]  }
0x1a: {  	s8 =	sadd.s32 $0xFFFFE003, lr  }
0x1b: {  	s9 =	sadd.s32 $0xFFFFFEF7, lr;
	s5 =	simm.s32 $0xFFFFFFFF;
	p2 =	slt.u32 s8, $0xFFFFF086  }
0x1c: {  	p1 =	slt.u32 s9, $0xF7A;
	s5 =	simm.s32 @!p2 $0x0  }
0x1d: {  	s5 =	simm.s32 @p1 $0x1;
	p0 =	seq.s32 s7, s2  }
0x1e: {  	s7 =	smul.u32 @!p0 $0xF7A, s2;
	p2 =	seq.s32 @!p0 s5, $0x0  }
0x1f: {  	s9 =	smul.u32 $0xF7A, s1;
	s8 =	simm.s32 @!p0 $0x1BF5;
	p2 =	por !p2, p0  }
0x20: {  	[sflag:s8] =	ssyncset.s32 @!p0 $0xFFFFF086;
	s6 =	sadd.s32 @!p0 s3, s7;
	s7 =	simm.s32 @!p0 $0x108  }
0x21: {  	s3 =	sadd.s32 s3, s9;
	s6 =	sadd.s32 @!p0 $0x88, s6;
	s7 =	simm.s32 @p2 $0x1082  }
0x22: {  	[simem:s7], [sflag:s8] =	dma.local @!p0 [hbm:s6], $0xF7A  }
0x23: {  	s9 =	sor.u32 $0xD0000000, s2;
	s6 =	simm.s32 $0x108;
	_ =	swait.ge @!p0 [sflag:s8], $0x0  }
0x24: {  	s3 =	sadd.s32 $0x88, s3;
	s6 =	simm.s32 @!p1 $0x1082;
	[sflag:s4] =	ssyncset.s32 $0xFFFFF086  }
0x25: {  	[simem:s6], [sflag:s4] =	dma.local [hbm:s3], $0xF7A  }
0x26: {  	[smem:$0x3F94] =	sst s1;
	(tag) =	ssettag s2;
	_ =	strace s9  }
0x27: {  	s1 =	sld [smem:$0x3FA4]  }
0x28: {  	s2 =	sld [smem:$0x3FA5]  }
0x29: {  	s4 =	sld [smem:$0x3FA7]  }
0x2a: {  	p0 =	seq.s32 s5, $0x0;
	s5 =	sld [smem:$0x3FA8]  }
0x2b: {  	s6 =	sld [smem:$0x3FA9]  }
0x2c: {  	s7 =	sld [smem:$0x3FAA]  }
0x2d: {  	s3 =	simm.s32 $0x108;
	s8 =	sld [smem:$0x3FAB]  }
0x2e: {  	s3 =	simm.s32 @!p0 $0x1082;
	s9 =	sld [smem:$0x3FAC]  }
0x2f: {  	lr =	sadd.s32 s0, s3;
	s0 =	sld [smem:$0x3FA3]  }
0x30: {  	s3 =	sld [smem:$0x3FA6]  }
0x31: {  	[smem:$0x3FAF] =	sst s10  }
0x32: {  	s10 =	sld [smem:$0x3FAD];
	_ =	sdelay $0x3  }
0x33: {  	p0 =	seq.s32 s10, $0x1;
	s10 =	sld [smem:$0x3FAF];
	_ =	sdelay $0x3  }
0x34: {  	[smem:$0x3FAF] =	sst s10  }
0x35: {  	s10 =	sld [smem:$0x3FAE];
	_ =	sdelay $0x3  }
0x36: {  	p1 =	seq.s32 s10, $0x1;
	s10 =	sld [smem:$0x3FAF];
	_ =	sdelay $0x3  }
0x37: {  	[smem:$0x3FAF] =	sst s10  }
0x38: {  	s10 =	sld [smem:$0x3FB0]  }
0x39: {  	_ = 	snop;
	(pc) =	sbr.ind lr, $3  }
0x3a: {  	_ = 	snop  }
0x3b: {  	_ = 	snop  }
0x3c: {  	p2 =	seq.s32 s10, $0x1;
	s10 =	sld [smem:$0x3FAF]  }
0x3d: {  	_ =	shalt  }
0x3e: {  	_ =	shalt  }
0x3f: {  	_ =	shalt  }
0x40: {  	_ =	shalt  }
0x41: {  	_ =	shalt  }
0x42: {  	_ =	shalt  }
0x43: {  	_ =	shalt  }
0x44: {  	_ =	shalt  }
0x45: {  	_ =	shalt  }
0x46: {  	_ =	shalt  }
0x47: {  	_ =	shalt  }
0x48: {  	_ =	shalt  }
0x49: {  	_ =	shalt  }
0x4a: {  	_ =	shalt  }
0x4b: {  	_ =	shalt  }
0x4c: {  	_ =	shalt  }
0x4d: {  	_ =	shalt  }
0x4e: {  	_ =	shalt  }
0x4f: {  	_ =	shalt  }
0x50: {  	_ =	shalt  }
0x51: {  	_ =	shalt  }
0x52: {  	_ =	shalt  }
0x53: {  	_ =	shalt  }
0x54: {  	_ =	shalt  }
0x55: {  	_ =	shalt  }
0x56: {  	_ =	shalt  }
0x57: {  	_ =	shalt  }
0x58: {  	_ =	shalt  }
0x59: {  	_ =	shalt  }
0x5a: {  	_ =	shalt  }
0x5b: {  	_ =	shalt  }
0x5c: {  	_ =	shalt  }
0x5d: {  	_ =	shalt  }
0x5e: {  	_ =	shalt  }
0x5f: {  	_ =	shalt  }
0x60: {  	_ =	shalt  }
0x61: {  	_ =	shalt  }
0x62: {  	_ =	shalt  }
0x63: {  	_ =	shalt  }
0x64: {  	_ =	shalt  }
0x65: {  	_ =	shalt  }
0x66: {  	_ =	shalt  }
0x67: {  	_ =	shalt  }
0x68: {  	_ =	shalt  }
0x69: {  	_ =	shalt  }
0x6a: {  	_ =	shalt  }
0x6b: {  	_ =	shalt  }
0x6c: {  	_ =	shalt  }
0x6d: {  	_ =	shalt  }
0x6e: {  	_ =	shalt  }
0x6f: {  	_ =	shalt  }
0x70: {  	_ =	shalt  }
0x71: {  	_ =	shalt  }
0x72: {  	_ =	shalt  }
0x73: {  	_ =	shalt  }
0x74: {  	_ =	shalt  }
0x75: {  	_ =	shalt  }
0x76: {  	_ =	shalt  }
0x77: {  	_ =	shalt  }
0x78: {  	_ =	shalt  }
0x79: {  	_ =	shalt  }
0x7a: {  	_ =	shalt  }
0x7b: {  	_ =	shalt  }
0x7c: {  	_ =	shalt  }
0x7d: {  	_ =	shalt  }
0x7e: {  	_ =	shalt  }
0x7f: {  	_ =	shalt  }
0x80: {  	_ =	shalt  }
0x81: {  	_ =	shalt  }
0x82: {  	_ =	shalt  }
0x83: {  	_ =	shalt  }
0x84: {  	_ =	shalt  }
0x85: {  	_ =	shalt  }
0x86: {  	_ =	shalt  }
0x87: {  	_ =	shalt  }
.Lfunc_end0:
.L_simem_size_0:
called_computation.1_lowered:
.L_overlay_start_0:
0x88: {  	s2 =	sld [smem:$0x3FD9]  }
0x89: {  	s3 =	sld [smem:$0x3FFE];
	_ =	sdelay $0x1  }
0x8a: {  	s1 =	srdreg.scid  }
0x8b: {  	s0 =	sand.u32 $0x1, s1  }
0x8c: {  	s16 =	sshll.u32 s0, $0xA;
	s2 =	sadd.s32 s3, s2  }
0x8d: {  	s2 =	sadd.s32 s2, s16  }
0x8e: {  	[smem:$0x3FBB] =	sst s2  }
0x8f: {  	_ = 	snop  }
0x90: {  	(tm) =	ssettm $0x1  }
0x91: {  	s17 =	sld [smem:$0x3FFB];
	_ =	sdelay $0x3  }
0x92: {  	_ =	strace s17  }
0x93: {  	s2 =	sld [smem:$0x3FFC];
	_ =	sdelay $0x3  }
0x94: {  	_ =	strace s2  }
0x95: {  	s2 =	sld [smem:$0x3FFD];
	_ =	sdelay $0x3  }
0x96: {  	_ =	strace s2  }
0x97: {  	_ =	strace $0x8FFFFFFF  }
0x98: {  	s18 =	sld [smem:$0x3FDB];
	_ =	sdelay $0x1  }
0x99: {  	s19 =	simm.s32 $_scs_section_size  }
0x9a: {  	s4 =	simm.s32 $_size__tile_overlayer_lowered;
	s5 =	simm.s32 $_tile_overlayer_lowered  }
0x9b: {  	s22 =	simm.s32 $0x1BFF;
	s21 =	sshll.u32 s5, $0x1;
	s2 =	sadd.s32 s19, s18  }
0x9c: {  	s6 =	simm.s32 $0x0;
	s20 =	sshll.u32 s4, $0x1;
	s4 =	sadd.s32 s21, s2  }
0x9d: {  	[timem:s6], [sflag:s22] =	dma.local [hbm:s4], s20  }
0x9e: {  	_ =	swait.ge [sflag:s22], s20  }
0x9f: {  	s3 =	ssub.s32 $0x0, s20;
	[sflag:s22] =	ssyncset.done $0x0  }
0xa0: {  	[sflag:s22] =	ssyncadd.s32 s3;
	_ =	sdelay $0x1  }
0xa1: {  	s23 =	simm.s32 $0x1B8B  }
0xa2: {  	_ =	swait.ge [sflag:s23], $0x1  }
0xa3: {  	[sflag:s23] =	ssyncset.done $0x0  }
0xa4: {  	s25 =	simm.s32 $0x1B8E;
	s24 =	sld [smem:$0x3FFE];
	[sflag:s23] =	ssyncadd.s32 $0xFFFFFFFF  }
0xa5: {  	s26 =	simm.s32 $execute0_lowered;
	[smem:$0x3FD2] =	sst s25  }
0xa6: {  	s4 =	sshll.u32 s26, $0x1;
	_ =	strace $0x80000049;
	[dreg:$0x1] =	wrdreg $0xFFFFFFFF  }
0xa7: {  	s28 =	simm.s32 $_size_execute0_lowered;
	s2 =	sadd.s32 s2, s4;
	[dreg:$0x0] =	wrdreg $0x0  }
0xa8: {  	s4 =	sshll.u32 s28, $0x1;
	[dreg:$0x2] =	wrdreg s2  }
0xa9: {  	[dreg:$0x3] =	wrdreg s4  }
0xaa: {  	[dreg:$0x4] =	wrdreg $0xC0  }
0xab: {  	_ =	task [dreg:s6], $0x5FFFF  }
0xac: {  	[dreg:$0x1] =	wrdreg $0xFFFFFFFF  }
0xad: {  	[dreg:$0x0] =	wrdreg $0x60  }
0xae: {  	[dreg:$0x2] =	wrdreg s24  }
0xaf: {  	[dreg:$0x3] =	wrdreg $0xA0000  }
0xb0: {  	[dreg:$0x4] =	wrdreg $0x9  }
0xb1: {  	_ =	task.clear_ibuf [dreg:s6], $0x5FFFF;
	_ =	strace $0x90000049  }
0xb2: {  	s29 =	simm.s32 $0x9;
	_ =	strace $0x8000004B  }
0xb3: {  	_ =	swait.ge [sflag:s29], $0x1  }
0xb4: {  	[sflag:s29] =	ssyncadd.s32 $0xFFFFFFFF  }
0xb5: {  	_ =	strace $0x9000004B  }
0xb6: {  	_ =	sfence  }
0xb7: {  	s30 =	sld [smem:$0x0];
	_ =	sdelay $0x2  }
0xb8: {  	s31 =	sshll.u32 s1, $0xD;
	s1 =	sshrl.u32 s1, $0x2  }
0xb9: {  	s3 =	sand.u32 $0x4000, s31;
	s1 =	sadd.s32 s1, s30  }
0xba: {  	s0 =	sor.u32 s3, s0;
	s1 =	sshll.u32 s1, $0x11  }
0xbb: {  	s0 =	sor.u32 s1, s0  }
0xbc: {  	s0 =	sadd.s32 $0x8F2B, s0  }
0xbd: {  	[sflag:s0] =	ssyncadd.remote.s32 $0x1  }
0xbe: {  	_ =	sfence.sel $0xFFFF  }
0xbf: {  	[dreg:$0x0] =	wrdreg $0xFFFFFFFF;
	(pc) =	sbr.abs _section_cstart, $3  }
0xc0: {  	[dreg:$0x1] =	wrdreg $0xFFFFFFFF  }
0xc1: {  	_ =	task.clear_ibuf [dreg:s6], $0x2FFFF;
	_ =	strace $0x9FFFFFFF  }
0xc2: {  	(tm) =	ssettm $0x7FFFFFFF  }
0xc3: {  	_ =	shalt  }
tec
execute0_lowered:
.L_overlay_start_1:
0x0: {  	(tag) =	ssettag $0x1  }
0x1: {  	s0 =	rddreg [dreg:$0x0]  }
0x2: {  	s2 =	rddreg [dreg:$0x1]  }
0x3: {  	s12 =	stileid.u32;
	s1 =	srdreg.scid  }
0x4: {  	s3 =	simm.s32 $0x0;
	s17 =	simm.s32 $0x4;
	s21 =	simm.s32 $0x80  }
0x5: {  	s22 =	simm.s32 $0x2000;
	s28 =	simm.s32 $0x0;
	s7 =	smul.u32 $0x13C00, s12  }
0x6: {  	s1 =	sand.u32 $0x1, s1;
	[smem:$0x7FF] =	sst s3;
	s4 =	sadd.s32 $0x3F200, s0  }
0x7: {  	s5 =	sadd.s32 $0x8EA00, s0;
	s6 =	sadd.s32 $0xDA00, s0;
	s24 =	smul.u32 $0x4F000, s12  }
0x8: {  	s10 =	sshll.u32 s12, $0x1;
	s29 =	sshll.u32 s12, $0x6;
	s13 =	smul.u32 $0x5000, s12  }
0x9: {  	s8 =	smul.u32 $0x13C000, s1;
	_ =	strace $0x8000004A;
	s25 =	ssub.s32 $0x2, s1  }
0xa: {  	s10 =	sor.u32 s1, s10;
	s1 =	smul.u32 $0x2800, s1;
	s9 =	sshrl.u32 s7, $0x3  }
0xb: {  	s11 =	sshrl.u32 s25, $0x1;
	s26 =	smul.u32 $0x2800, s10;
	s7 =	sadd.s32 s7, s8  }
0xc: {  	s23 =	sadd.s32 s9, s0;
	s9 =	sshrl.u32 s24, $0x2;
	s14 =	ssub.s32 s25, s11  }
0xd: {  	s8 =	sor.u32 $0x1C04, s29;
	s1 =	sadd.s32 s1, s13;
	s24 =	simm.s32 $0x1  }
0xe: {  	s25 =	simm.s32 $0x2;
	s7 =	sshrl.u32 s7, $0x3;
	s16 =	sadd.s32 s9, s2  }
.Ltmp0:
0xf: {  	s30 =	sshrl.u32 s26, $0x3;
	s14 =	smax.u32 s14, $0x1;
	(pc) =	sbr.rel .LBB2_1-.Ltmp0, $4  }
0x10: {  	s15 =	sadd.s32 $0x800, s1;
	s26 =	simm.s32 $0x3;
	s0 =	sadd.s32 s7, s0  }
0x11: {  	s7 =	sadd.s32 $0x17A00, s23;
	s9 =	sadd.s32 s5, s30;
	s10 =	sadd.s32 s6, s30  }
0x12: {  	s31 =	sadd.s32 $0x100, s30;
	s16 =	sshrl.u32 s16, $0x3;
	s23 =	simm.s32 $0x6000  }
0x13: {  	s11 =	sadd.s32 s5, s31;
	s12 =	sadd.s32 s6, s31;
	s13 =	sadd.s32 $0x98A00, s0  }
.LBB2_3:
0x14: {  	_ =	swait.ge [sflag:s25], $0x4000  }
0x15: {  	[sflag:s25] =	ssyncset.done $0x0  }
0x16: {  	s0 =	sor.u32 $0x1000, s1;
	[sflag:s25] =	ssyncadd.s32 $0xFFFFC000  }
0x17: {  	[spmem:s2] =	stream.indirect.scatter.add.f32 [tilespmem:s23], [sflag:$0x4], $0x80, s0, s21, $0xb8;
	[tilespmem:$0x1DC00] =	vst v63  }
0x18: {  	_ =	swait.ge [sflag:s17], $0x4000  }
0x19: {  	[sflag:s17] =	ssyncset.done $0x0  }
0x1a: {  	[sflag:s17] =	ssyncadd.s32 $0xFFFFC000  }
.LBB2_5:
0x1b: {  	s28 =	sadd.s32 $0x1, s28  }
0x1c: {  	p0 =	sne.s32 s28, s14  }
.Ltmp1:
0x1d: {  	[bflag:$0x0] =	sbarrier.arrive $0xFFFF;
	(pc) =	sbr.rel @!p0 .LBB2_6-.Ltmp1, $4  }
0x1e: {  	[hbm:s13], [sflag:s8] =	dma.local [spmem:s16], $0x2780  }
0x1f: {  	_ =	swait.ge [sflag:s17], $0x2780  }
0x20: {  	[sflag:s17] =	ssyncset.done $0x0  }
0x21: {  	[sflag:s17] =	ssyncadd.s32 $0xFFFFD880  }
.LBB2_1:
0x22: {  	[spmem:s16], [sflag:s8] =	dma.local [hbm:s7], $0x2780  }
0x23: {  	_ =	swait.ge [sflag:s17], $0x2780  }
0x24: {  	[sflag:s17] =	ssyncset.done $0x0  }
0x25: {  	[sflag:s17] =	ssyncadd.s32 $0xFFFFD880  }
0x26: {  	[bflag:$0x0] =	sbarrier.arrive $0xFFFF  }
0x27: {  	[tilespmem:s3], [sflag:$0x4] =	stream.linear.gather [hbm4b:s9+s3], $0x800, $0x38;
	[tilespmem:$0x1DC00] =	vst v63  }
0x28: {  	_ =	swait.ge [sflag:s17], $0x800  }
0x29: {  	[sflag:s17] =	ssyncset.done $0x0  }
0x2a: {  	s0 =	simm.s32 $0x1000;
	[sflag:s17] =	ssyncadd.s32 $0xFFFFF800  }
0x2b: {  	[tilespmem:s0], [sflag:$0x4] =	stream.linear.gather [hbm4b:s10+s3], $0x800, $0x38;
	[tilespmem:$0x1DC00] =	vst v63  }
0x2c: {  	_ =	swait.ge [sflag:s17], $0x800  }
0x2d: {  	[sflag:s17] =	ssyncset.done $0x0  }
0x2e: {  	s20 =	simm.s32 $0x800;
	[sflag:s17] =	ssyncadd.s32 $0xFFFFF800  }
0x2f: {  	[tilespmem:s20], [sflag:$0x3] =	stream.linear.gather [hbm4b:s11+s3], $0x800, $0x38;
	[tilespmem:$0x1DC00] =	vst v63  }
0x30: {  	s31 =	simm.s32 $0x1800  }
0x31: {  	[tilespmem:s31], [sflag:$0x3] =	stream.linear.gather [hbm4b:s12+s3], $0x800, $0x38;
	[tilespmem:$0x1DC00] =	vst v63  }
0x32: {  	_ = 	snop  }
0x33: {  	[tilespmem:s22], [sflag:$0x1] =	stream.indirect.gather [hbm4b:s4+s21], $0x80, s3, s21, $0xb8;
	[tilespmem:$0x1DC00] =	vst v63  }
0x34: {  	s29 =	smov.u32 s15;
	s30 =	simm.s32 $0x0  }
0x35: {  	[tilespmem:s23], [sflag:$0x2] =	stream.indirect.gather [hbm4b:s4+s21], $0x80, s21, s21, $0xb8;
	[tilespmem:$0x1DC00] =	vst v63  }
.LBB2_2:
0x36: {  	s0 =	sor.u32 $0x4, s30  }
0x37: {  	s1 =	sand.u32 $0x1, s30;
	p0 =	seq.s32 s0, $0x4  }
0x38: {  	s31 =	sxor.u32 $0x1, s1;
	s0 =	sshrl.u32 @!p0 s29, $0x3  }
0x39: {  	s18 =	sshll.u32 @!p0 s31, $0xB;
	s20 =	simm.s32 @!p0 $0x0;
	s19 =	sadd.s32 @!p0 s5, s0  }
0x3a: {  	[tilespmem:s18], [sflag:$0x3] =	stream.linear.gather @!p0 [hbm4b:s19+s20], $0x800, $0x38;
	[tilespmem:$0x1DC00] =	vst v63  }
0x3b: {  	s0 =	sadd.s32 @!p0 s6, s0;
	s18 =	sor.u32 @!p0 $0x1000, s18  }
0x3c: {  	[tilespmem:s18], [sflag:$0x3] =	stream.linear.gather @!p0 [hbm4b:s0+s20], $0x800, $0x38;
	[tilespmem:$0x1DC00] =	vst v63  }
0x3d: {  	_ =	swait.ge [sflag:s24], $0x4000  }
0x3e: {  	s0 =	sshll.u32 s1, $0xB;
	[sflag:s24] =	ssyncset.done $0x0  }
0x3f: {  	s1 =	sor.u32 $0x1000, s0;
	[sflag:s24] =	ssyncadd.s32 $0xFFFFC000  }
0x40: {  	[spmem:s2] =	stream.indirect.scatter.add.f32 [tilespmem:s22], [sflag:$0x4], $0x80, s1, s21, $0xb8;
	[tilespmem:$0x1DC00] =	vst v63  }
0x41: {  	_ =	swait.ge [sflag:s17], $0x4000  }
0x42: {  	[sflag:s17] =	ssyncset.done $0x0  }
0x43: {  	s19 =	sor.u32 $0x100, s0;
	[sflag:s17] =	ssyncadd.s32 $0xFFFFC000  }
0x44: {  	[tilespmem:s22], [sflag:$0x1] =	stream.indirect.gather [hbm4b:s4+s21], $0x80, s19, s21, $0xb8;
	[tilespmem:$0x1DC00] =	vst v63  }
0x45: {  	_ =	swait.ge [sflag:s25], $0x4000  }
0x46: {  	[sflag:s25] =	ssyncset.done $0x0  }
0x47: {  	s20 =	sor.u32 $0x1080, s0;
	[sflag:s25] =	ssyncadd.s32 $0xFFFFC000  }
0x48: {  	[spmem:s2] =	stream.indirect.scatter.add.f32 [tilespmem:s23], [sflag:$0x4], $0x80, s20, s21, $0xb8;
	[tilespmem:$0x1DC00] =	vst v63  }
0x49: {  	_ =	swait.ge [sflag:s17], $0x4000  }
0x4a: {  	[sflag:s17] =	ssyncset.done $0x0  }
0x4b: {  	s18 =	sor.u32 $0x180, s0;
	[sflag:s17] =	ssyncadd.s32 $0xFFFFC000  }
0x4c: {  	[tilespmem:s23], [sflag:$0x2] =	stream.indirect.gather [hbm4b:s4+s21], $0x80, s18, s21, $0xb8;
	[tilespmem:$0x1DC00] =	vst v63  }
0x4d: {  	_ =	swait.ge [sflag:s24], $0x4000  }
0x4e: {  	[sflag:s24] =	ssyncset.done $0x0  }
0x4f: {  	s19 =	sor.u32 $0x1100, s0;
	[sflag:s24] =	ssyncadd.s32 $0xFFFFC000  }
0x50: {  	[spmem:s2] =	stream.indirect.scatter.add.f32 [tilespmem:s22], [sflag:$0x4], $0x80, s19, s21, $0xb8;
	[tilespmem:$0x1DC00] =	vst v63  }
0x51: {  	_ =	swait.ge [sflag:s17], $0x4000  }
0x52: {  	[sflag:s17] =	ssyncset.done $0x0  }
0x53: {  	s20 =	sor.u32 $0x200, s0;
	[sflag:s17] =	ssyncadd.s32 $0xFFFFC000  }
0x54: {  	[tilespmem:s22], [sflag:$0x1] =	stream.indirect.gather [hbm4b:s4+s21], $0x80, s20, s21, $0xb8;
	[tilespmem:$0x1DC00] =	vst v63  }
0x55: {  	_ =	swait.ge [sflag:s25], $0x4000  }
0x56: {  	[sflag:s25] =	ssyncset.done $0x0  }
0x57: {  	s18 =	sor.u32 $0x1180, s0;
	[sflag:s25] =	ssyncadd.s32 $0xFFFFC000  }
0x58: {  	[spmem:s2] =	stream.indirect.scatter.add.f32 [tilespmem:s23], [sflag:$0x4], $0x80, s18, s21, $0xb8;
	[tilespmem:$0x1DC00] =	vst v63  }
0x59: {  	_ =	swait.ge [sflag:s17], $0x4000  }
0x5a: {  	[sflag:s17] =	ssyncset.done $0x0  }
0x5b: {  	s19 =	sor.u32 $0x280, s0;
	[sflag:s17] =	ssyncadd.s32 $0xFFFFC000  }
0x5c: {  	[tilespmem:s23], [sflag:$0x2] =	stream.indirect.gather [hbm4b:s4+s21], $0x80, s19, s21, $0xb8;
	[tilespmem:$0x1DC00] =	vst v63  }
0x5d: {  	_ =	swait.ge [sflag:s24], $0x4000  }
0x5e: {  	[sflag:s24] =	ssyncset.done $0x0  }
0x5f: {  	s20 =	sor.u32 $0x1200, s0;
	[sflag:s24] =	ssyncadd.s32 $0xFFFFC000  }
0x60: {  	[spmem:s2] =	stream.indirect.scatter.add.f32 [tilespmem:s22], [sflag:$0x4], $0x80, s20, s21, $0xb8;
	[tilespmem:$0x1DC00] =	vst v63  }
0x61: {  	_ =	swait.ge [sflag:s17], $0x4000  }
0x62: {  	[sflag:s17] =	ssyncset.done $0x0  }
0x63: {  	s18 =	sor.u32 $0x300, s0;
	[sflag:s17] =	ssyncadd.s32 $0xFFFFC000  }
0x64: {  	[tilespmem:s22], [sflag:$0x1] =	stream.indirect.gather [hbm4b:s4+s21], $0x80, s18, s21, $0xb8;
	[tilespmem:$0x1DC00] =	vst v63  }
0x65: {  	_ =	swait.ge [sflag:s25], $0x4000  }
0x66: {  	[sflag:s25] =	ssyncset.done $0x0  }
0x67: {  	s19 =	sor.u32 $0x1280, s0;
	[sflag:s25] =	ssyncadd.s32 $0xFFFFC000  }
0x68: {  	[spmem:s2] =	stream.indirect.scatter.add.f32 [tilespmem:s23], [sflag:$0x4], $0x80, s19, s21, $0xb8;
	[tilespmem:$0x1DC00] =	vst v63  }
0x69: {  	_ =	swait.ge [sflag:s17], $0x4000  }
0x6a: {  	[sflag:s17] =	ssyncset.done $0x0  }
0x6b: {  	s20 =	sor.u32 $0x380, s0;
	[sflag:s17] =	ssyncadd.s32 $0xFFFFC000  }
0x6c: {  	[tilespmem:s23], [sflag:$0x2] =	stream.indirect.gather [hbm4b:s4+s21], $0x80, s20, s21, $0xb8;
	[tilespmem:$0x1DC00] =	vst v63  }
0x6d: {  	_ =	swait.ge [sflag:s24], $0x4000  }
0x6e: {  	[sflag:s24] =	ssyncset.done $0x0  }
0x6f: {  	s18 =	sor.u32 $0x1300, s0;
	[sflag:s24] =	ssyncadd.s32 $0xFFFFC000  }
0x70: {  	[spmem:s2] =	stream.indirect.scatter.add.f32 [tilespmem:s22], [sflag:$0x4], $0x80, s18, s21, $0xb8;
	[tilespmem:$0x1DC00] =	vst v63  }
0x71: {  	_ =	swait.ge [sflag:s17], $0x4000  }
0x72: {  	[sflag:s17] =	ssyncset.done $0x0  }
0x73: {  	s19 =	sor.u32 $0x400, s0;
	[sflag:s17] =	ssyncadd.s32 $0xFFFFC000  }
0x74: {  	[tilespmem:s22], [sflag:$0x1] =	stream.indirect.gather [hbm4b:s4+s21], $0x80, s19, s21, $0xb8;
	[tilespmem:$0x1DC00] =	vst v63  }
0x75: {  	_ =	swait.ge [sflag:s25], $0x4000  }
0x76: {  	[sflag:s25] =	ssyncset.done $0x0  }
0x77: {  	s20 =	sor.u32 $0x1380, s0;
	[sflag:s25] =	ssyncadd.s32 $0xFFFFC000  }
0x78: {  	[spmem:s2] =	stream.indirect.scatter.add.f32 [tilespmem:s23], [sflag:$0x4], $0x80, s20, s21, $0xb8;
	[tilespmem:$0x1DC00] =	vst v63  }
0x79: {  	_ =	swait.ge [sflag:s17], $0x4000  }
0x7a: {  	[sflag:s17] =	ssyncset.done $0x0  }
0x7b: {  	s18 =	sor.u32 $0x480, s0;
	[sflag:s17] =	ssyncadd.s32 $0xFFFFC000  }
0x7c: {  	[tilespmem:s23], [sflag:$0x2] =	stream.indirect.gather [hbm4b:s4+s21], $0x80, s18, s21, $0xb8;
	[tilespmem:$0x1DC00] =	vst v63  }
0x7d: {  	_ =	swait.ge [sflag:s24], $0x4000  }
0x7e: {  	[sflag:s24] =	ssyncset.done $0x0  }
0x7f: {  	s19 =	sor.u32 $0x1400, s0;
	[sflag:s24] =	ssyncadd.s32 $0xFFFFC000  }
0x80: {  	[spmem:s2] =	stream.indirect.scatter.add.f32 [tilespmem:s22], [sflag:$0x4], $0x80, s19, s21, $0xb8;
	[tilespmem:$0x1DC00] =	vst v63  }
0x81: {  	_ =	swait.ge [sflag:s17], $0x4000  }
0x82: {  	[sflag:s17] =	ssyncset.done $0x0  }
0x83: {  	s20 =	sor.u32 $0x500, s0;
	[sflag:s17] =	ssyncadd.s32 $0xFFFFC000  }
0x84: {  	[tilespmem:s22], [sflag:$0x1] =	stream.indirect.gather [hbm4b:s4+s21], $0x80, s20, s21, $0xb8;
	[tilespmem:$0x1DC00] =	vst v63  }
0x85: {  	_ =	swait.ge [sflag:s25], $0x4000  }
0x86: {  	[sflag:s25] =	ssyncset.done $0x0  }
0x87: {  	s18 =	sor.u32 $0x1480, s0;
	[sflag:s25] =	ssyncadd.s32 $0xFFFFC000  }
0x88: {  	[spmem:s2] =	stream.indirect.scatter.add.f32 [tilespmem:s23], [sflag:$0x4], $0x80, s18, s21, $0xb8;
	[tilespmem:$0x1DC00] =	vst v63  }
0x89: {  	_ =	swait.ge [sflag:s17], $0x4000  }
0x8a: {  	[sflag:s17] =	ssyncset.done $0x0  }
0x8b: {  	s19 =	sor.u32 $0x580, s0;
	[sflag:s17] =	ssyncadd.s32 $0xFFFFC000  }
0x8c: {  	[tilespmem:s23], [sflag:$0x2] =	stream.indirect.gather [hbm4b:s4+s21], $0x80, s19, s21, $0xb8;
	[tilespmem:$0x1DC00] =	vst v63  }
0x8d: {  	_ =	swait.ge [sflag:s24], $0x4000  }
0x8e: {  	[sflag:s24] =	ssyncset.done $0x0  }
0x8f: {  	s20 =	sor.u32 $0x1500, s0;
	[sflag:s24] =	ssyncadd.s32 $0xFFFFC000  }
0x90: {  	[spmem:s2] =	stream.indirect.scatter.add.f32 [tilespmem:s22], [sflag:$0x4], $0x80, s20, s21, $0xb8;
	[tilespmem:$0x1DC00] =	vst v63  }
0x91: {  	_ =	swait.ge [sflag:s17], $0x4000  }
0x92: {  	[sflag:s17] =	ssyncset.done $0x0  }
0x93: {  	s18 =	sor.u32 $0x600, s0;
	[sflag:s17] =	ssyncadd.s32 $0xFFFFC000  }
0x94: {  	[tilespmem:s22], [sflag:$0x1] =	stream.indirect.gather [hbm4b:s4+s21], $0x80, s18, s21, $0xb8;
	[tilespmem:$0x1DC00] =	vst v63  }
0x95: {  	_ =	swait.ge [sflag:s25], $0x4000  }
0x96: {  	[sflag:s25] =	ssyncset.done $0x0  }
0x97: {  	s19 =	sor.u32 $0x1580, s0;
	[sflag:s25] =	ssyncadd.s32 $0xFFFFC000  }
0x98: {  	[spmem:s2] =	stream.indirect.scatter.add.f32 [tilespmem:s23], [sflag:$0x4], $0x80, s19, s21, $0xb8;
	[tilespmem:$0x1DC00] =	vst v63  }
0x99: {  	_ =	swait.ge [sflag:s17], $0x4000  }
0x9a: {  	[sflag:s17] =	ssyncset.done $0x0  }
0x9b: {  	s20 =	sor.u32 $0x680, s0;
	[sflag:s17] =	ssyncadd.s32 $0xFFFFC000  }
0x9c: {  	[tilespmem:s23], [sflag:$0x2] =	stream.indirect.gather [hbm4b:s4+s21], $0x80, s20, s21, $0xb8;
	[tilespmem:$0x1DC00] =	vst v63  }
0x9d: {  	_ =	swait.ge [sflag:s24], $0x4000  }
0x9e: {  	[sflag:s24] =	ssyncset.done $0x0  }
0x9f: {  	s18 =	sor.u32 $0x1600, s0;
	[sflag:s24] =	ssyncadd.s32 $0xFFFFC000  }
0xa0: {  	[spmem:s2] =	stream.indirect.scatter.add.f32 [tilespmem:s22], [sflag:$0x4], $0x80, s18, s21, $0xb8;
	[tilespmem:$0x1DC00] =	vst v63  }
0xa1: {  	_ =	swait.ge [sflag:s17], $0x4000  }
0xa2: {  	[sflag:s17] =	ssyncset.done $0x0  }
0xa3: {  	s19 =	sor.u32 $0x700, s0;
	[sflag:s17] =	ssyncadd.s32 $0xFFFFC000  }
0xa4: {  	[tilespmem:s22], [sflag:$0x1] =	stream.indirect.gather [hbm4b:s4+s21], $0x80, s19, s21, $0xb8;
	[tilespmem:$0x1DC00] =	vst v63  }
0xa5: {  	_ =	swait.ge [sflag:s25], $0x4000  }
0xa6: {  	[sflag:s25] =	ssyncset.done $0x0  }
0xa7: {  	s20 =	sor.u32 $0x1680, s0;
	[sflag:s25] =	ssyncadd.s32 $0xFFFFC000  }
0xa8: {  	[spmem:s2] =	stream.indirect.scatter.add.f32 [tilespmem:s23], [sflag:$0x4], $0x80, s20, s21, $0xb8;
	[tilespmem:$0x1DC00] =	vst v63  }
0xa9: {  	_ =	swait.ge [sflag:s17], $0x4000  }
0xaa: {  	[sflag:s17] =	ssyncset.done $0x0  }
0xab: {  	s1 =	sor.u32 $0x780, s0;
	[sflag:s17] =	ssyncadd.s32 $0xFFFFC000  }
0xac: {  	[tilespmem:s23], [sflag:$0x2] =	stream.indirect.gather [hbm4b:s4+s21], $0x80, s1, s21, $0xb8;
	[tilespmem:$0x1DC00] =	vst v63  }
0xad: {  	_ =	swait.ge [sflag:s24], $0x4000  }
0xae: {  	p0 =	sne.s32 s30, $0x4;
	[sflag:s24] =	ssyncset.done $0x0  }
.Ltmp2:
0xaf: {  	s0 =	sor.u32 $0x1700, s0;
	[sflag:s24] =	ssyncadd.s32 $0xFFFFC000;
	(pc) =	sbr.rel @!p0 .LBB2_3-.Ltmp2, $4  }
0xb0: {  	[spmem:s2] =	stream.indirect.scatter.add.f32 [tilespmem:s22], [sflag:$0x4], $0x80, s0, s21, $0xb8;
	[tilespmem:$0x1DC00] =	vst v63  }
0xb1: {  	_ =	swait.ge [sflag:s17], $0x4000  }
0xb2: {  	[sflag:s17] =	ssyncset.done $0x0  }
0xb3: {  	[sflag:s17] =	ssyncadd.s32 $0xFFFFC000  }
0xb4: {  	_ =	swait.ge [sflag:s26], $0x800  }
0xb5: {  	[sflag:s26] =	ssyncset.done $0x0  }
0xb6: {  	[sflag:s26] =	ssyncadd.s32 $0xFFFFF800  }
0xb7: {  	_ =	swait.ge [sflag:s26], $0x800  }
0xb8: {  	[sflag:s26] =	ssyncset.done $0x0  }
0xb9: {  	s0 =	sshll.u32 s31, $0xB;
	[sflag:s26] =	ssyncadd.s32 $0xFFFFF800  }
0xba: {  	[tilespmem:s22], [sflag:$0x1] =	stream.indirect.gather [hbm4b:s4+s21], $0x80, s0, s21, $0xb8;
	[tilespmem:$0x1DC00] =	vst v63  }
0xbb: {  	_ =	swait.ge [sflag:s25], $0x4000  }
0xbc: {  	s30 =	sadd.s32 $0x1, s30;
	[sflag:s25] =	ssyncset.done $0x0  }
0xbd: {  	s1 =	sor.u32 $0x1000, s1;
	p0 =	sne.s32 s30, $0x5;
	[sflag:s25] =	ssyncadd.s32 $0xFFFFC000  }
0xbe: {  	[spmem:s2] =	stream.indirect.scatter.add.f32 [tilespmem:s23], [sflag:$0x4], $0x80, s1, s21, $0xb8;
	[tilespmem:$0x1DC00] =	vst v63  }
.Ltmp3:
0xbf: {  	_ = 	snop;
	(pc) =	sbr.rel @p0 .LBB2_2-.Ltmp3, $4  }
.Ltmp4:
0xc0: {  	_ =	swait.ge [sflag:s17], $0x4000;
	(pc) =	sbr.rel @!p0 .LBB2_5-.Ltmp4, $4  }
0xc1: {  	[sflag:s17] =	ssyncset.done $0x0  }
0xc2: {  	s29 =	sadd.s32 $0x800, s29;
	s0 =	sor.u32 $0x80, s0;
	[sflag:s17] =	ssyncadd.s32 $0xFFFFC000  }
0xc3: {  	[tilespmem:s23], [sflag:$0x2] =	stream.indirect.gather [hbm4b:s4+s21], $0x80, s0, s21, $0xb8;
	[tilespmem:$0x1DC00] =	vst v63  }
0xc4: {  	_ = 	snop  }
.LBB2_6:
0xc5: {  	_ =	sfence.sel $0x180000  }
0xc6: {  	[bflag:$0x0] =	sbarrier.arrive $0xFFFF  }
0xc7: {  	_ =	strace $0x9000004A  }
0xc8: {  	s0 =	stileid.u32;
	[bflag:$0x2] =	sbarrier.arrive $0xFFFF  }
0xc9: {  	p0 =	sne.s32 s0, $0x0;
	s0 =	rddreg [dreg:$0x2]  }
0xca: {  	s0 =	sadd.s32 @!p0 $0x100000, s0  }
0xcb: {  	[sflag:s0] =	ssyncadd.tile.s32 @!p0 $0x1;
	_ =	shalt  }
.Lfunc_end2:
_tile_overlayer_lowered:
.L_overlay_start_2:
0xcc: {  	(tag) =	ssettag $0x2  }
0xcd: {  	s0 =	rddreg [dreg:$0x0];
	s2 =	stileid.u32  }
0xce: {  	s1 =	rddreg [dreg:$0x1];
	p0 =	sne.s32 s2, $0x0  }
0xcf: {  	s3 =	rddreg [dreg:$0x2];
	[bflag:$0x3] =	sbarrier.arrive $0xFFFF;
	s2 =	simm.s32 @!p0 $0x1C04  }
0xd0: {  	[timem:s3], [sflag:s2] =	dma.local @!p0 [hbm:s0], s1  }
0xd1: {  	s0 =	simm.s32 @!p0 $0x4  }
0xd2: {  	_ =	swait.ge @!p0 [sflag:s0], s1  }
0xd3: {  	s1 =	ssub.s32 @!p0 $0x0, s1;
	[sflag:s0] =	ssyncset.done @!p0 $0x0  }
0xd4: {  	[sflag:s0] =	ssyncadd.s32 @!p0 s1  }
0xd5: {  	[bflag:$0x3] =	sbarrier.arrive $0xFFFF  }
0xd6: {  	_ =	shalt  }

// kernel: kernel.16.cloned.1.call-start
scs
__scs_entry_jumppad:
0x0: {  	(pc) =	sbr.rel $0x88, $3  }
0x1: {  	(tag) =	ssettag $0x0;
	lr =	simm.s32 $0x1  }
0x2: {  	[smem:$0x3F94] =	sst lr;
	_ =	strace $0xD0000000  }
0x3: {  	_ = 	snop  }
0x4: {  	_ = 	snop  }
0x5: {  	_ = 	snop  }
0x6: {  	_ = 	snop  }
0x7: {  	_ = 	snop  }
__scs_overlays_trampoline_lowered:
0x8: {  	[smem:$0x3FA3] =	sst s0  }
0x9: {  	[smem:$0x3FA4] =	sst s1  }
0xa: {  	[smem:$0x3FA5] =	sst s2  }
0xb: {  	[smem:$0x3FA6] =	sst s3  }
0xc: {  	[smem:$0x3FA7] =	sst s4  }
0xd: {  	[smem:$0x3FA8] =	sst s5  }
0xe: {  	[smem:$0x3FA9] =	sst s6  }
0xf: {  	[smem:$0x3FAA] =	sst s7  }
0x10: {  	[smem:$0x3FAB] =	sst s8  }
0x11: {  	[smem:$0x3FAC] =	sst s9;
	s0 =	simm.s32 @!p0 $0x0  }
0x12: {  	s1 =	sld [smem:$0x3F92];
	s0 =	simm.s32 @p0 $0x1  }
0x13: {  	[smem:$0x3FAD] =	sst s0;
	s0 =	simm.s32 @!p1 $0x0  }
0x14: {  	s2 =	sld [smem:$0x3F91];
	s0 =	simm.s32 @p1 $0x1  }
0x15: {  	[smem:$0x3FAE] =	sst s0;
	s0 =	simm.s32 @!p2 $0x0  }
0x16: {  	s3 =	sld [smem:$0x3FDB];
	s0 =	simm.s32 @p2 $0x1  }
0x17: {  	s4 =	simm.s32 $0x1BF5;
	[smem:$0x3FB0] =	sst s0  }
0x18: {  	s0 =	sld [smem:$0x3F93];
	_ =	swait.ge [sflag:s4], $0x0  }
0x19: {  	s7 =	sld [smem:$0x3F94]  }
0x1a: {  	s8 =	sadd.s32 $0xFFFFE003, lr  }
0x1b: {  	s9 =	sadd.s32 $0xFFFFFEF7, lr;
	s5 =	simm.s32 $0xFFFFFFFF;
	p2 =	slt.u32 s8, $0xFFFFF086  }
0x1c: {  	p1 =	slt.u32 s9, $0xF7A;
	s5 =	simm.s32 @!p2 $0x0  }
0x1d: {  	s5 =	simm.s32 @p1 $0x1;
	p0 =	seq.s32 s7, s2  }
0x1e: {  	s7 =	smul.u32 @!p0 $0xF7A, s2;
	p2 =	seq.s32 @!p0 s5, $0x0  }
0x1f: {  	s9 =	smul.u32 $0xF7A, s1;
	s8 =	simm.s32 @!p0 $0x1BF5;
	p2 =	por !p2, p0  }
0x20: {  	[sflag:s8] =	ssyncset.s32 @!p0 $0xFFFFF086;
	s6 =	sadd.s32 @!p0 s3, s7;
	s7 =	simm.s32 @!p0 $0x108  }
0x21: {  	s3 =	sadd.s32 s3, s9;
	s6 =	sadd.s32 @!p0 $0x88, s6;
	s7 =	simm.s32 @p2 $0x1082  }
0x22: {  	[simem:s7], [sflag:s8] =	dma.local @!p0 [hbm:s6], $0xF7A  }
0x23: {  	s9 =	sor.u32 $0xD0000000, s2;
	s6 =	simm.s32 $0x108;
	_ =	swait.ge @!p0 [sflag:s8], $0x0  }
0x24: {  	s3 =	sadd.s32 $0x88, s3;
	s6 =	simm.s32 @!p1 $0x1082;
	[sflag:s4] =	ssyncset.s32 $0xFFFFF086  }
0x25: {  	[simem:s6], [sflag:s4] =	dma.local [hbm:s3], $0xF7A  }
0x26: {  	[smem:$0x3F94] =	sst s1;
	(tag) =	ssettag s2;
	_ =	strace s9  }
0x27: {  	s1 =	sld [smem:$0x3FA4]  }
0x28: {  	s2 =	sld [smem:$0x3FA5]  }
0x29: {  	s4 =	sld [smem:$0x3FA7]  }
0x2a: {  	p0 =	seq.s32 s5, $0x0;
	s5 =	sld [smem:$0x3FA8]  }
0x2b: {  	s6 =	sld [smem:$0x3FA9]  }
0x2c: {  	s7 =	sld [smem:$0x3FAA]  }
0x2d: {  	s3 =	simm.s32 $0x108;
	s8 =	sld [smem:$0x3FAB]  }
0x2e: {  	s3 =	simm.s32 @!p0 $0x1082;
	s9 =	sld [smem:$0x3FAC]  }
0x2f: {  	lr =	sadd.s32 s0, s3;
	s0 =	sld [smem:$0x3FA3]  }
0x30: {  	s3 =	sld [smem:$0x3FA6]  }
0x31: {  	[smem:$0x3FAF] =	sst s10  }
0x32: {  	s10 =	sld [smem:$0x3FAD];
	_ =	sdelay $0x3  }
0x33: {  	p0 =	seq.s32 s10, $0x1;
	s10 =	sld [smem:$0x3FAF];
	_ =	sdelay $0x3  }
0x34: {  	[smem:$0x3FAF] =	sst s10  }
0x35: {  	s10 =	sld [smem:$0x3FAE];
	_ =	sdelay $0x3  }
0x36: {  	p1 =	seq.s32 s10, $0x1;
	s10 =	sld [smem:$0x3FAF];
	_ =	sdelay $0x3  }
0x37: {  	[smem:$0x3FAF] =	sst s10  }
0x38: {  	s10 =	sld [smem:$0x3FB0]  }
0x39: {  	_ = 	snop;
	(pc) =	sbr.ind lr, $3  }
0x3a: {  	_ = 	snop  }
0x3b: {  	_ = 	snop  }
0x3c: {  	p2 =	seq.s32 s10, $0x1;
	s10 =	sld [smem:$0x3FAF]  }
0x3d: {  	_ =	shalt  }
0x3e: {  	_ =	shalt  }
0x3f: {  	_ =	shalt  }
0x40: {  	_ =	shalt  }
0x41: {  	_ =	shalt  }
0x42: {  	_ =	shalt  }
0x43: {  	_ =	shalt  }
0x44: {  	_ =	shalt  }
0x45: {  	_ =	shalt  }
0x46: {  	_ =	shalt  }
0x47: {  	_ =	shalt  }
0x48: {  	_ =	shalt  }
0x49: {  	_ =	shalt  }
0x4a: {  	_ =	shalt  }
0x4b: {  	_ =	shalt  }
0x4c: {  	_ =	shalt  }
0x4d: {  	_ =	shalt  }
0x4e: {  	_ =	shalt  }
0x4f: {  	_ =	shalt  }
0x50: {  	_ =	shalt  }
0x51: {  	_ =	shalt  }
0x52: {  	_ =	shalt  }
0x53: {  	_ =	shalt  }
0x54: {  	_ =	shalt  }
0x55: {  	_ =	shalt  }
0x56: {  	_ =	shalt  }
0x57: {  	_ =	shalt  }
0x58: {  	_ =	shalt  }
0x59: {  	_ =	shalt  }
0x5a: {  	_ =	shalt  }
0x5b: {  	_ =	shalt  }
0x5c: {  	_ =	shalt  }
0x5d: {  	_ =	shalt  }
0x5e: {  	_ =	shalt  }
0x5f: {  	_ =	shalt  }
0x60: {  	_ =	shalt  }
0x61: {  	_ =	shalt  }
0x62: {  	_ =	shalt  }
0x63: {  	_ =	shalt  }
0x64: {  	_ =	shalt  }
0x65: {  	_ =	shalt  }
0x66: {  	_ =	shalt  }
0x67: {  	_ =	shalt  }
0x68: {  	_ =	shalt  }
0x69: {  	_ =	shalt  }
0x6a: {  	_ =	shalt  }
0x6b: {  	_ =	shalt  }
0x6c: {  	_ =	shalt  }
0x6d: {  	_ =	shalt  }
0x6e: {  	_ =	shalt  }
0x6f: {  	_ =	shalt  }
0x70: {  	_ =	shalt  }
0x71: {  	_ =	shalt  }
0x72: {  	_ =	shalt  }
0x73: {  	_ =	shalt  }
0x74: {  	_ =	shalt  }
0x75: {  	_ =	shalt  }
0x76: {  	_ =	shalt  }
0x77: {  	_ =	shalt  }
0x78: {  	_ =	shalt  }
0x79: {  	_ =	shalt  }
0x7a: {  	_ =	shalt  }
0x7b: {  	_ =	shalt  }
0x7c: {  	_ =	shalt  }
0x7d: {  	_ =	shalt  }
0x7e: {  	_ =	shalt  }
0x7f: {  	_ =	shalt  }
0x80: {  	_ =	shalt  }
0x81: {  	_ =	shalt  }
0x82: {  	_ =	shalt  }
0x83: {  	_ =	shalt  }
0x84: {  	_ =	shalt  }
0x85: {  	_ =	shalt  }
0x86: {  	_ =	shalt  }
0x87: {  	_ =	shalt  }
.Lfunc_end0:
.L_simem_size_0:
called_computation.2_lowered:
.L_overlay_start_0:
0x88: {  	s2 =	sld [smem:$0x3FD9]  }
0x89: {  	s3 =	sld [smem:$0x3FFE];
	_ =	sdelay $0x1  }
0x8a: {  	s1 =	srdreg.scid  }
0x8b: {  	s0 =	sand.u32 $0x1, s1  }
0x8c: {  	s16 =	sshll.u32 s0, $0xA;
	s2 =	sadd.s32 s3, s2  }
0x8d: {  	s2 =	sadd.s32 s2, s16  }
0x8e: {  	[smem:$0x3FBB] =	sst s2  }
0x8f: {  	_ = 	snop  }
0x90: {  	(tm) =	ssettm $0x1  }
0x91: {  	s17 =	sld [smem:$0x3FFB];
	_ =	sdelay $0x3  }
0x92: {  	_ =	strace s17  }
0x93: {  	s2 =	sld [smem:$0x3FFC];
	_ =	sdelay $0x3  }
0x94: {  	_ =	strace s2  }
0x95: {  	s2 =	sld [smem:$0x3FFD];
	_ =	sdelay $0x3  }
0x96: {  	_ =	strace s2  }
0x97: {  	_ =	strace $0x8FFFFFFF  }
0x98: {  	s18 =	sld [smem:$0x3FDB];
	_ =	sdelay $0x1  }
0x99: {  	s19 =	simm.s32 $_scs_section_size  }
0x9a: {  	s4 =	simm.s32 $_size__tile_overlayer_lowered;
	s5 =	simm.s32 $_tile_overlayer_lowered  }
0x9b: {  	s22 =	simm.s32 $0x1BFF;
	s21 =	sshll.u32 s5, $0x1;
	s2 =	sadd.s32 s19, s18  }
0x9c: {  	s6 =	simm.s32 $0x0;
	s20 =	sshll.u32 s4, $0x1;
	s4 =	sadd.s32 s21, s2  }
0x9d: {  	[timem:s6], [sflag:s22] =	dma.local [hbm:s4], s20  }
0x9e: {  	_ =	swait.ge [sflag:s22], s20  }
0x9f: {  	s3 =	ssub.s32 $0x0, s20;
	[sflag:s22] =	ssyncset.done $0x0  }
0xa0: {  	[sflag:s22] =	ssyncadd.s32 s3;
	_ =	sdelay $0x1  }
0xa1: {  	s23 =	simm.s32 $0x1B8B  }
0xa2: {  	_ =	swait.ge [sflag:s23], $0x1  }
0xa3: {  	[sflag:s23] =	ssyncset.done $0x0  }
0xa4: {  	s25 =	simm.s32 $0x1B8E;
	s24 =	sld [smem:$0x3FFE];
	[sflag:s23] =	ssyncadd.s32 $0xFFFFFFFF  }
0xa5: {  	s26 =	simm.s32 $execute0_lowered;
	[smem:$0x3FD2] =	sst s25  }
0xa6: {  	s4 =	sshll.u32 s26, $0x1;
	_ =	strace $0x8000004C;
	[dreg:$0x1] =	wrdreg $0xFFFFFFFF  }
0xa7: {  	s28 =	simm.s32 $_size_execute0_lowered;
	s2 =	sadd.s32 s2, s4;
	[dreg:$0x0] =	wrdreg $0x0  }
0xa8: {  	s4 =	sshll.u32 s28, $0x1;
	[dreg:$0x2] =	wrdreg s2  }
0xa9: {  	[dreg:$0x3] =	wrdreg s4  }
0xaa: {  	[dreg:$0x4] =	wrdreg $0xC0  }
0xab: {  	_ =	task [dreg:s6], $0x5FFFF  }
0xac: {  	[dreg:$0x1] =	wrdreg $0xFFFFFFFF  }
0xad: {  	[dreg:$0x0] =	wrdreg $0x60  }
0xae: {  	[dreg:$0x2] =	wrdreg s24  }
0xaf: {  	[dreg:$0x3] =	wrdreg $0xA0000  }
0xb0: {  	[dreg:$0x4] =	wrdreg $0x9  }
0xb1: {  	_ =	task.clear_ibuf [dreg:s6], $0x5FFFF;
	_ =	strace $0x9000004C  }
0xb2: {  	s29 =	simm.s32 $0x9;
	_ =	strace $0x8000004E  }
0xb3: {  	_ =	swait.ge [sflag:s29], $0x1  }
0xb4: {  	[sflag:s29] =	ssyncadd.s32 $0xFFFFFFFF  }
0xb5: {  	_ =	strace $0x9000004E  }
0xb6: {  	_ =	sfence  }
0xb7: {  	s30 =	sld [smem:$0x0];
	_ =	sdelay $0x2  }
0xb8: {  	s31 =	sshll.u32 s1, $0xD;
	s1 =	sshrl.u32 s1, $0x2  }
0xb9: {  	s3 =	sand.u32 $0x4000, s31;
	s1 =	sadd.s32 s1, s30  }
0xba: {  	s0 =	sor.u32 s3, s0;
	s1 =	sshll.u32 s1, $0x11  }
0xbb: {  	s0 =	sor.u32 s1, s0  }
0xbc: {  	s0 =	sadd.s32 $0x8F2B, s0  }
0xbd: {  	[sflag:s0] =	ssyncadd.remote.s32 $0x1  }
0xbe: {  	_ =	sfence.sel $0xFFFF  }
0xbf: {  	[dreg:$0x0] =	wrdreg $0xFFFFFFFF;
	(pc) =	sbr.abs _section_cstart, $3  }
0xc0: {  	[dreg:$0x1] =	wrdreg $0xFFFFFFFF  }
0xc1: {  	_ =	task.clear_ibuf [dreg:s6], $0x2FFFF;
	_ =	strace $0x9FFFFFFF  }
0xc2: {  	(tm) =	ssettm $0x7FFFFFFF  }
0xc3: {  	_ =	shalt  }
tec
execute0_lowered:
.L_overlay_start_1:
0x0: {  	(tag) =	ssettag $0x1  }
0x1: {  	s0 =	rddreg [dreg:$0x0]  }
0x2: {  	s2 =	rddreg [dreg:$0x1]  }
0x3: {  	s12 =	stileid.u32;
	s1 =	srdreg.scid  }
0x4: {  	s3 =	simm.s32 $0x0;
	s17 =	simm.s32 $0x4;
	s21 =	simm.s32 $0x80  }
0x5: {  	s22 =	simm.s32 $0x2000;
	s28 =	simm.s32 $0x0;
	s7 =	smul.u32 $0x13C00, s12  }
0x6: {  	s1 =	sand.u32 $0x1, s1;
	[smem:$0x7FF] =	sst s3;
	s4 =	sadd.s32 $0x3F200, s0  }
0x7: {  	s5 =	sadd.s32 $0x8EA00, s0;
	s6 =	sadd.s32 $0xDA00, s0;
	s24 =	smul.u32 $0x4F000, s12  }
0x8: {  	s10 =	sshll.u32 s12, $0x1;
	s29 =	sshll.u32 s12, $0x6;
	s13 =	smul.u32 $0x5000, s12  }
0x9: {  	s8 =	smul.u32 $0x13C000, s1;
	_ =	strace $0x8000004D;
	s25 =	ssub.s32 $0x2, s1  }
0xa: {  	s10 =	sor.u32 s1, s10;
	s1 =	smul.u32 $0x2800, s1;
	s9 =	sshrl.u32 s7, $0x3  }
0xb: {  	s11 =	sshrl.u32 s25, $0x1;
	s26 =	smul.u32 $0x2800, s10;
	s7 =	sadd.s32 s7, s8  }
0xc: {  	s23 =	sadd.s32 s9, s0;
	s9 =	sshrl.u32 s24, $0x2;
	s14 =	ssub.s32 s25, s11  }
0xd: {  	s8 =	sor.u32 $0x1C04, s29;
	s1 =	sadd.s32 s1, s13;
	s24 =	simm.s32 $0x1  }
0xe: {  	s25 =	simm.s32 $0x2;
	s7 =	sshrl.u32 s7, $0x3;
	s16 =	sadd.s32 s9, s2  }
.Ltmp0:
0xf: {  	s30 =	sshrl.u32 s26, $0x3;
	s14 =	smax.u32 s14, $0x1;
	(pc) =	sbr.rel .LBB2_1-.Ltmp0, $4  }
0x10: {  	s15 =	sadd.s32 $0x800, s1;
	s26 =	simm.s32 $0x3;
	s0 =	sadd.s32 s7, s0  }
0x11: {  	s7 =	sadd.s32 $0x17A00, s23;
	s9 =	sadd.s32 s5, s30;
	s10 =	sadd.s32 s6, s30  }
0x12: {  	s31 =	sadd.s32 $0x100, s30;
	s16 =	sshrl.u32 s16, $0x3;
	s23 =	simm.s32 $0x6000  }
0x13: {  	s11 =	sadd.s32 s5, s31;
	s12 =	sadd.s32 s6, s31;
	s13 =	sadd.s32 $0x98A00, s0  }
.LBB2_3:
0x14: {  	_ =	swait.ge [sflag:s25], $0x4000  }
0x15: {  	[sflag:s25] =	ssyncset.done $0x0  }
0x16: {  	s0 =	sor.u32 $0x1000, s1;
	[sflag:s25] =	ssyncadd.s32 $0xFFFFC000  }
0x17: {  	[spmem:s2] =	stream.indirect.scatter.add.f32 [tilespmem:s23], [sflag:$0x4], $0x80, s0, s21, $0xb8;
	[tilespmem:$0x1DC00] =	vst v63  }
0x18: {  	_ =	swait.ge [sflag:s17], $0x4000  }
0x19: {  	[sflag:s17] =	ssyncset.done $0x0  }
0x1a: {  	[sflag:s17] =	ssyncadd.s32 $0xFFFFC000  }
.LBB2_5:
0x1b: {  	s28 =	sadd.s32 $0x1, s28  }
0x1c: {  	p0 =	sne.s32 s28, s14  }
.Ltmp1:
0x1d: {  	[bflag:$0x0] =	sbarrier.arrive $0xFFFF;
	(pc) =	sbr.rel @!p0 .LBB2_6-.Ltmp1, $4  }
0x1e: {  	[hbm:s13], [sflag:s8] =	dma.local [spmem:s16], $0x2780  }
0x1f: {  	_ =	swait.ge [sflag:s17], $0x2780  }
0x20: {  	[sflag:s17] =	ssyncset.done $0x0  }
0x21: {  	[sflag:s17] =	ssyncadd.s32 $0xFFFFD880  }
.LBB2_1:
0x22: {  	[spmem:s16], [sflag:s8] =	dma.local [hbm:s7], $0x2780  }
0x23: {  	_ =	swait.ge [sflag:s17], $0x2780  }
0x24: {  	[sflag:s17] =	ssyncset.done $0x0  }
0x25: {  	[sflag:s17] =	ssyncadd.s32 $0xFFFFD880  }
0x26: {  	[bflag:$0x0] =	sbarrier.arrive $0xFFFF  }
0x27: {  	[tilespmem:s3], [sflag:$0x4] =	stream.linear.gather [hbm4b:s9+s3], $0x800, $0x38;
	[tilespmem:$0x1DC00] =	vst v63  }
0x28: {  	_ =	swait.ge [sflag:s17], $0x800  }
0x29: {  	[sflag:s17] =	ssyncset.done $0x0  }
0x2a: {  	s0 =	simm.s32 $0x1000;
	[sflag:s17] =	ssyncadd.s32 $0xFFFFF800  }
0x2b: {  	[tilespmem:s0], [sflag:$0x4] =	stream.linear.gather [hbm4b:s10+s3], $0x800, $0x38;
	[tilespmem:$0x1DC00] =	vst v63  }
0x2c: {  	_ =	swait.ge [sflag:s17], $0x800  }
0x2d: {  	[sflag:s17] =	ssyncset.done $0x0  }
0x2e: {  	s20 =	simm.s32 $0x800;
	[sflag:s17] =	ssyncadd.s32 $0xFFFFF800  }
0x2f: {  	[tilespmem:s20], [sflag:$0x3] =	stream.linear.gather [hbm4b:s11+s3], $0x800, $0x38;
	[tilespmem:$0x1DC00] =	vst v63  }
0x30: {  	s31 =	simm.s32 $0x1800  }
0x31: {  	[tilespmem:s31], [sflag:$0x3] =	stream.linear.gather [hbm4b:s12+s3], $0x800, $0x38;
	[tilespmem:$0x1DC00] =	vst v63  }
0x32: {  	_ = 	snop  }
0x33: {  	[tilespmem:s22], [sflag:$0x1] =	stream.indirect.gather [hbm4b:s4+s21], $0x80, s3, s21, $0xb8;
	[tilespmem:$0x1DC00] =	vst v63  }
0x34: {  	s29 =	smov.u32 s15;
	s30 =	simm.s32 $0x0  }
0x35: {  	[tilespmem:s23], [sflag:$0x2] =	stream.indirect.gather [hbm4b:s4+s21], $0x80, s21, s21, $0xb8;
	[tilespmem:$0x1DC00] =	vst v63  }
.LBB2_2:
0x36: {  	s0 =	sor.u32 $0x4, s30  }
0x37: {  	s1 =	sand.u32 $0x1, s30;
	p0 =	seq.s32 s0, $0x4  }
0x38: {  	s31 =	sxor.u32 $0x1, s1;
	s0 =	sshrl.u32 @!p0 s29, $0x3  }
0x39: {  	s18 =	sshll.u32 @!p0 s31, $0xB;
	s20 =	simm.s32 @!p0 $0x0;
	s19 =	sadd.s32 @!p0 s5, s0  }
0x3a: {  	[tilespmem:s18], [sflag:$0x3] =	stream.linear.gather @!p0 [hbm4b:s19+s20], $0x800, $0x38;
	[tilespmem:$0x1DC00] =	vst v63  }
0x3b: {  	s0 =	sadd.s32 @!p0 s6, s0;
	s18 =	sor.u32 @!p0 $0x1000, s18  }
0x3c: {  	[tilespmem:s18], [sflag:$0x3] =	stream.linear.gather @!p0 [hbm4b:s0+s20], $0x800, $0x38;
	[tilespmem:$0x1DC00] =	vst v63  }
0x3d: {  	_ =	swait.ge [sflag:s24], $0x4000  }
0x3e: {  	s0 =	sshll.u32 s1, $0xB;
	[sflag:s24] =	ssyncset.done $0x0  }
0x3f: {  	s1 =	sor.u32 $0x1000, s0;
	[sflag:s24] =	ssyncadd.s32 $0xFFFFC000  }
0x40: {  	[spmem:s2] =	stream.indirect.scatter.add.f32 [tilespmem:s22], [sflag:$0x4], $0x80, s1, s21, $0xb8;
	[tilespmem:$0x1DC00] =	vst v63  }
0x41: {  	_ =	swait.ge [sflag:s17], $0x4000  }
0x42: {  	[sflag:s17] =	ssyncset.done $0x0  }
0x43: {  	s19 =	sor.u32 $0x100, s0;
	[sflag:s17] =	ssyncadd.s32 $0xFFFFC000  }
0x44: {  	[tilespmem:s22], [sflag:$0x1] =	stream.indirect.gather [hbm4b:s4+s21], $0x80, s19, s21, $0xb8;
	[tilespmem:$0x1DC00] =	vst v63  }
0x45: {  	_ =	swait.ge [sflag:s25], $0x4000  }
0x46: {  	[sflag:s25] =	ssyncset.done $0x0  }
0x47: {  	s20 =	sor.u32 $0x1080, s0;
	[sflag:s25] =	ssyncadd.s32 $0xFFFFC000  }
0x48: {  	[spmem:s2] =	stream.indirect.scatter.add.f32 [tilespmem:s23], [sflag:$0x4], $0x80, s20, s21, $0xb8;
	[tilespmem:$0x1DC00] =	vst v63  }
0x49: {  	_ =	swait.ge [sflag:s17], $0x4000  }
0x4a: {  	[sflag:s17] =	ssyncset.done $0x0  }
0x4b: {  	s18 =	sor.u32 $0x180, s0;
	[sflag:s17] =	ssyncadd.s32 $0xFFFFC000  }
0x4c: {  	[tilespmem:s23], [sflag:$0x2] =	stream.indirect.gather [hbm4b:s4+s21], $0x80, s18, s21, $0xb8;
	[tilespmem:$0x1DC00] =	vst v63  }
0x4d: {  	_ =	swait.ge [sflag:s24], $0x4000  }
0x4e: {  	[sflag:s24] =	ssyncset.done $0x0  }
0x4f: {  	s19 =	sor.u32 $0x1100, s0;
	[sflag:s24] =	ssyncadd.s32 $0xFFFFC000  }
0x50: {  	[spmem:s2] =	stream.indirect.scatter.add.f32 [tilespmem:s22], [sflag:$0x4], $0x80, s19, s21, $0xb8;
	[tilespmem:$0x1DC00] =	vst v63  }
0x51: {  	_ =	swait.ge [sflag:s17], $0x4000  }
0x52: {  	[sflag:s17] =	ssyncset.done $0x0  }
0x53: {  	s20 =	sor.u32 $0x200, s0;
	[sflag:s17] =	ssyncadd.s32 $0xFFFFC000  }
0x54: {  	[tilespmem:s22], [sflag:$0x1] =	stream.indirect.gather [hbm4b:s4+s21], $0x80, s20, s21, $0xb8;
	[tilespmem:$0x1DC00] =	vst v63  }
0x55: {  	_ =	swait.ge [sflag:s25], $0x4000  }
0x56: {  	[sflag:s25] =	ssyncset.done $0x0  }
0x57: {  	s18 =	sor.u32 $0x1180, s0;
	[sflag:s25] =	ssyncadd.s32 $0xFFFFC000  }
0x58: {  	[spmem:s2] =	stream.indirect.scatter.add.f32 [tilespmem:s23], [sflag:$0x4], $0x80, s18, s21, $0xb8;
	[tilespmem:$0x1DC00] =	vst v63  }
0x59: {  	_ =	swait.ge [sflag:s17], $0x4000  }
0x5a: {  	[sflag:s17] =	ssyncset.done $0x0  }
0x5b: {  	s19 =	sor.u32 $0x280, s0;
	[sflag:s17] =	ssyncadd.s32 $0xFFFFC000  }
0x5c: {  	[tilespmem:s23], [sflag:$0x2] =	stream.indirect.gather [hbm4b:s4+s21], $0x80, s19, s21, $0xb8;
	[tilespmem:$0x1DC00] =	vst v63  }
0x5d: {  	_ =	swait.ge [sflag:s24], $0x4000  }
0x5e: {  	[sflag:s24] =	ssyncset.done $0x0  }
0x5f: {  	s20 =	sor.u32 $0x1200, s0;
	[sflag:s24] =	ssyncadd.s32 $0xFFFFC000  }
0x60: {  	[spmem:s2] =	stream.indirect.scatter.add.f32 [tilespmem:s22], [sflag:$0x4], $0x80, s20, s21, $0xb8;
	[tilespmem:$0x1DC00] =	vst v63  }
0x61: {  	_ =	swait.ge [sflag:s17], $0x4000  }
0x62: {  	[sflag:s17] =	ssyncset.done $0x0  }
0x63: {  	s18 =	sor.u32 $0x300, s0;
	[sflag:s17] =	ssyncadd.s32 $0xFFFFC000  }
0x64: {  	[tilespmem:s22], [sflag:$0x1] =	stream.indirect.gather [hbm4b:s4+s21], $0x80, s18, s21, $0xb8;
	[tilespmem:$0x1DC00] =	vst v63  }
0x65: {  	_ =	swait.ge [sflag:s25], $0x4000  }
0x66: {  	[sflag:s25] =	ssyncset.done $0x0  }
0x67: {  	s19 =	sor.u32 $0x1280, s0;
	[sflag:s25] =	ssyncadd.s32 $0xFFFFC000  }
0x68: {  	[spmem:s2] =	stream.indirect.scatter.add.f32 [tilespmem:s23], [sflag:$0x4], $0x80, s19, s21, $0xb8;
	[tilespmem:$0x1DC00] =	vst v63  }
0x69: {  	_ =	swait.ge [sflag:s17], $0x4000  }
0x6a: {  	[sflag:s17] =	ssyncset.done $0x0  }
0x6b: {  	s20 =	sor.u32 $0x380, s0;
	[sflag:s17] =	ssyncadd.s32 $0xFFFFC000  }
0x6c: {  	[tilespmem:s23], [sflag:$0x2] =	stream.indirect.gather [hbm4b:s4+s21], $0x80, s20, s21, $0xb8;
	[tilespmem:$0x1DC00] =	vst v63  }
0x6d: {  	_ =	swait.ge [sflag:s24], $0x4000  }
0x6e: {  	[sflag:s24] =	ssyncset.done $0x0  }
0x6f: {  	s18 =	sor.u32 $0x1300, s0;
	[sflag:s24] =	ssyncadd.s32 $0xFFFFC000  }
0x70: {  	[spmem:s2] =	stream.indirect.scatter.add.f32 [tilespmem:s22], [sflag:$0x4], $0x80, s18, s21, $0xb8;
	[tilespmem:$0x1DC00] =	vst v63  }
0x71: {  	_ =	swait.ge [sflag:s17], $0x4000  }
0x72: {  	[sflag:s17] =	ssyncset.done $0x0  }
0x73: {  	s19 =	sor.u32 $0x400, s0;
	[sflag:s17] =	ssyncadd.s32 $0xFFFFC000  }
0x74: {  	[tilespmem:s22], [sflag:$0x1] =	stream.indirect.gather [hbm4b:s4+s21], $0x80, s19, s21, $0xb8;
	[tilespmem:$0x1DC00] =	vst v63  }
0x75: {  	_ =	swait.ge [sflag:s25], $0x4000  }
0x76: {  	[sflag:s25] =	ssyncset.done $0x0  }
0x77: {  	s20 =	sor.u32 $0x1380, s0;
	[sflag:s25] =	ssyncadd.s32 $0xFFFFC000  }
0x78: {  	[spmem:s2] =	stream.indirect.scatter.add.f32 [tilespmem:s23], [sflag:$0x4], $0x80, s20, s21, $0xb8;
	[tilespmem:$0x1DC00] =	vst v63  }
0x79: {  	_ =	swait.ge [sflag:s17], $0x4000  }
0x7a: {  	[sflag:s17] =	ssyncset.done $0x0  }
0x7b: {  	s18 =	sor.u32 $0x480, s0;
	[sflag:s17] =	ssyncadd.s32 $0xFFFFC000  }
0x7c: {  	[tilespmem:s23], [sflag:$0x2] =	stream.indirect.gather [hbm4b:s4+s21], $0x80, s18, s21, $0xb8;
	[tilespmem:$0x1DC00] =	vst v63  }
0x7d: {  	_ =	swait.ge [sflag:s24], $0x4000  }
0x7e: {  	[sflag:s24] =	ssyncset.done $0x0  }
0x7f: {  	s19 =	sor.u32 $0x1400, s0;
	[sflag:s24] =	ssyncadd.s32 $0xFFFFC000  }
0x80: {  	[spmem:s2] =	stream.indirect.scatter.add.f32 [tilespmem:s22], [sflag:$0x4], $0x80, s19, s21, $0xb8;
	[tilespmem:$0x1DC00] =	vst v63  }
0x81: {  	_ =	swait.ge [sflag:s17], $0x4000  }
0x82: {  	[sflag:s17] =	ssyncset.done $0x0  }
0x83: {  	s20 =	sor.u32 $0x500, s0;
	[sflag:s17] =	ssyncadd.s32 $0xFFFFC000  }
0x84: {  	[tilespmem:s22], [sflag:$0x1] =	stream.indirect.gather [hbm4b:s4+s21], $0x80, s20, s21, $0xb8;
	[tilespmem:$0x1DC00] =	vst v63  }
0x85: {  	_ =	swait.ge [sflag:s25], $0x4000  }
0x86: {  	[sflag:s25] =	ssyncset.done $0x0  }
0x87: {  	s18 =	sor.u32 $0x1480, s0;
	[sflag:s25] =	ssyncadd.s32 $0xFFFFC000  }
0x88: {  	[spmem:s2] =	stream.indirect.scatter.add.f32 [tilespmem:s23], [sflag:$0x4], $0x80, s18, s21, $0xb8;
	[tilespmem:$0x1DC00] =	vst v63  }
0x89: {  	_ =	swait.ge [sflag:s17], $0x4000  }
0x8a: {  	[sflag:s17] =	ssyncset.done $0x0  }
0x8b: {  	s19 =	sor.u32 $0x580, s0;
	[sflag:s17] =	ssyncadd.s32 $0xFFFFC000  }
0x8c: {  	[tilespmem:s23], [sflag:$0x2] =	stream.indirect.gather [hbm4b:s4+s21], $0x80, s19, s21, $0xb8;
	[tilespmem:$0x1DC00] =	vst v63  }
0x8d: {  	_ =	swait.ge [sflag:s24], $0x4000  }
0x8e: {  	[sflag:s24] =	ssyncset.done $0x0  }
0x8f: {  	s20 =	sor.u32 $0x1500, s0;
	[sflag:s24] =	ssyncadd.s32 $0xFFFFC000  }
0x90: {  	[spmem:s2] =	stream.indirect.scatter.add.f32 [tilespmem:s22], [sflag:$0x4], $0x80, s20, s21, $0xb8;
	[tilespmem:$0x1DC00] =	vst v63  }
0x91: {  	_ =	swait.ge [sflag:s17], $0x4000  }
0x92: {  	[sflag:s17] =	ssyncset.done $0x0  }
0x93: {  	s18 =	sor.u32 $0x600, s0;
	[sflag:s17] =	ssyncadd.s32 $0xFFFFC000  }
0x94: {  	[tilespmem:s22], [sflag:$0x1] =	stream.indirect.gather [hbm4b:s4+s21], $0x80, s18, s21, $0xb8;
	[tilespmem:$0x1DC00] =	vst v63  }
0x95: {  	_ =	swait.ge [sflag:s25], $0x4000  }
0x96: {  	[sflag:s25] =	ssyncset.done $0x0  }
0x97: {  	s19 =	sor.u32 $0x1580, s0;
	[sflag:s25] =	ssyncadd.s32 $0xFFFFC000  }
0x98: {  	[spmem:s2] =	stream.indirect.scatter.add.f32 [tilespmem:s23], [sflag:$0x4], $0x80, s19, s21, $0xb8;
	[tilespmem:$0x1DC00] =	vst v63  }
0x99: {  	_ =	swait.ge [sflag:s17], $0x4000  }
0x9a: {  	[sflag:s17] =	ssyncset.done $0x0  }
0x9b: {  	s20 =	sor.u32 $0x680, s0;
	[sflag:s17] =	ssyncadd.s32 $0xFFFFC000  }
0x9c: {  	[tilespmem:s23], [sflag:$0x2] =	stream.indirect.gather [hbm4b:s4+s21], $0x80, s20, s21, $0xb8;
	[tilespmem:$0x1DC00] =	vst v63  }
0x9d: {  	_ =	swait.ge [sflag:s24], $0x4000  }
0x9e: {  	[sflag:s24] =	ssyncset.done $0x0  }
0x9f: {  	s18 =	sor.u32 $0x1600, s0;
	[sflag:s24] =	ssyncadd.s32 $0xFFFFC000  }
0xa0: {  	[spmem:s2] =	stream.indirect.scatter.add.f32 [tilespmem:s22], [sflag:$0x4], $0x80, s18, s21, $0xb8;
	[tilespmem:$0x1DC00] =	vst v63  }
0xa1: {  	_ =	swait.ge [sflag:s17], $0x4000  }
0xa2: {  	[sflag:s17] =	ssyncset.done $0x0  }
0xa3: {  	s19 =	sor.u32 $0x700, s0;
	[sflag:s17] =	ssyncadd.s32 $0xFFFFC000  }
0xa4: {  	[tilespmem:s22], [sflag:$0x1] =	stream.indirect.gather [hbm4b:s4+s21], $0x80, s19, s21, $0xb8;
	[tilespmem:$0x1DC00] =	vst v63  }
0xa5: {  	_ =	swait.ge [sflag:s25], $0x4000  }
0xa6: {  	[sflag:s25] =	ssyncset.done $0x0  }
0xa7: {  	s20 =	sor.u32 $0x1680, s0;
	[sflag:s25] =	ssyncadd.s32 $0xFFFFC000  }
0xa8: {  	[spmem:s2] =	stream.indirect.scatter.add.f32 [tilespmem:s23], [sflag:$0x4], $0x80, s20, s21, $0xb8;
	[tilespmem:$0x1DC00] =	vst v63  }
0xa9: {  	_ =	swait.ge [sflag:s17], $0x4000  }
0xaa: {  	[sflag:s17] =	ssyncset.done $0x0  }
0xab: {  	s1 =	sor.u32 $0x780, s0;
	[sflag:s17] =	ssyncadd.s32 $0xFFFFC000  }
0xac: {  	[tilespmem:s23], [sflag:$0x2] =	stream.indirect.gather [hbm4b:s4+s21], $0x80, s1, s21, $0xb8;
	[tilespmem:$0x1DC00] =	vst v63  }
0xad: {  	_ =	swait.ge [sflag:s24], $0x4000  }
0xae: {  	p0 =	sne.s32 s30, $0x4;
	[sflag:s24] =	ssyncset.done $0x0  }
.Ltmp2:
0xaf: {  	s0 =	sor.u32 $0x1700, s0;
	[sflag:s24] =	ssyncadd.s32 $0xFFFFC000;
	(pc) =	sbr.rel @!p0 .LBB2_3-.Ltmp2, $4  }
0xb0: {  	[spmem:s2] =	stream.indirect.scatter.add.f32 [tilespmem:s22], [sflag:$0x4], $0x80, s0, s21, $0xb8;
	[tilespmem:$0x1DC00] =	vst v63  }
0xb1: {  	_ =	swait.ge [sflag:s17], $0x4000  }
0xb2: {  	[sflag:s17] =	ssyncset.done $0x0  }
0xb3: {  	[sflag:s17] =	ssyncadd.s32 $0xFFFFC000  }
0xb4: {  	_ =	swait.ge [sflag:s26], $0x800  }
0xb5: {  	[sflag:s26] =	ssyncset.done $0x0  }
0xb6: {  	[sflag:s26] =	ssyncadd.s32 $0xFFFFF800  }
0xb7: {  	_ =	swait.ge [sflag:s26], $0x800  }
0xb8: {  	[sflag:s26] =	ssyncset.done $0x0  }
0xb9: {  	s0 =	sshll.u32 s31, $0xB;
	[sflag:s26] =	ssyncadd.s32 $0xFFFFF800  }
0xba: {  	[tilespmem:s22], [sflag:$0x1] =	stream.indirect.gather [hbm4b:s4+s21], $0x80, s0, s21, $0xb8;
	[tilespmem:$0x1DC00] =	vst v63  }
0xbb: {  	_ =	swait.ge [sflag:s25], $0x4000  }
0xbc: {  	s30 =	sadd.s32 $0x1, s30;
	[sflag:s25] =	ssyncset.done $0x0  }
0xbd: {  	s1 =	sor.u32 $0x1000, s1;
	p0 =	sne.s32 s30, $0x5;
	[sflag:s25] =	ssyncadd.s32 $0xFFFFC000  }
0xbe: {  	[spmem:s2] =	stream.indirect.scatter.add.f32 [tilespmem:s23], [sflag:$0x4], $0x80, s1, s21, $0xb8;
	[tilespmem:$0x1DC00] =	vst v63  }
.Ltmp3:
0xbf: {  	_ = 	snop;
	(pc) =	sbr.rel @p0 .LBB2_2-.Ltmp3, $4  }
.Ltmp4:
0xc0: {  	_ =	swait.ge [sflag:s17], $0x4000;
	(pc) =	sbr.rel @!p0 .LBB2_5-.Ltmp4, $4  }
0xc1: {  	[sflag:s17] =	ssyncset.done $0x0  }
0xc2: {  	s29 =	sadd.s32 $0x800, s29;
	s0 =	sor.u32 $0x80, s0;
	[sflag:s17] =	ssyncadd.s32 $0xFFFFC000  }
0xc3: {  	[tilespmem:s23], [sflag:$0x2] =	stream.indirect.gather [hbm4b:s4+s21], $0x80, s0, s21, $0xb8;
	[tilespmem:$0x1DC00] =	vst v63  }
0xc4: {  	_ = 	snop  }
.LBB2_6:
0xc5: {  	_ =	sfence.sel $0x180000  }
0xc6: {  	[bflag:$0x0] =	sbarrier.arrive $0xFFFF  }
0xc7: {  	_ =	strace $0x9000004D  }
0xc8: {  	s0 =	stileid.u32;
	[bflag:$0x2] =	sbarrier.arrive $0xFFFF  }
0xc9: {  	p0 =	sne.s32 s0, $0x0;
	s0 =	rddreg [dreg:$0x2]  }
0xca: {  	s0 =	sadd.s32 @!p0 $0x100000, s0  }
0xcb: {  	[sflag:s0] =	ssyncadd.tile.s32 @!p0 $0x1;
	_ =	shalt  }
.Lfunc_end2:
_tile_overlayer_lowered:
.L_overlay_start_2:
0xcc: {  	(tag) =	ssettag $0x2  }
0xcd: {  	s0 =	rddreg [dreg:$0x0];
	s2 =	stileid.u32  }
0xce: {  	s1 =	rddreg [dreg:$0x1];
	p0 =	sne.s32 s2, $0x0  }
0xcf: {  	s3 =	rddreg [dreg:$0x2];
	[bflag:$0x3] =	sbarrier.arrive $0xFFFF;
	s2 =	simm.s32 @!p0 $0x1C04  }
0xd0: {  	[timem:s3], [sflag:s2] =	dma.local @!p0 [hbm:s0], s1  }
0xd1: {  	s0 =	simm.s32 @!p0 $0x4  }
0xd2: {  	_ =	swait.ge @!p0 [sflag:s0], s1  }
0xd3: {  	s1 =	ssub.s32 @!p0 $0x0, s1;
	[sflag:s0] =	ssyncset.done @!p0 $0x0  }
0xd4: {  	[sflag:s0] =	ssyncadd.s32 @!p0 s1  }
0xd5: {  	[bflag:$0x3] =	sbarrier.arrive $0xFFFF  }
0xd6: {  	_ =	shalt  }

// kernel: kernel.19.cloned.1.call-start
scs
__scs_entry_jumppad:
0x0: {  	(pc) =	sbr.rel $0x88, $3  }
0x1: {  	(tag) =	ssettag $0x0;
	lr =	simm.s32 $0x1  }
0x2: {  	[smem:$0x3F94] =	sst lr;
	_ =	strace $0xD0000000  }
0x3: {  	_ = 	snop  }
0x4: {  	_ = 	snop  }
0x5: {  	_ = 	snop  }
0x6: {  	_ = 	snop  }
0x7: {  	_ = 	snop  }
__scs_overlays_trampoline_lowered:
0x8: {  	[smem:$0x3FA3] =	sst s0  }
0x9: {  	[smem:$0x3FA4] =	sst s1  }
0xa: {  	[smem:$0x3FA5] =	sst s2  }
0xb: {  	[smem:$0x3FA6] =	sst s3  }
0xc: {  	[smem:$0x3FA7] =	sst s4  }
0xd: {  	[smem:$0x3FA8] =	sst s5  }
0xe: {  	[smem:$0x3FA9] =	sst s6  }
0xf: {  	[smem:$0x3FAA] =	sst s7  }
0x10: {  	[smem:$0x3FAB] =	sst s8  }
0x11: {  	[smem:$0x3FAC] =	sst s9;
	s0 =	simm.s32 @!p0 $0x0  }
0x12: {  	s1 =	sld [smem:$0x3F92];
	s0 =	simm.s32 @p0 $0x1  }
0x13: {  	[smem:$0x3FAD] =	sst s0;
	s0 =	simm.s32 @!p1 $0x0  }
0x14: {  	s2 =	sld [smem:$0x3F91];
	s0 =	simm.s32 @p1 $0x1  }
0x15: {  	[smem:$0x3FAE] =	sst s0;
	s0 =	simm.s32 @!p2 $0x0  }
0x16: {  	s3 =	sld [smem:$0x3FDB];
	s0 =	simm.s32 @p2 $0x1  }
0x17: {  	s4 =	simm.s32 $0x1BF5;
	[smem:$0x3FB0] =	sst s0  }
0x18: {  	s0 =	sld [smem:$0x3F93];
	_ =	swait.ge [sflag:s4], $0x0  }
0x19: {  	s7 =	sld [smem:$0x3F94]  }
0x1a: {  	s8 =	sadd.s32 $0xFFFFE003, lr  }
0x1b: {  	s9 =	sadd.s32 $0xFFFFFEF7, lr;
	s5 =	simm.s32 $0xFFFFFFFF;
	p2 =	slt.u32 s8, $0xFFFFF086  }
0x1c: {  	p1 =	slt.u32 s9, $0xF7A;
	s5 =	simm.s32 @!p2 $0x0  }
0x1d: {  	s5 =	simm.s32 @p1 $0x1;
	p0 =	seq.s32 s7, s2  }
0x1e: {  	s7 =	smul.u32 @!p0 $0xF7A, s2;
	p2 =	seq.s32 @!p0 s5, $0x0  }
0x1f: {  	s9 =	smul.u32 $0xF7A, s1;
	s8 =	simm.s32 @!p0 $0x1BF5;
	p2 =	por !p2, p0  }
0x20: {  	[sflag:s8] =	ssyncset.s32 @!p0 $0xFFFFF086;
	s6 =	sadd.s32 @!p0 s3, s7;
	s7 =	simm.s32 @!p0 $0x108  }
0x21: {  	s3 =	sadd.s32 s3, s9;
	s6 =	sadd.s32 @!p0 $0x88, s6;
	s7 =	simm.s32 @p2 $0x1082  }
0x22: {  	[simem:s7], [sflag:s8] =	dma.local @!p0 [hbm:s6], $0xF7A  }
0x23: {  	s9 =	sor.u32 $0xD0000000, s2;
	s6 =	simm.s32 $0x108;
	_ =	swait.ge @!p0 [sflag:s8], $0x0  }
0x24: {  	s3 =	sadd.s32 $0x88, s3;
	s6 =	simm.s32 @!p1 $0x1082;
	[sflag:s4] =	ssyncset.s32 $0xFFFFF086  }
0x25: {  	[simem:s6], [sflag:s4] =	dma.local [hbm:s3], $0xF7A  }
0x26: {  	[smem:$0x3F94] =	sst s1;
	(tag) =	ssettag s2;
	_ =	strace s9  }
0x27: {  	s1 =	sld [smem:$0x3FA4]  }
0x28: {  	s2 =	sld [smem:$0x3FA5]  }
0x29: {  	s4 =	sld [smem:$0x3FA7]  }
0x2a: {  	p0 =	seq.s32 s5, $0x0;
	s5 =	sld [smem:$0x3FA8]  }
0x2b: {  	s6 =	sld [smem:$0x3FA9]  }
0x2c: {  	s7 =	sld [smem:$0x3FAA]  }
0x2d: {  	s3 =	simm.s32 $0x108;
	s8 =	sld [smem:$0x3FAB]  }
0x2e: {  	s3 =	simm.s32 @!p0 $0x1082;
	s9 =	sld [smem:$0x3FAC]  }
0x2f: {  	lr =	sadd.s32 s0, s3;
	s0 =	sld [smem:$0x3FA3]  }
0x30: {  	s3 =	sld [smem:$0x3FA6]  }
0x31: {  	[smem:$0x3FAF] =	sst s10  }
0x32: {  	s10 =	sld [smem:$0x3FAD];
	_ =	sdelay $0x3  }
0x33: {  	p0 =	seq.s32 s10, $0x1;
	s10 =	sld [smem:$0x3FAF];
	_ =	sdelay $0x3  }
0x34: {  	[smem:$0x3FAF] =	sst s10  }
0x35: {  	s10 =	sld [smem:$0x3FAE];
	_ =	sdelay $0x3  }
0x36: {  	p1 =	seq.s32 s10, $0x1;
	s10 =	sld [smem:$0x3FAF];
	_ =	sdelay $0x3  }
0x37: {  	[smem:$0x3FAF] =	sst s10  }
0x38: {  	s10 =	sld [smem:$0x3FB0]  }
0x39: {  	_ = 	snop;
	(pc) =	sbr.ind lr, $3  }
0x3a: {  	_ = 	snop  }
0x3b: {  	_ = 	snop  }
0x3c: {  	p2 =	seq.s32 s10, $0x1;
	s10 =	sld [smem:$0x3FAF]  }
0x3d: {  	_ =	shalt  }
0x3e: {  	_ =	shalt  }
0x3f: {  	_ =	shalt  }
0x40: {  	_ =	shalt  }
0x41: {  	_ =	shalt  }
0x42: {  	_ =	shalt  }
0x43: {  	_ =	shalt  }
0x44: {  	_ =	shalt  }
0x45: {  	_ =	shalt  }
0x46: {  	_ =	shalt  }
0x47: {  	_ =	shalt  }
0x48: {  	_ =	shalt  }
0x49: {  	_ =	shalt  }
0x4a: {  	_ =	shalt  }
0x4b: {  	_ =	shalt  }
0x4c: {  	_ =	shalt  }
0x4d: {  	_ =	shalt  }
0x4e: {  	_ =	shalt  }
0x4f: {  	_ =	shalt  }
0x50: {  	_ =	shalt  }
0x51: {  	_ =	shalt  }
0x52: {  	_ =	shalt  }
0x53: {  	_ =	shalt  }
0x54: {  	_ =	shalt  }
0x55: {  	_ =	shalt  }
0x56: {  	_ =	shalt  }
0x57: {  	_ =	shalt  }
0x58: {  	_ =	shalt  }
0x59: {  	_ =	shalt  }
0x5a: {  	_ =	shalt  }
0x5b: {  	_ =	shalt  }
0x5c: {  	_ =	shalt  }
0x5d: {  	_ =	shalt  }
0x5e: {  	_ =	shalt  }
0x5f: {  	_ =	shalt  }
0x60: {  	_ =	shalt  }
0x61: {  	_ =	shalt  }
0x62: {  	_ =	shalt  }
0x63: {  	_ =	shalt  }
0x64: {  	_ =	shalt  }
0x65: {  	_ =	shalt  }
0x66: {  	_ =	shalt  }
0x67: {  	_ =	shalt  }
0x68: {  	_ =	shalt  }
0x69: {  	_ =	shalt  }
0x6a: {  	_ =	shalt  }
0x6b: {  	_ =	shalt  }
0x6c: {  	_ =	shalt  }
0x6d: {  	_ =	shalt  }
0x6e: {  	_ =	shalt  }
0x6f: {  	_ =	shalt  }
0x70: {  	_ =	shalt  }
0x71: {  	_ =	shalt  }
0x72: {  	_ =	shalt  }
0x73: {  	_ =	shalt  }
0x74: {  	_ =	shalt  }
0x75: {  	_ =	shalt  }
0x76: {  	_ =	shalt  }
0x77: {  	_ =	shalt  }
0x78: {  	_ =	shalt  }
0x79: {  	_ =	shalt  }
0x7a: {  	_ =	shalt  }
0x7b: {  	_ =	shalt  }
0x7c: {  	_ =	shalt  }
0x7d: {  	_ =	shalt  }
0x7e: {  	_ =	shalt  }
0x7f: {  	_ =	shalt  }
0x80: {  	_ =	shalt  }
0x81: {  	_ =	shalt  }
0x82: {  	_ =	shalt  }
0x83: {  	_ =	shalt  }
0x84: {  	_ =	shalt  }
0x85: {  	_ =	shalt  }
0x86: {  	_ =	shalt  }
0x87: {  	_ =	shalt  }
.Lfunc_end0:
.L_simem_size_0:
called_computation.3_lowered:
.L_overlay_start_0:
0x88: {  	s2 =	sld [smem:$0x3FD9]  }
0x89: {  	s3 =	sld [smem:$0x3FFE];
	_ =	sdelay $0x1  }
0x8a: {  	s1 =	srdreg.scid  }
0x8b: {  	s0 =	sand.u32 $0x1, s1  }
0x8c: {  	s16 =	sshll.u32 s0, $0xA;
	s2 =	sadd.s32 s3, s2  }
0x8d: {  	s2 =	sadd.s32 s2, s16  }
0x8e: {  	[smem:$0x3FBB] =	sst s2  }
0x8f: {  	_ = 	snop  }
0x90: {  	(tm) =	ssettm $0x1  }
0x91: {  	s17 =	sld [smem:$0x3FFB];
	_ =	sdelay $0x3  }
0x92: {  	_ =	strace s17  }
0x93: {  	s2 =	sld [smem:$0x3FFC];
	_ =	sdelay $0x3  }
0x94: {  	_ =	strace s2  }
0x95: {  	s2 =	sld [smem:$0x3FFD];
	_ =	sdelay $0x3  }
0x96: {  	_ =	strace s2  }
0x97: {  	_ =	strace $0x8FFFFFFF  }
0x98: {  	s18 =	sld [smem:$0x3FDB];
	_ =	sdelay $0x1  }
0x99: {  	s19 =	simm.s32 $_scs_section_size  }
0x9a: {  	s4 =	simm.s32 $_size__tile_overlayer_lowered;
	s5 =	simm.s32 $_tile_overlayer_lowered  }
0x9b: {  	s22 =	simm.s32 $0x1BFF;
	s21 =	sshll.u32 s5, $0x1;
	s2 =	sadd.s32 s19, s18  }
0x9c: {  	s6 =	simm.s32 $0x0;
	s20 =	sshll.u32 s4, $0x1;
	s4 =	sadd.s32 s21, s2  }
0x9d: {  	[timem:s6], [sflag:s22] =	dma.local [hbm:s4], s20  }
0x9e: {  	_ =	swait.ge [sflag:s22], s20  }
0x9f: {  	s3 =	ssub.s32 $0x0, s20;
	[sflag:s22] =	ssyncset.done $0x0  }
0xa0: {  	[sflag:s22] =	ssyncadd.s32 s3;
	_ =	sdelay $0x1  }
0xa1: {  	s23 =	simm.s32 $0x1B8B  }
0xa2: {  	_ =	swait.ge [sflag:s23], $0x1  }
0xa3: {  	[sflag:s23] =	ssyncset.done $0x0  }
0xa4: {  	s25 =	simm.s32 $0x1B8E;
	s24 =	sld [smem:$0x3FFE];
	[sflag:s23] =	ssyncadd.s32 $0xFFFFFFFF  }
0xa5: {  	s26 =	simm.s32 $execute0_lowered;
	[smem:$0x3FD2] =	sst s25  }
0xa6: {  	s4 =	sshll.u32 s26, $0x1;
	_ =	strace $0x8000004F;
	[dreg:$0x1] =	wrdreg $0xFFFFFFFF  }
0xa7: {  	s28 =	simm.s32 $_size_execute0_lowered;
	s2 =	sadd.s32 s2, s4;
	[dreg:$0x0] =	wrdreg $0x0  }
0xa8: {  	s4 =	sshll.u32 s28, $0x1;
	[dreg:$0x2] =	wrdreg s2  }
0xa9: {  	[dreg:$0x3] =	wrdreg s4  }
0xaa: {  	[dreg:$0x4] =	wrdreg $0xC0  }
0xab: {  	_ =	task [dreg:s6], $0x5FFFF  }
0xac: {  	[dreg:$0x1] =	wrdreg $0xFFFFFFFF  }
0xad: {  	[dreg:$0x0] =	wrdreg $0x60  }
0xae: {  	[dreg:$0x2] =	wrdreg s24  }
0xaf: {  	[dreg:$0x3] =	wrdreg $0xA0000  }
0xb0: {  	[dreg:$0x4] =	wrdreg $0x9  }
0xb1: {  	_ =	task.clear_ibuf [dreg:s6], $0x5FFFF;
	_ =	strace $0x9000004F  }
0xb2: {  	s29 =	simm.s32 $0x9;
	_ =	strace $0x80000051  }
0xb3: {  	_ =	swait.ge [sflag:s29], $0x1  }
0xb4: {  	[sflag:s29] =	ssyncadd.s32 $0xFFFFFFFF  }
0xb5: {  	_ =	strace $0x90000051  }
0xb6: {  	_ =	sfence  }
0xb7: {  	s30 =	sld [smem:$0x0];
	_ =	sdelay $0x2  }
0xb8: {  	s31 =	sshll.u32 s1, $0xD;
	s1 =	sshrl.u32 s1, $0x2  }
0xb9: {  	s3 =	sand.u32 $0x4000, s31;
	s1 =	sadd.s32 s1, s30  }
0xba: {  	s0 =	sor.u32 s3, s0;
	s1 =	sshll.u32 s1, $0x11  }
0xbb: {  	s0 =	sor.u32 s1, s0  }
0xbc: {  	s0 =	sadd.s32 $0x8F2B, s0  }
0xbd: {  	[sflag:s0] =	ssyncadd.remote.s32 $0x1  }
0xbe: {  	_ =	sfence.sel $0xFFFF  }
0xbf: {  	[dreg:$0x0] =	wrdreg $0xFFFFFFFF;
	(pc) =	sbr.abs _section_cstart, $3  }
0xc0: {  	[dreg:$0x1] =	wrdreg $0xFFFFFFFF  }
0xc1: {  	_ =	task.clear_ibuf [dreg:s6], $0x2FFFF;
	_ =	strace $0x9FFFFFFF  }
0xc2: {  	(tm) =	ssettm $0x7FFFFFFF  }
0xc3: {  	_ =	shalt  }
tec
execute0_lowered:
.L_overlay_start_1:
0x0: {  	(tag) =	ssettag $0x1  }
0x1: {  	s0 =	rddreg [dreg:$0x0]  }
0x2: {  	s2 =	rddreg [dreg:$0x1]  }
0x3: {  	s12 =	stileid.u32;
	s1 =	srdreg.scid  }
0x4: {  	s3 =	simm.s32 $0x0;
	s17 =	simm.s32 $0x4;
	s21 =	simm.s32 $0x80  }
0x5: {  	s22 =	simm.s32 $0x2000;
	s28 =	simm.s32 $0x0;
	s7 =	smul.u32 $0x13C00, s12  }
0x6: {  	s1 =	sand.u32 $0x1, s1;
	[smem:$0x7FF] =	sst s3;
	s4 =	sadd.s32 $0x3F200, s0  }
0x7: {  	s5 =	sadd.s32 $0x8EA00, s0;
	s6 =	sadd.s32 $0xDA00, s0;
	s24 =	smul.u32 $0x4F000, s12  }
0x8: {  	s10 =	sshll.u32 s12, $0x1;
	s29 =	sshll.u32 s12, $0x6;
	s13 =	smul.u32 $0x5000, s12  }
0x9: {  	s8 =	smul.u32 $0x13C000, s1;
	_ =	strace $0x80000050;
	s25 =	ssub.s32 $0x2, s1  }
0xa: {  	s10 =	sor.u32 s1, s10;
	s1 =	smul.u32 $0x2800, s1;
	s9 =	sshrl.u32 s7, $0x3  }
0xb: {  	s11 =	sshrl.u32 s25, $0x1;
	s26 =	smul.u32 $0x2800, s10;
	s7 =	sadd.s32 s7, s8  }
0xc: {  	s23 =	sadd.s32 s9, s0;
	s9 =	sshrl.u32 s24, $0x2;
	s14 =	ssub.s32 s25, s11  }
0xd: {  	s8 =	sor.u32 $0x1C04, s29;
	s1 =	sadd.s32 s1, s13;
	s24 =	simm.s32 $0x1  }
0xe: {  	s25 =	simm.s32 $0x2;
	s7 =	sshrl.u32 s7, $0x3;
	s16 =	sadd.s32 s9, s2  }
.Ltmp0:
0xf: {  	s30 =	sshrl.u32 s26, $0x3;
	s14 =	smax.u32 s14, $0x1;
	(pc) =	sbr.rel .LBB2_1-.Ltmp0, $4  }
0x10: {  	s15 =	sadd.s32 $0x800, s1;
	s26 =	simm.s32 $0x3;
	s0 =	sadd.s32 s7, s0  }
0x11: {  	s7 =	sadd.s32 $0x17A00, s23;
	s9 =	sadd.s32 s5, s30;
	s10 =	sadd.s32 s6, s30  }
0x12: {  	s31 =	sadd.s32 $0x100, s30;
	s16 =	sshrl.u32 s16, $0x3;
	s23 =	simm.s32 $0x6000  }
0x13: {  	s11 =	sadd.s32 s5, s31;
	s12 =	sadd.s32 s6, s31;
	s13 =	sadd.s32 $0x98A00, s0  }
.LBB2_3:
0x14: {  	_ =	swait.ge [sflag:s25], $0x4000  }
0x15: {  	[sflag:s25] =	ssyncset.done $0x0  }
0x16: {  	s0 =	sor.u32 $0x1000, s1;
	[sflag:s25] =	ssyncadd.s32 $0xFFFFC000  }
0x17: {  	[spmem:s2] =	stream.indirect.scatter.add.f32 [tilespmem:s23], [sflag:$0x4], $0x80, s0, s21, $0xb8;
	[tilespmem:$0x1DC00] =	vst v63  }
0x18: {  	_ =	swait.ge [sflag:s17], $0x4000  }
0x19: {  	[sflag:s17] =	ssyncset.done $0x0  }
0x1a: {  	[sflag:s17] =	ssyncadd.s32 $0xFFFFC000  }
.LBB2_5:
0x1b: {  	s28 =	sadd.s32 $0x1, s28  }
0x1c: {  	p0 =	sne.s32 s28, s14  }
.Ltmp1:
0x1d: {  	[bflag:$0x0] =	sbarrier.arrive $0xFFFF;
	(pc) =	sbr.rel @!p0 .LBB2_6-.Ltmp1, $4  }
0x1e: {  	[hbm:s13], [sflag:s8] =	dma.local [spmem:s16], $0x2780  }
0x1f: {  	_ =	swait.ge [sflag:s17], $0x2780  }
0x20: {  	[sflag:s17] =	ssyncset.done $0x0  }
0x21: {  	[sflag:s17] =	ssyncadd.s32 $0xFFFFD880  }
.LBB2_1:
0x22: {  	[spmem:s16], [sflag:s8] =	dma.local [hbm:s7], $0x2780  }
0x23: {  	_ =	swait.ge [sflag:s17], $0x2780  }
0x24: {  	[sflag:s17] =	ssyncset.done $0x0  }
0x25: {  	[sflag:s17] =	ssyncadd.s32 $0xFFFFD880  }
0x26: {  	[bflag:$0x0] =	sbarrier.arrive $0xFFFF  }
0x27: {  	[tilespmem:s3], [sflag:$0x4] =	stream.linear.gather [hbm4b:s9+s3], $0x800, $0x38;
	[tilespmem:$0x1DC00] =	vst v63  }
0x28: {  	_ =	swait.ge [sflag:s17], $0x800  }
0x29: {  	[sflag:s17] =	ssyncset.done $0x0  }
0x2a: {  	s0 =	simm.s32 $0x1000;
	[sflag:s17] =	ssyncadd.s32 $0xFFFFF800  }
0x2b: {  	[tilespmem:s0], [sflag:$0x4] =	stream.linear.gather [hbm4b:s10+s3], $0x800, $0x38;
	[tilespmem:$0x1DC00] =	vst v63  }
0x2c: {  	_ =	swait.ge [sflag:s17], $0x800  }
0x2d: {  	[sflag:s17] =	ssyncset.done $0x0  }
0x2e: {  	s20 =	simm.s32 $0x800;
	[sflag:s17] =	ssyncadd.s32 $0xFFFFF800  }
0x2f: {  	[tilespmem:s20], [sflag:$0x3] =	stream.linear.gather [hbm4b:s11+s3], $0x800, $0x38;
	[tilespmem:$0x1DC00] =	vst v63  }
0x30: {  	s31 =	simm.s32 $0x1800  }
0x31: {  	[tilespmem:s31], [sflag:$0x3] =	stream.linear.gather [hbm4b:s12+s3], $0x800, $0x38;
	[tilespmem:$0x1DC00] =	vst v63  }
0x32: {  	_ = 	snop  }
0x33: {  	[tilespmem:s22], [sflag:$0x1] =	stream.indirect.gather [hbm4b:s4+s21], $0x80, s3, s21, $0xb8;
	[tilespmem:$0x1DC00] =	vst v63  }
0x34: {  	s29 =	smov.u32 s15;
	s30 =	simm.s32 $0x0  }
0x35: {  	[tilespmem:s23], [sflag:$0x2] =	stream.indirect.gather [hbm4b:s4+s21], $0x80, s21, s21, $0xb8;
	[tilespmem:$0x1DC00] =	vst v63  }
.LBB2_2:
0x36: {  	s0 =	sor.u32 $0x4, s30  }
0x37: {  	s1 =	sand.u32 $0x1, s30;
	p0 =	seq.s32 s0, $0x4  }
0x38: {  	s31 =	sxor.u32 $0x1, s1;
	s0 =	sshrl.u32 @!p0 s29, $0x3  }
0x39: {  	s18 =	sshll.u32 @!p0 s31, $0xB;
	s20 =	simm.s32 @!p0 $0x0;
	s19 =	sadd.s32 @!p0 s5, s0  }
0x3a: {  	[tilespmem:s18], [sflag:$0x3] =	stream.linear.gather @!p0 [hbm4b:s19+s20], $0x800, $0x38;
	[tilespmem:$0x1DC00] =	vst v63  }
0x3b: {  	s0 =	sadd.s32 @!p0 s6, s0;
	s18 =	sor.u32 @!p0 $0x1000, s18  }
0x3c: {  	[tilespmem:s18], [sflag:$0x3] =	stream.linear.gather @!p0 [hbm4b:s0+s20], $0x800, $0x38;
	[tilespmem:$0x1DC00] =	vst v63  }
0x3d: {  	_ =	swait.ge [sflag:s24], $0x4000  }
0x3e: {  	s0 =	sshll.u32 s1, $0xB;
	[sflag:s24] =	ssyncset.done $0x0  }
0x3f: {  	s1 =	sor.u32 $0x1000, s0;
	[sflag:s24] =	ssyncadd.s32 $0xFFFFC000  }
0x40: {  	[spmem:s2] =	stream.indirect.scatter.add.f32 [tilespmem:s22], [sflag:$0x4], $0x80, s1, s21, $0xb8;
	[tilespmem:$0x1DC00] =	vst v63  }
0x41: {  	_ =	swait.ge [sflag:s17], $0x4000  }
0x42: {  	[sflag:s17] =	ssyncset.done $0x0  }
0x43: {  	s19 =	sor.u32 $0x100, s0;
	[sflag:s17] =	ssyncadd.s32 $0xFFFFC000  }
0x44: {  	[tilespmem:s22], [sflag:$0x1] =	stream.indirect.gather [hbm4b:s4+s21], $0x80, s19, s21, $0xb8;
	[tilespmem:$0x1DC00] =	vst v63  }
0x45: {  	_ =	swait.ge [sflag:s25], $0x4000  }
0x46: {  	[sflag:s25] =	ssyncset.done $0x0  }
0x47: {  	s20 =	sor.u32 $0x1080, s0;
	[sflag:s25] =	ssyncadd.s32 $0xFFFFC000  }
0x48: {  	[spmem:s2] =	stream.indirect.scatter.add.f32 [tilespmem:s23], [sflag:$0x4], $0x80, s20, s21, $0xb8;
	[tilespmem:$0x1DC00] =	vst v63  }
0x49: {  	_ =	swait.ge [sflag:s17], $0x4000  }
0x4a: {  	[sflag:s17] =	ssyncset.done $0x0  }
0x4b: {  	s18 =	sor.u32 $0x180, s0;
	[sflag:s17] =	ssyncadd.s32 $0xFFFFC000  }
0x4c: {  	[tilespmem:s23], [sflag:$0x2] =	stream.indirect.gather [hbm4b:s4+s21], $0x80, s18, s21, $0xb8;
	[tilespmem:$0x1DC00] =	vst v63  }
0x4d: {  	_ =	swait.ge [sflag:s24], $0x4000  }
0x4e: {  	[sflag:s24] =	ssyncset.done $0x0  }
0x4f: {  	s19 =	sor.u32 $0x1100, s0;
	[sflag:s24] =	ssyncadd.s32 $0xFFFFC000  }
0x50: {  	[spmem:s2] =	stream.indirect.scatter.add.f32 [tilespmem:s22], [sflag:$0x4], $0x80, s19, s21, $0xb8;
	[tilespmem:$0x1DC00] =	vst v63  }
0x51: {  	_ =	swait.ge [sflag:s17], $0x4000  }
0x52: {  	[sflag:s17] =	ssyncset.done $0x0  }
0x53: {  	s20 =	sor.u32 $0x200, s0;
	[sflag:s17] =	ssyncadd.s32 $0xFFFFC000  }
0x54: {  	[tilespmem:s22], [sflag:$0x1] =	stream.indirect.gather [hbm4b:s4+s21], $0x80, s20, s21, $0xb8;
	[tilespmem:$0x1DC00] =	vst v63  }
0x55: {  	_ =	swait.ge [sflag:s25], $0x4000  }
0x56: {  	[sflag:s25] =	ssyncset.done $0x0  }
0x57: {  	s18 =	sor.u32 $0x1180, s0;
	[sflag:s25] =	ssyncadd.s32 $0xFFFFC000  }
0x58: {  	[spmem:s2] =	stream.indirect.scatter.add.f32 [tilespmem:s23], [sflag:$0x4], $0x80, s18, s21, $0xb8;
	[tilespmem:$0x1DC00] =	vst v63  }
0x59: {  	_ =	swait.ge [sflag:s17], $0x4000  }
0x5a: {  	[sflag:s17] =	ssyncset.done $0x0  }
0x5b: {  	s19 =	sor.u32 $0x280, s0;
	[sflag:s17] =	ssyncadd.s32 $0xFFFFC000  }
0x5c: {  	[tilespmem:s23], [sflag:$0x2] =	stream.indirect.gather [hbm4b:s4+s21], $0x80, s19, s21, $0xb8;
	[tilespmem:$0x1DC00] =	vst v63  }
0x5d: {  	_ =	swait.ge [sflag:s24], $0x4000  }
0x5e: {  	[sflag:s24] =	ssyncset.done $0x0  }
0x5f: {  	s20 =	sor.u32 $0x1200, s0;
	[sflag:s24] =	ssyncadd.s32 $0xFFFFC000  }
0x60: {  	[spmem:s2] =	stream.indirect.scatter.add.f32 [tilespmem:s22], [sflag:$0x4], $0x80, s20, s21, $0xb8;
	[tilespmem:$0x1DC00] =	vst v63  }
0x61: {  	_ =	swait.ge [sflag:s17], $0x4000  }
0x62: {  	[sflag:s17] =	ssyncset.done $0x0  }
0x63: {  	s18 =	sor.u32 $0x300, s0;
	[sflag:s17] =	ssyncadd.s32 $0xFFFFC000  }
0x64: {  	[tilespmem:s22], [sflag:$0x1] =	stream.indirect.gather [hbm4b:s4+s21], $0x80, s18, s21, $0xb8;
	[tilespmem:$0x1DC00] =	vst v63  }
0x65: {  	_ =	swait.ge [sflag:s25], $0x4000  }
0x66: {  	[sflag:s25] =	ssyncset.done $0x0  }
0x67: {  	s19 =	sor.u32 $0x1280, s0;
	[sflag:s25] =	ssyncadd.s32 $0xFFFFC000  }
0x68: {  	[spmem:s2] =	stream.indirect.scatter.add.f32 [tilespmem:s23], [sflag:$0x4], $0x80, s19, s21, $0xb8;
	[tilespmem:$0x1DC00] =	vst v63  }
0x69: {  	_ =	swait.ge [sflag:s17], $0x4000  }
0x6a: {  	[sflag:s17] =	ssyncset.done $0x0  }
0x6b: {  	s20 =	sor.u32 $0x380, s0;
	[sflag:s17] =	ssyncadd.s32 $0xFFFFC000  }
0x6c: {  	[tilespmem:s23], [sflag:$0x2] =	stream.indirect.gather [hbm4b:s4+s21], $0x80, s20, s21, $0xb8;
	[tilespmem:$0x1DC00] =	vst v63  }
0x6d: {  	_ =	swait.ge [sflag:s24], $0x4000  }
0x6e: {  	[sflag:s24] =	ssyncset.done $0x0  }
0x6f: {  	s18 =	sor.u32 $0x1300, s0;
	[sflag:s24] =	ssyncadd.s32 $0xFFFFC000  }
0x70: {  	[spmem:s2] =	stream.indirect.scatter.add.f32 [tilespmem:s22], [sflag:$0x4], $0x80, s18, s21, $0xb8;
	[tilespmem:$0x1DC00] =	vst v63  }
0x71: {  	_ =	swait.ge [sflag:s17], $0x4000  }
0x72: {  	[sflag:s17] =	ssyncset.done $0x0  }
0x73: {  	s19 =	sor.u32 $0x400, s0;
	[sflag:s17] =	ssyncadd.s32 $0xFFFFC000  }
0x74: {  	[tilespmem:s22], [sflag:$0x1] =	stream.indirect.gather [hbm4b:s4+s21], $0x80, s19, s21, $0xb8;
	[tilespmem:$0x1DC00] =	vst v63  }
0x75: {  	_ =	swait.ge [sflag:s25], $0x4000  }
0x76: {  	[sflag:s25] =	ssyncset.done $0x0  }
0x77: {  	s20 =	sor.u32 $0x1380, s0;
	[sflag:s25] =	ssyncadd.s32 $0xFFFFC000  }
0x78: {  	[spmem:s2] =	stream.indirect.scatter.add.f32 [tilespmem:s23], [sflag:$0x4], $0x80, s20, s21, $0xb8;
	[tilespmem:$0x1DC00] =	vst v63  }
0x79: {  	_ =	swait.ge [sflag:s17], $0x4000  }
0x7a: {  	[sflag:s17] =	ssyncset.done $0x0  }
0x7b: {  	s18 =	sor.u32 $0x480, s0;
	[sflag:s17] =	ssyncadd.s32 $0xFFFFC000  }
0x7c: {  	[tilespmem:s23], [sflag:$0x2] =	stream.indirect.gather [hbm4b:s4+s21], $0x80, s18, s21, $0xb8;
	[tilespmem:$0x1DC00] =	vst v63  }
0x7d: {  	_ =	swait.ge [sflag:s24], $0x4000  }
0x7e: {  	[sflag:s24] =	ssyncset.done $0x0  }
0x7f: {  	s19 =	sor.u32 $0x1400, s0;
	[sflag:s24] =	ssyncadd.s32 $0xFFFFC000  }
0x80: {  	[spmem:s2] =	stream.indirect.scatter.add.f32 [tilespmem:s22], [sflag:$0x4], $0x80, s19, s21, $0xb8;
	[tilespmem:$0x1DC00] =	vst v63  }
0x81: {  	_ =	swait.ge [sflag:s17], $0x4000  }
0x82: {  	[sflag:s17] =	ssyncset.done $0x0  }
0x83: {  	s20 =	sor.u32 $0x500, s0;
	[sflag:s17] =	ssyncadd.s32 $0xFFFFC000  }
0x84: {  	[tilespmem:s22], [sflag:$0x1] =	stream.indirect.gather [hbm4b:s4+s21], $0x80, s20, s21, $0xb8;
	[tilespmem:$0x1DC00] =	vst v63  }
0x85: {  	_ =	swait.ge [sflag:s25], $0x4000  }
0x86: {  	[sflag:s25] =	ssyncset.done $0x0  }
0x87: {  	s18 =	sor.u32 $0x1480, s0;
	[sflag:s25] =	ssyncadd.s32 $0xFFFFC000  }
0x88: {  	[spmem:s2] =	stream.indirect.scatter.add.f32 [tilespmem:s23], [sflag:$0x4], $0x80, s18, s21, $0xb8;
	[tilespmem:$0x1DC00] =	vst v63  }
0x89: {  	_ =	swait.ge [sflag:s17], $0x4000  }
0x8a: {  	[sflag:s17] =	ssyncset.done $0x0  }
0x8b: {  	s19 =	sor.u32 $0x580, s0;
	[sflag:s17] =	ssyncadd.s32 $0xFFFFC000  }
0x8c: {  	[tilespmem:s23], [sflag:$0x2] =	stream.indirect.gather [hbm4b:s4+s21], $0x80, s19, s21, $0xb8;
	[tilespmem:$0x1DC00] =	vst v63  }
0x8d: {  	_ =	swait.ge [sflag:s24], $0x4000  }
0x8e: {  	[sflag:s24] =	ssyncset.done $0x0  }
0x8f: {  	s20 =	sor.u32 $0x1500, s0;
	[sflag:s24] =	ssyncadd.s32 $0xFFFFC000  }
0x90: {  	[spmem:s2] =	stream.indirect.scatter.add.f32 [tilespmem:s22], [sflag:$0x4], $0x80, s20, s21, $0xb8;
	[tilespmem:$0x1DC00] =	vst v63  }
0x91: {  	_ =	swait.ge [sflag:s17], $0x4000  }
0x92: {  	[sflag:s17] =	ssyncset.done $0x0  }
0x93: {  	s18 =	sor.u32 $0x600, s0;
	[sflag:s17] =	ssyncadd.s32 $0xFFFFC000  }
0x94: {  	[tilespmem:s22], [sflag:$0x1] =	stream.indirect.gather [hbm4b:s4+s21], $0x80, s18, s21, $0xb8;
	[tilespmem:$0x1DC00] =	vst v63  }
0x95: {  	_ =	swait.ge [sflag:s25], $0x4000  }
0x96: {  	[sflag:s25] =	ssyncset.done $0x0  }
0x97: {  	s19 =	sor.u32 $0x1580, s0;
	[sflag:s25] =	ssyncadd.s32 $0xFFFFC000  }
0x98: {  	[spmem:s2] =	stream.indirect.scatter.add.f32 [tilespmem:s23], [sflag:$0x4], $0x80, s19, s21, $0xb8;
	[tilespmem:$0x1DC00] =	vst v63  }
0x99: {  	_ =	swait.ge [sflag:s17], $0x4000  }
0x9a: {  	[sflag:s17] =	ssyncset.done $0x0  }
0x9b: {  	s20 =	sor.u32 $0x680, s0;
	[sflag:s17] =	ssyncadd.s32 $0xFFFFC000  }
0x9c: {  	[tilespmem:s23], [sflag:$0x2] =	stream.indirect.gather [hbm4b:s4+s21], $0x80, s20, s21, $0xb8;
	[tilespmem:$0x1DC00] =	vst v63  }
0x9d: {  	_ =	swait.ge [sflag:s24], $0x4000  }
0x9e: {  	[sflag:s24] =	ssyncset.done $0x0  }
0x9f: {  	s18 =	sor.u32 $0x1600, s0;
	[sflag:s24] =	ssyncadd.s32 $0xFFFFC000  }
0xa0: {  	[spmem:s2] =	stream.indirect.scatter.add.f32 [tilespmem:s22], [sflag:$0x4], $0x80, s18, s21, $0xb8;
	[tilespmem:$0x1DC00] =	vst v63  }
0xa1: {  	_ =	swait.ge [sflag:s17], $0x4000  }
0xa2: {  	[sflag:s17] =	ssyncset.done $0x0  }
0xa3: {  	s19 =	sor.u32 $0x700, s0;
	[sflag:s17] =	ssyncadd.s32 $0xFFFFC000  }
0xa4: {  	[tilespmem:s22], [sflag:$0x1] =	stream.indirect.gather [hbm4b:s4+s21], $0x80, s19, s21, $0xb8;
	[tilespmem:$0x1DC00] =	vst v63  }
0xa5: {  	_ =	swait.ge [sflag:s25], $0x4000  }
0xa6: {  	[sflag:s25] =	ssyncset.done $0x0  }
0xa7: {  	s20 =	sor.u32 $0x1680, s0;
	[sflag:s25] =	ssyncadd.s32 $0xFFFFC000  }
0xa8: {  	[spmem:s2] =	stream.indirect.scatter.add.f32 [tilespmem:s23], [sflag:$0x4], $0x80, s20, s21, $0xb8;
	[tilespmem:$0x1DC00] =	vst v63  }
0xa9: {  	_ =	swait.ge [sflag:s17], $0x4000  }
0xaa: {  	[sflag:s17] =	ssyncset.done $0x0  }
0xab: {  	s1 =	sor.u32 $0x780, s0;
	[sflag:s17] =	ssyncadd.s32 $0xFFFFC000  }
0xac: {  	[tilespmem:s23], [sflag:$0x2] =	stream.indirect.gather [hbm4b:s4+s21], $0x80, s1, s21, $0xb8;
	[tilespmem:$0x1DC00] =	vst v63  }
0xad: {  	_ =	swait.ge [sflag:s24], $0x4000  }
0xae: {  	p0 =	sne.s32 s30, $0x4;
	[sflag:s24] =	ssyncset.done $0x0  }
.Ltmp2:
0xaf: {  	s0 =	sor.u32 $0x1700, s0;
	[sflag:s24] =	ssyncadd.s32 $0xFFFFC000;
	(pc) =	sbr.rel @!p0 .LBB2_3-.Ltmp2, $4  }
0xb0: {  	[spmem:s2] =	stream.indirect.scatter.add.f32 [tilespmem:s22], [sflag:$0x4], $0x80, s0, s21, $0xb8;
	[tilespmem:$0x1DC00] =	vst v63  }
0xb1: {  	_ =	swait.ge [sflag:s17], $0x4000  }
0xb2: {  	[sflag:s17] =	ssyncset.done $0x0  }
0xb3: {  	[sflag:s17] =	ssyncadd.s32 $0xFFFFC000  }
0xb4: {  	_ =	swait.ge [sflag:s26], $0x800  }
0xb5: {  	[sflag:s26] =	ssyncset.done $0x0  }
0xb6: {  	[sflag:s26] =	ssyncadd.s32 $0xFFFFF800  }
0xb7: {  	_ =	swait.ge [sflag:s26], $0x800  }
0xb8: {  	[sflag:s26] =	ssyncset.done $0x0  }
0xb9: {  	s0 =	sshll.u32 s31, $0xB;
	[sflag:s26] =	ssyncadd.s32 $0xFFFFF800  }
0xba: {  	[tilespmem:s22], [sflag:$0x1] =	stream.indirect.gather [hbm4b:s4+s21], $0x80, s0, s21, $0xb8;
	[tilespmem:$0x1DC00] =	vst v63  }
0xbb: {  	_ =	swait.ge [sflag:s25], $0x4000  }
0xbc: {  	s30 =	sadd.s32 $0x1, s30;
	[sflag:s25] =	ssyncset.done $0x0  }
0xbd: {  	s1 =	sor.u32 $0x1000, s1;
	p0 =	sne.s32 s30, $0x5;
	[sflag:s25] =	ssyncadd.s32 $0xFFFFC000  }
0xbe: {  	[spmem:s2] =	stream.indirect.scatter.add.f32 [tilespmem:s23], [sflag:$0x4], $0x80, s1, s21, $0xb8;
	[tilespmem:$0x1DC00] =	vst v63  }
.Ltmp3:
0xbf: {  	_ = 	snop;
	(pc) =	sbr.rel @p0 .LBB2_2-.Ltmp3, $4  }
.Ltmp4:
0xc0: {  	_ =	swait.ge [sflag:s17], $0x4000;
	(pc) =	sbr.rel @!p0 .LBB2_5-.Ltmp4, $4  }
0xc1: {  	[sflag:s17] =	ssyncset.done $0x0  }
0xc2: {  	s29 =	sadd.s32 $0x800, s29;
	s0 =	sor.u32 $0x80, s0;
	[sflag:s17] =	ssyncadd.s32 $0xFFFFC000  }
0xc3: {  	[tilespmem:s23], [sflag:$0x2] =	stream.indirect.gather [hbm4b:s4+s21], $0x80, s0, s21, $0xb8;
	[tilespmem:$0x1DC00] =	vst v63  }
0xc4: {  	_ = 	snop  }
.LBB2_6:
0xc5: {  	_ =	sfence.sel $0x180000  }
0xc6: {  	[bflag:$0x0] =	sbarrier.arrive $0xFFFF  }
0xc7: {  	_ =	strace $0x90000050  }
0xc8: {  	s0 =	stileid.u32;
	[bflag:$0x2] =	sbarrier.arrive $0xFFFF  }
0xc9: {  	p0 =	sne.s32 s0, $0x0;
	s0 =	rddreg [dreg:$0x2]  }
0xca: {  	s0 =	sadd.s32 @!p0 $0x100000, s0  }
0xcb: {  	[sflag:s0] =	ssyncadd.tile.s32 @!p0 $0x1;
	_ =	shalt  }
.Lfunc_end2:
_tile_overlayer_lowered:
.L_overlay_start_2:
0xcc: {  	(tag) =	ssettag $0x2  }
0xcd: {  	s0 =	rddreg [dreg:$0x0];
	s2 =	stileid.u32  }
0xce: {  	s1 =	rddreg [dreg:$0x1];
	p0 =	sne.s32 s2, $0x0  }
0xcf: {  	s3 =	rddreg [dreg:$0x2];
	[bflag:$0x3] =	sbarrier.arrive $0xFFFF;
	s2 =	simm.s32 @!p0 $0x1C04  }
0xd0: {  	[timem:s3], [sflag:s2] =	dma.local @!p0 [hbm:s0], s1  }
0xd1: {  	s0 =	simm.s32 @!p0 $0x4  }
0xd2: {  	_ =	swait.ge @!p0 [sflag:s0], s1  }
0xd3: {  	s1 =	ssub.s32 @!p0 $0x0, s1;
	[sflag:s0] =	ssyncset.done @!p0 $0x0  }
0xd4: {  	[sflag:s0] =	ssyncadd.s32 @!p0 s1  }
0xd5: {  	[bflag:$0x3] =	sbarrier.arrive $0xFFFF  }
0xd6: {  	_ =	shalt  }

</sc_bundles>
